<compile_context>
chip_gen: v7x
topology: tpu7x:2x2x1
jax: 0.10.2.dev20260603
libtpu: 0.0.44.dev20260713+nightly
codegen_flags: <defaults>
</compile_context>

<pallas_src>
import functools

import jax
import jax.numpy as jnp
from jax import lax
from jax.experimental import pallas as pl
from jax.experimental.pallas import tpu as pltpu
from jax.experimental.pallas import tpu_sc as plsc

N_NODES = 10000
N_EDGES = 160000
N_C = 128
NUM_BASIS = 5
MAX_CENTER = 3.5

Y00 = 0.28209479177387814
C1 = 0.4886025119029199
SPREAD = MAX_CENTER / NUM_BASIS
CENTERS = [MAX_CENTER * b / (NUM_BASIS - 1) for b in range(NUM_BASIS)]

NGROUP = 8
GC = N_C // NGROUP
AW = 64
NS = 16
NCOR = 2
E_PER_S = N_EDGES // NS
KB = 80
NBLK = E_PER_S // KB
NPS = N_NODES // NS


_EB = 6400


def _tc_body(et_ref, out_ref):
    x = et_ref[0:1, :]
    y = et_ref[1:2, :]
    z = et_ref[2:3, :]
    r = jnp.sqrt(x * x + y * y + z * z)
    for b in range(NUM_BASIS):
        d = r - CENTERS[b]
        out_ref[b:b + 1, :] = jnp.exp(-SPREAD * d * d)
    out_ref[5:6, :] = C1 * y
    out_ref[6:7, :] = C1 * z
    out_ref[7:8, :] = C1 * x


def _edge_basis(edges_t):
    return pl.pallas_call(
        _tc_body,
        grid=(N_EDGES // _EB,),
        in_specs=[pl.BlockSpec((3, _EB), lambda i: (0, i))],
        out_specs=pl.BlockSpec((8, _EB), lambda i: (0, i)),
        out_shape=jax.ShapeDtypeStruct((8, N_EDGES), jnp.float32),
    )(edges_t)




def _sc_body(t0, t1, fe, snd, rcv, c00, c01, c10, outa, outb,
             acc, zbuf, rbuf, ibuf, fbuf, g0, g1, msg,
             c00b, c01b, c10b, sem):
    cid = lax.axis_index("c")
    sid = lax.axis_index("s")
    node0 = sid * NPS

    def zrow(j, carry):
        for k in range(AW // 16):
            zbuf[j, pl.ds(16 * k, 16)] = jnp.zeros((16,), jnp.float32)
        return carry
    lax.fori_loop(0, NPS, zrow, 0)

    def ztail(j, carry):
        msg[j, pl.ds(48, 16)] = jnp.zeros((16,), jnp.float32)
        return carry

    def edge_prologue(blk, table, gbuf, g):
        base = sid * E_PER_S + blk * KB
        pltpu.sync_copy(snd.at[g, pl.ds(base, KB)], ibuf)
        pltpu.sync_copy(rcv.at[pl.ds(base, KB)], rbuf)
        pltpu.sync_copy(fe.at[pl.ds(sid * (E_PER_S // 2) + blk * (KB // 2),
                                    KB // 2)], fbuf)
        pltpu.async_copy(table.at[ibuf], gbuf, sem).wait()

    for p in range(NGROUP // NCOR):
        g = cid * (NGROUP // NCOR) + p
        pltpu.sync_copy(c00.at[g], c00b)
        pltpu.sync_copy(c01.at[g], c01b)
        pltpu.sync_copy(c10.at[g], c10b)

        pltpu.sync_copy(zbuf, acc.at[pl.ds(node0, NPS)])
        plsc.subcore_barrier()
        cv0 = [c00b[b, :] for b in range(NUM_BASIS)]
        cv1 = [c01b[b, :] for b in range(NUM_BASIS)]

        def do_pair_a(ep, carry):
            v = fbuf[ep, :]
            for half in range(2):
                e = 2 * ep + half
                rb = [v[8 * half + b] for b in range(NUM_BASIS)]
                f0 = rb[0] * cv0[0]
                f1 = rb[0] * cv1[0]
                for b in range(1, NUM_BASIS):
                    f0 = f0 + rb[b] * cv0[b]
                    f1 = f1 + rb[b] * cv1[b]
                n0 = g0[e, :]
                msg[e, pl.ds(0, 16)] = n0 * f0
                t = n0 * f1
                for m in range(3):
                    msg[e, pl.ds(16 + 16 * m, 16)] = t * v[8 * half + 5 + m]
            return carry

        def do_block_a(blk, carry):
            edge_prologue(blk, t0, g0, g)
            lax.fori_loop(0, KB // 2, do_pair_a, 0, unroll=2)
            pltpu.sync_copy(msg, acc.at[rbuf], add=True)
            return carry

        lax.fori_loop(0, NBLK, do_block_a, 0)
        plsc.subcore_barrier()

        pltpu.sync_copy(acc.at[pl.ds(node0, NPS)],
                        outa.at[g, pl.ds(node0, NPS)])

        pltpu.sync_copy(zbuf, acc.at[pl.ds(node0, NPS)])
        lax.fori_loop(0, KB, ztail, 0)
        plsc.subcore_barrier()
        cv2 = [[c10b[b, pl.ds(16 * k, 16)] for k in range(3)]
               for b in range(NUM_BASIS)]

        def do_pair_b(ep, carry):
            v = fbuf[ep, :]
            for half in range(2):
                e = 2 * ep + half
                rb = [v[8 * half + b] for b in range(NUM_BASIS)]
                for k in range(3):
                    f2 = rb[0] * cv2[0][k]
                    for b in range(1, NUM_BASIS):
                        f2 = f2 + rb[b] * cv2[b][k]
                    msg[e, pl.ds(16 * k, 16)] = g1[e, pl.ds(16 * k, 16)] * f2
            return carry

        def do_block_b(blk, carry):
            edge_prologue(blk, t1, g1, g)
            lax.fori_loop(0, KB // 2, do_pair_b, 0, unroll=2)
            pltpu.sync_copy(msg, acc.at[rbuf], add=True)
            return carry

        lax.fori_loop(0, NBLK, do_block_b, 0)
        plsc.subcore_barrier()

        pltpu.sync_copy(acc.at[pl.ds(node0, NPS)],
                        outb.at[g, pl.ds(node0, NPS)])


@functools.partial(jax.jit, static_argnums=())
def _sc_call(t0, t1, fe, snd, rcv, c00, c01, c10):
    run = pl.kernel(
        _sc_body,
        out_type=(
            jax.ShapeDtypeStruct((NGROUP, N_NODES, AW), jnp.float32),
            jax.ShapeDtypeStruct((NGROUP, N_NODES, AW), jnp.float32),
        ),
        mesh=plsc.VectorSubcoreMesh(core_axis_name="c", subcore_axis_name="s"),
        compiler_params=pltpu.CompilerParams(use_tc_tiling_on_sc=False),
        scratch_types=[
            pltpu.VMEM_SHARED((N_NODES, AW), jnp.float32),
            pltpu.VMEM((NPS, AW), jnp.float32),
            pltpu.VMEM((KB,), jnp.int32),
            pltpu.VMEM((KB,), jnp.int32),
            pltpu.VMEM((KB // 2, 16), jnp.float32),
            pltpu.VMEM((KB, GC), jnp.float32),
            pltpu.VMEM((KB, 3 * GC), jnp.float32),
            pltpu.VMEM((KB, AW), jnp.float32),
            pltpu.VMEM((NUM_BASIS, GC), jnp.float32),
            pltpu.VMEM((NUM_BASIS, GC), jnp.float32),
            pltpu.VMEM((NUM_BASIS, 3 * GC), jnp.float32),
            pltpu.SemaphoreType.DMA,
        ],
    )
    return run(t0, t1, fe, snd, rcv, c00, c01, c10)




def kernel(nodes_0, nodes_1, coords, edges, senders, receivers,
           coeffs_0_0, coeffs_0_1, coeffs_1_0, w_0_0_0, w_0_1_1, w_1_0_1):
    fe = _edge_basis(edges.T).T.reshape(N_EDGES // 2, 16)

    t0 = nodes_0.reshape(N_NODES, NGROUP, GC).transpose(1, 0, 2)
    t0 = t0.reshape(NGROUP * N_NODES, GC)
    t1 = nodes_1.reshape(N_NODES, NGROUP, GC * 3).transpose(1, 0, 2)
    t1 = t1.reshape(NGROUP * N_NODES, GC * 3)

    c00w = coeffs_0_0 * (Y00 * w_0_0_0)[:, None]
    c01w = coeffs_0_1 * w_0_1_1[:, None]
    c10w = coeffs_1_0 * (Y00 * w_1_0_1)[:, None]
    c00 = c00w.reshape(NGROUP, GC, NUM_BASIS).transpose(0, 2, 1)
    c01 = c01w.reshape(NGROUP, GC, NUM_BASIS).transpose(0, 2, 1)
    c10 = jnp.repeat(c10w, 3, axis=0).reshape(NGROUP, 3 * GC, NUM_BASIS)
    c10 = c10.transpose(0, 2, 1)

    snd = (senders.astype(jnp.int32)[None, :]
           + (jnp.arange(NGROUP, dtype=jnp.int32) * N_NODES)[:, None])
    rcv = receivers.astype(jnp.int32)

    outa, outb = _sc_call(t0, t1, fe, snd, rcv, c00, c01, c10)

    out0 = outa[:, :, 0:GC].transpose(1, 0, 2).reshape(N_NODES, N_C, 1)
    o1a = outa[:, :, GC:4 * GC].reshape(NGROUP, N_NODES, 3, GC)
    o1a = o1a.transpose(1, 0, 3, 2).reshape(N_NODES, N_C, 3)
    o1b = outb[:, :, 0:3 * GC].reshape(NGROUP, N_NODES, GC, 3)
    o1b = o1b.transpose(1, 0, 2, 3).reshape(N_NODES, N_C, 3)
    out1 = jnp.concatenate([o1a, o1b], axis=1)
    return (coords, out0, out1)

# --- scband reference (transcript-rebuilt; emitter-appended) ---
"""Pipeline reference for scband-tensor-product-layer-23545010717445 (READ-ONLY COPY).

The authoritative reference and input builder live on the scoring server;
editing this copy changes nothing except your own understanding.
"""

import jax, jax.numpy as jnp
import numpy as np

N_NODES = 10000
N_EDGES = 160000
N_C = 128
NUM_BASIS = 5
MAX_CENTER = 3.5

# Real solid harmonics r^l * Y_lm (e3nn-style real basis ordering for l=1: (y, z, x))

def solid_harmonics(edges, l_f):
    if l_f == 0:
        return jnp.full(edges.shape[:-1] + (1,), 0.28209479177387814, dtype=edges.dtype)
    elif l_f == 1:
        c = 0.4886025119029199
        x = edges[..., 0]
        y = edges[..., 1]
        z = edges[..., 2]
        return c * jnp.stack([y, z, x], axis=-1)
    raise ValueError('only l_f in {0,1} supported in this config')


def spherical_filter(edges, coeffs, centers, l_f):
    # edges: [E, 3]; coeffs: [n_c, num_basis]; returns [E, n_c, 2*l_f+1]
    yh = solid_harmonics(edges, l_f)
    yh = jnp.nan_to_num(yh)
    spread = (jnp.max(centers) - jnp.min(centers)) / centers.shape[0]
    radius = jnp.linalg.norm(edges, ord=2, axis=-1)
    rbf = jnp.exp(-spread * (radius[..., None] - centers[None, :]) ** 2)  # [E, B]
    rbfs = jnp.einsum('eb,cb->ec', rbf, coeffs)  # [E, n_c]
    return jnp.einsum('ec,em->ecm', rbfs, yh)


def setup_inputs(seed: int = 0):
    key = jax.random.key(seed)
    ks = jax.random.split(key, 12)
    inp = {}
    inp['nodes_0'] = jax.random.normal(ks[0], (N_NODES, N_C, 1), dtype=jnp.float32)
    inp['nodes_1'] = jax.random.normal(ks[1], (N_NODES, N_C, 3), dtype=jnp.float32)
    inp['coords'] = jax.random.normal(ks[2], (N_NODES, 3), dtype=jnp.float32)
    inp['edges'] = jax.random.normal(ks[3], (N_EDGES, 3), dtype=jnp.float32)
    inp['senders'] = jax.random.randint(ks[4], (N_EDGES,), 0, N_NODES)
    inp['receivers'] = jax.random.randint(ks[5], (N_EDGES,), 0, N_NODES)
    # SphericalFilter params: coeffs ~ U[0,1) of shape (n_c, num_basis), one per (l, l_f)
    inp['coeffs_0_0'] = jax.random.uniform(ks[6], (N_C, NUM_BASIS), dtype=jnp.float32)
    inp['coeffs_0_1'] = jax.random.uniform(ks[7], (N_C, NUM_BASIS), dtype=jnp.float32)
    inp['coeffs_1_0'] = jax.random.uniform(ks[8], (N_C, NUM_BASIS), dtype=jnp.float32)
    # depthwise tensor-product weights per (l, l_f, l_o): shape (n_c,), init normal + 1
    inp['w_0_0_0'] = jax.random.normal(ks[9], (N_C,), dtype=jnp.float32) + 1.0
    inp['w_0_1_1'] = jax.random.normal(ks[10], (N_C,), dtype=jnp.float32) + 1.0
    inp['w_1_0_1'] = jax.random.normal(ks[11], (N_C,), dtype=jnp.float32) + 1.0
    return inp


def reference(nodes_0, nodes_1, coords, edges, senders, receivers, coeffs_0_0, coeffs_0_1, coeffs_1_0, w_0_0_0, w_0_1_1, w_1_0_1):
    centers = jnp.linspace(0.0, MAX_CENTER, num=NUM_BASIS)
    sum_n_node = coords.shape[0]
    messages_all = {}
    # (l=0, l_f=0) -> l_o=0 ; CG coupling with a scalar is trivial (identity)
    e00 = spherical_filter(edges, coeffs_0_0, centers, 0)  # [E, C, 1]
    n0 = nodes_0[senders]  # gather: [E, C, 1]
    messages_all.setdefault(0, []).append(n0 * e00 * w_0_0_0[None, :, None])
    # (l=0, l_f=1) -> l_o=1
    e01 = spherical_filter(edges, coeffs_0_1, centers, 1)  # [E, C, 3]
    messages_all.setdefault(1, []).append(n0 * e01 * w_0_1_1[None, :, None])
    # (l=1, l_f=0) -> l_o=1
    e10 = spherical_filter(edges, coeffs_1_0, centers, 0)  # [E, C, 1]
    n1 = nodes_1[senders]  # gather: [E, C, 3]
    messages_all.setdefault(1, []).append(n1 * e10 * w_1_0_1[None, :, None])
    # concatenate along the channel axis (-2), then aggregate to receivers
    messages_all = {lo: jnp.concatenate(ms, axis=-2) for lo, ms in messages_all.items()}
    out0 = jax.ops.segment_sum(messages_all[0], receivers, num_segments=sum_n_node)  # [N, C, 1]
    out1 = jax.ops.segment_sum(messages_all[1], receivers, num_segments=sum_n_node)  # [N, 2C, 3]
    return (coords, out0, out1)


if False:  # reference __main__ guard neutralized (emitter)
    out = reference(**setup_inputs())
    print([o.shape for o in out])

if __name__ == "__main__":
    import jax
    _d = setup_inputs()
    print(jax.jit(kernel)(*tuple(_d.values())))

</pallas_src>

<mosaic_0001>
#map = affine_map<(d0, d1) -> (0, 0)>
#map1 = affine_map<(d0, d1) -> (0)>
#map2 = affine_map<(d0, d1) -> (0, 0, 0)>
module attributes {stable_mosaic.version = 14 : i64} {
  func.func @_sc_body(%arg0: i32, %arg1: i32, %arg2: memref<80000x16xf32, #tpu.memory_space<hbm>>, %arg3: memref<80000x48xf32, #tpu.memory_space<hbm>>, %arg4: memref<80000x16xf32, #tpu.memory_space<hbm>>, %arg5: memref<8x160000xi32, #tpu.memory_space<hbm>>, %arg6: memref<160000xi32, #tpu.memory_space<hbm>>, %arg7: memref<8x5x16xf32, #tpu.memory_space<hbm>>, %arg8: memref<8x5x16xf32, #tpu.memory_space<hbm>>, %arg9: memref<8x5x48xf32, #tpu.memory_space<hbm>>, %arg10: memref<8x10000x64xf32, #tpu.memory_space<hbm>>, %arg11: memref<8x10000x64xf32, #tpu.memory_space<hbm>>, %arg12: memref<10000x64xf32, #tpu.memory_space<vmem_shared>>, %arg13: memref<625x64xf32, #tpu.memory_space<vmem>>, %arg14: memref<80xi32, #tpu.memory_space<vmem>>, %arg15: memref<80xi32, #tpu.memory_space<vmem>>, %arg16: memref<40x16xf32, #tpu.memory_space<vmem>>, %arg17: memref<80x16xf32, #tpu.memory_space<vmem>>, %arg18: memref<80x48xf32, #tpu.memory_space<vmem>>, %arg19: memref<80x64xf32, #tpu.memory_space<vmem>>, %arg20: memref<5x16xf32, #tpu.memory_space<vmem>>, %arg21: memref<5x16xf32, #tpu.memory_space<vmem>>, %arg22: memref<5x48xf32, #tpu.memory_space<vmem>>, %arg23: memref<!tpu.dma_semaphore, #tpu.memory_space<semaphore_mem>>) attributes {dimension_semantics = [#tpu.dimension_semantics<core_parallel>, #tpu.dimension_semantics<subcore_parallel>], iteration_bounds = array<i64: 2, 16>, scalar_prefetch = 0 : i64, scratch_operands = 12 : i64, tpu.core_type = #tpu.core_type<sc_vector_subcore>, window_params = [{transform_indices = #map}, {transform_indices = #map}, {transform_indices = #map}, {transform_indices = #map}, {transform_indices = #map1}, {transform_indices = #map2}, {transform_indices = #map2}, {transform_indices = #map2}, {transform_indices = #map2}, {transform_indices = #map2}]} {
    %mul3A = arith.constant 625 : i32
    %mul3A_0 = arith.muli %arg1, %mul3A : i32
    %scan3A = arith.constant 0 : i32
    %scan3A_1 = arith.constant 0 : i32
    %scan3A_2 = arith.constant 625 : i32
    %scan3A_3 = arith.addi %scan3A_1, %scan3A_2 : i32
    %scan3A_4 = arith.constant 1 : i32
    scf.for %scan3A_607 = %scan3A_1 to %scan3A_3 step %scan3A_4  : i32 {
      %broadcast_in_dim3A = arith.constant 0.000000e+00 : f32
      %broadcast_in_dim3A_608 = vector.broadcast %broadcast_in_dim3A : f32 to vector<16xf32>
      %swap3A = arith.index_cast %scan3A_607 : i32 to index
      %swap3A_609 = arith.constant 0 : index
      %swap3A_610 = tpu.vector_load %arg13[%swap3A, %swap3A_609] {strides = array<i32>} : memref<625x64xf32, #tpu.memory_space<vmem>>, vector<1x16xf32>,
      %swap3A_611 = vector.shape_cast %swap3A_610 : vector<1x16xf32> to vector<16xf32>
      %swap3A_612 = vector.shape_cast %broadcast_in_dim3A_608 : vector<16xf32> to vector<1x16xf32>
      tpu.vector_store %arg13[%swap3A, %swap3A_609], %swap3A_612 {strides = array<i32>} : memref<625x64xf32, #tpu.memory_space<vmem>>, vector<1x16xf32>,
      %broadcast_in_dim3A_613 = arith.constant 0.000000e+00 : f32
      %broadcast_in_dim3A_614 = vector.broadcast %broadcast_in_dim3A_613 : f32 to vector<16xf32>
      %swap3A_615 = arith.index_cast %scan3A_607 : i32 to index
      %swap3A_616 = arith.constant 16 : index
      %swap3A_617 = tpu.vector_load %arg13[%swap3A_615, %swap3A_616] {strides = array<i32>} : memref<625x64xf32, #tpu.memory_space<vmem>>, vector<1x16xf32>,
      %swap3A_618 = vector.shape_cast %swap3A_617 : vector<1x16xf32> to vector<16xf32>
      %swap3A_619 = vector.shape_cast %broadcast_in_dim3A_614 : vector<16xf32> to vector<1x16xf32>
      tpu.vector_store %arg13[%swap3A_615, %swap3A_616], %swap3A_619 {strides = array<i32>} : memref<625x64xf32, #tpu.memory_space<vmem>>, vector<1x16xf32>,
      %broadcast_in_dim3A_620 = arith.constant 0.000000e+00 : f32
      %broadcast_in_dim3A_621 = vector.broadcast %broadcast_in_dim3A_620 : f32 to vector<16xf32>
      %swap3A_622 = arith.index_cast %scan3A_607 : i32 to index
      %swap3A_623 = arith.constant 32 : index
      %swap3A_624 = tpu.vector_load %arg13[%swap3A_622, %swap3A_623] {strides = array<i32>} : memref<625x64xf32, #tpu.memory_space<vmem>>, vector<1x16xf32>,
      %swap3A_625 = vector.shape_cast %swap3A_624 : vector<1x16xf32> to vector<16xf32>
      %swap3A_626 = vector.shape_cast %broadcast_in_dim3A_621 : vector<16xf32> to vector<1x16xf32>
      tpu.vector_store %arg13[%swap3A_622, %swap3A_623], %swap3A_626 {strides = array<i32>} : memref<625x64xf32, #tpu.memory_space<vmem>>, vector<1x16xf32>,
      %broadcast_in_dim3A_627 = arith.constant 0.000000e+00 : f32
      %broadcast_in_dim3A_628 = vector.broadcast %broadcast_in_dim3A_627 : f32 to vector<16xf32>
      %swap3A_629 = arith.index_cast %scan3A_607 : i32 to index
      %swap3A_630 = arith.constant 48 : index
      %swap3A_631 = tpu.vector_load %arg13[%swap3A_629, %swap3A_630] {strides = array<i32>} : memref<625x64xf32, #tpu.memory_space<vmem>>, vector<1x16xf32>,
      %swap3A_632 = vector.shape_cast %swap3A_631 : vector<1x16xf32> to vector<16xf32>
      %swap3A_633 = vector.shape_cast %broadcast_in_dim3A_628 : vector<16xf32> to vector<1x16xf32>
      tpu.vector_store %arg13[%swap3A_629, %swap3A_630], %swap3A_633 {strides = array<i32>} : memref<625x64xf32, #tpu.memory_space<vmem>>, vector<1x16xf32>,
    }
    %scan3A_5 = arith.constant 625 : i32
    %mul3A_6 = arith.constant 4 : i32
    %mul3A_7 = arith.muli %arg0, %mul3A_6 : i32
    %add3A = arith.constant 0 : i32
    %add3A_8 = arith.addi %mul3A_7, %add3A : i32
    "tpu.region"() ({
      %run_scoped3A = tpu.sem_alloc : memref<!tpu.dma_semaphore, #tpu.memory_space<semaphore_mem>>
      %dma_start3A = arith.constant 0 : i32
      %dma_start3A_607 = arith.constant 0 : i32
      %dma_start3A_608 = tpu.memref_slice %arg7[%add3A_8, %dma_start3A, %dma_start3A_607] : memref<8x5x16xf32, #tpu.memory_space<hbm>> -> memref<1x5x16xf32, #tpu.memory_space<hbm>>
      %dma_start3A_609 = tpu.memref_squeeze %dma_start3A_608 : memref<1x5x16xf32, #tpu.memory_space<hbm>> -> memref<5x16xf32, #tpu.memory_space<hbm>>
      %dma_start3A_610 = arith.constant 0 : i32
      %dma_start3A_611 = arith.constant 0 : i32
      %dma_start3A_612 = tpu.memref_slice %arg7[%add3A_8, %dma_start3A_610, %dma_start3A_611] : memref<8x5x16xf32, #tpu.memory_space<hbm>> -> memref<1x5x16xf32, #tpu.memory_space<hbm>>
      %dma_start3A_613 = tpu.memref_squeeze %dma_start3A_612 : memref<1x5x16xf32, #tpu.memory_space<hbm>> -> memref<5x16xf32, #tpu.memory_space<hbm>>
      tpu.enqueue_dma source(%dma_start3A_613 : memref<5x16xf32, #tpu.memory_space<hbm>>) target(%arg20 : memref<5x16xf32, #tpu.memory_space<vmem>>) target_semaphore(%run_scoped3A : memref<!tpu.dma_semaphore, #tpu.memory_space<semaphore_mem>>)
      %dma_wait3A = arith.constant 0 : i32
      %dma_wait3A_614 = arith.constant 0 : i32
      %dma_wait3A_615 = tpu.memref_slice %arg7[%add3A_8, %dma_wait3A, %dma_wait3A_614] : memref<8x5x16xf32, #tpu.memory_space<hbm>> -> memref<1x5x16xf32, #tpu.memory_space<hbm>>
      %dma_wait3A_616 = tpu.memref_squeeze %dma_wait3A_615 : memref<1x5x16xf32, #tpu.memory_space<hbm>> -> memref<5x16xf32, #tpu.memory_space<hbm>>
      %dma_wait3A_617 = arith.constant 0 : i32
      %dma_wait3A_618 = arith.constant 0 : i32
      %dma_wait3A_619 = tpu.memref_slice %arg7[%add3A_8, %dma_wait3A_617, %dma_wait3A_618] : memref<8x5x16xf32, #tpu.memory_space<hbm>> -> memref<1x5x16xf32, #tpu.memory_space<hbm>>
      %dma_wait3A_620 = tpu.memref_squeeze %dma_wait3A_619 : memref<1x5x16xf32, #tpu.memory_space<hbm>> -> memref<5x16xf32, #tpu.memory_space<hbm>>
      tpu.wait_dma2 semaphore(%run_scoped3A : memref<!tpu.dma_semaphore, #tpu.memory_space<semaphore_mem>>) src(%dma_wait3A_620 : memref<5x16xf32, #tpu.memory_space<hbm>>) dst(%arg20 : memref<5x16xf32, #tpu.memory_space<vmem>>)
      tpu.yield
    }) : () -> ()
    "tpu.region"() ({
      %run_scoped3A = tpu.sem_alloc : memref<!tpu.dma_semaphore, #tpu.memory_space<semaphore_mem>>
      %dma_start3A = arith.constant 0 : i32
      %dma_start3A_607 = arith.constant 0 : i32
      %dma_start3A_608 = tpu.memref_slice %arg8[%add3A_8, %dma_start3A, %dma_start3A_607] : memref<8x5x16xf32, #tpu.memory_space<hbm>> -> memref<1x5x16xf32, #tpu.memory_space<hbm>>
      %dma_start3A_609 = tpu.memref_squeeze %dma_start3A_608 : memref<1x5x16xf32, #tpu.memory_space<hbm>> -> memref<5x16xf32, #tpu.memory_space<hbm>>
      %dma_start3A_610 = arith.constant 0 : i32
      %dma_start3A_611 = arith.constant 0 : i32
      %dma_start3A_612 = tpu.memref_slice %arg8[%add3A_8, %dma_start3A_610, %dma_start3A_611] : memref<8x5x16xf32, #tpu.memory_space<hbm>> -> memref<1x5x16xf32, #tpu.memory_space<hbm>>
      %dma_start3A_613 = tpu.memref_squeeze %dma_start3A_612 : memref<1x5x16xf32, #tpu.memory_space<hbm>> -> memref<5x16xf32, #tpu.memory_space<hbm>>
      tpu.enqueue_dma source(%dma_start3A_613 : memref<5x16xf32, #tpu.memory_space<hbm>>) target(%arg21 : memref<5x16xf32, #tpu.memory_space<vmem>>) target_semaphore(%run_scoped3A : memref<!tpu.dma_semaphore, #tpu.memory_space<semaphore_mem>>)
      %dma_wait3A = arith.constant 0 : i32
      %dma_wait3A_614 = arith.constant 0 : i32
      %dma_wait3A_615 = tpu.memref_slice %arg8[%add3A_8, %dma_wait3A, %dma_wait3A_614] : memref<8x5x16xf32, #tpu.memory_space<hbm>> -> memref<1x5x16xf32, #tpu.memory_space<hbm>>
      %dma_wait3A_616 = tpu.memref_squeeze %dma_wait3A_615 : memref<1x5x16xf32, #tpu.memory_space<hbm>> -> memref<5x16xf32, #tpu.memory_space<hbm>>
      %dma_wait3A_617 = arith.constant 0 : i32
      %dma_wait3A_618 = arith.constant 0 : i32
      %dma_wait3A_619 = tpu.memref_slice %arg8[%add3A_8, %dma_wait3A_617, %dma_wait3A_618] : memref<8x5x16xf32, #tpu.memory_space<hbm>> -> memref<1x5x16xf32, #tpu.memory_space<hbm>>
      %dma_wait3A_620 = tpu.memref_squeeze %dma_wait3A_619 : memref<1x5x16xf32, #tpu.memory_space<hbm>> -> memref<5x16xf32, #tpu.memory_space<hbm>>
      tpu.wait_dma2 semaphore(%run_scoped3A : memref<!tpu.dma_semaphore, #tpu.memory_space<semaphore_mem>>) src(%dma_wait3A_620 : memref<5x16xf32, #tpu.memory_space<hbm>>) dst(%arg21 : memref<5x16xf32, #tpu.memory_space<vmem>>)
      tpu.yield
    }) : () -> ()
    "tpu.region"() ({
      %run_scoped3A = tpu.sem_alloc : memref<!tpu.dma_semaphore, #tpu.memory_space<semaphore_mem>>
      %dma_start3A = arith.constant 0 : i32
      %dma_start3A_607 = arith.constant 0 : i32
      %dma_start3A_608 = tpu.memref_slice %arg9[%add3A_8, %dma_start3A, %dma_start3A_607] : memref<8x5x48xf32, #tpu.memory_space<hbm>> -> memref<1x5x48xf32, #tpu.memory_space<hbm>>
      %dma_start3A_609 = tpu.memref_squeeze %dma_start3A_608 : memref<1x5x48xf32, #tpu.memory_space<hbm>> -> memref<5x48xf32, #tpu.memory_space<hbm>>
      %dma_start3A_610 = arith.constant 0 : i32
      %dma_start3A_611 = arith.constant 0 : i32
      %dma_start3A_612 = tpu.memref_slice %arg9[%add3A_8, %dma_start3A_610, %dma_start3A_611] : memref<8x5x48xf32, #tpu.memory_space<hbm>> -> memref<1x5x48xf32, #tpu.memory_space<hbm>>
      %dma_start3A_613 = tpu.memref_squeeze %dma_start3A_612 : memref<1x5x48xf32, #tpu.memory_space<hbm>> -> memref<5x48xf32, #tpu.memory_space<hbm>>
      tpu.enqueue_dma source(%dma_start3A_613 : memref<5x48xf32, #tpu.memory_space<hbm>>) target(%arg22 : memref<5x48xf32, #tpu.memory_space<vmem>>) target_semaphore(%run_scoped3A : memref<!tpu.dma_semaphore, #tpu.memory_space<semaphore_mem>>)
      %dma_wait3A = arith.constant 0 : i32
      %dma_wait3A_614 = arith.constant 0 : i32
      %dma_wait3A_615 = tpu.memref_slice %arg9[%add3A_8, %dma_wait3A, %dma_wait3A_614] : memref<8x5x48xf32, #tpu.memory_space<hbm>> -> memref<1x5x48xf32, #tpu.memory_space<hbm>>
      %dma_wait3A_616 = tpu.memref_squeeze %dma_wait3A_615 : memref<1x5x48xf32, #tpu.memory_space<hbm>> -> memref<5x48xf32, #tpu.memory_space<hbm>>
      %dma_wait3A_617 = arith.constant 0 : i32
      %dma_wait3A_618 = arith.constant 0 : i32
      %dma_wait3A_619 = tpu.memref_slice %arg9[%add3A_8, %dma_wait3A_617, %dma_wait3A_618] : memref<8x5x48xf32, #tpu.memory_space<hbm>> -> memref<1x5x48xf32, #tpu.memory_space<hbm>>
      %dma_wait3A_620 = tpu.memref_squeeze %dma_wait3A_619 : memref<1x5x48xf32, #tpu.memory_space<hbm>> -> memref<5x48xf32, #tpu.memory_space<hbm>>
      tpu.wait_dma2 semaphore(%run_scoped3A : memref<!tpu.dma_semaphore, #tpu.memory_space<semaphore_mem>>) src(%dma_wait3A_620 : memref<5x48xf32, #tpu.memory_space<hbm>>) dst(%arg22 : memref<5x48xf32, #tpu.memory_space<vmem>>)
      tpu.yield
    }) : () -> ()
    "tpu.region"() ({
      %run_scoped3A = tpu.sem_alloc : memref<!tpu.dma_semaphore, #tpu.memory_space<semaphore_mem>>
      %dma_start3A = arith.constant 0 : i32
      %dma_start3A_607 = tpu.memref_slice %arg12[%mul3A_0, %dma_start3A] : memref<10000x64xf32, #tpu.memory_space<vmem_shared>> -> memref<625x64xf32, #tpu.memory_space<vmem_shared>>
      %dma_start3A_608 = arith.constant 0 : i32
      %dma_start3A_609 = tpu.memref_slice %arg12[%mul3A_0, %dma_start3A_608] : memref<10000x64xf32, #tpu.memory_space<vmem_shared>> -> memref<625x64xf32, #tpu.memory_space<vmem_shared>>
      tpu.enqueue_dma source(%arg13 : memref<625x64xf32, #tpu.memory_space<vmem>>) target(%dma_start3A_609 : memref<625x64xf32, #tpu.memory_space<vmem_shared>>) target_semaphore(%run_scoped3A : memref<!tpu.dma_semaphore, #tpu.memory_space<semaphore_mem>>)
      %dma_wait3A = arith.constant 0 : i32
      %dma_wait3A_610 = tpu.memref_slice %arg12[%mul3A_0, %dma_wait3A] : memref<10000x64xf32, #tpu.memory_space<vmem_shared>> -> memref<625x64xf32, #tpu.memory_space<vmem_shared>>
      %dma_wait3A_611 = arith.constant 0 : i32
      %dma_wait3A_612 = tpu.memref_slice %arg12[%mul3A_0, %dma_wait3A_611] : memref<10000x64xf32, #tpu.memory_space<vmem_shared>> -> memref<625x64xf32, #tpu.memory_space<vmem_shared>>
      tpu.wait_dma2 semaphore(%run_scoped3A : memref<!tpu.dma_semaphore, #tpu.memory_space<semaphore_mem>>) src(%arg13 : memref<625x64xf32, #tpu.memory_space<vmem>>) dst(%dma_wait3A_612 : memref<625x64xf32, #tpu.memory_space<vmem_shared>>)
      tpu.yield
    }) : () -> ()
    %barrier3A = arith.constant 0 : index
    tpu.barrier barrier_id(%barrier3A)
    %get3A = arith.constant 0 : i32
    %get3A_9 = arith.index_cast %get3A : i32 to index
    %get3A_10 = arith.constant 0 : index
    %get3A_11 = tpu.vector_load %arg20[%get3A_9, %get3A_10] {strides = array<i32>} : memref<5x16xf32, #tpu.memory_space<vmem>>, vector<1x16xf32>,
    %get3A_12 = vector.shape_cast %get3A_11 : vector<1x16xf32> to vector<16xf32>
    %get3A_13 = arith.constant 1 : i32
    %get3A_14 = arith.index_cast %get3A_13 : i32 to index
    %get3A_15 = arith.constant 0 : index
    %get3A_16 = tpu.vector_load %arg20[%get3A_14, %get3A_15] {strides = array<i32>} : memref<5x16xf32, #tpu.memory_space<vmem>>, vector<1x16xf32>,
    %get3A_17 = vector.shape_cast %get3A_16 : vector<1x16xf32> to vector<16xf32>
    %get3A_18 = arith.constant 2 : i32
    %get3A_19 = arith.index_cast %get3A_18 : i32 to index
    %get3A_20 = arith.constant 0 : index
    %get3A_21 = tpu.vector_load %arg20[%get3A_19, %get3A_20] {strides = array<i32>} : memref<5x16xf32, #tpu.memory_space<vmem>>, vector<1x16xf32>,
    %get3A_22 = vector.shape_cast %get3A_21 : vector<1x16xf32> to vector<16xf32>
    %get3A_23 = arith.constant 3 : i32
    %get3A_24 = arith.index_cast %get3A_23 : i32 to index
    %get3A_25 = arith.constant 0 : index
    %get3A_26 = tpu.vector_load %arg20[%get3A_24, %get3A_25] {strides = array<i32>} : memref<5x16xf32, #tpu.memory_space<vmem>>, vector<1x16xf32>,
    %get3A_27 = vector.shape_cast %get3A_26 : vector<1x16xf32> to vector<16xf32>
    %get3A_28 = arith.constant 4 : i32
    %get3A_29 = arith.index_cast %get3A_28 : i32 to index
    %get3A_30 = arith.constant 0 : index
    %get3A_31 = tpu.vector_load %arg20[%get3A_29, %get3A_30] {strides = array<i32>} : memref<5x16xf32, #tpu.memory_space<vmem>>, vector<1x16xf32>,
    %get3A_32 = vector.shape_cast %get3A_31 : vector<1x16xf32> to vector<16xf32>
    %get3A_33 = arith.constant 0 : i32
    %get3A_34 = arith.index_cast %get3A_33 : i32 to index
    %get3A_35 = arith.constant 0 : index
    %get3A_36 = tpu.vector_load %arg21[%get3A_34, %get3A_35] {strides = array<i32>} : memref<5x16xf32, #tpu.memory_space<vmem>>, vector<1x16xf32>,
    %get3A_37 = vector.shape_cast %get3A_36 : vector<1x16xf32> to vector<16xf32>
    %get3A_38 = arith.constant 1 : i32
    %get3A_39 = arith.index_cast %get3A_38 : i32 to index
    %get3A_40 = arith.constant 0 : index
    %get3A_41 = tpu.vector_load %arg21[%get3A_39, %get3A_40] {strides = array<i32>} : memref<5x16xf32, #tpu.memory_space<vmem>>, vector<1x16xf32>,
    %get3A_42 = vector.shape_cast %get3A_41 : vector<1x16xf32> to vector<16xf32>
    %get3A_43 = arith.constant 2 : i32
    %get3A_44 = arith.index_cast %get3A_43 : i32 to index
    %get3A_45 = arith.constant 0 : index
    %get3A_46 = tpu.vector_load %arg21[%get3A_44, %get3A_45] {strides = array<i32>} : memref<5x16xf32, #tpu.memory_space<vmem>>, vector<1x16xf32>,
    %get3A_47 = vector.shape_cast %get3A_46 : vector<1x16xf32> to vector<16xf32>
    %get3A_48 = arith.constant 3 : i32
    %get3A_49 = arith.index_cast %get3A_48 : i32 to index
    %get3A_50 = arith.constant 0 : index
    %get3A_51 = tpu.vector_load %arg21[%get3A_49, %get3A_50] {strides = array<i32>} : memref<5x16xf32, #tpu.memory_space<vmem>>, vector<1x16xf32>,
    %get3A_52 = vector.shape_cast %get3A_51 : vector<1x16xf32> to vector<16xf32>
    %get3A_53 = arith.constant 4 : i32
    %get3A_54 = arith.index_cast %get3A_53 : i32 to index
    %get3A_55 = arith.constant 0 : index
    %get3A_56 = tpu.vector_load %arg21[%get3A_54, %get3A_55] {strides = array<i32>} : memref<5x16xf32, #tpu.memory_space<vmem>>, vector<1x16xf32>,
    %get3A_57 = vector.shape_cast %get3A_56 : vector<1x16xf32> to vector<16xf32>
    %scan3A_58 = arith.constant 0 : i32
    %scan3A_59 = arith.constant 0 : i32
    %scan3A_60 = arith.constant 125 : i32
    %scan3A_61 = arith.addi %scan3A_59, %scan3A_60 : i32
    %scan3A_62 = arith.constant 1 : i32
    scf.for %scan3A_607 = %scan3A_59 to %scan3A_61 step %scan3A_62  : i32 {
      %mul3A_608 = arith.constant 10000 : i32
      %mul3A_609 = arith.muli %arg1, %mul3A_608 : i32
      %mul3A_610 = arith.constant 80 : i32
      %mul3A_611 = arith.muli %scan3A_607, %mul3A_610 : i32
      %add3A_612 = arith.addi %mul3A_609, %mul3A_611 : i32
      "tpu.region"() ({
        %run_scoped3A = tpu.sem_alloc : memref<!tpu.dma_semaphore, #tpu.memory_space<semaphore_mem>>
        %dma_start3A_628 = tpu.memref_slice %arg5[%add3A_8, %add3A_612] : memref<8x160000xi32, #tpu.memory_space<hbm>> -> memref<1x80xi32, #tpu.memory_space<hbm>>
        %dma_start3A_629 = tpu.memref_squeeze %dma_start3A_628 : memref<1x80xi32, #tpu.memory_space<hbm>> -> memref<80xi32, #tpu.memory_space<hbm>>
        %dma_start3A_630 = tpu.memref_slice %arg5[%add3A_8, %add3A_612] : memref<8x160000xi32, #tpu.memory_space<hbm>> -> memref<1x80xi32, #tpu.memory_space<hbm>>
        %dma_start3A_631 = tpu.memref_squeeze %dma_start3A_630 : memref<1x80xi32, #tpu.memory_space<hbm>> -> memref<80xi32, #tpu.memory_space<hbm>>
        tpu.enqueue_dma source(%dma_start3A_631 : memref<80xi32, #tpu.memory_space<hbm>>) target(%arg15 : memref<80xi32, #tpu.memory_space<vmem>>) target_semaphore(%run_scoped3A : memref<!tpu.dma_semaphore, #tpu.memory_space<semaphore_mem>>)
        %dma_wait3A_632 = tpu.memref_slice %arg5[%add3A_8, %add3A_612] : memref<8x160000xi32, #tpu.memory_space<hbm>> -> memref<1x80xi32, #tpu.memory_space<hbm>>
        %dma_wait3A_633 = tpu.memref_squeeze %dma_wait3A_632 : memref<1x80xi32, #tpu.memory_space<hbm>> -> memref<80xi32, #tpu.memory_space<hbm>>
        %dma_wait3A_634 = tpu.memref_slice %arg5[%add3A_8, %add3A_612] : memref<8x160000xi32, #tpu.memory_space<hbm>> -> memref<1x80xi32, #tpu.memory_space<hbm>>
        %dma_wait3A_635 = tpu.memref_squeeze %dma_wait3A_634 : memref<1x80xi32, #tpu.memory_space<hbm>> -> memref<80xi32, #tpu.memory_space<hbm>>
        tpu.wait_dma2 semaphore(%run_scoped3A : memref<!tpu.dma_semaphore, #tpu.memory_space<semaphore_mem>>) src(%dma_wait3A_635 : memref<80xi32, #tpu.memory_space<hbm>>) dst(%arg15 : memref<80xi32, #tpu.memory_space<vmem>>)
        tpu.yield
      }) : () -> ()
      "tpu.region"() ({
        %run_scoped3A = tpu.sem_alloc : memref<!tpu.dma_semaphore, #tpu.memory_space<semaphore_mem>>
        %dma_start3A_628 = tpu.memref_slice %arg6[%add3A_612] : memref<160000xi32, #tpu.memory_space<hbm>> -> memref<80xi32, #tpu.memory_space<hbm>>
        %dma_start3A_629 = tpu.memref_slice %arg6[%add3A_612] : memref<160000xi32, #tpu.memory_space<hbm>> -> memref<80xi32, #tpu.memory_space<hbm>>
        tpu.enqueue_dma source(%dma_start3A_629 : memref<80xi32, #tpu.memory_space<hbm>>) target(%arg14 : memref<80xi32, #tpu.memory_space<vmem>>) target_semaphore(%run_scoped3A : memref<!tpu.dma_semaphore, #tpu.memory_space<semaphore_mem>>)
        %dma_wait3A_630 = tpu.memref_slice %arg6[%add3A_612] : memref<160000xi32, #tpu.memory_space<hbm>> -> memref<80xi32, #tpu.memory_space<hbm>>
        %dma_wait3A_631 = tpu.memref_slice %arg6[%add3A_612] : memref<160000xi32, #tpu.memory_space<hbm>> -> memref<80xi32, #tpu.memory_space<hbm>>
        tpu.wait_dma2 semaphore(%run_scoped3A : memref<!tpu.dma_semaphore, #tpu.memory_space<semaphore_mem>>) src(%dma_wait3A_631 : memref<80xi32, #tpu.memory_space<hbm>>) dst(%arg14 : memref<80xi32, #tpu.memory_space<vmem>>)
        tpu.yield
      }) : () -> ()
      %mul3A_613 = arith.constant 5000 : i32
      %mul3A_614 = arith.muli %arg1, %mul3A_613 : i32
      %mul3A_615 = arith.constant 40 : i32
      %mul3A_616 = arith.muli %scan3A_607, %mul3A_615 : i32
      %add3A_617 = arith.addi %mul3A_614, %mul3A_616 : i32
      "tpu.region"() ({
        %run_scoped3A = tpu.sem_alloc : memref<!tpu.dma_semaphore, #tpu.memory_space<semaphore_mem>>
        %dma_start3A_628 = arith.constant 0 : i32
        %dma_start3A_629 = tpu.memref_slice %arg4[%add3A_617, %dma_start3A_628] : memref<80000x16xf32, #tpu.memory_space<hbm>> -> memref<40x16xf32, #tpu.memory_space<hbm>>
        %dma_start3A_630 = arith.constant 0 : i32
        %dma_start3A_631 = tpu.memref_slice %arg4[%add3A_617, %dma_start3A_630] : memref<80000x16xf32, #tpu.memory_space<hbm>> -> memref<40x16xf32, #tpu.memory_space<hbm>>
        tpu.enqueue_dma source(%dma_start3A_631 : memref<40x16xf32, #tpu.memory_space<hbm>>) target(%arg16 : memref<40x16xf32, #tpu.memory_space<vmem>>) target_semaphore(%run_scoped3A : memref<!tpu.dma_semaphore, #tpu.memory_space<semaphore_mem>>)
        %dma_wait3A_632 = arith.constant 0 : i32
        %dma_wait3A_633 = tpu.memref_slice %arg4[%add3A_617, %dma_wait3A_632] : memref<80000x16xf32, #tpu.memory_space<hbm>> -> memref<40x16xf32, #tpu.memory_space<hbm>>
        %dma_wait3A_634 = arith.constant 0 : i32
        %dma_wait3A_635 = tpu.memref_slice %arg4[%add3A_617, %dma_wait3A_634] : memref<80000x16xf32, #tpu.memory_space<hbm>> -> memref<40x16xf32, #tpu.memory_space<hbm>>
        tpu.wait_dma2 semaphore(%run_scoped3A : memref<!tpu.dma_semaphore, #tpu.memory_space<semaphore_mem>>) src(%dma_wait3A_635 : memref<40x16xf32, #tpu.memory_space<hbm>>) dst(%arg16 : memref<40x16xf32, #tpu.memory_space<vmem>>)
        tpu.yield
      }) : () -> ()
      %dma_start3A = arith.constant 0 : i32
      %dma_start3A_618 = arith.constant 0 : i32
      %dma_start3A_619 = tpu.memref_slice %arg2[%dma_start3A, %dma_start3A_618] : memref<80000x16xf32, #tpu.memory_space<hbm>> -> memref<80000x16xf32, #tpu.memory_space<hbm>>
      tpu.enqueue_indirect_dma source(%dma_start3A_619 : memref<80000x16xf32, #tpu.memory_space<hbm>>) target(%arg17 : memref<80x16xf32, #tpu.memory_space<vmem>>) offsets(%arg15 : memref<80xi32, #tpu.memory_space<vmem>>) semaphore(%arg23 : memref<!tpu.dma_semaphore, #tpu.memory_space<semaphore_mem>>)
      %dma_wait3A = arith.constant 0 : i32
      %dma_wait3A_620 = arith.constant 0 : i32
      %dma_wait3A_621 = tpu.memref_slice %arg2[%dma_wait3A, %dma_wait3A_620] : memref<80000x16xf32, #tpu.memory_space<hbm>> -> memref<80000x16xf32, #tpu.memory_space<hbm>>
      tpu.wait_indirect_dma semaphore(%arg23 : memref<!tpu.dma_semaphore, #tpu.memory_space<semaphore_mem>>) src(%dma_wait3A_621 : memref<80000x16xf32, #tpu.memory_space<hbm>>) dst(%arg17 : memref<80x16xf32, #tpu.memory_space<vmem>>)
      %scan3A_622 = arith.constant 0 : i32
      %scan3A_623 = arith.constant 0 : i32
      %scan3A_624 = arith.constant 40 : i32
      %scan3A_625 = arith.addi %scan3A_623, %scan3A_624 : i32
      %scan3A_626 = arith.constant 2 : i32
      scf.for %scan3A_628 = %scan3A_623 to %scan3A_625 step %scan3A_626  : i32 {
        %get3A_629 = arith.index_cast %scan3A_628 : i32 to index
        %get3A_630 = arith.constant 0 : index
        %get3A_631 = tpu.vector_load %arg16[%get3A_629, %get3A_630] {strides = array<i32>} : memref<40x16xf32, #tpu.memory_space<vmem>>, vector<1x16xf32>,
        %get3A_632 = vector.shape_cast %get3A_631 : vector<1x16xf32> to vector<16xf32>
        %mul3A_633 = arith.constant 2 : i32
        %mul3A_634 = arith.muli %mul3A_633, %scan3A_628 : i32
        %add3A_635 = arith.constant 0 : i32
        %add3A_636 = arith.addi %mul3A_634, %add3A_635 : i32
        %slice3A = vector.extract_strided_slice %get3A_632 {offsets = [0], sizes = [1], strides = [1]} : vector<16xf32> to vector<1xf32>
        %squeeze3A = vector.extract %slice3A[0] : f32 from vector<1xf32>
        %slice3A_637 = vector.extract_strided_slice %get3A_632 {offsets = [1], sizes = [1], strides = [1]} : vector<16xf32> to vector<1xf32>
        %squeeze3A_638 = vector.extract %slice3A_637[0] : f32 from vector<1xf32>
        %slice3A_639 = vector.extract_strided_slice %get3A_632 {offsets = [2], sizes = [1], strides = [1]} : vector<16xf32> to vector<1xf32>
        %squeeze3A_640 = vector.extract %slice3A_639[0] : f32 from vector<1xf32>
        %slice3A_641 = vector.extract_strided_slice %get3A_632 {offsets = [3], sizes = [1], strides = [1]} : vector<16xf32> to vector<1xf32>
        %squeeze3A_642 = vector.extract %slice3A_641[0] : f32 from vector<1xf32>
        %slice3A_643 = vector.extract_strided_slice %get3A_632 {offsets = [4], sizes = [1], strides = [1]} : vector<16xf32> to vector<1xf32>
        %squeeze3A_644 = vector.extract %slice3A_643[0] : f32 from vector<1xf32>
        %mul3A_645 = vector.broadcast %squeeze3A : f32 to vector<16xf32>
        %mul3A_646 = arith.mulf %mul3A_645, %get3A_12 : vector<16xf32>
        %mul3A_647 = vector.broadcast %squeeze3A : f32 to vector<16xf32>
        %mul3A_648 = arith.mulf %mul3A_647, %get3A_37 : vector<16xf32>
        %mul3A_649 = vector.broadcast %squeeze3A_638 : f32 to vector<16xf32>
        %mul3A_650 = arith.mulf %mul3A_649, %get3A_17 : vector<16xf32>
        %add3A_651 = arith.addf %mul3A_646, %mul3A_650 : vector<16xf32>
        %mul3A_652 = vector.broadcast %squeeze3A_638 : f32 to vector<16xf32>
        %mul3A_653 = arith.mulf %mul3A_652, %get3A_42 : vector<16xf32>
        %add3A_654 = arith.addf %mul3A_648, %mul3A_653 : vector<16xf32>
        %mul3A_655 = vector.broadcast %squeeze3A_640 : f32 to vector<16xf32>
        %mul3A_656 = arith.mulf %mul3A_655, %get3A_22 : vector<16xf32>
        %add3A_657 = arith.addf %add3A_651, %mul3A_656 : vector<16xf32>
        %mul3A_658 = vector.broadcast %squeeze3A_640 : f32 to vector<16xf32>
        %mul3A_659 = arith.mulf %mul3A_658, %get3A_47 : vector<16xf32>
        %add3A_660 = arith.addf %add3A_654, %mul3A_659 : vector<16xf32>
        %mul3A_661 = vector.broadcast %squeeze3A_642 : f32 to vector<16xf32>
        %mul3A_662 = arith.mulf %mul3A_661, %get3A_27 : vector<16xf32>
        %add3A_663 = arith.addf %add3A_657, %mul3A_662 : vector<16xf32>
        %mul3A_664 = vector.broadcast %squeeze3A_642 : f32 to vector<16xf32>
        %mul3A_665 = arith.mulf %mul3A_664, %get3A_52 : vector<16xf32>
        %add3A_666 = arith.addf %add3A_660, %mul3A_665 : vector<16xf32>
        %mul3A_667 = vector.broadcast %squeeze3A_644 : f32 to vector<16xf32>
        %mul3A_668 = arith.mulf %mul3A_667, %get3A_32 : vector<16xf32>
        %add3A_669 = arith.addf %add3A_663, %mul3A_668 : vector<16xf32>
        %mul3A_670 = vector.broadcast %squeeze3A_644 : f32 to vector<16xf32>
        %mul3A_671 = arith.mulf %mul3A_670, %get3A_57 : vector<16xf32>
        %add3A_672 = arith.addf %add3A_666, %mul3A_671 : vector<16xf32>
        %get3A_673 = arith.index_cast %add3A_636 : i32 to index
        %get3A_674 = arith.constant 0 : index
        %get3A_675 = tpu.vector_load %arg17[%get3A_673, %get3A_674] {strides = array<i32>} : memref<80x16xf32, #tpu.memory_space<vmem>>, vector<1x16xf32>,
        %get3A_676 = vector.shape_cast %get3A_675 : vector<1x16xf32> to vector<16xf32>
        %mul3A_677 = arith.mulf %get3A_676, %add3A_669 : vector<16xf32>
        %swap3A = arith.index_cast %add3A_636 : i32 to index
        %swap3A_678 = arith.constant 0 : index
        %swap3A_679 = tpu.vector_load %arg19[%swap3A, %swap3A_678] {strides = array<i32>} : memref<80x64xf32, #tpu.memory_space<vmem>>, vector<1x16xf32>,
        %swap3A_680 = vector.shape_cast %swap3A_679 : vector<1x16xf32> to vector<16xf32>
        %swap3A_681 = vector.shape_cast %mul3A_677 : vector<16xf32> to vector<1x16xf32>
        tpu.vector_store %arg19[%swap3A, %swap3A_678], %swap3A_681 {strides = array<i32>} : memref<80x64xf32, #tpu.memory_space<vmem>>, vector<1x16xf32>,
        %mul3A_682 = arith.mulf %get3A_676, %add3A_672 : vector<16xf32>
        %slice3A_683 = vector.extract_strided_slice %get3A_632 {offsets = [5], sizes = [1], strides = [1]} : vector<16xf32> to vector<1xf32>
        %squeeze3A_684 = vector.extract %slice3A_683[0] : f32 from vector<1xf32>
        %mul3A_685 = vector.broadcast %squeeze3A_684 : f32 to vector<16xf32>
        %mul3A_686 = arith.mulf %mul3A_682, %mul3A_685 : vector<16xf32>
        %swap3A_687 = arith.index_cast %add3A_636 : i32 to index
        %swap3A_688 = arith.constant 16 : index
        %swap3A_689 = tpu.vector_load %arg19[%swap3A_687, %swap3A_688] {strides = array<i32>} : memref<80x64xf32, #tpu.memory_space<vmem>>, vector<1x16xf32>,
        %swap3A_690 = vector.shape_cast %swap3A_689 : vector<1x16xf32> to vector<16xf32>
        %swap3A_691 = vector.shape_cast %mul3A_686 : vector<16xf32> to vector<1x16xf32>
        tpu.vector_store %arg19[%swap3A_687, %swap3A_688], %swap3A_691 {strides = array<i32>} : memref<80x64xf32, #tpu.memory_space<vmem>>, vector<1x16xf32>,
        %slice3A_692 = vector.extract_strided_slice %get3A_632 {offsets = [6], sizes = [1], strides = [1]} : vector<16xf32> to vector<1xf32>
        %squeeze3A_693 = vector.extract %slice3A_692[0] : f32 from vector<1xf32>
        %mul3A_694 = vector.broadcast %squeeze3A_693 : f32 to vector<16xf32>
        %mul3A_695 = arith.mulf %mul3A_682, %mul3A_694 : vector<16xf32>
        %swap3A_696 = arith.index_cast %add3A_636 : i32 to index
        %swap3A_697 = arith.constant 32 : index
        %swap3A_698 = tpu.vector_load %arg19[%swap3A_696, %swap3A_697] {strides = array<i32>} : memref<80x64xf32, #tpu.memory_space<vmem>>, vector<1x16xf32>,
        %swap3A_699 = vector.shape_cast %swap3A_698 : vector<1x16xf32> to vector<16xf32>
        %swap3A_700 = vector.shape_cast %mul3A_695 : vector<16xf32> to vector<1x16xf32>
        tpu.vector_store %arg19[%swap3A_696, %swap3A_697], %swap3A_700 {strides = array<i32>} : memref<80x64xf32, #tpu.memory_space<vmem>>, vector<1x16xf32>,
        %slice3A_701 = vector.extract_strided_slice %get3A_632 {offsets = [7], sizes = [1], strides = [1]} : vector<16xf32> to vector<1xf32>
        %squeeze3A_702 = vector.extract %slice3A_701[0] : f32 from vector<1xf32>
        %mul3A_703 = vector.broadcast %squeeze3A_702 : f32 to vector<16xf32>
        %mul3A_704 = arith.mulf %mul3A_682, %mul3A_703 : vector<16xf32>
        %swap3A_705 = arith.index_cast %add3A_636 : i32 to index
        %swap3A_706 = arith.constant 48 : index
        %swap3A_707 = tpu.vector_load %arg19[%swap3A_705, %swap3A_706] {strides = array<i32>} : memref<80x64xf32, #tpu.memory_space<vmem>>, vector<1x16xf32>,
        %swap3A_708 = vector.shape_cast %swap3A_707 : vector<1x16xf32> to vector<16xf32>
        %swap3A_709 = vector.shape_cast %mul3A_704 : vector<16xf32> to vector<1x16xf32>
        tpu.vector_store %arg19[%swap3A_705, %swap3A_706], %swap3A_709 {strides = array<i32>} : memref<80x64xf32, #tpu.memory_space<vmem>>, vector<1x16xf32>,
        %mul3A_710 = arith.constant 2 : i32
        %mul3A_711 = arith.muli %mul3A_710, %scan3A_628 : i32
        %add3A_712 = arith.constant 1 : i32
        %add3A_713 = arith.addi %mul3A_711, %add3A_712 : i32
        %slice3A_714 = vector.extract_strided_slice %get3A_632 {offsets = [8], sizes = [1], strides = [1]} : vector<16xf32> to vector<1xf32>
        %squeeze3A_715 = vector.extract %slice3A_714[0] : f32 from vector<1xf32>
        %slice3A_716 = vector.extract_strided_slice %get3A_632 {offsets = [9], sizes = [1], strides = [1]} : vector<16xf32> to vector<1xf32>
        %squeeze3A_717 = vector.extract %slice3A_716[0] : f32 from vector<1xf32>
        %slice3A_718 = vector.extract_strided_slice %get3A_632 {offsets = [10], sizes = [1], strides = [1]} : vector<16xf32> to vector<1xf32>
        %squeeze3A_719 = vector.extract %slice3A_718[0] : f32 from vector<1xf32>
        %slice3A_720 = vector.extract_strided_slice %get3A_632 {offsets = [11], sizes = [1], strides = [1]} : vector<16xf32> to vector<1xf32>
        %squeeze3A_721 = vector.extract %slice3A_720[0] : f32 from vector<1xf32>
        %slice3A_722 = vector.extract_strided_slice %get3A_632 {offsets = [12], sizes = [1], strides = [1]} : vector<16xf32> to vector<1xf32>
        %squeeze3A_723 = vector.extract %slice3A_722[0] : f32 from vector<1xf32>
        %mul3A_724 = vector.broadcast %squeeze3A_715 : f32 to vector<16xf32>
        %mul3A_725 = arith.mulf %mul3A_724, %get3A_12 : vector<16xf32>
        %mul3A_726 = vector.broadcast %squeeze3A_715 : f32 to vector<16xf32>
        %mul3A_727 = arith.mulf %mul3A_726, %get3A_37 : vector<16xf32>
        %mul3A_728 = vector.broadcast %squeeze3A_717 : f32 to vector<16xf32>
        %mul3A_729 = arith.mulf %mul3A_728, %get3A_17 : vector<16xf32>
        %add3A_730 = arith.addf %mul3A_725, %mul3A_729 : vector<16xf32>
        %mul3A_731 = vector.broadcast %squeeze3A_717 : f32 to vector<16xf32>
        %mul3A_732 = arith.mulf %mul3A_731, %get3A_42 : vector<16xf32>
        %add3A_733 = arith.addf %mul3A_727, %mul3A_732 : vector<16xf32>
        %mul3A_734 = vector.broadcast %squeeze3A_719 : f32 to vector<16xf32>
        %mul3A_735 = arith.mulf %mul3A_734, %get3A_22 : vector<16xf32>
        %add3A_736 = arith.addf %add3A_730, %mul3A_735 : vector<16xf32>
        %mul3A_737 = vector.broadcast %squeeze3A_719 : f32 to vector<16xf32>
        %mul3A_738 = arith.mulf %mul3A_737, %get3A_47 : vector<16xf32>
        %add3A_739 = arith.addf %add3A_733, %mul3A_738 : vector<16xf32>
        %mul3A_740 = vector.broadcast %squeeze3A_721 : f32 to vector<16xf32>
        %mul3A_741 = arith.mulf %mul3A_740, %get3A_27 : vector<16xf32>
        %add3A_742 = arith.addf %add3A_736, %mul3A_741 : vector<16xf32>
        %mul3A_743 = vector.broadcast %squeeze3A_721 : f32 to vector<16xf32>
        %mul3A_744 = arith.mulf %mul3A_743, %get3A_52 : vector<16xf32>
        %add3A_745 = arith.addf %add3A_739, %mul3A_744 : vector<16xf32>
        %mul3A_746 = vector.broadcast %squeeze3A_723 : f32 to vector<16xf32>
        %mul3A_747 = arith.mulf %mul3A_746, %get3A_32 : vector<16xf32>
        %add3A_748 = arith.addf %add3A_742, %mul3A_747 : vector<16xf32>
        %mul3A_749 = vector.broadcast %squeeze3A_723 : f32 to vector<16xf32>
        %mul3A_750 = arith.mulf %mul3A_749, %get3A_57 : vector<16xf32>
        %add3A_751 = arith.addf %add3A_745, %mul3A_750 : vector<16xf32>
        %get3A_752 = arith.index_cast %add3A_713 : i32 to index
        %get3A_753 = arith.constant 0 : index
        %get3A_754 = tpu.vector_load %arg17[%get3A_752, %get3A_753] {strides = array<i32>} : memref<80x16xf32, #tpu.memory_space<vmem>>, vector<1x16xf32>,
        %get3A_755 = vector.shape_cast %get3A_754 : vector<1x16xf32> to vector<16xf32>
        %mul3A_756 = arith.mulf %get3A_755, %add3A_748 : vector<16xf32>
        %swap3A_757 = arith.index_cast %add3A_713 : i32 to index
        %swap3A_758 = arith.constant 0 : index
        %swap3A_759 = tpu.vector_load %arg19[%swap3A_757, %swap3A_758] {strides = array<i32>} : memref<80x64xf32, #tpu.memory_space<vmem>>, vector<1x16xf32>,
        %swap3A_760 = vector.shape_cast %swap3A_759 : vector<1x16xf32> to vector<16xf32>
        %swap3A_761 = vector.shape_cast %mul3A_756 : vector<16xf32> to vector<1x16xf32>
        tpu.vector_store %arg19[%swap3A_757, %swap3A_758], %swap3A_761 {strides = array<i32>} : memref<80x64xf32, #tpu.memory_space<vmem>>, vector<1x16xf32>,
        %mul3A_762 = arith.mulf %get3A_755, %add3A_751 : vector<16xf32>
        %slice3A_763 = vector.extract_strided_slice %get3A_632 {offsets = [13], sizes = [1], strides = [1]} : vector<16xf32> to vector<1xf32>
        %squeeze3A_764 = vector.extract %slice3A_763[0] : f32 from vector<1xf32>
        %mul3A_765 = vector.broadcast %squeeze3A_764 : f32 to vector<16xf32>
        %mul3A_766 = arith.mulf %mul3A_762, %mul3A_765 : vector<16xf32>
        %swap3A_767 = arith.index_cast %add3A_713 : i32 to index
        %swap3A_768 = arith.constant 16 : index
        %swap3A_769 = tpu.vector_load %arg19[%swap3A_767, %swap3A_768] {strides = array<i32>} : memref<80x64xf32, #tpu.memory_space<vmem>>, vector<1x16xf32>,
        %swap3A_770 = vector.shape_cast %swap3A_769 : vector<1x16xf32> to vector<16xf32>
        %swap3A_771 = vector.shape_cast %mul3A_766 : vector<16xf32> to vector<1x16xf32>
        tpu.vector_store %arg19[%swap3A_767, %swap3A_768], %swap3A_771 {strides = array<i32>} : memref<80x64xf32, #tpu.memory_space<vmem>>, vector<1x16xf32>,
        %slice3A_772 = vector.extract_strided_slice %get3A_632 {offsets = [14], sizes = [1], strides = [1]} : vector<16xf32> to vector<1xf32>
        %squeeze3A_773 = vector.extract %slice3A_772[0] : f32 from vector<1xf32>
        %mul3A_774 = vector.broadcast %squeeze3A_773 : f32 to vector<16xf32>
        %mul3A_775 = arith.mulf %mul3A_762, %mul3A_774 : vector<16xf32>
        %swap3A_776 = arith.index_cast %add3A_713 : i32 to index
        %swap3A_777 = arith.constant 32 : index
        %swap3A_778 = tpu.vector_load %arg19[%swap3A_776, %swap3A_777] {strides = array<i32>} : memref<80x64xf32, #tpu.memory_space<vmem>>, vector<1x16xf32>,
        %swap3A_779 = vector.shape_cast %swap3A_778 : vector<1x16xf32> to vector<16xf32>
        %swap3A_780 = vector.shape_cast %mul3A_775 : vector<16xf32> to vector<1x16xf32>
        tpu.vector_store %arg19[%swap3A_776, %swap3A_777], %swap3A_780 {strides = array<i32>} : memref<80x64xf32, #tpu.memory_space<vmem>>, vector<1x16xf32>,
        %slice3A_781 = vector.extract_strided_slice %get3A_632 {offsets = [15], sizes = [1], strides = [1]} : vector<16xf32> to vector<1xf32>
        %squeeze3A_782 = vector.extract %slice3A_781[0] : f32 from vector<1xf32>
        %mul3A_783 = vector.broadcast %squeeze3A_782 : f32 to vector<16xf32>
        %mul3A_784 = arith.mulf %mul3A_762, %mul3A_783 : vector<16xf32>
        %swap3A_785 = arith.index_cast %add3A_713 : i32 to index
        %swap3A_786 = arith.constant 48 : index
        %swap3A_787 = tpu.vector_load %arg19[%swap3A_785, %swap3A_786] {strides = array<i32>} : memref<80x64xf32, #tpu.memory_space<vmem>>, vector<1x16xf32>,
        %swap3A_788 = vector.shape_cast %swap3A_787 : vector<1x16xf32> to vector<16xf32>
        %swap3A_789 = vector.shape_cast %mul3A_784 : vector<16xf32> to vector<1x16xf32>
        tpu.vector_store %arg19[%swap3A_785, %swap3A_786], %swap3A_789 {strides = array<i32>} : memref<80x64xf32, #tpu.memory_space<vmem>>, vector<1x16xf32>,
        %scan3A_790 = arith.constant 1 : i32
        %scan3A_791 = arith.addi %scan3A_628, %scan3A_790 : i32
        %get3A_792 = arith.index_cast %scan3A_791 : i32 to index
        %get3A_793 = arith.constant 0 : index
        %get3A_794 = tpu.vector_load %arg16[%get3A_792, %get3A_793] {strides = array<i32>} : memref<40x16xf32, #tpu.memory_space<vmem>>, vector<1x16xf32>,
        %get3A_795 = vector.shape_cast %get3A_794 : vector<1x16xf32> to vector<16xf32>
        %mul3A_796 = arith.constant 2 : i32
        %mul3A_797 = arith.muli %mul3A_796, %scan3A_791 : i32
        %add3A_798 = arith.constant 0 : i32
        %add3A_799 = arith.addi %mul3A_797, %add3A_798 : i32
        %slice3A_800 = vector.extract_strided_slice %get3A_795 {offsets = [0], sizes = [1], strides = [1]} : vector<16xf32> to vector<1xf32>
        %squeeze3A_801 = vector.extract %slice3A_800[0] : f32 from vector<1xf32>
        %slice3A_802 = vector.extract_strided_slice %get3A_795 {offsets = [1], sizes = [1], strides = [1]} : vector<16xf32> to vector<1xf32>
        %squeeze3A_803 = vector.extract %slice3A_802[0] : f32 from vector<1xf32>
        %slice3A_804 = vector.extract_strided_slice %get3A_795 {offsets = [2], sizes = [1], strides = [1]} : vector<16xf32> to vector<1xf32>
        %squeeze3A_805 = vector.extract %slice3A_804[0] : f32 from vector<1xf32>
        %slice3A_806 = vector.extract_strided_slice %get3A_795 {offsets = [3], sizes = [1], strides = [1]} : vector<16xf32> to vector<1xf32>
        %squeeze3A_807 = vector.extract %slice3A_806[0] : f32 from vector<1xf32>
        %slice3A_808 = vector.extract_strided_slice %get3A_795 {offsets = [4], sizes = [1], strides = [1]} : vector<16xf32> to vector<1xf32>
        %squeeze3A_809 = vector.extract %slice3A_808[0] : f32 from vector<1xf32>
        %mul3A_810 = vector.broadcast %squeeze3A_801 : f32 to vector<16xf32>
        %mul3A_811 = arith.mulf %mul3A_810, %get3A_12 : vector<16xf32>
        %mul3A_812 = vector.broadcast %squeeze3A_801 : f32 to vector<16xf32>
        %mul3A_813 = arith.mulf %mul3A_812, %get3A_37 : vector<16xf32>
        %mul3A_814 = vector.broadcast %squeeze3A_803 : f32 to vector<16xf32>
        %mul3A_815 = arith.mulf %mul3A_814, %get3A_17 : vector<16xf32>
        %add3A_816 = arith.addf %mul3A_811, %mul3A_815 : vector<16xf32>
        %mul3A_817 = vector.broadcast %squeeze3A_803 : f32 to vector<16xf32>
        %mul3A_818 = arith.mulf %mul3A_817, %get3A_42 : vector<16xf32>
        %add3A_819 = arith.addf %mul3A_813, %mul3A_818 : vector<16xf32>
        %mul3A_820 = vector.broadcast %squeeze3A_805 : f32 to vector<16xf32>
        %mul3A_821 = arith.mulf %mul3A_820, %get3A_22 : vector<16xf32>
        %add3A_822 = arith.addf %add3A_816, %mul3A_821 : vector<16xf32>
        %mul3A_823 = vector.broadcast %squeeze3A_805 : f32 to vector<16xf32>
        %mul3A_824 = arith.mulf %mul3A_823, %get3A_47 : vector<16xf32>
        %add3A_825 = arith.addf %add3A_819, %mul3A_824 : vector<16xf32>
        %mul3A_826 = vector.broadcast %squeeze3A_807 : f32 to vector<16xf32>
        %mul3A_827 = arith.mulf %mul3A_826, %get3A_27 : vector<16xf32>
        %add3A_828 = arith.addf %add3A_822, %mul3A_827 : vector<16xf32>
        %mul3A_829 = vector.broadcast %squeeze3A_807 : f32 to vector<16xf32>
        %mul3A_830 = arith.mulf %mul3A_829, %get3A_52 : vector<16xf32>
        %add3A_831 = arith.addf %add3A_825, %mul3A_830 : vector<16xf32>
        %mul3A_832 = vector.broadcast %squeeze3A_809 : f32 to vector<16xf32>
        %mul3A_833 = arith.mulf %mul3A_832, %get3A_32 : vector<16xf32>
        %add3A_834 = arith.addf %add3A_828, %mul3A_833 : vector<16xf32>
        %mul3A_835 = vector.broadcast %squeeze3A_809 : f32 to vector<16xf32>
        %mul3A_836 = arith.mulf %mul3A_835, %get3A_57 : vector<16xf32>
        %add3A_837 = arith.addf %add3A_831, %mul3A_836 : vector<16xf32>
        %get3A_838 = arith.index_cast %add3A_799 : i32 to index
        %get3A_839 = arith.constant 0 : index
        %get3A_840 = tpu.vector_load %arg17[%get3A_838, %get3A_839] {strides = array<i32>} : memref<80x16xf32, #tpu.memory_space<vmem>>, vector<1x16xf32>,
        %get3A_841 = vector.shape_cast %get3A_840 : vector<1x16xf32> to vector<16xf32>
        %mul3A_842 = arith.mulf %get3A_841, %add3A_834 : vector<16xf32>
        %swap3A_843 = arith.index_cast %add3A_799 : i32 to index
        %swap3A_844 = arith.constant 0 : index
        %swap3A_845 = tpu.vector_load %arg19[%swap3A_843, %swap3A_844] {strides = array<i32>} : memref<80x64xf32, #tpu.memory_space<vmem>>, vector<1x16xf32>,
        %swap3A_846 = vector.shape_cast %swap3A_845 : vector<1x16xf32> to vector<16xf32>
        %swap3A_847 = vector.shape_cast %mul3A_842 : vector<16xf32> to vector<1x16xf32>
        tpu.vector_store %arg19[%swap3A_843, %swap3A_844], %swap3A_847 {strides = array<i32>} : memref<80x64xf32, #tpu.memory_space<vmem>>, vector<1x16xf32>,
        %mul3A_848 = arith.mulf %get3A_841, %add3A_837 : vector<16xf32>
        %slice3A_849 = vector.extract_strided_slice %get3A_795 {offsets = [5], sizes = [1], strides = [1]} : vector<16xf32> to vector<1xf32>
        %squeeze3A_850 = vector.extract %slice3A_849[0] : f32 from vector<1xf32>
        %mul3A_851 = vector.broadcast %squeeze3A_850 : f32 to vector<16xf32>
        %mul3A_852 = arith.mulf %mul3A_848, %mul3A_851 : vector<16xf32>
        %swap3A_853 = arith.index_cast %add3A_799 : i32 to index
        %swap3A_854 = arith.constant 16 : index
        %swap3A_855 = tpu.vector_load %arg19[%swap3A_853, %swap3A_854] {strides = array<i32>} : memref<80x64xf32, #tpu.memory_space<vmem>>, vector<1x16xf32>,
        %swap3A_856 = vector.shape_cast %swap3A_855 : vector<1x16xf32> to vector<16xf32>
        %swap3A_857 = vector.shape_cast %mul3A_852 : vector<16xf32> to vector<1x16xf32>
        tpu.vector_store %arg19[%swap3A_853, %swap3A_854], %swap3A_857 {strides = array<i32>} : memref<80x64xf32, #tpu.memory_space<vmem>>, vector<1x16xf32>,
        %slice3A_858 = vector.extract_strided_slice %get3A_795 {offsets = [6], sizes = [1], strides = [1]} : vector<16xf32> to vector<1xf32>
        %squeeze3A_859 = vector.extract %slice3A_858[0] : f32 from vector<1xf32>
        %mul3A_860 = vector.broadcast %squeeze3A_859 : f32 to vector<16xf32>
        %mul3A_861 = arith.mulf %mul3A_848, %mul3A_860 : vector<16xf32>
        %swap3A_862 = arith.index_cast %add3A_799 : i32 to index
        %swap3A_863 = arith.constant 32 : index
        %swap3A_864 = tpu.vector_load %arg19[%swap3A_862, %swap3A_863] {strides = array<i32>} : memref<80x64xf32, #tpu.memory_space<vmem>>, vector<1x16xf32>,
        %swap3A_865 = vector.shape_cast %swap3A_864 : vector<1x16xf32> to vector<16xf32>
        %swap3A_866 = vector.shape_cast %mul3A_861 : vector<16xf32> to vector<1x16xf32>
        tpu.vector_store %arg19[%swap3A_862, %swap3A_863], %swap3A_866 {strides = array<i32>} : memref<80x64xf32, #tpu.memory_space<vmem>>, vector<1x16xf32>,
        %slice3A_867 = vector.extract_strided_slice %get3A_795 {offsets = [7], sizes = [1], strides = [1]} : vector<16xf32> to vector<1xf32>
        %squeeze3A_868 = vector.extract %slice3A_867[0] : f32 from vector<1xf32>
        %mul3A_869 = vector.broadcast %squeeze3A_868 : f32 to vector<16xf32>
        %mul3A_870 = arith.mulf %mul3A_848, %mul3A_869 : vector<16xf32>
        %swap3A_871 = arith.index_cast %add3A_799 : i32 to index
        %swap3A_872 = arith.constant 48 : index
        %swap3A_873 = tpu.vector_load %arg19[%swap3A_871, %swap3A_872] {strides = array<i32>} : memref<80x64xf32, #tpu.memory_space<vmem>>, vector<1x16xf32>,
        %swap3A_874 = vector.shape_cast %swap3A_873 : vector<1x16xf32> to vector<16xf32>
        %swap3A_875 = vector.shape_cast %mul3A_870 : vector<16xf32> to vector<1x16xf32>
        tpu.vector_store %arg19[%swap3A_871, %swap3A_872], %swap3A_875 {strides = array<i32>} : memref<80x64xf32, #tpu.memory_space<vmem>>, vector<1x16xf32>,
        %mul3A_876 = arith.constant 2 : i32
        %mul3A_877 = arith.muli %mul3A_876, %scan3A_791 : i32
        %add3A_878 = arith.constant 1 : i32
        %add3A_879 = arith.addi %mul3A_877, %add3A_878 : i32
        %slice3A_880 = vector.extract_strided_slice %get3A_795 {offsets = [8], sizes = [1], strides = [1]} : vector<16xf32> to vector<1xf32>
        %squeeze3A_881 = vector.extract %slice3A_880[0] : f32 from vector<1xf32>
        %slice3A_882 = vector.extract_strided_slice %get3A_795 {offsets = [9], sizes = [1], strides = [1]} : vector<16xf32> to vector<1xf32>
        %squeeze3A_883 = vector.extract %slice3A_882[0] : f32 from vector<1xf32>
        %slice3A_884 = vector.extract_strided_slice %get3A_795 {offsets = [10], sizes = [1], strides = [1]} : vector<16xf32> to vector<1xf32>
        %squeeze3A_885 = vector.extract %slice3A_884[0] : f32 from vector<1xf32>
        %slice3A_886 = vector.extract_strided_slice %get3A_795 {offsets = [11], sizes = [1], strides = [1]} : vector<16xf32> to vector<1xf32>
        %squeeze3A_887 = vector.extract %slice3A_886[0] : f32 from vector<1xf32>
        %slice3A_888 = vector.extract_strided_slice %get3A_795 {offsets = [12], sizes = [1], strides = [1]} : vector<16xf32> to vector<1xf32>
        %squeeze3A_889 = vector.extract %slice3A_888[0] : f32 from vector<1xf32>
        %mul3A_890 = vector.broadcast %squeeze3A_881 : f32 to vector<16xf32>
        %mul3A_891 = arith.mulf %mul3A_890, %get3A_12 : vector<16xf32>
        %mul3A_892 = vector.broadcast %squeeze3A_881 : f32 to vector<16xf32>
        %mul3A_893 = arith.mulf %mul3A_892, %get3A_37 : vector<16xf32>
        %mul3A_894 = vector.broadcast %squeeze3A_883 : f32 to vector<16xf32>
        %mul3A_895 = arith.mulf %mul3A_894, %get3A_17 : vector<16xf32>
        %add3A_896 = arith.addf %mul3A_891, %mul3A_895 : vector<16xf32>
        %mul3A_897 = vector.broadcast %squeeze3A_883 : f32 to vector<16xf32>
        %mul3A_898 = arith.mulf %mul3A_897, %get3A_42 : vector<16xf32>
        %add3A_899 = arith.addf %mul3A_893, %mul3A_898 : vector<16xf32>
        %mul3A_900 = vector.broadcast %squeeze3A_885 : f32 to vector<16xf32>
        %mul3A_901 = arith.mulf %mul3A_900, %get3A_22 : vector<16xf32>
        %add3A_902 = arith.addf %add3A_896, %mul3A_901 : vector<16xf32>
        %mul3A_903 = vector.broadcast %squeeze3A_885 : f32 to vector<16xf32>
        %mul3A_904 = arith.mulf %mul3A_903, %get3A_47 : vector<16xf32>
        %add3A_905 = arith.addf %add3A_899, %mul3A_904 : vector<16xf32>
        %mul3A_906 = vector.broadcast %squeeze3A_887 : f32 to vector<16xf32>
        %mul3A_907 = arith.mulf %mul3A_906, %get3A_27 : vector<16xf32>
        %add3A_908 = arith.addf %add3A_902, %mul3A_907 : vector<16xf32>
        %mul3A_909 = vector.broadcast %squeeze3A_887 : f32 to vector<16xf32>
        %mul3A_910 = arith.mulf %mul3A_909, %get3A_52 : vector<16xf32>
        %add3A_911 = arith.addf %add3A_905, %mul3A_910 : vector<16xf32>
        %mul3A_912 = vector.broadcast %squeeze3A_889 : f32 to vector<16xf32>
        %mul3A_913 = arith.mulf %mul3A_912, %get3A_32 : vector<16xf32>
        %add3A_914 = arith.addf %add3A_908, %mul3A_913 : vector<16xf32>
        %mul3A_915 = vector.broadcast %squeeze3A_889 : f32 to vector<16xf32>
        %mul3A_916 = arith.mulf %mul3A_915, %get3A_57 : vector<16xf32>
        %add3A_917 = arith.addf %add3A_911, %mul3A_916 : vector<16xf32>
        %get3A_918 = arith.index_cast %add3A_879 : i32 to index
        %get3A_919 = arith.constant 0 : index
        %get3A_920 = tpu.vector_load %arg17[%get3A_918, %get3A_919] {strides = array<i32>} : memref<80x16xf32, #tpu.memory_space<vmem>>, vector<1x16xf32>,
        %get3A_921 = vector.shape_cast %get3A_920 : vector<1x16xf32> to vector<16xf32>
        %mul3A_922 = arith.mulf %get3A_921, %add3A_914 : vector<16xf32>
        %swap3A_923 = arith.index_cast %add3A_879 : i32 to index
        %swap3A_924 = arith.constant 0 : index
        %swap3A_925 = tpu.vector_load %arg19[%swap3A_923, %swap3A_924] {strides = array<i32>} : memref<80x64xf32, #tpu.memory_space<vmem>>, vector<1x16xf32>,
        %swap3A_926 = vector.shape_cast %swap3A_925 : vector<1x16xf32> to vector<16xf32>
        %swap3A_927 = vector.shape_cast %mul3A_922 : vector<16xf32> to vector<1x16xf32>
        tpu.vector_store %arg19[%swap3A_923, %swap3A_924], %swap3A_927 {strides = array<i32>} : memref<80x64xf32, #tpu.memory_space<vmem>>, vector<1x16xf32>,
        %mul3A_928 = arith.mulf %get3A_921, %add3A_917 : vector<16xf32>
        %slice3A_929 = vector.extract_strided_slice %get3A_795 {offsets = [13], sizes = [1], strides = [1]} : vector<16xf32> to vector<1xf32>
        %squeeze3A_930 = vector.extract %slice3A_929[0] : f32 from vector<1xf32>
        %mul3A_931 = vector.broadcast %squeeze3A_930 : f32 to vector<16xf32>
        %mul3A_932 = arith.mulf %mul3A_928, %mul3A_931 : vector<16xf32>
        %swap3A_933 = arith.index_cast %add3A_879 : i32 to index
        %swap3A_934 = arith.constant 16 : index
        %swap3A_935 = tpu.vector_load %arg19[%swap3A_933, %swap3A_934] {strides = array<i32>} : memref<80x64xf32, #tpu.memory_space<vmem>>, vector<1x16xf32>,
        %swap3A_936 = vector.shape_cast %swap3A_935 : vector<1x16xf32> to vector<16xf32>
        %swap3A_937 = vector.shape_cast %mul3A_932 : vector<16xf32> to vector<1x16xf32>
        tpu.vector_store %arg19[%swap3A_933, %swap3A_934], %swap3A_937 {strides = array<i32>} : memref<80x64xf32, #tpu.memory_space<vmem>>, vector<1x16xf32>,
        %slice3A_938 = vector.extract_strided_slice %get3A_795 {offsets = [14], sizes = [1], strides = [1]} : vector<16xf32> to vector<1xf32>
        %squeeze3A_939 = vector.extract %slice3A_938[0] : f32 from vector<1xf32>
        %mul3A_940 = vector.broadcast %squeeze3A_939 : f32 to vector<16xf32>
        %mul3A_941 = arith.mulf %mul3A_928, %mul3A_940 : vector<16xf32>
        %swap3A_942 = arith.index_cast %add3A_879 : i32 to index
        %swap3A_943 = arith.constant 32 : index
        %swap3A_944 = tpu.vector_load %arg19[%swap3A_942, %swap3A_943] {strides = array<i32>} : memref<80x64xf32, #tpu.memory_space<vmem>>, vector<1x16xf32>,
        %swap3A_945 = vector.shape_cast %swap3A_944 : vector<1x16xf32> to vector<16xf32>
        %swap3A_946 = vector.shape_cast %mul3A_941 : vector<16xf32> to vector<1x16xf32>
        tpu.vector_store %arg19[%swap3A_942, %swap3A_943], %swap3A_946 {strides = array<i32>} : memref<80x64xf32, #tpu.memory_space<vmem>>, vector<1x16xf32>,
        %slice3A_947 = vector.extract_strided_slice %get3A_795 {offsets = [15], sizes = [1], strides = [1]} : vector<16xf32> to vector<1xf32>
        %squeeze3A_948 = vector.extract %slice3A_947[0] : f32 from vector<1xf32>
        %mul3A_949 = vector.broadcast %squeeze3A_948 : f32 to vector<16xf32>
        %mul3A_950 = arith.mulf %mul3A_928, %mul3A_949 : vector<16xf32>
        %swap3A_951 = arith.index_cast %add3A_879 : i32 to index
        %swap3A_952 = arith.constant 48 : index
        %swap3A_953 = tpu.vector_load %arg19[%swap3A_951, %swap3A_952] {strides = array<i32>} : memref<80x64xf32, #tpu.memory_space<vmem>>, vector<1x16xf32>,
        %swap3A_954 = vector.shape_cast %swap3A_953 : vector<1x16xf32> to vector<16xf32>
        %swap3A_955 = vector.shape_cast %mul3A_950 : vector<16xf32> to vector<1x16xf32>
        tpu.vector_store %arg19[%swap3A_951, %swap3A_952], %swap3A_955 {strides = array<i32>} : memref<80x64xf32, #tpu.memory_space<vmem>>, vector<1x16xf32>,
      }
      %scan3A_627 = arith.constant 40 : i32
      "tpu.region"() ({
        %run_scoped3A = tpu.sem_alloc : memref<!tpu.dma_semaphore, #tpu.memory_space<semaphore_mem>>
        %dma_start3A_628 = arith.constant 0 : i32
        %dma_start3A_629 = arith.constant 0 : i32
        %dma_start3A_630 = tpu.memref_slice %arg12[%dma_start3A_628, %dma_start3A_629] : memref<10000x64xf32, #tpu.memory_space<vmem_shared>> -> memref<10000x64xf32, #tpu.memory_space<vmem_shared>>
        tpu.enqueue_indirect_dma source(%arg19 : memref<80x64xf32, #tpu.memory_space<vmem>>) target(%dma_start3A_630 : memref<10000x64xf32, #tpu.memory_space<vmem_shared>>) offsets(%arg14 : memref<80xi32, #tpu.memory_space<vmem>>) semaphore(%run_scoped3A : memref<!tpu.dma_semaphore, #tpu.memory_space<semaphore_mem>>) {add = true}
        %dma_wait3A_631 = arith.constant 0 : i32
        %dma_wait3A_632 = arith.constant 0 : i32
        %dma_wait3A_633 = tpu.memref_slice %arg12[%dma_wait3A_631, %dma_wait3A_632] : memref<10000x64xf32, #tpu.memory_space<vmem_shared>> -> memref<10000x64xf32, #tpu.memory_space<vmem_shared>>
        tpu.wait_indirect_dma semaphore(%run_scoped3A : memref<!tpu.dma_semaphore, #tpu.memory_space<semaphore_mem>>) src(%arg19 : memref<80x64xf32, #tpu.memory_space<vmem>>) dst(%dma_wait3A_633 : memref<10000x64xf32, #tpu.memory_space<vmem_shared>>)
        tpu.yield
      }) : () -> ()
    }
    %scan3A_63 = arith.constant 125 : i32
    %barrier3A_64 = arith.constant 0 : index
    tpu.barrier barrier_id(%barrier3A_64)
    "tpu.region"() ({
      %run_scoped3A = tpu.sem_alloc : memref<!tpu.dma_semaphore, #tpu.memory_space<semaphore_mem>>
      %dma_start3A = arith.constant 0 : i32
      %dma_start3A_607 = tpu.memref_slice %arg10[%add3A_8, %mul3A_0, %dma_start3A] : memref<8x10000x64xf32, #tpu.memory_space<hbm>> -> memref<1x625x64xf32, #tpu.memory_space<hbm>>
      %dma_start3A_608 = tpu.memref_squeeze %dma_start3A_607 : memref<1x625x64xf32, #tpu.memory_space<hbm>> -> memref<625x64xf32, #tpu.memory_space<hbm>>
      %dma_start3A_609 = arith.constant 0 : i32
      %dma_start3A_610 = tpu.memref_slice %arg12[%mul3A_0, %dma_start3A_609] : memref<10000x64xf32, #tpu.memory_space<vmem_shared>> -> memref<625x64xf32, #tpu.memory_space<vmem_shared>>
      tpu.enqueue_dma source(%dma_start3A_610 : memref<625x64xf32, #tpu.memory_space<vmem_shared>>) target(%dma_start3A_608 : memref<625x64xf32, #tpu.memory_space<hbm>>) target_semaphore(%run_scoped3A : memref<!tpu.dma_semaphore, #tpu.memory_space<semaphore_mem>>)
      %dma_wait3A = arith.constant 0 : i32
      %dma_wait3A_611 = tpu.memref_slice %arg10[%add3A_8, %mul3A_0, %dma_wait3A] : memref<8x10000x64xf32, #tpu.memory_space<hbm>> -> memref<1x625x64xf32, #tpu.memory_space<hbm>>
      %dma_wait3A_612 = tpu.memref_squeeze %dma_wait3A_611 : memref<1x625x64xf32, #tpu.memory_space<hbm>> -> memref<625x64xf32, #tpu.memory_space<hbm>>
      %dma_wait3A_613 = arith.constant 0 : i32
      %dma_wait3A_614 = tpu.memref_slice %arg12[%mul3A_0, %dma_wait3A_613] : memref<10000x64xf32, #tpu.memory_space<vmem_shared>> -> memref<625x64xf32, #tpu.memory_space<vmem_shared>>
      tpu.wait_dma2 semaphore(%run_scoped3A : memref<!tpu.dma_semaphore, #tpu.memory_space<semaphore_mem>>) src(%dma_wait3A_614 : memref<625x64xf32, #tpu.memory_space<vmem_shared>>) dst(%dma_wait3A_612 : memref<625x64xf32, #tpu.memory_space<hbm>>)
      tpu.yield
    }) : () -> ()
    "tpu.region"() ({
      %run_scoped3A = tpu.sem_alloc : memref<!tpu.dma_semaphore, #tpu.memory_space<semaphore_mem>>
      %dma_start3A = arith.constant 0 : i32
      %dma_start3A_607 = tpu.memref_slice %arg12[%mul3A_0, %dma_start3A] : memref<10000x64xf32, #tpu.memory_space<vmem_shared>> -> memref<625x64xf32, #tpu.memory_space<vmem_shared>>
      %dma_start3A_608 = arith.constant 0 : i32
      %dma_start3A_609 = tpu.memref_slice %arg12[%mul3A_0, %dma_start3A_608] : memref<10000x64xf32, #tpu.memory_space<vmem_shared>> -> memref<625x64xf32, #tpu.memory_space<vmem_shared>>
      tpu.enqueue_dma source(%arg13 : memref<625x64xf32, #tpu.memory_space<vmem>>) target(%dma_start3A_609 : memref<625x64xf32, #tpu.memory_space<vmem_shared>>) target_semaphore(%run_scoped3A : memref<!tpu.dma_semaphore, #tpu.memory_space<semaphore_mem>>)
      %dma_wait3A = arith.constant 0 : i32
      %dma_wait3A_610 = tpu.memref_slice %arg12[%mul3A_0, %dma_wait3A] : memref<10000x64xf32, #tpu.memory_space<vmem_shared>> -> memref<625x64xf32, #tpu.memory_space<vmem_shared>>
      %dma_wait3A_611 = arith.constant 0 : i32
      %dma_wait3A_612 = tpu.memref_slice %arg12[%mul3A_0, %dma_wait3A_611] : memref<10000x64xf32, #tpu.memory_space<vmem_shared>> -> memref<625x64xf32, #tpu.memory_space<vmem_shared>>
      tpu.wait_dma2 semaphore(%run_scoped3A : memref<!tpu.dma_semaphore, #tpu.memory_space<semaphore_mem>>) src(%arg13 : memref<625x64xf32, #tpu.memory_space<vmem>>) dst(%dma_wait3A_612 : memref<625x64xf32, #tpu.memory_space<vmem_shared>>)
      tpu.yield
    }) : () -> ()
    %scan3A_65 = arith.constant 0 : i32
    %scan3A_66 = arith.constant 0 : i32
    %scan3A_67 = arith.constant 80 : i32
    %scan3A_68 = arith.addi %scan3A_66, %scan3A_67 : i32
    %scan3A_69 = arith.constant 1 : i32
    scf.for %scan3A_607 = %scan3A_66 to %scan3A_68 step %scan3A_69  : i32 {
      %broadcast_in_dim3A = arith.constant 0.000000e+00 : f32
      %broadcast_in_dim3A_608 = vector.broadcast %broadcast_in_dim3A : f32 to vector<16xf32>
      %swap3A = arith.index_cast %scan3A_607 : i32 to index
      %swap3A_609 = arith.constant 48 : index
      %swap3A_610 = tpu.vector_load %arg19[%swap3A, %swap3A_609] {strides = array<i32>} : memref<80x64xf32, #tpu.memory_space<vmem>>, vector<1x16xf32>,
      %swap3A_611 = vector.shape_cast %swap3A_610 : vector<1x16xf32> to vector<16xf32>
      %swap3A_612 = vector.shape_cast %broadcast_in_dim3A_608 : vector<16xf32> to vector<1x16xf32>
      tpu.vector_store %arg19[%swap3A, %swap3A_609], %swap3A_612 {strides = array<i32>} : memref<80x64xf32, #tpu.memory_space<vmem>>, vector<1x16xf32>,
    }
    %scan3A_70 = arith.constant 80 : i32
    %barrier3A_71 = arith.constant 0 : index
    tpu.barrier barrier_id(%barrier3A_71)
    %get3A_72 = arith.constant 0 : i32
    %get3A_73 = arith.index_cast %get3A_72 : i32 to index
    %get3A_74 = arith.constant 0 : index
    %get3A_75 = tpu.vector_load %arg22[%get3A_73, %get3A_74] {strides = array<i32>} : memref<5x48xf32, #tpu.memory_space<vmem>>, vector<1x16xf32>,
    %get3A_76 = vector.shape_cast %get3A_75 : vector<1x16xf32> to vector<16xf32>
    %get3A_77 = arith.constant 0 : i32
    %get3A_78 = arith.index_cast %get3A_77 : i32 to index
    %get3A_79 = arith.constant 16 : index
    %get3A_80 = tpu.vector_load %arg22[%get3A_78, %get3A_79] {strides = array<i32>} : memref<5x48xf32, #tpu.memory_space<vmem>>, vector<1x16xf32>,
    %get3A_81 = vector.shape_cast %get3A_80 : vector<1x16xf32> to vector<16xf32>
    %get3A_82 = arith.constant 0 : i32
    %get3A_83 = arith.index_cast %get3A_82 : i32 to index
    %get3A_84 = arith.constant 32 : index
    %get3A_85 = tpu.vector_load %arg22[%get3A_83, %get3A_84] {strides = array<i32>} : memref<5x48xf32, #tpu.memory_space<vmem>>, vector<1x16xf32>,
    %get3A_86 = vector.shape_cast %get3A_85 : vector<1x16xf32> to vector<16xf32>
    %get3A_87 = arith.constant 1 : i32
    %get3A_88 = arith.index_cast %get3A_87 : i32 to index
    %get3A_89 = arith.constant 0 : index
    %get3A_90 = tpu.vector_load %arg22[%get3A_88, %get3A_89] {strides = array<i32>} : memref<5x48xf32, #tpu.memory_space<vmem>>, vector<1x16xf32>,
    %get3A_91 = vector.shape_cast %get3A_90 : vector<1x16xf32> to vector<16xf32>
    %get3A_92 = arith.constant 1 : i32
    %get3A_93 = arith.index_cast %get3A_92 : i32 to index
    %get3A_94 = arith.constant 16 : index
    %get3A_95 = tpu.vector_load %arg22[%get3A_93, %get3A_94] {strides = array<i32>} : memref<5x48xf32, #tpu.memory_space<vmem>>, vector<1x16xf32>,
    %get3A_96 = vector.shape_cast %get3A_95 : vector<1x16xf32> to vector<16xf32>
    %get3A_97 = arith.constant 1 : i32
    %get3A_98 = arith.index_cast %get3A_97 : i32 to index
    %get3A_99 = arith.constant 32 : index
    %get3A_100 = tpu.vector_load %arg22[%get3A_98, %get3A_99] {strides = array<i32>} : memref<5x48xf32, #tpu.memory_space<vmem>>, vector<1x16xf32>,
    %get3A_101 = vector.shape_cast %get3A_100 : vector<1x16xf32> to vector<16xf32>
    %get3A_102 = arith.constant 2 : i32
    %get3A_103 = arith.index_cast %get3A_102 : i32 to index
    %get3A_104 = arith.constant 0 : index
    %get3A_105 = tpu.vector_load %arg22[%get3A_103, %get3A_104] {strides = array<i32>} : memref<5x48xf32, #tpu.memory_space<vmem>>, vector<1x16xf32>,
    %get3A_106 = vector.shape_cast %get3A_105 : vector<1x16xf32> to vector<16xf32>
    %get3A_107 = arith.constant 2 : i32
    %get3A_108 = arith.index_cast %get3A_107 : i32 to index
    %get3A_109 = arith.constant 16 : index
    %get3A_110 = tpu.vector_load %arg22[%get3A_108, %get3A_109] {strides = array<i32>} : memref<5x48xf32, #tpu.memory_space<vmem>>, vector<1x16xf32>,
    %get3A_111 = vector.shape_cast %get3A_110 : vector<1x16xf32> to vector<16xf32>
    %get3A_112 = arith.constant 2 : i32
    %get3A_113 = arith.index_cast %get3A_112 : i32 to index
    %get3A_114 = arith.constant 32 : index
    %get3A_115 = tpu.vector_load %arg22[%get3A_113, %get3A_114] {strides = array<i32>} : memref<5x48xf32, #tpu.memory_space<vmem>>, vector<1x16xf32>,
    %get3A_116 = vector.shape_cast %get3A_115 : vector<1x16xf32> to vector<16xf32>
    %get3A_117 = arith.constant 3 : i32
    %get3A_118 = arith.index_cast %get3A_117 : i32 to index
    %get3A_119 = arith.constant 0 : index
    %get3A_120 = tpu.vector_load %arg22[%get3A_118, %get3A_119] {strides = array<i32>} : memref<5x48xf32, #tpu.memory_space<vmem>>, vector<1x16xf32>,
    %get3A_121 = vector.shape_cast %get3A_120 : vector<1x16xf32> to vector<16xf32>
    %get3A_122 = arith.constant 3 : i32
    %get3A_123 = arith.index_cast %get3A_122 : i32 to index
    %get3A_124 = arith.constant 16 : index
    %get3A_125 = tpu.vector_load %arg22[%get3A_123, %get3A_124] {strides = array<i32>} : memref<5x48xf32, #tpu.memory_space<vmem>>, vector<1x16xf32>,
    %get3A_126 = vector.shape_cast %get3A_125 : vector<1x16xf32> to vector<16xf32>
    %get3A_127 = arith.constant 3 : i32
    %get3A_128 = arith.index_cast %get3A_127 : i32 to index
    %get3A_129 = arith.constant 32 : index
    %get3A_130 = tpu.vector_load %arg22[%get3A_128, %get3A_129] {strides = array<i32>} : memref<5x48xf32, #tpu.memory_space<vmem>>, vector<1x16xf32>,
    %get3A_131 = vector.shape_cast %get3A_130 : vector<1x16xf32> to vector<16xf32>
    %get3A_132 = arith.constant 4 : i32
    %get3A_133 = arith.index_cast %get3A_132 : i32 to index
    %get3A_134 = arith.constant 0 : index
    %get3A_135 = tpu.vector_load %arg22[%get3A_133, %get3A_134] {strides = array<i32>} : memref<5x48xf32, #tpu.memory_space<vmem>>, vector<1x16xf32>,
    %get3A_136 = vector.shape_cast %get3A_135 : vector<1x16xf32> to vector<16xf32>
    %get3A_137 = arith.constant 4 : i32
    %get3A_138 = arith.index_cast %get3A_137 : i32 to index
    %get3A_139 = arith.constant 16 : index
    %get3A_140 = tpu.vector_load %arg22[%get3A_138, %get3A_139] {strides = array<i32>} : memref<5x48xf32, #tpu.memory_space<vmem>>, vector<1x16xf32>,
    %get3A_141 = vector.shape_cast %get3A_140 : vector<1x16xf32> to vector<16xf32>
    %get3A_142 = arith.constant 4 : i32
    %get3A_143 = arith.index_cast %get3A_142 : i32 to index
    %get3A_144 = arith.constant 32 : index
    %get3A_145 = tpu.vector_load %arg22[%get3A_143, %get3A_144] {strides = array<i32>} : memref<5x48xf32, #tpu.memory_space<vmem>>, vector<1x16xf32>,
    %get3A_146 = vector.shape_cast %get3A_145 : vector<1x16xf32> to vector<16xf32>
    %scan3A_147 = arith.constant 0 : i32
    %scan3A_148 = arith.constant 0 : i32
    %scan3A_149 = arith.constant 125 : i32
    %scan3A_150 = arith.addi %scan3A_148, %scan3A_149 : i32
    %scan3A_151 = arith.constant 1 : i32
    scf.for %scan3A_607 = %scan3A_148 to %scan3A_150 step %scan3A_151  : i32 {
      %mul3A_608 = arith.constant 10000 : i32
      %mul3A_609 = arith.muli %arg1, %mul3A_608 : i32
      %mul3A_610 = arith.constant 80 : i32
      %mul3A_611 = arith.muli %scan3A_607, %mul3A_610 : i32
      %add3A_612 = arith.addi %mul3A_609, %mul3A_611 : i32
      "tpu.region"() ({
        %run_scoped3A = tpu.sem_alloc : memref<!tpu.dma_semaphore, #tpu.memory_space<semaphore_mem>>
        %dma_start3A_628 = tpu.memref_slice %arg5[%add3A_8, %add3A_612] : memref<8x160000xi32, #tpu.memory_space<hbm>> -> memref<1x80xi32, #tpu.memory_space<hbm>>
        %dma_start3A_629 = tpu.memref_squeeze %dma_start3A_628 : memref<1x80xi32, #tpu.memory_space<hbm>> -> memref<80xi32, #tpu.memory_space<hbm>>
        %dma_start3A_630 = tpu.memref_slice %arg5[%add3A_8, %add3A_612] : memref<8x160000xi32, #tpu.memory_space<hbm>> -> memref<1x80xi32, #tpu.memory_space<hbm>>
        %dma_start3A_631 = tpu.memref_squeeze %dma_start3A_630 : memref<1x80xi32, #tpu.memory_space<hbm>> -> memref<80xi32, #tpu.memory_space<hbm>>
        tpu.enqueue_dma source(%dma_start3A_631 : memref<80xi32, #tpu.memory_space<hbm>>) target(%arg15 : memref<80xi32, #tpu.memory_space<vmem>>) target_semaphore(%run_scoped3A : memref<!tpu.dma_semaphore, #tpu.memory_space<semaphore_mem>>)
        %dma_wait3A_632 = tpu.memref_slice %arg5[%add3A_8, %add3A_612] : memref<8x160000xi32, #tpu.memory_space<hbm>> -> memref<1x80xi32, #tpu.memory_space<hbm>>
        %dma_wait3A_633 = tpu.memref_squeeze %dma_wait3A_632 : memref<1x80xi32, #tpu.memory_space<hbm>> -> memref<80xi32, #tpu.memory_space<hbm>>
        %dma_wait3A_634 = tpu.memref_slice %arg5[%add3A_8, %add3A_612] : memref<8x160000xi32, #tpu.memory_space<hbm>> -> memref<1x80xi32, #tpu.memory_space<hbm>>
        %dma_wait3A_635 = tpu.memref_squeeze %dma_wait3A_634 : memref<1x80xi32, #tpu.memory_space<hbm>> -> memref<80xi32, #tpu.memory_space<hbm>>
        tpu.wait_dma2 semaphore(%run_scoped3A : memref<!tpu.dma_semaphore, #tpu.memory_space<semaphore_mem>>) src(%dma_wait3A_635 : memref<80xi32, #tpu.memory_space<hbm>>) dst(%arg15 : memref<80xi32, #tpu.memory_space<vmem>>)
        tpu.yield
      }) : () -> ()
      "tpu.region"() ({
        %run_scoped3A = tpu.sem_alloc : memref<!tpu.dma_semaphore, #tpu.memory_space<semaphore_mem>>
        %dma_start3A_628 = tpu.memref_slice %arg6[%add3A_612] : memref<160000xi32, #tpu.memory_space<hbm>> -> memref<80xi32, #tpu.memory_space<hbm>>
        %dma_start3A_629 = tpu.memref_slice %arg6[%add3A_612] : memref<160000xi32, #tpu.memory_space<hbm>> -> memref<80xi32, #tpu.memory_space<hbm>>
        tpu.enqueue_dma source(%dma_start3A_629 : memref<80xi32, #tpu.memory_space<hbm>>) target(%arg14 : memref<80xi32, #tpu.memory_space<vmem>>) target_semaphore(%run_scoped3A : memref<!tpu.dma_semaphore, #tpu.memory_space<semaphore_mem>>)
        %dma_wait3A_630 = tpu.memref_slice %arg6[%add3A_612] : memref<160000xi32, #tpu.memory_space<hbm>> -> memref<80xi32, #tpu.memory_space<hbm>>
        %dma_wait3A_631 = tpu.memref_slice %arg6[%add3A_612] : memref<160000xi32, #tpu.memory_space<hbm>> -> memref<80xi32, #tpu.memory_space<hbm>>
        tpu.wait_dma2 semaphore(%run_scoped3A : memref<!tpu.dma_semaphore, #tpu.memory_space<semaphore_mem>>) src(%dma_wait3A_631 : memref<80xi32, #tpu.memory_space<hbm>>) dst(%arg14 : memref<80xi32, #tpu.memory_space<vmem>>)
        tpu.yield
      }) : () -> ()
      %mul3A_613 = arith.constant 5000 : i32
      %mul3A_614 = arith.muli %arg1, %mul3A_613 : i32
      %mul3A_615 = arith.constant 40 : i32
      %mul3A_616 = arith.muli %scan3A_607, %mul3A_615 : i32
      %add3A_617 = arith.addi %mul3A_614, %mul3A_616 : i32
      "tpu.region"() ({
        %run_scoped3A = tpu.sem_alloc : memref<!tpu.dma_semaphore, #tpu.memory_space<semaphore_mem>>
        %dma_start3A_628 = arith.constant 0 : i32
        %dma_start3A_629 = tpu.memref_slice %arg4[%add3A_617, %dma_start3A_628] : memref<80000x16xf32, #tpu.memory_space<hbm>> -> memref<40x16xf32, #tpu.memory_space<hbm>>
        %dma_start3A_630 = arith.constant 0 : i32
        %dma_start3A_631 = tpu.memref_slice %arg4[%add3A_617, %dma_start3A_630] : memref<80000x16xf32, #tpu.memory_space<hbm>> -> memref<40x16xf32, #tpu.memory_space<hbm>>
        tpu.enqueue_dma source(%dma_start3A_631 : memref<40x16xf32, #tpu.memory_space<hbm>>) target(%arg16 : memref<40x16xf32, #tpu.memory_space<vmem>>) target_semaphore(%run_scoped3A : memref<!tpu.dma_semaphore, #tpu.memory_space<semaphore_mem>>)
        %dma_wait3A_632 = arith.constant 0 : i32
        %dma_wait3A_633 = tpu.memref_slice %arg4[%add3A_617, %dma_wait3A_632] : memref<80000x16xf32, #tpu.memory_space<hbm>> -> memref<40x16xf32, #tpu.memory_space<hbm>>
        %dma_wait3A_634 = arith.constant 0 : i32
        %dma_wait3A_635 = tpu.memref_slice %arg4[%add3A_617, %dma_wait3A_634] : memref<80000x16xf32, #tpu.memory_space<hbm>> -> memref<40x16xf32, #tpu.memory_space<hbm>>
        tpu.wait_dma2 semaphore(%run_scoped3A : memref<!tpu.dma_semaphore, #tpu.memory_space<semaphore_mem>>) src(%dma_wait3A_635 : memref<40x16xf32, #tpu.memory_space<hbm>>) dst(%arg16 : memref<40x16xf32, #tpu.memory_space<vmem>>)
        tpu.yield
      }) : () -> ()
      %dma_start3A = arith.constant 0 : i32
      %dma_start3A_618 = arith.constant 0 : i32
      %dma_start3A_619 = tpu.memref_slice %arg3[%dma_start3A, %dma_start3A_618] : memref<80000x48xf32, #tpu.memory_space<hbm>> -> memref<80000x48xf32, #tpu.memory_space<hbm>>
      tpu.enqueue_indirect_dma source(%dma_start3A_619 : memref<80000x48xf32, #tpu.memory_space<hbm>>) target(%arg18 : memref<80x48xf32, #tpu.memory_space<vmem>>) offsets(%arg15 : memref<80xi32, #tpu.memory_space<vmem>>) semaphore(%arg23 : memref<!tpu.dma_semaphore, #tpu.memory_space<semaphore_mem>>)
      %dma_wait3A = arith.constant 0 : i32
      %dma_wait3A_620 = arith.constant 0 : i32
      %dma_wait3A_621 = tpu.memref_slice %arg3[%dma_wait3A, %dma_wait3A_620] : memref<80000x48xf32, #tpu.memory_space<hbm>> -> memref<80000x48xf32, #tpu.memory_space<hbm>>
      tpu.wait_indirect_dma semaphore(%arg23 : memref<!tpu.dma_semaphore, #tpu.memory_space<semaphore_mem>>) src(%dma_wait3A_621 : memref<80000x48xf32, #tpu.memory_space<hbm>>) dst(%arg18 : memref<80x48xf32, #tpu.memory_space<vmem>>)
      %scan3A_622 = arith.constant 0 : i32
      %scan3A_623 = arith.constant 0 : i32
      %scan3A_624 = arith.constant 40 : i32
      %scan3A_625 = arith.addi %scan3A_623, %scan3A_624 : i32
      %scan3A_626 = arith.constant 2 : i32
      scf.for %scan3A_628 = %scan3A_623 to %scan3A_625 step %scan3A_626  : i32 {
        %get3A_629 = arith.index_cast %scan3A_628 : i32 to index
        %get3A_630 = arith.constant 0 : index
        %get3A_631 = tpu.vector_load %arg16[%get3A_629, %get3A_630] {strides = array<i32>} : memref<40x16xf32, #tpu.memory_space<vmem>>, vector<1x16xf32>,
        %get3A_632 = vector.shape_cast %get3A_631 : vector<1x16xf32> to vector<16xf32>
        %mul3A_633 = arith.constant 2 : i32
        %mul3A_634 = arith.muli %mul3A_633, %scan3A_628 : i32
        %add3A_635 = arith.constant 0 : i32
        %add3A_636 = arith.addi %mul3A_634, %add3A_635 : i32
        %slice3A = vector.extract_strided_slice %get3A_632 {offsets = [0], sizes = [1], strides = [1]} : vector<16xf32> to vector<1xf32>
        %squeeze3A = vector.extract %slice3A[0] : f32 from vector<1xf32>
        %slice3A_637 = vector.extract_strided_slice %get3A_632 {offsets = [1], sizes = [1], strides = [1]} : vector<16xf32> to vector<1xf32>
        %squeeze3A_638 = vector.extract %slice3A_637[0] : f32 from vector<1xf32>
        %slice3A_639 = vector.extract_strided_slice %get3A_632 {offsets = [2], sizes = [1], strides = [1]} : vector<16xf32> to vector<1xf32>
        %squeeze3A_640 = vector.extract %slice3A_639[0] : f32 from vector<1xf32>
        %slice3A_641 = vector.extract_strided_slice %get3A_632 {offsets = [3], sizes = [1], strides = [1]} : vector<16xf32> to vector<1xf32>
        %squeeze3A_642 = vector.extract %slice3A_641[0] : f32 from vector<1xf32>
        %slice3A_643 = vector.extract_strided_slice %get3A_632 {offsets = [4], sizes = [1], strides = [1]} : vector<16xf32> to vector<1xf32>
        %squeeze3A_644 = vector.extract %slice3A_643[0] : f32 from vector<1xf32>
        %mul3A_645 = vector.broadcast %squeeze3A : f32 to vector<16xf32>
        %mul3A_646 = arith.mulf %mul3A_645, %get3A_76 : vector<16xf32>
        %mul3A_647 = vector.broadcast %squeeze3A_638 : f32 to vector<16xf32>
        %mul3A_648 = arith.mulf %mul3A_647, %get3A_91 : vector<16xf32>
        %add3A_649 = arith.addf %mul3A_646, %mul3A_648 : vector<16xf32>
        %mul3A_650 = vector.broadcast %squeeze3A_640 : f32 to vector<16xf32>
        %mul3A_651 = arith.mulf %mul3A_650, %get3A_106 : vector<16xf32>
        %add3A_652 = arith.addf %add3A_649, %mul3A_651 : vector<16xf32>
        %mul3A_653 = vector.broadcast %squeeze3A_642 : f32 to vector<16xf32>
        %mul3A_654 = arith.mulf %mul3A_653, %get3A_121 : vector<16xf32>
        %add3A_655 = arith.addf %add3A_652, %mul3A_654 : vector<16xf32>
        %mul3A_656 = vector.broadcast %squeeze3A_644 : f32 to vector<16xf32>
        %mul3A_657 = arith.mulf %mul3A_656, %get3A_136 : vector<16xf32>
        %add3A_658 = arith.addf %add3A_655, %mul3A_657 : vector<16xf32>
        %get3A_659 = arith.index_cast %add3A_636 : i32 to index
        %get3A_660 = arith.constant 0 : index
        %get3A_661 = tpu.vector_load %arg18[%get3A_659, %get3A_660] {strides = array<i32>} : memref<80x48xf32, #tpu.memory_space<vmem>>, vector<1x16xf32>,
        %get3A_662 = vector.shape_cast %get3A_661 : vector<1x16xf32> to vector<16xf32>
        %mul3A_663 = arith.mulf %get3A_662, %add3A_658 : vector<16xf32>
        %swap3A = arith.index_cast %add3A_636 : i32 to index
        %swap3A_664 = arith.constant 0 : index
        %swap3A_665 = tpu.vector_load %arg19[%swap3A, %swap3A_664] {strides = array<i32>} : memref<80x64xf32, #tpu.memory_space<vmem>>, vector<1x16xf32>,
        %swap3A_666 = vector.shape_cast %swap3A_665 : vector<1x16xf32> to vector<16xf32>
        %swap3A_667 = vector.shape_cast %mul3A_663 : vector<16xf32> to vector<1x16xf32>
        tpu.vector_store %arg19[%swap3A, %swap3A_664], %swap3A_667 {strides = array<i32>} : memref<80x64xf32, #tpu.memory_space<vmem>>, vector<1x16xf32>,
        %mul3A_668 = vector.broadcast %squeeze3A : f32 to vector<16xf32>
        %mul3A_669 = arith.mulf %mul3A_668, %get3A_81 : vector<16xf32>
        %mul3A_670 = vector.broadcast %squeeze3A_638 : f32 to vector<16xf32>
        %mul3A_671 = arith.mulf %mul3A_670, %get3A_96 : vector<16xf32>
        %add3A_672 = arith.addf %mul3A_669, %mul3A_671 : vector<16xf32>
        %mul3A_673 = vector.broadcast %squeeze3A_640 : f32 to vector<16xf32>
        %mul3A_674 = arith.mulf %mul3A_673, %get3A_111 : vector<16xf32>
        %add3A_675 = arith.addf %add3A_672, %mul3A_674 : vector<16xf32>
        %mul3A_676 = vector.broadcast %squeeze3A_642 : f32 to vector<16xf32>
        %mul3A_677 = arith.mulf %mul3A_676, %get3A_126 : vector<16xf32>
        %add3A_678 = arith.addf %add3A_675, %mul3A_677 : vector<16xf32>
        %mul3A_679 = vector.broadcast %squeeze3A_644 : f32 to vector<16xf32>
        %mul3A_680 = arith.mulf %mul3A_679, %get3A_141 : vector<16xf32>
        %add3A_681 = arith.addf %add3A_678, %mul3A_680 : vector<16xf32>
        %get3A_682 = arith.index_cast %add3A_636 : i32 to index
        %get3A_683 = arith.constant 16 : index
        %get3A_684 = tpu.vector_load %arg18[%get3A_682, %get3A_683] {strides = array<i32>} : memref<80x48xf32, #tpu.memory_space<vmem>>, vector<1x16xf32>,
        %get3A_685 = vector.shape_cast %get3A_684 : vector<1x16xf32> to vector<16xf32>
        %mul3A_686 = arith.mulf %get3A_685, %add3A_681 : vector<16xf32>
        %swap3A_687 = arith.index_cast %add3A_636 : i32 to index
        %swap3A_688 = arith.constant 16 : index
        %swap3A_689 = tpu.vector_load %arg19[%swap3A_687, %swap3A_688] {strides = array<i32>} : memref<80x64xf32, #tpu.memory_space<vmem>>, vector<1x16xf32>,
        %swap3A_690 = vector.shape_cast %swap3A_689 : vector<1x16xf32> to vector<16xf32>
        %swap3A_691 = vector.shape_cast %mul3A_686 : vector<16xf32> to vector<1x16xf32>
        tpu.vector_store %arg19[%swap3A_687, %swap3A_688], %swap3A_691 {strides = array<i32>} : memref<80x64xf32, #tpu.memory_space<vmem>>, vector<1x16xf32>,
        %mul3A_692 = vector.broadcast %squeeze3A : f32 to vector<16xf32>
        %mul3A_693 = arith.mulf %mul3A_692, %get3A_86 : vector<16xf32>
        %mul3A_694 = vector.broadcast %squeeze3A_638 : f32 to vector<16xf32>
        %mul3A_695 = arith.mulf %mul3A_694, %get3A_101 : vector<16xf32>
        %add3A_696 = arith.addf %mul3A_693, %mul3A_695 : vector<16xf32>
        %mul3A_697 = vector.broadcast %squeeze3A_640 : f32 to vector<16xf32>
        %mul3A_698 = arith.mulf %mul3A_697, %get3A_116 : vector<16xf32>
        %add3A_699 = arith.addf %add3A_696, %mul3A_698 : vector<16xf32>
        %mul3A_700 = vector.broadcast %squeeze3A_642 : f32 to vector<16xf32>
        %mul3A_701 = arith.mulf %mul3A_700, %get3A_131 : vector<16xf32>
        %add3A_702 = arith.addf %add3A_699, %mul3A_701 : vector<16xf32>
        %mul3A_703 = vector.broadcast %squeeze3A_644 : f32 to vector<16xf32>
        %mul3A_704 = arith.mulf %mul3A_703, %get3A_146 : vector<16xf32>
        %add3A_705 = arith.addf %add3A_702, %mul3A_704 : vector<16xf32>
        %get3A_706 = arith.index_cast %add3A_636 : i32 to index
        %get3A_707 = arith.constant 32 : index
        %get3A_708 = tpu.vector_load %arg18[%get3A_706, %get3A_707] {strides = array<i32>} : memref<80x48xf32, #tpu.memory_space<vmem>>, vector<1x16xf32>,
        %get3A_709 = vector.shape_cast %get3A_708 : vector<1x16xf32> to vector<16xf32>
        %mul3A_710 = arith.mulf %get3A_709, %add3A_705 : vector<16xf32>
        %swap3A_711 = arith.index_cast %add3A_636 : i32 to index
        %swap3A_712 = arith.constant 32 : index
        %swap3A_713 = tpu.vector_load %arg19[%swap3A_711, %swap3A_712] {strides = array<i32>} : memref<80x64xf32, #tpu.memory_space<vmem>>, vector<1x16xf32>,
        %swap3A_714 = vector.shape_cast %swap3A_713 : vector<1x16xf32> to vector<16xf32>
        %swap3A_715 = vector.shape_cast %mul3A_710 : vector<16xf32> to vector<1x16xf32>
        tpu.vector_store %arg19[%swap3A_711, %swap3A_712], %swap3A_715 {strides = array<i32>} : memref<80x64xf32, #tpu.memory_space<vmem>>, vector<1x16xf32>,
        %mul3A_716 = arith.constant 2 : i32
        %mul3A_717 = arith.muli %mul3A_716, %scan3A_628 : i32
        %add3A_718 = arith.constant 1 : i32
        %add3A_719 = arith.addi %mul3A_717, %add3A_718 : i32
        %slice3A_720 = vector.extract_strided_slice %get3A_632 {offsets = [8], sizes = [1], strides = [1]} : vector<16xf32> to vector<1xf32>
        %squeeze3A_721 = vector.extract %slice3A_720[0] : f32 from vector<1xf32>
        %slice3A_722 = vector.extract_strided_slice %get3A_632 {offsets = [9], sizes = [1], strides = [1]} : vector<16xf32> to vector<1xf32>
        %squeeze3A_723 = vector.extract %slice3A_722[0] : f32 from vector<1xf32>
        %slice3A_724 = vector.extract_strided_slice %get3A_632 {offsets = [10], sizes = [1], strides = [1]} : vector<16xf32> to vector<1xf32>
        %squeeze3A_725 = vector.extract %slice3A_724[0] : f32 from vector<1xf32>
        %slice3A_726 = vector.extract_strided_slice %get3A_632 {offsets = [11], sizes = [1], strides = [1]} : vector<16xf32> to vector<1xf32>
        %squeeze3A_727 = vector.extract %slice3A_726[0] : f32 from vector<1xf32>
        %slice3A_728 = vector.extract_strided_slice %get3A_632 {offsets = [12], sizes = [1], strides = [1]} : vector<16xf32> to vector<1xf32>
        %squeeze3A_729 = vector.extract %slice3A_728[0] : f32 from vector<1xf32>
        %mul3A_730 = vector.broadcast %squeeze3A_721 : f32 to vector<16xf32>
        %mul3A_731 = arith.mulf %mul3A_730, %get3A_76 : vector<16xf32>
        %mul3A_732 = vector.broadcast %squeeze3A_723 : f32 to vector<16xf32>
        %mul3A_733 = arith.mulf %mul3A_732, %get3A_91 : vector<16xf32>
        %add3A_734 = arith.addf %mul3A_731, %mul3A_733 : vector<16xf32>
        %mul3A_735 = vector.broadcast %squeeze3A_725 : f32 to vector<16xf32>
        %mul3A_736 = arith.mulf %mul3A_735, %get3A_106 : vector<16xf32>
        %add3A_737 = arith.addf %add3A_734, %mul3A_736 : vector<16xf32>
        %mul3A_738 = vector.broadcast %squeeze3A_727 : f32 to vector<16xf32>
        %mul3A_739 = arith.mulf %mul3A_738, %get3A_121 : vector<16xf32>
        %add3A_740 = arith.addf %add3A_737, %mul3A_739 : vector<16xf32>
        %mul3A_741 = vector.broadcast %squeeze3A_729 : f32 to vector<16xf32>
        %mul3A_742 = arith.mulf %mul3A_741, %get3A_136 : vector<16xf32>
        %add3A_743 = arith.addf %add3A_740, %mul3A_742 : vector<16xf32>
        %get3A_744 = arith.index_cast %add3A_719 : i32 to index
        %get3A_745 = arith.constant 0 : index
        %get3A_746 = tpu.vector_load %arg18[%get3A_744, %get3A_745] {strides = array<i32>} : memref<80x48xf32, #tpu.memory_space<vmem>>, vector<1x16xf32>,
        %get3A_747 = vector.shape_cast %get3A_746 : vector<1x16xf32> to vector<16xf32>
        %mul3A_748 = arith.mulf %get3A_747, %add3A_743 : vector<16xf32>
        %swap3A_749 = arith.index_cast %add3A_719 : i32 to index
        %swap3A_750 = arith.constant 0 : index
        %swap3A_751 = tpu.vector_load %arg19[%swap3A_749, %swap3A_750] {strides = array<i32>} : memref<80x64xf32, #tpu.memory_space<vmem>>, vector<1x16xf32>,
        %swap3A_752 = vector.shape_cast %swap3A_751 : vector<1x16xf32> to vector<16xf32>
        %swap3A_753 = vector.shape_cast %mul3A_748 : vector<16xf32> to vector<1x16xf32>
        tpu.vector_store %arg19[%swap3A_749, %swap3A_750], %swap3A_753 {strides = array<i32>} : memref<80x64xf32, #tpu.memory_space<vmem>>, vector<1x16xf32>,
        %mul3A_754 = vector.broadcast %squeeze3A_721 : f32 to vector<16xf32>
        %mul3A_755 = arith.mulf %mul3A_754, %get3A_81 : vector<16xf32>
        %mul3A_756 = vector.broadcast %squeeze3A_723 : f32 to vector<16xf32>
        %mul3A_757 = arith.mulf %mul3A_756, %get3A_96 : vector<16xf32>
        %add3A_758 = arith.addf %mul3A_755, %mul3A_757 : vector<16xf32>
        %mul3A_759 = vector.broadcast %squeeze3A_725 : f32 to vector<16xf32>
        %mul3A_760 = arith.mulf %mul3A_759, %get3A_111 : vector<16xf32>
        %add3A_761 = arith.addf %add3A_758, %mul3A_760 : vector<16xf32>
        %mul3A_762 = vector.broadcast %squeeze3A_727 : f32 to vector<16xf32>
        %mul3A_763 = arith.mulf %mul3A_762, %get3A_126 : vector<16xf32>
        %add3A_764 = arith.addf %add3A_761, %mul3A_763 : vector<16xf32>
        %mul3A_765 = vector.broadcast %squeeze3A_729 : f32 to vector<16xf32>
        %mul3A_766 = arith.mulf %mul3A_765, %get3A_141 : vector<16xf32>
        %add3A_767 = arith.addf %add3A_764, %mul3A_766 : vector<16xf32>
        %get3A_768 = arith.index_cast %add3A_719 : i32 to index
        %get3A_769 = arith.constant 16 : index
        %get3A_770 = tpu.vector_load %arg18[%get3A_768, %get3A_769] {strides = array<i32>} : memref<80x48xf32, #tpu.memory_space<vmem>>, vector<1x16xf32>,
        %get3A_771 = vector.shape_cast %get3A_770 : vector<1x16xf32> to vector<16xf32>
        %mul3A_772 = arith.mulf %get3A_771, %add3A_767 : vector<16xf32>
        %swap3A_773 = arith.index_cast %add3A_719 : i32 to index
        %swap3A_774 = arith.constant 16 : index
        %swap3A_775 = tpu.vector_load %arg19[%swap3A_773, %swap3A_774] {strides = array<i32>} : memref<80x64xf32, #tpu.memory_space<vmem>>, vector<1x16xf32>,
        %swap3A_776 = vector.shape_cast %swap3A_775 : vector<1x16xf32> to vector<16xf32>
        %swap3A_777 = vector.shape_cast %mul3A_772 : vector<16xf32> to vector<1x16xf32>
        tpu.vector_store %arg19[%swap3A_773, %swap3A_774], %swap3A_777 {strides = array<i32>} : memref<80x64xf32, #tpu.memory_space<vmem>>, vector<1x16xf32>,
        %mul3A_778 = vector.broadcast %squeeze3A_721 : f32 to vector<16xf32>
        %mul3A_779 = arith.mulf %mul3A_778, %get3A_86 : vector<16xf32>
        %mul3A_780 = vector.broadcast %squeeze3A_723 : f32 to vector<16xf32>
        %mul3A_781 = arith.mulf %mul3A_780, %get3A_101 : vector<16xf32>
        %add3A_782 = arith.addf %mul3A_779, %mul3A_781 : vector<16xf32>
        %mul3A_783 = vector.broadcast %squeeze3A_725 : f32 to vector<16xf32>
        %mul3A_784 = arith.mulf %mul3A_783, %get3A_116 : vector<16xf32>
        %add3A_785 = arith.addf %add3A_782, %mul3A_784 : vector<16xf32>
        %mul3A_786 = vector.broadcast %squeeze3A_727 : f32 to vector<16xf32>
        %mul3A_787 = arith.mulf %mul3A_786, %get3A_131 : vector<16xf32>
        %add3A_788 = arith.addf %add3A_785, %mul3A_787 : vector<16xf32>
        %mul3A_789 = vector.broadcast %squeeze3A_729 : f32 to vector<16xf32>
        %mul3A_790 = arith.mulf %mul3A_789, %get3A_146 : vector<16xf32>
        %add3A_791 = arith.addf %add3A_788, %mul3A_790 : vector<16xf32>
        %get3A_792 = arith.index_cast %add3A_719 : i32 to index
        %get3A_793 = arith.constant 32 : index
        %get3A_794 = tpu.vector_load %arg18[%get3A_792, %get3A_793] {strides = array<i32>} : memref<80x48xf32, #tpu.memory_space<vmem>>, vector<1x16xf32>,
        %get3A_795 = vector.shape_cast %get3A_794 : vector<1x16xf32> to vector<16xf32>
        %mul3A_796 = arith.mulf %get3A_795, %add3A_791 : vector<16xf32>
        %swap3A_797 = arith.index_cast %add3A_719 : i32 to index
        %swap3A_798 = arith.constant 32 : index
        %swap3A_799 = tpu.vector_load %arg19[%swap3A_797, %swap3A_798] {strides = array<i32>} : memref<80x64xf32, #tpu.memory_space<vmem>>, vector<1x16xf32>,
        %swap3A_800 = vector.shape_cast %swap3A_799 : vector<1x16xf32> to vector<16xf32>
        %swap3A_801 = vector.shape_cast %mul3A_796 : vector<16xf32> to vector<1x16xf32>
        tpu.vector_store %arg19[%swap3A_797, %swap3A_798], %swap3A_801 {strides = array<i32>} : memref<80x64xf32, #tpu.memory_space<vmem>>, vector<1x16xf32>,
        %scan3A_802 = arith.constant 1 : i32
        %scan3A_803 = arith.addi %scan3A_628, %scan3A_802 : i32
        %get3A_804 = arith.index_cast %scan3A_803 : i32 to index
        %get3A_805 = arith.constant 0 : index
        %get3A_806 = tpu.vector_load %arg16[%get3A_804, %get3A_805] {strides = array<i32>} : memref<40x16xf32, #tpu.memory_space<vmem>>, vector<1x16xf32>,
        %get3A_807 = vector.shape_cast %get3A_806 : vector<1x16xf32> to vector<16xf32>
        %mul3A_808 = arith.constant 2 : i32
        %mul3A_809 = arith.muli %mul3A_808, %scan3A_803 : i32
        %add3A_810 = arith.constant 0 : i32
        %add3A_811 = arith.addi %mul3A_809, %add3A_810 : i32
        %slice3A_812 = vector.extract_strided_slice %get3A_807 {offsets = [0], sizes = [1], strides = [1]} : vector<16xf32> to vector<1xf32>
        %squeeze3A_813 = vector.extract %slice3A_812[0] : f32 from vector<1xf32>
        %slice3A_814 = vector.extract_strided_slice %get3A_807 {offsets = [1], sizes = [1], strides = [1]} : vector<16xf32> to vector<1xf32>
        %squeeze3A_815 = vector.extract %slice3A_814[0] : f32 from vector<1xf32>
        %slice3A_816 = vector.extract_strided_slice %get3A_807 {offsets = [2], sizes = [1], strides = [1]} : vector<16xf32> to vector<1xf32>
        %squeeze3A_817 = vector.extract %slice3A_816[0] : f32 from vector<1xf32>
        %slice3A_818 = vector.extract_strided_slice %get3A_807 {offsets = [3], sizes = [1], strides = [1]} : vector<16xf32> to vector<1xf32>
        %squeeze3A_819 = vector.extract %slice3A_818[0] : f32 from vector<1xf32>
        %slice3A_820 = vector.extract_strided_slice %get3A_807 {offsets = [4], sizes = [1], strides = [1]} : vector<16xf32> to vector<1xf32>
        %squeeze3A_821 = vector.extract %slice3A_820[0] : f32 from vector<1xf32>
        %mul3A_822 = vector.broadcast %squeeze3A_813 : f32 to vector<16xf32>
        %mul3A_823 = arith.mulf %mul3A_822, %get3A_76 : vector<16xf32>
        %mul3A_824 = vector.broadcast %squeeze3A_815 : f32 to vector<16xf32>
        %mul3A_825 = arith.mulf %mul3A_824, %get3A_91 : vector<16xf32>
        %add3A_826 = arith.addf %mul3A_823, %mul3A_825 : vector<16xf32>
        %mul3A_827 = vector.broadcast %squeeze3A_817 : f32 to vector<16xf32>
        %mul3A_828 = arith.mulf %mul3A_827, %get3A_106 : vector<16xf32>
        %add3A_829 = arith.addf %add3A_826, %mul3A_828 : vector<16xf32>
        %mul3A_830 = vector.broadcast %squeeze3A_819 : f32 to vector<16xf32>
        %mul3A_831 = arith.mulf %mul3A_830, %get3A_121 : vector<16xf32>
        %add3A_832 = arith.addf %add3A_829, %mul3A_831 : vector<16xf32>
        %mul3A_833 = vector.broadcast %squeeze3A_821 : f32 to vector<16xf32>
        %mul3A_834 = arith.mulf %mul3A_833, %get3A_136 : vector<16xf32>
        %add3A_835 = arith.addf %add3A_832, %mul3A_834 : vector<16xf32>
        %get3A_836 = arith.index_cast %add3A_811 : i32 to index
        %get3A_837 = arith.constant 0 : index
        %get3A_838 = tpu.vector_load %arg18[%get3A_836, %get3A_837] {strides = array<i32>} : memref<80x48xf32, #tpu.memory_space<vmem>>, vector<1x16xf32>,
        %get3A_839 = vector.shape_cast %get3A_838 : vector<1x16xf32> to vector<16xf32>
        %mul3A_840 = arith.mulf %get3A_839, %add3A_835 : vector<16xf32>
        %swap3A_841 = arith.index_cast %add3A_811 : i32 to index
        %swap3A_842 = arith.constant 0 : index
        %swap3A_843 = tpu.vector_load %arg19[%swap3A_841, %swap3A_842] {strides = array<i32>} : memref<80x64xf32, #tpu.memory_space<vmem>>, vector<1x16xf32>,
        %swap3A_844 = vector.shape_cast %swap3A_843 : vector<1x16xf32> to vector<16xf32>
        %swap3A_845 = vector.shape_cast %mul3A_840 : vector<16xf32> to vector<1x16xf32>
        tpu.vector_store %arg19[%swap3A_841, %swap3A_842], %swap3A_845 {strides = array<i32>} : memref<80x64xf32, #tpu.memory_space<vmem>>, vector<1x16xf32>,
        %mul3A_846 = vector.broadcast %squeeze3A_813 : f32 to vector<16xf32>
        %mul3A_847 = arith.mulf %mul3A_846, %get3A_81 : vector<16xf32>
        %mul3A_848 = vector.broadcast %squeeze3A_815 : f32 to vector<16xf32>
        %mul3A_849 = arith.mulf %mul3A_848, %get3A_96 : vector<16xf32>
        %add3A_850 = arith.addf %mul3A_847, %mul3A_849 : vector<16xf32>
        %mul3A_851 = vector.broadcast %squeeze3A_817 : f32 to vector<16xf32>
        %mul3A_852 = arith.mulf %mul3A_851, %get3A_111 : vector<16xf32>
        %add3A_853 = arith.addf %add3A_850, %mul3A_852 : vector<16xf32>
        %mul3A_854 = vector.broadcast %squeeze3A_819 : f32 to vector<16xf32>
        %mul3A_855 = arith.mulf %mul3A_854, %get3A_126 : vector<16xf32>
        %add3A_856 = arith.addf %add3A_853, %mul3A_855 : vector<16xf32>
        %mul3A_857 = vector.broadcast %squeeze3A_821 : f32 to vector<16xf32>
        %mul3A_858 = arith.mulf %mul3A_857, %get3A_141 : vector<16xf32>
        %add3A_859 = arith.addf %add3A_856, %mul3A_858 : vector<16xf32>
        %get3A_860 = arith.index_cast %add3A_811 : i32 to index
        %get3A_861 = arith.constant 16 : index
        %get3A_862 = tpu.vector_load %arg18[%get3A_860, %get3A_861] {strides = array<i32>} : memref<80x48xf32, #tpu.memory_space<vmem>>, vector<1x16xf32>,
        %get3A_863 = vector.shape_cast %get3A_862 : vector<1x16xf32> to vector<16xf32>
        %mul3A_864 = arith.mulf %get3A_863, %add3A_859 : vector<16xf32>
        %swap3A_865 = arith.index_cast %add3A_811 : i32 to index
        %swap3A_866 = arith.constant 16 : index
        %swap3A_867 = tpu.vector_load %arg19[%swap3A_865, %swap3A_866] {strides = array<i32>} : memref<80x64xf32, #tpu.memory_space<vmem>>, vector<1x16xf32>,
        %swap3A_868 = vector.shape_cast %swap3A_867 : vector<1x16xf32> to vector<16xf32>
        %swap3A_869 = vector.shape_cast %mul3A_864 : vector<16xf32> to vector<1x16xf32>
        tpu.vector_store %arg19[%swap3A_865, %swap3A_866], %swap3A_869 {strides = array<i32>} : memref<80x64xf32, #tpu.memory_space<vmem>>, vector<1x16xf32>,
        %mul3A_870 = vector.broadcast %squeeze3A_813 : f32 to vector<16xf32>
        %mul3A_871 = arith.mulf %mul3A_870, %get3A_86 : vector<16xf32>
        %mul3A_872 = vector.broadcast %squeeze3A_815 : f32 to vector<16xf32>
        %mul3A_873 = arith.mulf %mul3A_872, %get3A_101 : vector<16xf32>
        %add3A_874 = arith.addf %mul3A_871, %mul3A_873 : vector<16xf32>
        %mul3A_875 = vector.broadcast %squeeze3A_817 : f32 to vector<16xf32>
        %mul3A_876 = arith.mulf %mul3A_875, %get3A_116 : vector<16xf32>
        %add3A_877 = arith.addf %add3A_874, %mul3A_876 : vector<16xf32>
        %mul3A_878 = vector.broadcast %squeeze3A_819 : f32 to vector<16xf32>
        %mul3A_879 = arith.mulf %mul3A_878, %get3A_131 : vector<16xf32>
        %add3A_880 = arith.addf %add3A_877, %mul3A_879 : vector<16xf32>
        %mul3A_881 = vector.broadcast %squeeze3A_821 : f32 to vector<16xf32>
        %mul3A_882 = arith.mulf %mul3A_881, %get3A_146 : vector<16xf32>
        %add3A_883 = arith.addf %add3A_880, %mul3A_882 : vector<16xf32>
        %get3A_884 = arith.index_cast %add3A_811 : i32 to index
        %get3A_885 = arith.constant 32 : index
        %get3A_886 = tpu.vector_load %arg18[%get3A_884, %get3A_885] {strides = array<i32>} : memref<80x48xf32, #tpu.memory_space<vmem>>, vector<1x16xf32>,
        %get3A_887 = vector.shape_cast %get3A_886 : vector<1x16xf32> to vector<16xf32>
        %mul3A_888 = arith.mulf %get3A_887, %add3A_883 : vector<16xf32>
        %swap3A_889 = arith.index_cast %add3A_811 : i32 to index
        %swap3A_890 = arith.constant 32 : index
        %swap3A_891 = tpu.vector_load %arg19[%swap3A_889, %swap3A_890] {strides = array<i32>} : memref<80x64xf32, #tpu.memory_space<vmem>>, vector<1x16xf32>,
        %swap3A_892 = vector.shape_cast %swap3A_891 : vector<1x16xf32> to vector<16xf32>
        %swap3A_893 = vector.shape_cast %mul3A_888 : vector<16xf32> to vector<1x16xf32>
        tpu.vector_store %arg19[%swap3A_889, %swap3A_890], %swap3A_893 {strides = array<i32>} : memref<80x64xf32, #tpu.memory_space<vmem>>, vector<1x16xf32>,
        %mul3A_894 = arith.constant 2 : i32
        %mul3A_895 = arith.muli %mul3A_894, %scan3A_803 : i32
        %add3A_896 = arith.constant 1 : i32
        %add3A_897 = arith.addi %mul3A_895, %add3A_896 : i32
        %slice3A_898 = vector.extract_strided_slice %get3A_807 {offsets = [8], sizes = [1], strides = [1]} : vector<16xf32> to vector<1xf32>
        %squeeze3A_899 = vector.extract %slice3A_898[0] : f32 from vector<1xf32>
        %slice3A_900 = vector.extract_strided_slice %get3A_807 {offsets = [9], sizes = [1], strides = [1]} : vector<16xf32> to vector<1xf32>
        %squeeze3A_901 = vector.extract %slice3A_900[0] : f32 from vector<1xf32>
        %slice3A_902 = vector.extract_strided_slice %get3A_807 {offsets = [10], sizes = [1], strides = [1]} : vector<16xf32> to vector<1xf32>
        %squeeze3A_903 = vector.extract %slice3A_902[0] : f32 from vector<1xf32>
        %slice3A_904 = vector.extract_strided_slice %get3A_807 {offsets = [11], sizes = [1], strides = [1]} : vector<16xf32> to vector<1xf32>
        %squeeze3A_905 = vector.extract %slice3A_904[0] : f32 from vector<1xf32>
        %slice3A_906 = vector.extract_strided_slice %get3A_807 {offsets = [12], sizes = [1], strides = [1]} : vector<16xf32> to vector<1xf32>
        %squeeze3A_907 = vector.extract %slice3A_906[0] : f32 from vector<1xf32>
        %mul3A_908 = vector.broadcast %squeeze3A_899 : f32 to vector<16xf32>
        %mul3A_909 = arith.mulf %mul3A_908, %get3A_76 : vector<16xf32>
        %mul3A_910 = vector.broadcast %squeeze3A_901 : f32 to vector<16xf32>
        %mul3A_911 = arith.mulf %mul3A_910, %get3A_91 : vector<16xf32>
        %add3A_912 = arith.addf %mul3A_909, %mul3A_911 : vector<16xf32>
        %mul3A_913 = vector.broadcast %squeeze3A_903 : f32 to vector<16xf32>
        %mul3A_914 = arith.mulf %mul3A_913, %get3A_106 : vector<16xf32>
        %add3A_915 = arith.addf %add3A_912, %mul3A_914 : vector<16xf32>
        %mul3A_916 = vector.broadcast %squeeze3A_905 : f32 to vector<16xf32>
        %mul3A_917 = arith.mulf %mul3A_916, %get3A_121 : vector<16xf32>
        %add3A_918 = arith.addf %add3A_915, %mul3A_917 : vector<16xf32>
        %mul3A_919 = vector.broadcast %squeeze3A_907 : f32 to vector<16xf32>
        %mul3A_920 = arith.mulf %mul3A_919, %get3A_136 : vector<16xf32>
        %add3A_921 = arith.addf %add3A_918, %mul3A_920 : vector<16xf32>
        %get3A_922 = arith.index_cast %add3A_897 : i32 to index
        %get3A_923 = arith.constant 0 : index
        %get3A_924 = tpu.vector_load %arg18[%get3A_922, %get3A_923] {strides = array<i32>} : memref<80x48xf32, #tpu.memory_space<vmem>>, vector<1x16xf32>,
        %get3A_925 = vector.shape_cast %get3A_924 : vector<1x16xf32> to vector<16xf32>
        %mul3A_926 = arith.mulf %get3A_925, %add3A_921 : vector<16xf32>
        %swap3A_927 = arith.index_cast %add3A_897 : i32 to index
        %swap3A_928 = arith.constant 0 : index
        %swap3A_929 = tpu.vector_load %arg19[%swap3A_927, %swap3A_928] {strides = array<i32>} : memref<80x64xf32, #tpu.memory_space<vmem>>, vector<1x16xf32>,
        %swap3A_930 = vector.shape_cast %swap3A_929 : vector<1x16xf32> to vector<16xf32>
        %swap3A_931 = vector.shape_cast %mul3A_926 : vector<16xf32> to vector<1x16xf32>
        tpu.vector_store %arg19[%swap3A_927, %swap3A_928], %swap3A_931 {strides = array<i32>} : memref<80x64xf32, #tpu.memory_space<vmem>>, vector<1x16xf32>,
        %mul3A_932 = vector.broadcast %squeeze3A_899 : f32 to vector<16xf32>
        %mul3A_933 = arith.mulf %mul3A_932, %get3A_81 : vector<16xf32>
        %mul3A_934 = vector.broadcast %squeeze3A_901 : f32 to vector<16xf32>
        %mul3A_935 = arith.mulf %mul3A_934, %get3A_96 : vector<16xf32>
        %add3A_936 = arith.addf %mul3A_933, %mul3A_935 : vector<16xf32>
        %mul3A_937 = vector.broadcast %squeeze3A_903 : f32 to vector<16xf32>
        %mul3A_938 = arith.mulf %mul3A_937, %get3A_111 : vector<16xf32>
        %add3A_939 = arith.addf %add3A_936, %mul3A_938 : vector<16xf32>
        %mul3A_940 = vector.broadcast %squeeze3A_905 : f32 to vector<16xf32>
        %mul3A_941 = arith.mulf %mul3A_940, %get3A_126 : vector<16xf32>
        %add3A_942 = arith.addf %add3A_939, %mul3A_941 : vector<16xf32>
        %mul3A_943 = vector.broadcast %squeeze3A_907 : f32 to vector<16xf32>
        %mul3A_944 = arith.mulf %mul3A_943, %get3A_141 : vector<16xf32>
        %add3A_945 = arith.addf %add3A_942, %mul3A_944 : vector<16xf32>
        %get3A_946 = arith.index_cast %add3A_897 : i32 to index
        %get3A_947 = arith.constant 16 : index
        %get3A_948 = tpu.vector_load %arg18[%get3A_946, %get3A_947] {strides = array<i32>} : memref<80x48xf32, #tpu.memory_space<vmem>>, vector<1x16xf32>,
        %get3A_949 = vector.shape_cast %get3A_948 : vector<1x16xf32> to vector<16xf32>
        %mul3A_950 = arith.mulf %get3A_949, %add3A_945 : vector<16xf32>
        %swap3A_951 = arith.index_cast %add3A_897 : i32 to index
        %swap3A_952 = arith.constant 16 : index
        %swap3A_953 = tpu.vector_load %arg19[%swap3A_951, %swap3A_952] {strides = array<i32>} : memref<80x64xf32, #tpu.memory_space<vmem>>, vector<1x16xf32>,
        %swap3A_954 = vector.shape_cast %swap3A_953 : vector<1x16xf32> to vector<16xf32>
        %swap3A_955 = vector.shape_cast %mul3A_950 : vector<16xf32> to vector<1x16xf32>
        tpu.vector_store %arg19[%swap3A_951, %swap3A_952], %swap3A_955 {strides = array<i32>} : memref<80x64xf32, #tpu.memory_space<vmem>>, vector<1x16xf32>,
        %mul3A_956 = vector.broadcast %squeeze3A_899 : f32 to vector<16xf32>
        %mul3A_957 = arith.mulf %mul3A_956, %get3A_86 : vector<16xf32>
        %mul3A_958 = vector.broadcast %squeeze3A_901 : f32 to vector<16xf32>
        %mul3A_959 = arith.mulf %mul3A_958, %get3A_101 : vector<16xf32>
        %add3A_960 = arith.addf %mul3A_957, %mul3A_959 : vector<16xf32>
        %mul3A_961 = vector.broadcast %squeeze3A_903 : f32 to vector<16xf32>
        %mul3A_962 = arith.mulf %mul3A_961, %get3A_116 : vector<16xf32>
        %add3A_963 = arith.addf %add3A_960, %mul3A_962 : vector<16xf32>
        %mul3A_964 = vector.broadcast %squeeze3A_905 : f32 to vector<16xf32>
        %mul3A_965 = arith.mulf %mul3A_964, %get3A_131 : vector<16xf32>
        %add3A_966 = arith.addf %add3A_963, %mul3A_965 : vector<16xf32>
        %mul3A_967 = vector.broadcast %squeeze3A_907 : f32 to vector<16xf32>
        %mul3A_968 = arith.mulf %mul3A_967, %get3A_146 : vector<16xf32>
        %add3A_969 = arith.addf %add3A_966, %mul3A_968 : vector<16xf32>
        %get3A_970 = arith.index_cast %add3A_897 : i32 to index
        %get3A_971 = arith.constant 32 : index
        %get3A_972 = tpu.vector_load %arg18[%get3A_970, %get3A_971] {strides = array<i32>} : memref<80x48xf32, #tpu.memory_space<vmem>>, vector<1x16xf32>,
        %get3A_973 = vector.shape_cast %get3A_972 : vector<1x16xf32> to vector<16xf32>
        %mul3A_974 = arith.mulf %get3A_973, %add3A_969 : vector<16xf32>
        %swap3A_975 = arith.index_cast %add3A_897 : i32 to index
        %swap3A_976 = arith.constant 32 : index
        %swap3A_977 = tpu.vector_load %arg19[%swap3A_975, %swap3A_976] {strides = array<i32>} : memref<80x64xf32, #tpu.memory_space<vmem>>, vector<1x16xf32>,
        %swap3A_978 = vector.shape_cast %swap3A_977 : vector<1x16xf32> to vector<16xf32>
        %swap3A_979 = vector.shape_cast %mul3A_974 : vector<16xf32> to vector<1x16xf32>
        tpu.vector_store %arg19[%swap3A_975, %swap3A_976], %swap3A_979 {strides = array<i32>} : memref<80x64xf32, #tpu.memory_space<vmem>>, vector<1x16xf32>,
      }
      %scan3A_627 = arith.constant 40 : i32
      "tpu.region"() ({
        %run_scoped3A = tpu.sem_alloc : memref<!tpu.dma_semaphore, #tpu.memory_space<semaphore_mem>>
        %dma_start3A_628 = arith.constant 0 : i32
        %dma_start3A_629 = arith.constant 0 : i32
        %dma_start3A_630 = tpu.memref_slice %arg12[%dma_start3A_628, %dma_start3A_629] : memref<10000x64xf32, #tpu.memory_space<vmem_shared>> -> memref<10000x64xf32, #tpu.memory_space<vmem_shared>>
        tpu.enqueue_indirect_dma source(%arg19 : memref<80x64xf32, #tpu.memory_space<vmem>>) target(%dma_start3A_630 : memref<10000x64xf32, #tpu.memory_space<vmem_shared>>) offsets(%arg14 : memref<80xi32, #tpu.memory_space<vmem>>) semaphore(%run_scoped3A : memref<!tpu.dma_semaphore, #tpu.memory_space<semaphore_mem>>) {add = true}
        %dma_wait3A_631 = arith.constant 0 : i32
        %dma_wait3A_632 = arith.constant 0 : i32
        %dma_wait3A_633 = tpu.memref_slice %arg12[%dma_wait3A_631, %dma_wait3A_632] : memref<10000x64xf32, #tpu.memory_space<vmem_shared>> -> memref<10000x64xf32, #tpu.memory_space<vmem_shared>>
        tpu.wait_indirect_dma semaphore(%run_scoped3A : memref<!tpu.dma_semaphore, #tpu.memory_space<semaphore_mem>>) src(%arg19 : memref<80x64xf32, #tpu.memory_space<vmem>>) dst(%dma_wait3A_633 : memref<10000x64xf32, #tpu.memory_space<vmem_shared>>)
        tpu.yield
      }) : () -> ()
    }
    %scan3A_152 = arith.constant 125 : i32
    %barrier3A_153 = arith.constant 0 : index
    tpu.barrier barrier_id(%barrier3A_153)
    "tpu.region"() ({
      %run_scoped3A = tpu.sem_alloc : memref<!tpu.dma_semaphore, #tpu.memory_space<semaphore_mem>>
      %dma_start3A = arith.constant 0 : i32
      %dma_start3A_607 = tpu.memref_slice %arg11[%add3A_8, %mul3A_0, %dma_start3A] : memref<8x10000x64xf32, #tpu.memory_space<hbm>> -> memref<1x625x64xf32, #tpu.memory_space<hbm>>
      %dma_start3A_608 = tpu.memref_squeeze %dma_start3A_607 : memref<1x625x64xf32, #tpu.memory_space<hbm>> -> memref<625x64xf32, #tpu.memory_space<hbm>>
      %dma_start3A_609 = arith.constant 0 : i32
      %dma_start3A_610 = tpu.memref_slice %arg12[%mul3A_0, %dma_start3A_609] : memref<10000x64xf32, #tpu.memory_space<vmem_shared>> -> memref<625x64xf32, #tpu.memory_space<vmem_shared>>
      tpu.enqueue_dma source(%dma_start3A_610 : memref<625x64xf32, #tpu.memory_space<vmem_shared>>) target(%dma_start3A_608 : memref<625x64xf32, #tpu.memory_space<hbm>>) target_semaphore(%run_scoped3A : memref<!tpu.dma_semaphore, #tpu.memory_space<semaphore_mem>>)
      %dma_wait3A = arith.constant 0 : i32
      %dma_wait3A_611 = tpu.memref_slice %arg11[%add3A_8, %mul3A_0, %dma_wait3A] : memref<8x10000x64xf32, #tpu.memory_space<hbm>> -> memref<1x625x64xf32, #tpu.memory_space<hbm>>
      %dma_wait3A_612 = tpu.memref_squeeze %dma_wait3A_611 : memref<1x625x64xf32, #tpu.memory_space<hbm>> -> memref<625x64xf32, #tpu.memory_space<hbm>>
      %dma_wait3A_613 = arith.constant 0 : i32
      %dma_wait3A_614 = tpu.memref_slice %arg12[%mul3A_0, %dma_wait3A_613] : memref<10000x64xf32, #tpu.memory_space<vmem_shared>> -> memref<625x64xf32, #tpu.memory_space<vmem_shared>>
      tpu.wait_dma2 semaphore(%run_scoped3A : memref<!tpu.dma_semaphore, #tpu.memory_space<semaphore_mem>>) src(%dma_wait3A_614 : memref<625x64xf32, #tpu.memory_space<vmem_shared>>) dst(%dma_wait3A_612 : memref<625x64xf32, #tpu.memory_space<hbm>>)
      tpu.yield
    }) : () -> ()
    %mul3A_154 = arith.constant 4 : i32
    %mul3A_155 = arith.muli %arg0, %mul3A_154 : i32
    %add3A_156 = arith.constant 1 : i32
    %add3A_157 = arith.addi %mul3A_155, %add3A_156 : i32
    "tpu.region"() ({
      %run_scoped3A = tpu.sem_alloc : memref<!tpu.dma_semaphore, #tpu.memory_space<semaphore_mem>>
      %dma_start3A = arith.constant 0 : i32
      %dma_start3A_607 = arith.constant 0 : i32
      %dma_start3A_608 = tpu.memref_slice %arg7[%add3A_157, %dma_start3A, %dma_start3A_607] : memref<8x5x16xf32, #tpu.memory_space<hbm>> -> memref<1x5x16xf32, #tpu.memory_space<hbm>>
      %dma_start3A_609 = tpu.memref_squeeze %dma_start3A_608 : memref<1x5x16xf32, #tpu.memory_space<hbm>> -> memref<5x16xf32, #tpu.memory_space<hbm>>
      %dma_start3A_610 = arith.constant 0 : i32
      %dma_start3A_611 = arith.constant 0 : i32
      %dma_start3A_612 = tpu.memref_slice %arg7[%add3A_157, %dma_start3A_610, %dma_start3A_611] : memref<8x5x16xf32, #tpu.memory_space<hbm>> -> memref<1x5x16xf32, #tpu.memory_space<hbm>>
      %dma_start3A_613 = tpu.memref_squeeze %dma_start3A_612 : memref<1x5x16xf32, #tpu.memory_space<hbm>> -> memref<5x16xf32, #tpu.memory_space<hbm>>
      tpu.enqueue_dma source(%dma_start3A_613 : memref<5x16xf32, #tpu.memory_space<hbm>>) target(%arg20 : memref<5x16xf32, #tpu.memory_space<vmem>>) target_semaphore(%run_scoped3A : memref<!tpu.dma_semaphore, #tpu.memory_space<semaphore_mem>>)
      %dma_wait3A = arith.constant 0 : i32
      %dma_wait3A_614 = arith.constant 0 : i32
      %dma_wait3A_615 = tpu.memref_slice %arg7[%add3A_157, %dma_wait3A, %dma_wait3A_614] : memref<8x5x16xf32, #tpu.memory_space<hbm>> -> memref<1x5x16xf32, #tpu.memory_space<hbm>>
      %dma_wait3A_616 = tpu.memref_squeeze %dma_wait3A_615 : memref<1x5x16xf32, #tpu.memory_space<hbm>> -> memref<5x16xf32, #tpu.memory_space<hbm>>
      %dma_wait3A_617 = arith.constant 0 : i32
      %dma_wait3A_618 = arith.constant 0 : i32
      %dma_wait3A_619 = tpu.memref_slice %arg7[%add3A_157, %dma_wait3A_617, %dma_wait3A_618] : memref<8x5x16xf32, #tpu.memory_space<hbm>> -> memref<1x5x16xf32, #tpu.memory_space<hbm>>
      %dma_wait3A_620 = tpu.memref_squeeze %dma_wait3A_619 : memref<1x5x16xf32, #tpu.memory_space<hbm>> -> memref<5x16xf32, #tpu.memory_space<hbm>>
      tpu.wait_dma2 semaphore(%run_scoped3A : memref<!tpu.dma_semaphore, #tpu.memory_space<semaphore_mem>>) src(%dma_wait3A_620 : memref<5x16xf32, #tpu.memory_space<hbm>>) dst(%arg20 : memref<5x16xf32, #tpu.memory_space<vmem>>)
      tpu.yield
    }) : () -> ()
    "tpu.region"() ({
      %run_scoped3A = tpu.sem_alloc : memref<!tpu.dma_semaphore, #tpu.memory_space<semaphore_mem>>
      %dma_start3A = arith.constant 0 : i32
      %dma_start3A_607 = arith.constant 0 : i32
      %dma_start3A_608 = tpu.memref_slice %arg8[%add3A_157, %dma_start3A, %dma_start3A_607] : memref<8x5x16xf32, #tpu.memory_space<hbm>> -> memref<1x5x16xf32, #tpu.memory_space<hbm>>
      %dma_start3A_609 = tpu.memref_squeeze %dma_start3A_608 : memref<1x5x16xf32, #tpu.memory_space<hbm>> -> memref<5x16xf32, #tpu.memory_space<hbm>>
      %dma_start3A_610 = arith.constant 0 : i32
      %dma_start3A_611 = arith.constant 0 : i32
      %dma_start3A_612 = tpu.memref_slice %arg8[%add3A_157, %dma_start3A_610, %dma_start3A_611] : memref<8x5x16xf32, #tpu.memory_space<hbm>> -> memref<1x5x16xf32, #tpu.memory_space<hbm>>
      %dma_start3A_613 = tpu.memref_squeeze %dma_start3A_612 : memref<1x5x16xf32, #tpu.memory_space<hbm>> -> memref<5x16xf32, #tpu.memory_space<hbm>>
      tpu.enqueue_dma source(%dma_start3A_613 : memref<5x16xf32, #tpu.memory_space<hbm>>) target(%arg21 : memref<5x16xf32, #tpu.memory_space<vmem>>) target_semaphore(%run_scoped3A : memref<!tpu.dma_semaphore, #tpu.memory_space<semaphore_mem>>)
      %dma_wait3A = arith.constant 0 : i32
      %dma_wait3A_614 = arith.constant 0 : i32
      %dma_wait3A_615 = tpu.memref_slice %arg8[%add3A_157, %dma_wait3A, %dma_wait3A_614] : memref<8x5x16xf32, #tpu.memory_space<hbm>> -> memref<1x5x16xf32, #tpu.memory_space<hbm>>
      %dma_wait3A_616 = tpu.memref_squeeze %dma_wait3A_615 : memref<1x5x16xf32, #tpu.memory_space<hbm>> -> memref<5x16xf32, #tpu.memory_space<hbm>>
      %dma_wait3A_617 = arith.constant 0 : i32
      %dma_wait3A_618 = arith.constant 0 : i32
      %dma_wait3A_619 = tpu.memref_slice %arg8[%add3A_157, %dma_wait3A_617, %dma_wait3A_618] : memref<8x5x16xf32, #tpu.memory_space<hbm>> -> memref<1x5x16xf32, #tpu.memory_space<hbm>>
      %dma_wait3A_620 = tpu.memref_squeeze %dma_wait3A_619 : memref<1x5x16xf32, #tpu.memory_space<hbm>> -> memref<5x16xf32, #tpu.memory_space<hbm>>
      tpu.wait_dma2 semaphore(%run_scoped3A : memref<!tpu.dma_semaphore, #tpu.memory_space<semaphore_mem>>) src(%dma_wait3A_620 : memref<5x16xf32, #tpu.memory_space<hbm>>) dst(%arg21 : memref<5x16xf32, #tpu.memory_space<vmem>>)
      tpu.yield
    }) : () -> ()
    "tpu.region"() ({
      %run_scoped3A = tpu.sem_alloc : memref<!tpu.dma_semaphore, #tpu.memory_space<semaphore_mem>>
      %dma_start3A = arith.constant 0 : i32
      %dma_start3A_607 = arith.constant 0 : i32
      %dma_start3A_608 = tpu.memref_slice %arg9[%add3A_157, %dma_start3A, %dma_start3A_607] : memref<8x5x48xf32, #tpu.memory_space<hbm>> -> memref<1x5x48xf32, #tpu.memory_space<hbm>>
      %dma_start3A_609 = tpu.memref_squeeze %dma_start3A_608 : memref<1x5x48xf32, #tpu.memory_space<hbm>> -> memref<5x48xf32, #tpu.memory_space<hbm>>
      %dma_start3A_610 = arith.constant 0 : i32
      %dma_start3A_611 = arith.constant 0 : i32
      %dma_start3A_612 = tpu.memref_slice %arg9[%add3A_157, %dma_start3A_610, %dma_start3A_611] : memref<8x5x48xf32, #tpu.memory_space<hbm>> -> memref<1x5x48xf32, #tpu.memory_space<hbm>>
      %dma_start3A_613 = tpu.memref_squeeze %dma_start3A_612 : memref<1x5x48xf32, #tpu.memory_space<hbm>> -> memref<5x48xf32, #tpu.memory_space<hbm>>
      tpu.enqueue_dma source(%dma_start3A_613 : memref<5x48xf32, #tpu.memory_space<hbm>>) target(%arg22 : memref<5x48xf32, #tpu.memory_space<vmem>>) target_semaphore(%run_scoped3A : memref<!tpu.dma_semaphore, #tpu.memory_space<semaphore_mem>>)
      %dma_wait3A = arith.constant 0 : i32
      %dma_wait3A_614 = arith.constant 0 : i32
      %dma_wait3A_615 = tpu.memref_slice %arg9[%add3A_157, %dma_wait3A, %dma_wait3A_614] : memref<8x5x48xf32, #tpu.memory_space<hbm>> -> memref<1x5x48xf32, #tpu.memory_space<hbm>>
      %dma_wait3A_616 = tpu.memref_squeeze %dma_wait3A_615 : memref<1x5x48xf32, #tpu.memory_space<hbm>> -> memref<5x48xf32, #tpu.memory_space<hbm>>
      %dma_wait3A_617 = arith.constant 0 : i32
      %dma_wait3A_618 = arith.constant 0 : i32
      %dma_wait3A_619 = tpu.memref_slice %arg9[%add3A_157, %dma_wait3A_617, %dma_wait3A_618] : memref<8x5x48xf32, #tpu.memory_space<hbm>> -> memref<1x5x48xf32, #tpu.memory_space<hbm>>
      %dma_wait3A_620 = tpu.memref_squeeze %dma_wait3A_619 : memref<1x5x48xf32, #tpu.memory_space<hbm>> -> memref<5x48xf32, #tpu.memory_space<hbm>>
      tpu.wait_dma2 semaphore(%run_scoped3A : memref<!tpu.dma_semaphore, #tpu.memory_space<semaphore_mem>>) src(%dma_wait3A_620 : memref<5x48xf32, #tpu.memory_space<hbm>>) dst(%arg22 : memref<5x48xf32, #tpu.memory_space<vmem>>)
      tpu.yield
    }) : () -> ()
    "tpu.region"() ({
      %run_scoped3A = tpu.sem_alloc : memref<!tpu.dma_semaphore, #tpu.memory_space<semaphore_mem>>
      %dma_start3A = arith.constant 0 : i32
      %dma_start3A_607 = tpu.memref_slice %arg12[%mul3A_0, %dma_start3A] : memref<10000x64xf32, #tpu.memory_space<vmem_shared>> -> memref<625x64xf32, #tpu.memory_space<vmem_shared>>
      %dma_start3A_608 = arith.constant 0 : i32
      %dma_start3A_609 = tpu.memref_slice %arg12[%mul3A_0, %dma_start3A_608] : memref<10000x64xf32, #tpu.memory_space<vmem_shared>> -> memref<625x64xf32, #tpu.memory_space<vmem_shared>>
      tpu.enqueue_dma source(%arg13 : memref<625x64xf32, #tpu.memory_space<vmem>>) target(%dma_start3A_609 : memref<625x64xf32, #tpu.memory_space<vmem_shared>>) target_semaphore(%run_scoped3A : memref<!tpu.dma_semaphore, #tpu.memory_space<semaphore_mem>>)
      %dma_wait3A = arith.constant 0 : i32
      %dma_wait3A_610 = tpu.memref_slice %arg12[%mul3A_0, %dma_wait3A] : memref<10000x64xf32, #tpu.memory_space<vmem_shared>> -> memref<625x64xf32, #tpu.memory_space<vmem_shared>>
      %dma_wait3A_611 = arith.constant 0 : i32
      %dma_wait3A_612 = tpu.memref_slice %arg12[%mul3A_0, %dma_wait3A_611] : memref<10000x64xf32, #tpu.memory_space<vmem_shared>> -> memref<625x64xf32, #tpu.memory_space<vmem_shared>>
      tpu.wait_dma2 semaphore(%run_scoped3A : memref<!tpu.dma_semaphore, #tpu.memory_space<semaphore_mem>>) src(%arg13 : memref<625x64xf32, #tpu.memory_space<vmem>>) dst(%dma_wait3A_612 : memref<625x64xf32, #tpu.memory_space<vmem_shared>>)
      tpu.yield
    }) : () -> ()
    %barrier3A_158 = arith.constant 0 : index
    tpu.barrier barrier_id(%barrier3A_158)
    %get3A_159 = arith.constant 0 : i32
    %get3A_160 = arith.index_cast %get3A_159 : i32 to index
    %get3A_161 = arith.constant 0 : index
    %get3A_162 = tpu.vector_load %arg20[%get3A_160, %get3A_161] {strides = array<i32>} : memref<5x16xf32, #tpu.memory_space<vmem>>, vector<1x16xf32>,
    %get3A_163 = vector.shape_cast %get3A_162 : vector<1x16xf32> to vector<16xf32>
    %get3A_164 = arith.constant 1 : i32
    %get3A_165 = arith.index_cast %get3A_164 : i32 to index
    %get3A_166 = arith.constant 0 : index
    %get3A_167 = tpu.vector_load %arg20[%get3A_165, %get3A_166] {strides = array<i32>} : memref<5x16xf32, #tpu.memory_space<vmem>>, vector<1x16xf32>,
    %get3A_168 = vector.shape_cast %get3A_167 : vector<1x16xf32> to vector<16xf32>
    %get3A_169 = arith.constant 2 : i32
    %get3A_170 = arith.index_cast %get3A_169 : i32 to index
    %get3A_171 = arith.constant 0 : index
    %get3A_172 = tpu.vector_load %arg20[%get3A_170, %get3A_171] {strides = array<i32>} : memref<5x16xf32, #tpu.memory_space<vmem>>, vector<1x16xf32>,
    %get3A_173 = vector.shape_cast %get3A_172 : vector<1x16xf32> to vector<16xf32>
    %get3A_174 = arith.constant 3 : i32
    %get3A_175 = arith.index_cast %get3A_174 : i32 to index
    %get3A_176 = arith.constant 0 : index
    %get3A_177 = tpu.vector_load %arg20[%get3A_175, %get3A_176] {strides = array<i32>} : memref<5x16xf32, #tpu.memory_space<vmem>>, vector<1x16xf32>,
    %get3A_178 = vector.shape_cast %get3A_177 : vector<1x16xf32> to vector<16xf32>
    %get3A_179 = arith.constant 4 : i32
    %get3A_180 = arith.index_cast %get3A_179 : i32 to index
    %get3A_181 = arith.constant 0 : index
    %get3A_182 = tpu.vector_load %arg20[%get3A_180, %get3A_181] {strides = array<i32>} : memref<5x16xf32, #tpu.memory_space<vmem>>, vector<1x16xf32>,
    %get3A_183 = vector.shape_cast %get3A_182 : vector<1x16xf32> to vector<16xf32>
    %get3A_184 = arith.constant 0 : i32
    %get3A_185 = arith.index_cast %get3A_184 : i32 to index
    %get3A_186 = arith.constant 0 : index
    %get3A_187 = tpu.vector_load %arg21[%get3A_185, %get3A_186] {strides = array<i32>} : memref<5x16xf32, #tpu.memory_space<vmem>>, vector<1x16xf32>,
    %get3A_188 = vector.shape_cast %get3A_187 : vector<1x16xf32> to vector<16xf32>
    %get3A_189 = arith.constant 1 : i32
    %get3A_190 = arith.index_cast %get3A_189 : i32 to index
    %get3A_191 = arith.constant 0 : index
    %get3A_192 = tpu.vector_load %arg21[%get3A_190, %get3A_191] {strides = array<i32>} : memref<5x16xf32, #tpu.memory_space<vmem>>, vector<1x16xf32>,
    %get3A_193 = vector.shape_cast %get3A_192 : vector<1x16xf32> to vector<16xf32>
    %get3A_194 = arith.constant 2 : i32
    %get3A_195 = arith.index_cast %get3A_194 : i32 to index
    %get3A_196 = arith.constant 0 : index
    %get3A_197 = tpu.vector_load %arg21[%get3A_195, %get3A_196] {strides = array<i32>} : memref<5x16xf32, #tpu.memory_space<vmem>>, vector<1x16xf32>,
    %get3A_198 = vector.shape_cast %get3A_197 : vector<1x16xf32> to vector<16xf32>
    %get3A_199 = arith.constant 3 : i32
    %get3A_200 = arith.index_cast %get3A_199 : i32 to index
    %get3A_201 = arith.constant 0 : index
    %get3A_202 = tpu.vector_load %arg21[%get3A_200, %get3A_201] {strides = array<i32>} : memref<5x16xf32, #tpu.memory_space<vmem>>, vector<1x16xf32>,
    %get3A_203 = vector.shape_cast %get3A_202 : vector<1x16xf32> to vector<16xf32>
    %get3A_204 = arith.constant 4 : i32
    %get3A_205 = arith.index_cast %get3A_204 : i32 to index
    %get3A_206 = arith.constant 0 : index
    %get3A_207 = tpu.vector_load %arg21[%get3A_205, %get3A_206] {strides = array<i32>} : memref<5x16xf32, #tpu.memory_space<vmem>>, vector<1x16xf32>,
    %get3A_208 = vector.shape_cast %get3A_207 : vector<1x16xf32> to vector<16xf32>
    %scan3A_209 = arith.constant 0 : i32
    %scan3A_210 = arith.constant 0 : i32
    %scan3A_211 = arith.constant 125 : i32
    %scan3A_212 = arith.addi %scan3A_210, %scan3A_211 : i32
    %scan3A_213 = arith.constant 1 : i32
    scf.for %scan3A_607 = %scan3A_210 to %scan3A_212 step %scan3A_213  : i32 {
      %mul3A_608 = arith.constant 10000 : i32
      %mul3A_609 = arith.muli %arg1, %mul3A_608 : i32
      %mul3A_610 = arith.constant 80 : i32
      %mul3A_611 = arith.muli %scan3A_607, %mul3A_610 : i32
      %add3A_612 = arith.addi %mul3A_609, %mul3A_611 : i32
      "tpu.region"() ({
        %run_scoped3A = tpu.sem_alloc : memref<!tpu.dma_semaphore, #tpu.memory_space<semaphore_mem>>
        %dma_start3A_628 = tpu.memref_slice %arg5[%add3A_157, %add3A_612] : memref<8x160000xi32, #tpu.memory_space<hbm>> -> memref<1x80xi32, #tpu.memory_space<hbm>>
        %dma_start3A_629 = tpu.memref_squeeze %dma_start3A_628 : memref<1x80xi32, #tpu.memory_space<hbm>> -> memref<80xi32, #tpu.memory_space<hbm>>
        %dma_start3A_630 = tpu.memref_slice %arg5[%add3A_157, %add3A_612] : memref<8x160000xi32, #tpu.memory_space<hbm>> -> memref<1x80xi32, #tpu.memory_space<hbm>>
        %dma_start3A_631 = tpu.memref_squeeze %dma_start3A_630 : memref<1x80xi32, #tpu.memory_space<hbm>> -> memref<80xi32, #tpu.memory_space<hbm>>
        tpu.enqueue_dma source(%dma_start3A_631 : memref<80xi32, #tpu.memory_space<hbm>>) target(%arg15 : memref<80xi32, #tpu.memory_space<vmem>>) target_semaphore(%run_scoped3A : memref<!tpu.dma_semaphore, #tpu.memory_space<semaphore_mem>>)
        %dma_wait3A_632 = tpu.memref_slice %arg5[%add3A_157, %add3A_612] : memref<8x160000xi32, #tpu.memory_space<hbm>> -> memref<1x80xi32, #tpu.memory_space<hbm>>
        %dma_wait3A_633 = tpu.memref_squeeze %dma_wait3A_632 : memref<1x80xi32, #tpu.memory_space<hbm>> -> memref<80xi32, #tpu.memory_space<hbm>>
        %dma_wait3A_634 = tpu.memref_slice %arg5[%add3A_157, %add3A_612] : memref<8x160000xi32, #tpu.memory_space<hbm>> -> memref<1x80xi32, #tpu.memory_space<hbm>>
        %dma_wait3A_635 = tpu.memref_squeeze %dma_wait3A_634 : memref<1x80xi32, #tpu.memory_space<hbm>> -> memref<80xi32, #tpu.memory_space<hbm>>
        tpu.wait_dma2 semaphore(%run_scoped3A : memref<!tpu.dma_semaphore, #tpu.memory_space<semaphore_mem>>) src(%dma_wait3A_635 : memref<80xi32, #tpu.memory_space<hbm>>) dst(%arg15 : memref<80xi32, #tpu.memory_space<vmem>>)
        tpu.yield
      }) : () -> ()
      "tpu.region"() ({
        %run_scoped3A = tpu.sem_alloc : memref<!tpu.dma_semaphore, #tpu.memory_space<semaphore_mem>>
        %dma_start3A_628 = tpu.memref_slice %arg6[%add3A_612] : memref<160000xi32, #tpu.memory_space<hbm>> -> memref<80xi32, #tpu.memory_space<hbm>>
        %dma_start3A_629 = tpu.memref_slice %arg6[%add3A_612] : memref<160000xi32, #tpu.memory_space<hbm>> -> memref<80xi32, #tpu.memory_space<hbm>>
        tpu.enqueue_dma source(%dma_start3A_629 : memref<80xi32, #tpu.memory_space<hbm>>) target(%arg14 : memref<80xi32, #tpu.memory_space<vmem>>) target_semaphore(%run_scoped3A : memref<!tpu.dma_semaphore, #tpu.memory_space<semaphore_mem>>)
        %dma_wait3A_630 = tpu.memref_slice %arg6[%add3A_612] : memref<160000xi32, #tpu.memory_space<hbm>> -> memref<80xi32, #tpu.memory_space<hbm>>
        %dma_wait3A_631 = tpu.memref_slice %arg6[%add3A_612] : memref<160000xi32, #tpu.memory_space<hbm>> -> memref<80xi32, #tpu.memory_space<hbm>>
        tpu.wait_dma2 semaphore(%run_scoped3A : memref<!tpu.dma_semaphore, #tpu.memory_space<semaphore_mem>>) src(%dma_wait3A_631 : memref<80xi32, #tpu.memory_space<hbm>>) dst(%arg14 : memref<80xi32, #tpu.memory_space<vmem>>)
        tpu.yield
      }) : () -> ()
      %mul3A_613 = arith.constant 5000 : i32
      %mul3A_614 = arith.muli %arg1, %mul3A_613 : i32
      %mul3A_615 = arith.constant 40 : i32
      %mul3A_616 = arith.muli %scan3A_607, %mul3A_615 : i32
      %add3A_617 = arith.addi %mul3A_614, %mul3A_616 : i32
      "tpu.region"() ({
        %run_scoped3A = tpu.sem_alloc : memref<!tpu.dma_semaphore, #tpu.memory_space<semaphore_mem>>
        %dma_start3A_628 = arith.constant 0 : i32
        %dma_start3A_629 = tpu.memref_slice %arg4[%add3A_617, %dma_start3A_628] : memref<80000x16xf32, #tpu.memory_space<hbm>> -> memref<40x16xf32, #tpu.memory_space<hbm>>
        %dma_start3A_630 = arith.constant 0 : i32
        %dma_start3A_631 = tpu.memref_slice %arg4[%add3A_617, %dma_start3A_630] : memref<80000x16xf32, #tpu.memory_space<hbm>> -> memref<40x16xf32, #tpu.memory_space<hbm>>
        tpu.enqueue_dma source(%dma_start3A_631 : memref<40x16xf32, #tpu.memory_space<hbm>>) target(%arg16 : memref<40x16xf32, #tpu.memory_space<vmem>>) target_semaphore(%run_scoped3A : memref<!tpu.dma_semaphore, #tpu.memory_space<semaphore_mem>>)
        %dma_wait3A_632 = arith.constant 0 : i32
        %dma_wait3A_633 = tpu.memref_slice %arg4[%add3A_617, %dma_wait3A_632] : memref<80000x16xf32, #tpu.memory_space<hbm>> -> memref<40x16xf32, #tpu.memory_space<hbm>>
        %dma_wait3A_634 = arith.constant 0 : i32
        %dma_wait3A_635 = tpu.memref_slice %arg4[%add3A_617, %dma_wait3A_634] : memref<80000x16xf32, #tpu.memory_space<hbm>> -> memref<40x16xf32, #tpu.memory_space<hbm>>
        tpu.wait_dma2 semaphore(%run_scoped3A : memref<!tpu.dma_semaphore, #tpu.memory_space<semaphore_mem>>) src(%dma_wait3A_635 : memref<40x16xf32, #tpu.memory_space<hbm>>) dst(%arg16 : memref<40x16xf32, #tpu.memory_space<vmem>>)
        tpu.yield
      }) : () -> ()
      %dma_start3A = arith.constant 0 : i32
      %dma_start3A_618 = arith.constant 0 : i32
      %dma_start3A_619 = tpu.memref_slice %arg2[%dma_start3A, %dma_start3A_618] : memref<80000x16xf32, #tpu.memory_space<hbm>> -> memref<80000x16xf32, #tpu.memory_space<hbm>>
      tpu.enqueue_indirect_dma source(%dma_start3A_619 : memref<80000x16xf32, #tpu.memory_space<hbm>>) target(%arg17 : memref<80x16xf32, #tpu.memory_space<vmem>>) offsets(%arg15 : memref<80xi32, #tpu.memory_space<vmem>>) semaphore(%arg23 : memref<!tpu.dma_semaphore, #tpu.memory_space<semaphore_mem>>)
      %dma_wait3A = arith.constant 0 : i32
      %dma_wait3A_620 = arith.constant 0 : i32
      %dma_wait3A_621 = tpu.memref_slice %arg2[%dma_wait3A, %dma_wait3A_620] : memref<80000x16xf32, #tpu.memory_space<hbm>> -> memref<80000x16xf32, #tpu.memory_space<hbm>>
      tpu.wait_indirect_dma semaphore(%arg23 : memref<!tpu.dma_semaphore, #tpu.memory_space<semaphore_mem>>) src(%dma_wait3A_621 : memref<80000x16xf32, #tpu.memory_space<hbm>>) dst(%arg17 : memref<80x16xf32, #tpu.memory_space<vmem>>)
      %scan3A_622 = arith.constant 0 : i32
      %scan3A_623 = arith.constant 0 : i32
      %scan3A_624 = arith.constant 40 : i32
      %scan3A_625 = arith.addi %scan3A_623, %scan3A_624 : i32
      %scan3A_626 = arith.constant 2 : i32
      scf.for %scan3A_628 = %scan3A_623 to %scan3A_625 step %scan3A_626  : i32 {
        %get3A_629 = arith.index_cast %scan3A_628 : i32 to index
        %get3A_630 = arith.constant 0 : index
        %get3A_631 = tpu.vector_load %arg16[%get3A_629, %get3A_630] {strides = array<i32>} : memref<40x16xf32, #tpu.memory_space<vmem>>, vector<1x16xf32>,
        %get3A_632 = vector.shape_cast %get3A_631 : vector<1x16xf32> to vector<16xf32>
        %mul3A_633 = arith.constant 2 : i32
        %mul3A_634 = arith.muli %mul3A_633, %scan3A_628 : i32
        %add3A_635 = arith.constant 0 : i32
        %add3A_636 = arith.addi %mul3A_634, %add3A_635 : i32
        %slice3A = vector.extract_strided_slice %get3A_632 {offsets = [0], sizes = [1], strides = [1]} : vector<16xf32> to vector<1xf32>
        %squeeze3A = vector.extract %slice3A[0] : f32 from vector<1xf32>
        %slice3A_637 = vector.extract_strided_slice %get3A_632 {offsets = [1], sizes = [1], strides = [1]} : vector<16xf32> to vector<1xf32>
        %squeeze3A_638 = vector.extract %slice3A_637[0] : f32 from vector<1xf32>
        %slice3A_639 = vector.extract_strided_slice %get3A_632 {offsets = [2], sizes = [1], strides = [1]} : vector<16xf32> to vector<1xf32>
        %squeeze3A_640 = vector.extract %slice3A_639[0] : f32 from vector<1xf32>
        %slice3A_641 = vector.extract_strided_slice %get3A_632 {offsets = [3], sizes = [1], strides = [1]} : vector<16xf32> to vector<1xf32>
        %squeeze3A_642 = vector.extract %slice3A_641[0] : f32 from vector<1xf32>
        %slice3A_643 = vector.extract_strided_slice %get3A_632 {offsets = [4], sizes = [1], strides = [1]} : vector<16xf32> to vector<1xf32>
        %squeeze3A_644 = vector.extract %slice3A_643[0] : f32 from vector<1xf32>
        %mul3A_645 = vector.broadcast %squeeze3A : f32 to vector<16xf32>
        %mul3A_646 = arith.mulf %mul3A_645, %get3A_163 : vector<16xf32>
        %mul3A_647 = vector.broadcast %squeeze3A : f32 to vector<16xf32>
        %mul3A_648 = arith.mulf %mul3A_647, %get3A_188 : vector<16xf32>
        %mul3A_649 = vector.broadcast %squeeze3A_638 : f32 to vector<16xf32>
        %mul3A_650 = arith.mulf %mul3A_649, %get3A_168 : vector<16xf32>
        %add3A_651 = arith.addf %mul3A_646, %mul3A_650 : vector<16xf32>
        %mul3A_652 = vector.broadcast %squeeze3A_638 : f32 to vector<16xf32>
        %mul3A_653 = arith.mulf %mul3A_652, %get3A_193 : vector<16xf32>
        %add3A_654 = arith.addf %mul3A_648, %mul3A_653 : vector<16xf32>
        %mul3A_655 = vector.broadcast %squeeze3A_640 : f32 to vector<16xf32>
        %mul3A_656 = arith.mulf %mul3A_655, %get3A_173 : vector<16xf32>
        %add3A_657 = arith.addf %add3A_651, %mul3A_656 : vector<16xf32>
        %mul3A_658 = vector.broadcast %squeeze3A_640 : f32 to vector<16xf32>
        %mul3A_659 = arith.mulf %mul3A_658, %get3A_198 : vector<16xf32>
        %add3A_660 = arith.addf %add3A_654, %mul3A_659 : vector<16xf32>
        %mul3A_661 = vector.broadcast %squeeze3A_642 : f32 to vector<16xf32>
        %mul3A_662 = arith.mulf %mul3A_661, %get3A_178 : vector<16xf32>
        %add3A_663 = arith.addf %add3A_657, %mul3A_662 : vector<16xf32>
        %mul3A_664 = vector.broadcast %squeeze3A_642 : f32 to vector<16xf32>
        %mul3A_665 = arith.mulf %mul3A_664, %get3A_203 : vector<16xf32>
        %add3A_666 = arith.addf %add3A_660, %mul3A_665 : vector<16xf32>
        %mul3A_667 = vector.broadcast %squeeze3A_644 : f32 to vector<16xf32>
        %mul3A_668 = arith.mulf %mul3A_667, %get3A_183 : vector<16xf32>
        %add3A_669 = arith.addf %add3A_663, %mul3A_668 : vector<16xf32>
        %mul3A_670 = vector.broadcast %squeeze3A_644 : f32 to vector<16xf32>
        %mul3A_671 = arith.mulf %mul3A_670, %get3A_208 : vector<16xf32>
        %add3A_672 = arith.addf %add3A_666, %mul3A_671 : vector<16xf32>
        %get3A_673 = arith.index_cast %add3A_636 : i32 to index
        %get3A_674 = arith.constant 0 : index
        %get3A_675 = tpu.vector_load %arg17[%get3A_673, %get3A_674] {strides = array<i32>} : memref<80x16xf32, #tpu.memory_space<vmem>>, vector<1x16xf32>,
        %get3A_676 = vector.shape_cast %get3A_675 : vector<1x16xf32> to vector<16xf32>
        %mul3A_677 = arith.mulf %get3A_676, %add3A_669 : vector<16xf32>
        %swap3A = arith.index_cast %add3A_636 : i32 to index
        %swap3A_678 = arith.constant 0 : index
        %swap3A_679 = tpu.vector_load %arg19[%swap3A, %swap3A_678] {strides = array<i32>} : memref<80x64xf32, #tpu.memory_space<vmem>>, vector<1x16xf32>,
        %swap3A_680 = vector.shape_cast %swap3A_679 : vector<1x16xf32> to vector<16xf32>
        %swap3A_681 = vector.shape_cast %mul3A_677 : vector<16xf32> to vector<1x16xf32>
        tpu.vector_store %arg19[%swap3A, %swap3A_678], %swap3A_681 {strides = array<i32>} : memref<80x64xf32, #tpu.memory_space<vmem>>, vector<1x16xf32>,
        %mul3A_682 = arith.mulf %get3A_676, %add3A_672 : vector<16xf32>
        %slice3A_683 = vector.extract_strided_slice %get3A_632 {offsets = [5], sizes = [1], strides = [1]} : vector<16xf32> to vector<1xf32>
        %squeeze3A_684 = vector.extract %slice3A_683[0] : f32 from vector<1xf32>
        %mul3A_685 = vector.broadcast %squeeze3A_684 : f32 to vector<16xf32>
        %mul3A_686 = arith.mulf %mul3A_682, %mul3A_685 : vector<16xf32>
        %swap3A_687 = arith.index_cast %add3A_636 : i32 to index
        %swap3A_688 = arith.constant 16 : index
        %swap3A_689 = tpu.vector_load %arg19[%swap3A_687, %swap3A_688] {strides = array<i32>} : memref<80x64xf32, #tpu.memory_space<vmem>>, vector<1x16xf32>,
        %swap3A_690 = vector.shape_cast %swap3A_689 : vector<1x16xf32> to vector<16xf32>
        %swap3A_691 = vector.shape_cast %mul3A_686 : vector<16xf32> to vector<1x16xf32>
        tpu.vector_store %arg19[%swap3A_687, %swap3A_688], %swap3A_691 {strides = array<i32>} : memref<80x64xf32, #tpu.memory_space<vmem>>, vector<1x16xf32>,
        %slice3A_692 = vector.extract_strided_slice %get3A_632 {offsets = [6], sizes = [1], strides = [1]} : vector<16xf32> to vector<1xf32>
        %squeeze3A_693 = vector.extract %slice3A_692[0] : f32 from vector<1xf32>
        %mul3A_694 = vector.broadcast %squeeze3A_693 : f32 to vector<16xf32>
        %mul3A_695 = arith.mulf %mul3A_682, %mul3A_694 : vector<16xf32>
        %swap3A_696 = arith.index_cast %add3A_636 : i32 to index
        %swap3A_697 = arith.constant 32 : index
        %swap3A_698 = tpu.vector_load %arg19[%swap3A_696, %swap3A_697] {strides = array<i32>} : memref<80x64xf32, #tpu.memory_space<vmem>>, vector<1x16xf32>,
        %swap3A_699 = vector.shape_cast %swap3A_698 : vector<1x16xf32> to vector<16xf32>
        %swap3A_700 = vector.shape_cast %mul3A_695 : vector<16xf32> to vector<1x16xf32>
        tpu.vector_store %arg19[%swap3A_696, %swap3A_697], %swap3A_700 {strides = array<i32>} : memref<80x64xf32, #tpu.memory_space<vmem>>, vector<1x16xf32>,
        %slice3A_701 = vector.extract_strided_slice %get3A_632 {offsets = [7], sizes = [1], strides = [1]} : vector<16xf32> to vector<1xf32>
        %squeeze3A_702 = vector.extract %slice3A_701[0] : f32 from vector<1xf32>
        %mul3A_703 = vector.broadcast %squeeze3A_702 : f32 to vector<16xf32>
        %mul3A_704 = arith.mulf %mul3A_682, %mul3A_703 : vector<16xf32>
        %swap3A_705 = arith.index_cast %add3A_636 : i32 to index
        %swap3A_706 = arith.constant 48 : index
        %swap3A_707 = tpu.vector_load %arg19[%swap3A_705, %swap3A_706] {strides = array<i32>} : memref<80x64xf32, #tpu.memory_space<vmem>>, vector<1x16xf32>,
        %swap3A_708 = vector.shape_cast %swap3A_707 : vector<1x16xf32> to vector<16xf32>
        %swap3A_709 = vector.shape_cast %mul3A_704 : vector<16xf32> to vector<1x16xf32>
        tpu.vector_store %arg19[%swap3A_705, %swap3A_706], %swap3A_709 {strides = array<i32>} : memref<80x64xf32, #tpu.memory_space<vmem>>, vector<1x16xf32>,
        %mul3A_710 = arith.constant 2 : i32
        %mul3A_711 = arith.muli %mul3A_710, %scan3A_628 : i32
        %add3A_712 = arith.constant 1 : i32
        %add3A_713 = arith.addi %mul3A_711, %add3A_712 : i32
        %slice3A_714 = vector.extract_strided_slice %get3A_632 {offsets = [8], sizes = [1], strides = [1]} : vector<16xf32> to vector<1xf32>
        %squeeze3A_715 = vector.extract %slice3A_714[0] : f32 from vector<1xf32>
        %slice3A_716 = vector.extract_strided_slice %get3A_632 {offsets = [9], sizes = [1], strides = [1]} : vector<16xf32> to vector<1xf32>
        %squeeze3A_717 = vector.extract %slice3A_716[0] : f32 from vector<1xf32>
        %slice3A_718 = vector.extract_strided_slice %get3A_632 {offsets = [10], sizes = [1], strides = [1]} : vector<16xf32> to vector<1xf32>
        %squeeze3A_719 = vector.extract %slice3A_718[0] : f32 from vector<1xf32>
        %slice3A_720 = vector.extract_strided_slice %get3A_632 {offsets = [11], sizes = [1], strides = [1]} : vector<16xf32> to vector<1xf32>
        %squeeze3A_721 = vector.extract %slice3A_720[0] : f32 from vector<1xf32>
        %slice3A_722 = vector.extract_strided_slice %get3A_632 {offsets = [12], sizes = [1], strides = [1]} : vector<16xf32> to vector<1xf32>
        %squeeze3A_723 = vector.extract %slice3A_722[0] : f32 from vector<1xf32>
        %mul3A_724 = vector.broadcast %squeeze3A_715 : f32 to vector<16xf32>
        %mul3A_725 = arith.mulf %mul3A_724, %get3A_163 : vector<16xf32>
        %mul3A_726 = vector.broadcast %squeeze3A_715 : f32 to vector<16xf32>
        %mul3A_727 = arith.mulf %mul3A_726, %get3A_188 : vector<16xf32>
        %mul3A_728 = vector.broadcast %squeeze3A_717 : f32 to vector<16xf32>
        %mul3A_729 = arith.mulf %mul3A_728, %get3A_168 : vector<16xf32>
        %add3A_730 = arith.addf %mul3A_725, %mul3A_729 : vector<16xf32>
        %mul3A_731 = vector.broadcast %squeeze3A_717 : f32 to vector<16xf32>
        %mul3A_732 = arith.mulf %mul3A_731, %get3A_193 : vector<16xf32>
        %add3A_733 = arith.addf %mul3A_727, %mul3A_732 : vector<16xf32>
        %mul3A_734 = vector.broadcast %squeeze3A_719 : f32 to vector<16xf32>
        %mul3A_735 = arith.mulf %mul3A_734, %get3A_173 : vector<16xf32>
        %add3A_736 = arith.addf %add3A_730, %mul3A_735 : vector<16xf32>
        %mul3A_737 = vector.broadcast %squeeze3A_719 : f32 to vector<16xf32>
        %mul3A_738 = arith.mulf %mul3A_737, %get3A_198 : vector<16xf32>
        %add3A_739 = arith.addf %add3A_733, %mul3A_738 : vector<16xf32>
        %mul3A_740 = vector.broadcast %squeeze3A_721 : f32 to vector<16xf32>
        %mul3A_741 = arith.mulf %mul3A_740, %get3A_178 : vector<16xf32>
        %add3A_742 = arith.addf %add3A_736, %mul3A_741 : vector<16xf32>
        %mul3A_743 = vector.broadcast %squeeze3A_721 : f32 to vector<16xf32>
        %mul3A_744 = arith.mulf %mul3A_743, %get3A_203 : vector<16xf32>
        %add3A_745 = arith.addf %add3A_739, %mul3A_744 : vector<16xf32>
        %mul3A_746 = vector.broadcast %squeeze3A_723 : f32 to vector<16xf32>
        %mul3A_747 = arith.mulf %mul3A_746, %get3A_183 : vector<16xf32>
        %add3A_748 = arith.addf %add3A_742, %mul3A_747 : vector<16xf32>
        %mul3A_749 = vector.broadcast %squeeze3A_723 : f32 to vector<16xf32>
        %mul3A_750 = arith.mulf %mul3A_749, %get3A_208 : vector<16xf32>
        %add3A_751 = arith.addf %add3A_745, %mul3A_750 : vector<16xf32>
        %get3A_752 = arith.index_cast %add3A_713 : i32 to index
        %get3A_753 = arith.constant 0 : index
        %get3A_754 = tpu.vector_load %arg17[%get3A_752, %get3A_753] {strides = array<i32>} : memref<80x16xf32, #tpu.memory_space<vmem>>, vector<1x16xf32>,
        %get3A_755 = vector.shape_cast %get3A_754 : vector<1x16xf32> to vector<16xf32>
        %mul3A_756 = arith.mulf %get3A_755, %add3A_748 : vector<16xf32>
        %swap3A_757 = arith.index_cast %add3A_713 : i32 to index
        %swap3A_758 = arith.constant 0 : index
        %swap3A_759 = tpu.vector_load %arg19[%swap3A_757, %swap3A_758] {strides = array<i32>} : memref<80x64xf32, #tpu.memory_space<vmem>>, vector<1x16xf32>,
        %swap3A_760 = vector.shape_cast %swap3A_759 : vector<1x16xf32> to vector<16xf32>
        %swap3A_761 = vector.shape_cast %mul3A_756 : vector<16xf32> to vector<1x16xf32>
        tpu.vector_store %arg19[%swap3A_757, %swap3A_758], %swap3A_761 {strides = array<i32>} : memref<80x64xf32, #tpu.memory_space<vmem>>, vector<1x16xf32>,
        %mul3A_762 = arith.mulf %get3A_755, %add3A_751 : vector<16xf32>
        %slice3A_763 = vector.extract_strided_slice %get3A_632 {offsets = [13], sizes = [1], strides = [1]} : vector<16xf32> to vector<1xf32>
        %squeeze3A_764 = vector.extract %slice3A_763[0] : f32 from vector<1xf32>
        %mul3A_765 = vector.broadcast %squeeze3A_764 : f32 to vector<16xf32>
        %mul3A_766 = arith.mulf %mul3A_762, %mul3A_765 : vector<16xf32>
        %swap3A_767 = arith.index_cast %add3A_713 : i32 to index
        %swap3A_768 = arith.constant 16 : index
        %swap3A_769 = tpu.vector_load %arg19[%swap3A_767, %swap3A_768] {strides = array<i32>} : memref<80x64xf32, #tpu.memory_space<vmem>>, vector<1x16xf32>,
        %swap3A_770 = vector.shape_cast %swap3A_769 : vector<1x16xf32> to vector<16xf32>
        %swap3A_771 = vector.shape_cast %mul3A_766 : vector<16xf32> to vector<1x16xf32>
        tpu.vector_store %arg19[%swap3A_767, %swap3A_768], %swap3A_771 {strides = array<i32>} : memref<80x64xf32, #tpu.memory_space<vmem>>, vector<1x16xf32>,
        %slice3A_772 = vector.extract_strided_slice %get3A_632 {offsets = [14], sizes = [1], strides = [1]} : vector<16xf32> to vector<1xf32>
        %squeeze3A_773 = vector.extract %slice3A_772[0] : f32 from vector<1xf32>
        %mul3A_774 = vector.broadcast %squeeze3A_773 : f32 to vector<16xf32>
        %mul3A_775 = arith.mulf %mul3A_762, %mul3A_774 : vector<16xf32>
        %swap3A_776 = arith.index_cast %add3A_713 : i32 to index
        %swap3A_777 = arith.constant 32 : index
        %swap3A_778 = tpu.vector_load %arg19[%swap3A_776, %swap3A_777] {strides = array<i32>} : memref<80x64xf32, #tpu.memory_space<vmem>>, vector<1x16xf32>,
        %swap3A_779 = vector.shape_cast %swap3A_778 : vector<1x16xf32> to vector<16xf32>
        %swap3A_780 = vector.shape_cast %mul3A_775 : vector<16xf32> to vector<1x16xf32>
        tpu.vector_store %arg19[%swap3A_776, %swap3A_777], %swap3A_780 {strides = array<i32>} : memref<80x64xf32, #tpu.memory_space<vmem>>, vector<1x16xf32>,
        %slice3A_781 = vector.extract_strided_slice %get3A_632 {offsets = [15], sizes = [1], strides = [1]} : vector<16xf32> to vector<1xf32>
        %squeeze3A_782 = vector.extract %slice3A_781[0] : f32 from vector<1xf32>
        %mul3A_783 = vector.broadcast %squeeze3A_782 : f32 to vector<16xf32>
        %mul3A_784 = arith.mulf %mul3A_762, %mul3A_783 : vector<16xf32>
        %swap3A_785 = arith.index_cast %add3A_713 : i32 to index
        %swap3A_786 = arith.constant 48 : index
        %swap3A_787 = tpu.vector_load %arg19[%swap3A_785, %swap3A_786] {strides = array<i32>} : memref<80x64xf32, #tpu.memory_space<vmem>>, vector<1x16xf32>,
        %swap3A_788 = vector.shape_cast %swap3A_787 : vector<1x16xf32> to vector<16xf32>
        %swap3A_789 = vector.shape_cast %mul3A_784 : vector<16xf32> to vector<1x16xf32>
        tpu.vector_store %arg19[%swap3A_785, %swap3A_786], %swap3A_789 {strides = array<i32>} : memref<80x64xf32, #tpu.memory_space<vmem>>, vector<1x16xf32>,
        %scan3A_790 = arith.constant 1 : i32
        %scan3A_791 = arith.addi %scan3A_628, %scan3A_790 : i32
        %get3A_792 = arith.index_cast %scan3A_791 : i32 to index
        %get3A_793 = arith.constant 0 : index
        %get3A_794 = tpu.vector_load %arg16[%get3A_792, %get3A_793] {strides = array<i32>} : memref<40x16xf32, #tpu.memory_space<vmem>>, vector<1x16xf32>,
        %get3A_795 = vector.shape_cast %get3A_794 : vector<1x16xf32> to vector<16xf32>
        %mul3A_796 = arith.constant 2 : i32
        %mul3A_797 = arith.muli %mul3A_796, %scan3A_791 : i32
        %add3A_798 = arith.constant 0 : i32
        %add3A_799 = arith.addi %mul3A_797, %add3A_798 : i32
        %slice3A_800 = vector.extract_strided_slice %get3A_795 {offsets = [0], sizes = [1], strides = [1]} : vector<16xf32> to vector<1xf32>
        %squeeze3A_801 = vector.extract %slice3A_800[0] : f32 from vector<1xf32>
        %slice3A_802 = vector.extract_strided_slice %get3A_795 {offsets = [1], sizes = [1], strides = [1]} : vector<16xf32> to vector<1xf32>
        %squeeze3A_803 = vector.extract %slice3A_802[0] : f32 from vector<1xf32>
        %slice3A_804 = vector.extract_strided_slice %get3A_795 {offsets = [2], sizes = [1], strides = [1]} : vector<16xf32> to vector<1xf32>
        %squeeze3A_805 = vector.extract %slice3A_804[0] : f32 from vector<1xf32>
        %slice3A_806 = vector.extract_strided_slice %get3A_795 {offsets = [3], sizes = [1], strides = [1]} : vector<16xf32> to vector<1xf32>
        %squeeze3A_807 = vector.extract %slice3A_806[0] : f32 from vector<1xf32>
        %slice3A_808 = vector.extract_strided_slice %get3A_795 {offsets = [4], sizes = [1], strides = [1]} : vector<16xf32> to vector<1xf32>
        %squeeze3A_809 = vector.extract %slice3A_808[0] : f32 from vector<1xf32>
        %mul3A_810 = vector.broadcast %squeeze3A_801 : f32 to vector<16xf32>
        %mul3A_811 = arith.mulf %mul3A_810, %get3A_163 : vector<16xf32>
        %mul3A_812 = vector.broadcast %squeeze3A_801 : f32 to vector<16xf32>
        %mul3A_813 = arith.mulf %mul3A_812, %get3A_188 : vector<16xf32>
        %mul3A_814 = vector.broadcast %squeeze3A_803 : f32 to vector<16xf32>
        %mul3A_815 = arith.mulf %mul3A_814, %get3A_168 : vector<16xf32>
        %add3A_816 = arith.addf %mul3A_811, %mul3A_815 : vector<16xf32>
        %mul3A_817 = vector.broadcast %squeeze3A_803 : f32 to vector<16xf32>
        %mul3A_818 = arith.mulf %mul3A_817, %get3A_193 : vector<16xf32>
        %add3A_819 = arith.addf %mul3A_813, %mul3A_818 : vector<16xf32>
        %mul3A_820 = vector.broadcast %squeeze3A_805 : f32 to vector<16xf32>
        %mul3A_821 = arith.mulf %mul3A_820, %get3A_173 : vector<16xf32>
        %add3A_822 = arith.addf %add3A_816, %mul3A_821 : vector<16xf32>
        %mul3A_823 = vector.broadcast %squeeze3A_805 : f32 to vector<16xf32>
        %mul3A_824 = arith.mulf %mul3A_823, %get3A_198 : vector<16xf32>
        %add3A_825 = arith.addf %add3A_819, %mul3A_824 : vector<16xf32>
        %mul3A_826 = vector.broadcast %squeeze3A_807 : f32 to vector<16xf32>
        %mul3A_827 = arith.mulf %mul3A_826, %get3A_178 : vector<16xf32>
        %add3A_828 = arith.addf %add3A_822, %mul3A_827 : vector<16xf32>
        %mul3A_829 = vector.broadcast %squeeze3A_807 : f32 to vector<16xf32>
        %mul3A_830 = arith.mulf %mul3A_829, %get3A_203 : vector<16xf32>
        %add3A_831 = arith.addf %add3A_825, %mul3A_830 : vector<16xf32>
        %mul3A_832 = vector.broadcast %squeeze3A_809 : f32 to vector<16xf32>
        %mul3A_833 = arith.mulf %mul3A_832, %get3A_183 : vector<16xf32>
        %add3A_834 = arith.addf %add3A_828, %mul3A_833 : vector<16xf32>
        %mul3A_835 = vector.broadcast %squeeze3A_809 : f32 to vector<16xf32>
        %mul3A_836 = arith.mulf %mul3A_835, %get3A_208 : vector<16xf32>
        %add3A_837 = arith.addf %add3A_831, %mul3A_836 : vector<16xf32>
        %get3A_838 = arith.index_cast %add3A_799 : i32 to index
        %get3A_839 = arith.constant 0 : index
        %get3A_840 = tpu.vector_load %arg17[%get3A_838, %get3A_839] {strides = array<i32>} : memref<80x16xf32, #tpu.memory_space<vmem>>, vector<1x16xf32>,
        %get3A_841 = vector.shape_cast %get3A_840 : vector<1x16xf32> to vector<16xf32>
        %mul3A_842 = arith.mulf %get3A_841, %add3A_834 : vector<16xf32>
        %swap3A_843 = arith.index_cast %add3A_799 : i32 to index
        %swap3A_844 = arith.constant 0 : index
        %swap3A_845 = tpu.vector_load %arg19[%swap3A_843, %swap3A_844] {strides = array<i32>} : memref<80x64xf32, #tpu.memory_space<vmem>>, vector<1x16xf32>,
        %swap3A_846 = vector.shape_cast %swap3A_845 : vector<1x16xf32> to vector<16xf32>
        %swap3A_847 = vector.shape_cast %mul3A_842 : vector<16xf32> to vector<1x16xf32>
        tpu.vector_store %arg19[%swap3A_843, %swap3A_844], %swap3A_847 {strides = array<i32>} : memref<80x64xf32, #tpu.memory_space<vmem>>, vector<1x16xf32>,
        %mul3A_848 = arith.mulf %get3A_841, %add3A_837 : vector<16xf32>
        %slice3A_849 = vector.extract_strided_slice %get3A_795 {offsets = [5], sizes = [1], strides = [1]} : vector<16xf32> to vector<1xf32>
        %squeeze3A_850 = vector.extract %slice3A_849[0] : f32 from vector<1xf32>
        %mul3A_851 = vector.broadcast %squeeze3A_850 : f32 to vector<16xf32>
        %mul3A_852 = arith.mulf %mul3A_848, %mul3A_851 : vector<16xf32>
        %swap3A_853 = arith.index_cast %add3A_799 : i32 to index
        %swap3A_854 = arith.constant 16 : index
        %swap3A_855 = tpu.vector_load %arg19[%swap3A_853, %swap3A_854] {strides = array<i32>} : memref<80x64xf32, #tpu.memory_space<vmem>>, vector<1x16xf32>,
        %swap3A_856 = vector.shape_cast %swap3A_855 : vector<1x16xf32> to vector<16xf32>
        %swap3A_857 = vector.shape_cast %mul3A_852 : vector<16xf32> to vector<1x16xf32>
        tpu.vector_store %arg19[%swap3A_853, %swap3A_854], %swap3A_857 {strides = array<i32>} : memref<80x64xf32, #tpu.memory_space<vmem>>, vector<1x16xf32>,
        %slice3A_858 = vector.extract_strided_slice %get3A_795 {offsets = [6], sizes = [1], strides = [1]} : vector<16xf32> to vector<1xf32>
        %squeeze3A_859 = vector.extract %slice3A_858[0] : f32 from vector<1xf32>
        %mul3A_860 = vector.broadcast %squeeze3A_859 : f32 to vector<16xf32>
        %mul3A_861 = arith.mulf %mul3A_848, %mul3A_860 : vector<16xf32>
        %swap3A_862 = arith.index_cast %add3A_799 : i32 to index
        %swap3A_863 = arith.constant 32 : index
        %swap3A_864 = tpu.vector_load %arg19[%swap3A_862, %swap3A_863] {strides = array<i32>} : memref<80x64xf32, #tpu.memory_space<vmem>>, vector<1x16xf32>,
        %swap3A_865 = vector.shape_cast %swap3A_864 : vector<1x16xf32> to vector<16xf32>
        %swap3A_866 = vector.shape_cast %mul3A_861 : vector<16xf32> to vector<1x16xf32>
        tpu.vector_store %arg19[%swap3A_862, %swap3A_863], %swap3A_866 {strides = array<i32>} : memref<80x64xf32, #tpu.memory_space<vmem>>, vector<1x16xf32>,
        %slice3A_867 = vector.extract_strided_slice %get3A_795 {offsets = [7], sizes = [1], strides = [1]} : vector<16xf32> to vector<1xf32>
        %squeeze3A_868 = vector.extract %slice3A_867[0] : f32 from vector<1xf32>
        %mul3A_869 = vector.broadcast %squeeze3A_868 : f32 to vector<16xf32>
        %mul3A_870 = arith.mulf %mul3A_848, %mul3A_869 : vector<16xf32>
        %swap3A_871 = arith.index_cast %add3A_799 : i32 to index
        %swap3A_872 = arith.constant 48 : index
        %swap3A_873 = tpu.vector_load %arg19[%swap3A_871, %swap3A_872] {strides = array<i32>} : memref<80x64xf32, #tpu.memory_space<vmem>>, vector<1x16xf32>,
        %swap3A_874 = vector.shape_cast %swap3A_873 : vector<1x16xf32> to vector<16xf32>
        %swap3A_875 = vector.shape_cast %mul3A_870 : vector<16xf32> to vector<1x16xf32>
        tpu.vector_store %arg19[%swap3A_871, %swap3A_872], %swap3A_875 {strides = array<i32>} : memref<80x64xf32, #tpu.memory_space<vmem>>, vector<1x16xf32>,
        %mul3A_876 = arith.constant 2 : i32
        %mul3A_877 = arith.muli %mul3A_876, %scan3A_791 : i32
        %add3A_878 = arith.constant 1 : i32
        %add3A_879 = arith.addi %mul3A_877, %add3A_878 : i32
        %slice3A_880 = vector.extract_strided_slice %get3A_795 {offsets = [8], sizes = [1], strides = [1]} : vector<16xf32> to vector<1xf32>
        %squeeze3A_881 = vector.extract %slice3A_880[0] : f32 from vector<1xf32>
        %slice3A_882 = vector.extract_strided_slice %get3A_795 {offsets = [9], sizes = [1], strides = [1]} : vector<16xf32> to vector<1xf32>
        %squeeze3A_883 = vector.extract %slice3A_882[0] : f32 from vector<1xf32>
        %slice3A_884 = vector.extract_strided_slice %get3A_795 {offsets = [10], sizes = [1], strides = [1]} : vector<16xf32> to vector<1xf32>
        %squeeze3A_885 = vector.extract %slice3A_884[0] : f32 from vector<1xf32>
        %slice3A_886 = vector.extract_strided_slice %get3A_795 {offsets = [11], sizes = [1], strides = [1]} : vector<16xf32> to vector<1xf32>
        %squeeze3A_887 = vector.extract %slice3A_886[0] : f32 from vector<1xf32>
        %slice3A_888 = vector.extract_strided_slice %get3A_795 {offsets = [12], sizes = [1], strides = [1]} : vector<16xf32> to vector<1xf32>
        %squeeze3A_889 = vector.extract %slice3A_888[0] : f32 from vector<1xf32>
        %mul3A_890 = vector.broadcast %squeeze3A_881 : f32 to vector<16xf32>
        %mul3A_891 = arith.mulf %mul3A_890, %get3A_163 : vector<16xf32>
        %mul3A_892 = vector.broadcast %squeeze3A_881 : f32 to vector<16xf32>
        %mul3A_893 = arith.mulf %mul3A_892, %get3A_188 : vector<16xf32>
        %mul3A_894 = vector.broadcast %squeeze3A_883 : f32 to vector<16xf32>
        %mul3A_895 = arith.mulf %mul3A_894, %get3A_168 : vector<16xf32>
        %add3A_896 = arith.addf %mul3A_891, %mul3A_895 : vector<16xf32>
        %mul3A_897 = vector.broadcast %squeeze3A_883 : f32 to vector<16xf32>
        %mul3A_898 = arith.mulf %mul3A_897, %get3A_193 : vector<16xf32>
        %add3A_899 = arith.addf %mul3A_893, %mul3A_898 : vector<16xf32>
        %mul3A_900 = vector.broadcast %squeeze3A_885 : f32 to vector<16xf32>
        %mul3A_901 = arith.mulf %mul3A_900, %get3A_173 : vector<16xf32>
        %add3A_902 = arith.addf %add3A_896, %mul3A_901 : vector<16xf32>
        %mul3A_903 = vector.broadcast %squeeze3A_885 : f32 to vector<16xf32>
        %mul3A_904 = arith.mulf %mul3A_903, %get3A_198 : vector<16xf32>
        %add3A_905 = arith.addf %add3A_899, %mul3A_904 : vector<16xf32>
        %mul3A_906 = vector.broadcast %squeeze3A_887 : f32 to vector<16xf32>
        %mul3A_907 = arith.mulf %mul3A_906, %get3A_178 : vector<16xf32>
        %add3A_908 = arith.addf %add3A_902, %mul3A_907 : vector<16xf32>
        %mul3A_909 = vector.broadcast %squeeze3A_887 : f32 to vector<16xf32>
        %mul3A_910 = arith.mulf %mul3A_909, %get3A_203 : vector<16xf32>
        %add3A_911 = arith.addf %add3A_905, %mul3A_910 : vector<16xf32>
        %mul3A_912 = vector.broadcast %squeeze3A_889 : f32 to vector<16xf32>
        %mul3A_913 = arith.mulf %mul3A_912, %get3A_183 : vector<16xf32>
        %add3A_914 = arith.addf %add3A_908, %mul3A_913 : vector<16xf32>
        %mul3A_915 = vector.broadcast %squeeze3A_889 : f32 to vector<16xf32>
        %mul3A_916 = arith.mulf %mul3A_915, %get3A_208 : vector<16xf32>
        %add3A_917 = arith.addf %add3A_911, %mul3A_916 : vector<16xf32>
        %get3A_918 = arith.index_cast %add3A_879 : i32 to index
        %get3A_919 = arith.constant 0 : index
        %get3A_920 = tpu.vector_load %arg17[%get3A_918, %get3A_919] {strides = array<i32>} : memref<80x16xf32, #tpu.memory_space<vmem>>, vector<1x16xf32>,
        %get3A_921 = vector.shape_cast %get3A_920 : vector<1x16xf32> to vector<16xf32>
        %mul3A_922 = arith.mulf %get3A_921, %add3A_914 : vector<16xf32>
        %swap3A_923 = arith.index_cast %add3A_879 : i32 to index
        %swap3A_924 = arith.constant 0 : index
        %swap3A_925 = tpu.vector_load %arg19[%swap3A_923, %swap3A_924] {strides = array<i32>} : memref<80x64xf32, #tpu.memory_space<vmem>>, vector<1x16xf32>,
        %swap3A_926 = vector.shape_cast %swap3A_925 : vector<1x16xf32> to vector<16xf32>
        %swap3A_927 = vector.shape_cast %mul3A_922 : vector<16xf32> to vector<1x16xf32>
        tpu.vector_store %arg19[%swap3A_923, %swap3A_924], %swap3A_927 {strides = array<i32>} : memref<80x64xf32, #tpu.memory_space<vmem>>, vector<1x16xf32>,
        %mul3A_928 = arith.mulf %get3A_921, %add3A_917 : vector<16xf32>
        %slice3A_929 = vector.extract_strided_slice %get3A_795 {offsets = [13], sizes = [1], strides = [1]} : vector<16xf32> to vector<1xf32>
        %squeeze3A_930 = vector.extract %slice3A_929[0] : f32 from vector<1xf32>
        %mul3A_931 = vector.broadcast %squeeze3A_930 : f32 to vector<16xf32>
        %mul3A_932 = arith.mulf %mul3A_928, %mul3A_931 : vector<16xf32>
        %swap3A_933 = arith.index_cast %add3A_879 : i32 to index
        %swap3A_934 = arith.constant 16 : index
        %swap3A_935 = tpu.vector_load %arg19[%swap3A_933, %swap3A_934] {strides = array<i32>} : memref<80x64xf32, #tpu.memory_space<vmem>>, vector<1x16xf32>,
        %swap3A_936 = vector.shape_cast %swap3A_935 : vector<1x16xf32> to vector<16xf32>
        %swap3A_937 = vector.shape_cast %mul3A_932 : vector<16xf32> to vector<1x16xf32>
        tpu.vector_store %arg19[%swap3A_933, %swap3A_934], %swap3A_937 {strides = array<i32>} : memref<80x64xf32, #tpu.memory_space<vmem>>, vector<1x16xf32>,
        %slice3A_938 = vector.extract_strided_slice %get3A_795 {offsets = [14], sizes = [1], strides = [1]} : vector<16xf32> to vector<1xf32>
        %squeeze3A_939 = vector.extract %slice3A_938[0] : f32 from vector<1xf32>
        %mul3A_940 = vector.broadcast %squeeze3A_939 : f32 to vector<16xf32>
        %mul3A_941 = arith.mulf %mul3A_928, %mul3A_940 : vector<16xf32>
        %swap3A_942 = arith.index_cast %add3A_879 : i32 to index
        %swap3A_943 = arith.constant 32 : index
        %swap3A_944 = tpu.vector_load %arg19[%swap3A_942, %swap3A_943] {strides = array<i32>} : memref<80x64xf32, #tpu.memory_space<vmem>>, vector<1x16xf32>,
        %swap3A_945 = vector.shape_cast %swap3A_944 : vector<1x16xf32> to vector<16xf32>
        %swap3A_946 = vector.shape_cast %mul3A_941 : vector<16xf32> to vector<1x16xf32>
        tpu.vector_store %arg19[%swap3A_942, %swap3A_943], %swap3A_946 {strides = array<i32>} : memref<80x64xf32, #tpu.memory_space<vmem>>, vector<1x16xf32>,
        %slice3A_947 = vector.extract_strided_slice %get3A_795 {offsets = [15], sizes = [1], strides = [1]} : vector<16xf32> to vector<1xf32>
        %squeeze3A_948 = vector.extract %slice3A_947[0] : f32 from vector<1xf32>
        %mul3A_949 = vector.broadcast %squeeze3A_948 : f32 to vector<16xf32>
        %mul3A_950 = arith.mulf %mul3A_928, %mul3A_949 : vector<16xf32>
        %swap3A_951 = arith.index_cast %add3A_879 : i32 to index
        %swap3A_952 = arith.constant 48 : index
        %swap3A_953 = tpu.vector_load %arg19[%swap3A_951, %swap3A_952] {strides = array<i32>} : memref<80x64xf32, #tpu.memory_space<vmem>>, vector<1x16xf32>,
        %swap3A_954 = vector.shape_cast %swap3A_953 : vector<1x16xf32> to vector<16xf32>
        %swap3A_955 = vector.shape_cast %mul3A_950 : vector<16xf32> to vector<1x16xf32>
        tpu.vector_store %arg19[%swap3A_951, %swap3A_952], %swap3A_955 {strides = array<i32>} : memref<80x64xf32, #tpu.memory_space<vmem>>, vector<1x16xf32>,
      }
      %scan3A_627 = arith.constant 40 : i32
      "tpu.region"() ({
        %run_scoped3A = tpu.sem_alloc : memref<!tpu.dma_semaphore, #tpu.memory_space<semaphore_mem>>
        %dma_start3A_628 = arith.constant 0 : i32
        %dma_start3A_629 = arith.constant 0 : i32
        %dma_start3A_630 = tpu.memref_slice %arg12[%dma_start3A_628, %dma_start3A_629] : memref<10000x64xf32, #tpu.memory_space<vmem_shared>> -> memref<10000x64xf32, #tpu.memory_space<vmem_shared>>
        tpu.enqueue_indirect_dma source(%arg19 : memref<80x64xf32, #tpu.memory_space<vmem>>) target(%dma_start3A_630 : memref<10000x64xf32, #tpu.memory_space<vmem_shared>>) offsets(%arg14 : memref<80xi32, #tpu.memory_space<vmem>>) semaphore(%run_scoped3A : memref<!tpu.dma_semaphore, #tpu.memory_space<semaphore_mem>>) {add = true}
        %dma_wait3A_631 = arith.constant 0 : i32
        %dma_wait3A_632 = arith.constant 0 : i32
        %dma_wait3A_633 = tpu.memref_slice %arg12[%dma_wait3A_631, %dma_wait3A_632] : memref<10000x64xf32, #tpu.memory_space<vmem_shared>> -> memref<10000x64xf32, #tpu.memory_space<vmem_shared>>
        tpu.wait_indirect_dma semaphore(%run_scoped3A : memref<!tpu.dma_semaphore, #tpu.memory_space<semaphore_mem>>) src(%arg19 : memref<80x64xf32, #tpu.memory_space<vmem>>) dst(%dma_wait3A_633 : memref<10000x64xf32, #tpu.memory_space<vmem_shared>>)
        tpu.yield
      }) : () -> ()
    }
    %scan3A_214 = arith.constant 125 : i32
    %barrier3A_215 = arith.constant 0 : index
    tpu.barrier barrier_id(%barrier3A_215)
    "tpu.region"() ({
      %run_scoped3A = tpu.sem_alloc : memref<!tpu.dma_semaphore, #tpu.memory_space<semaphore_mem>>
      %dma_start3A = arith.constant 0 : i32
      %dma_start3A_607 = tpu.memref_slice %arg10[%add3A_157, %mul3A_0, %dma_start3A] : memref<8x10000x64xf32, #tpu.memory_space<hbm>> -> memref<1x625x64xf32, #tpu.memory_space<hbm>>
      %dma_start3A_608 = tpu.memref_squeeze %dma_start3A_607 : memref<1x625x64xf32, #tpu.memory_space<hbm>> -> memref<625x64xf32, #tpu.memory_space<hbm>>
      %dma_start3A_609 = arith.constant 0 : i32
      %dma_start3A_610 = tpu.memref_slice %arg12[%mul3A_0, %dma_start3A_609] : memref<10000x64xf32, #tpu.memory_space<vmem_shared>> -> memref<625x64xf32, #tpu.memory_space<vmem_shared>>
      tpu.enqueue_dma source(%dma_start3A_610 : memref<625x64xf32, #tpu.memory_space<vmem_shared>>) target(%dma_start3A_608 : memref<625x64xf32, #tpu.memory_space<hbm>>) target_semaphore(%run_scoped3A : memref<!tpu.dma_semaphore, #tpu.memory_space<semaphore_mem>>)
      %dma_wait3A = arith.constant 0 : i32
      %dma_wait3A_611 = tpu.memref_slice %arg10[%add3A_157, %mul3A_0, %dma_wait3A] : memref<8x10000x64xf32, #tpu.memory_space<hbm>> -> memref<1x625x64xf32, #tpu.memory_space<hbm>>
      %dma_wait3A_612 = tpu.memref_squeeze %dma_wait3A_611 : memref<1x625x64xf32, #tpu.memory_space<hbm>> -> memref<625x64xf32, #tpu.memory_space<hbm>>
      %dma_wait3A_613 = arith.constant 0 : i32
      %dma_wait3A_614 = tpu.memref_slice %arg12[%mul3A_0, %dma_wait3A_613] : memref<10000x64xf32, #tpu.memory_space<vmem_shared>> -> memref<625x64xf32, #tpu.memory_space<vmem_shared>>
      tpu.wait_dma2 semaphore(%run_scoped3A : memref<!tpu.dma_semaphore, #tpu.memory_space<semaphore_mem>>) src(%dma_wait3A_614 : memref<625x64xf32, #tpu.memory_space<vmem_shared>>) dst(%dma_wait3A_612 : memref<625x64xf32, #tpu.memory_space<hbm>>)
      tpu.yield
    }) : () -> ()
    "tpu.region"() ({
      %run_scoped3A = tpu.sem_alloc : memref<!tpu.dma_semaphore, #tpu.memory_space<semaphore_mem>>
      %dma_start3A = arith.constant 0 : i32
      %dma_start3A_607 = tpu.memref_slice %arg12[%mul3A_0, %dma_start3A] : memref<10000x64xf32, #tpu.memory_space<vmem_shared>> -> memref<625x64xf32, #tpu.memory_space<vmem_shared>>
      %dma_start3A_608 = arith.constant 0 : i32
      %dma_start3A_609 = tpu.memref_slice %arg12[%mul3A_0, %dma_start3A_608] : memref<10000x64xf32, #tpu.memory_space<vmem_shared>> -> memref<625x64xf32, #tpu.memory_space<vmem_shared>>
      tpu.enqueue_dma source(%arg13 : memref<625x64xf32, #tpu.memory_space<vmem>>) target(%dma_start3A_609 : memref<625x64xf32, #tpu.memory_space<vmem_shared>>) target_semaphore(%run_scoped3A : memref<!tpu.dma_semaphore, #tpu.memory_space<semaphore_mem>>)
      %dma_wait3A = arith.constant 0 : i32
      %dma_wait3A_610 = tpu.memref_slice %arg12[%mul3A_0, %dma_wait3A] : memref<10000x64xf32, #tpu.memory_space<vmem_shared>> -> memref<625x64xf32, #tpu.memory_space<vmem_shared>>
      %dma_wait3A_611 = arith.constant 0 : i32
      %dma_wait3A_612 = tpu.memref_slice %arg12[%mul3A_0, %dma_wait3A_611] : memref<10000x64xf32, #tpu.memory_space<vmem_shared>> -> memref<625x64xf32, #tpu.memory_space<vmem_shared>>
      tpu.wait_dma2 semaphore(%run_scoped3A : memref<!tpu.dma_semaphore, #tpu.memory_space<semaphore_mem>>) src(%arg13 : memref<625x64xf32, #tpu.memory_space<vmem>>) dst(%dma_wait3A_612 : memref<625x64xf32, #tpu.memory_space<vmem_shared>>)
      tpu.yield
    }) : () -> ()
    %scan3A_216 = arith.constant 0 : i32
    %scan3A_217 = arith.constant 0 : i32
    %scan3A_218 = arith.constant 80 : i32
    %scan3A_219 = arith.addi %scan3A_217, %scan3A_218 : i32
    %scan3A_220 = arith.constant 1 : i32
    scf.for %scan3A_607 = %scan3A_217 to %scan3A_219 step %scan3A_220  : i32 {
      %broadcast_in_dim3A = arith.constant 0.000000e+00 : f32
      %broadcast_in_dim3A_608 = vector.broadcast %broadcast_in_dim3A : f32 to vector<16xf32>
      %swap3A = arith.index_cast %scan3A_607 : i32 to index
      %swap3A_609 = arith.constant 48 : index
      %swap3A_610 = tpu.vector_load %arg19[%swap3A, %swap3A_609] {strides = array<i32>} : memref<80x64xf32, #tpu.memory_space<vmem>>, vector<1x16xf32>,
      %swap3A_611 = vector.shape_cast %swap3A_610 : vector<1x16xf32> to vector<16xf32>
      %swap3A_612 = vector.shape_cast %broadcast_in_dim3A_608 : vector<16xf32> to vector<1x16xf32>
      tpu.vector_store %arg19[%swap3A, %swap3A_609], %swap3A_612 {strides = array<i32>} : memref<80x64xf32, #tpu.memory_space<vmem>>, vector<1x16xf32>,
    }
    %scan3A_221 = arith.constant 80 : i32
    %barrier3A_222 = arith.constant 0 : index
    tpu.barrier barrier_id(%barrier3A_222)
    %get3A_223 = arith.constant 0 : i32
    %get3A_224 = arith.index_cast %get3A_223 : i32 to index
    %get3A_225 = arith.constant 0 : index
    %get3A_226 = tpu.vector_load %arg22[%get3A_224, %get3A_225] {strides = array<i32>} : memref<5x48xf32, #tpu.memory_space<vmem>>, vector<1x16xf32>,
    %get3A_227 = vector.shape_cast %get3A_226 : vector<1x16xf32> to vector<16xf32>
    %get3A_228 = arith.constant 0 : i32
    %get3A_229 = arith.index_cast %get3A_228 : i32 to index
    %get3A_230 = arith.constant 16 : index
    %get3A_231 = tpu.vector_load %arg22[%get3A_229, %get3A_230] {strides = array<i32>} : memref<5x48xf32, #tpu.memory_space<vmem>>, vector<1x16xf32>,
    %get3A_232 = vector.shape_cast %get3A_231 : vector<1x16xf32> to vector<16xf32>
    %get3A_233 = arith.constant 0 : i32
    %get3A_234 = arith.index_cast %get3A_233 : i32 to index
    %get3A_235 = arith.constant 32 : index
    %get3A_236 = tpu.vector_load %arg22[%get3A_234, %get3A_235] {strides = array<i32>} : memref<5x48xf32, #tpu.memory_space<vmem>>, vector<1x16xf32>,
    %get3A_237 = vector.shape_cast %get3A_236 : vector<1x16xf32> to vector<16xf32>
    %get3A_238 = arith.constant 1 : i32
    %get3A_239 = arith.index_cast %get3A_238 : i32 to index
    %get3A_240 = arith.constant 0 : index
    %get3A_241 = tpu.vector_load %arg22[%get3A_239, %get3A_240] {strides = array<i32>} : memref<5x48xf32, #tpu.memory_space<vmem>>, vector<1x16xf32>,
    %get3A_242 = vector.shape_cast %get3A_241 : vector<1x16xf32> to vector<16xf32>
    %get3A_243 = arith.constant 1 : i32
    %get3A_244 = arith.index_cast %get3A_243 : i32 to index
    %get3A_245 = arith.constant 16 : index
    %get3A_246 = tpu.vector_load %arg22[%get3A_244, %get3A_245] {strides = array<i32>} : memref<5x48xf32, #tpu.memory_space<vmem>>, vector<1x16xf32>,
    %get3A_247 = vector.shape_cast %get3A_246 : vector<1x16xf32> to vector<16xf32>
    %get3A_248 = arith.constant 1 : i32
    %get3A_249 = arith.index_cast %get3A_248 : i32 to index
    %get3A_250 = arith.constant 32 : index
    %get3A_251 = tpu.vector_load %arg22[%get3A_249, %get3A_250] {strides = array<i32>} : memref<5x48xf32, #tpu.memory_space<vmem>>, vector<1x16xf32>,
    %get3A_252 = vector.shape_cast %get3A_251 : vector<1x16xf32> to vector<16xf32>
    %get3A_253 = arith.constant 2 : i32
    %get3A_254 = arith.index_cast %get3A_253 : i32 to index
    %get3A_255 = arith.constant 0 : index
    %get3A_256 = tpu.vector_load %arg22[%get3A_254, %get3A_255] {strides = array<i32>} : memref<5x48xf32, #tpu.memory_space<vmem>>, vector<1x16xf32>,
    %get3A_257 = vector.shape_cast %get3A_256 : vector<1x16xf32> to vector<16xf32>
    %get3A_258 = arith.constant 2 : i32
    %get3A_259 = arith.index_cast %get3A_258 : i32 to index
    %get3A_260 = arith.constant 16 : index
    %get3A_261 = tpu.vector_load %arg22[%get3A_259, %get3A_260] {strides = array<i32>} : memref<5x48xf32, #tpu.memory_space<vmem>>, vector<1x16xf32>,
    %get3A_262 = vector.shape_cast %get3A_261 : vector<1x16xf32> to vector<16xf32>
    %get3A_263 = arith.constant 2 : i32
    %get3A_264 = arith.index_cast %get3A_263 : i32 to index
    %get3A_265 = arith.constant 32 : index
    %get3A_266 = tpu.vector_load %arg22[%get3A_264, %get3A_265] {strides = array<i32>} : memref<5x48xf32, #tpu.memory_space<vmem>>, vector<1x16xf32>,
    %get3A_267 = vector.shape_cast %get3A_266 : vector<1x16xf32> to vector<16xf32>
    %get3A_268 = arith.constant 3 : i32
    %get3A_269 = arith.index_cast %get3A_268 : i32 to index
    %get3A_270 = arith.constant 0 : index
    %get3A_271 = tpu.vector_load %arg22[%get3A_269, %get3A_270] {strides = array<i32>} : memref<5x48xf32, #tpu.memory_space<vmem>>, vector<1x16xf32>,
    %get3A_272 = vector.shape_cast %get3A_271 : vector<1x16xf32> to vector<16xf32>
    %get3A_273 = arith.constant 3 : i32
    %get3A_274 = arith.index_cast %get3A_273 : i32 to index
    %get3A_275 = arith.constant 16 : index
    %get3A_276 = tpu.vector_load %arg22[%get3A_274, %get3A_275] {strides = array<i32>} : memref<5x48xf32, #tpu.memory_space<vmem>>, vector<1x16xf32>,
    %get3A_277 = vector.shape_cast %get3A_276 : vector<1x16xf32> to vector<16xf32>
    %get3A_278 = arith.constant 3 : i32
    %get3A_279 = arith.index_cast %get3A_278 : i32 to index
    %get3A_280 = arith.constant 32 : index
    %get3A_281 = tpu.vector_load %arg22[%get3A_279, %get3A_280] {strides = array<i32>} : memref<5x48xf32, #tpu.memory_space<vmem>>, vector<1x16xf32>,
    %get3A_282 = vector.shape_cast %get3A_281 : vector<1x16xf32> to vector<16xf32>
    %get3A_283 = arith.constant 4 : i32
    %get3A_284 = arith.index_cast %get3A_283 : i32 to index
    %get3A_285 = arith.constant 0 : index
    %get3A_286 = tpu.vector_load %arg22[%get3A_284, %get3A_285] {strides = array<i32>} : memref<5x48xf32, #tpu.memory_space<vmem>>, vector<1x16xf32>,
    %get3A_287 = vector.shape_cast %get3A_286 : vector<1x16xf32> to vector<16xf32>
    %get3A_288 = arith.constant 4 : i32
    %get3A_289 = arith.index_cast %get3A_288 : i32 to index
    %get3A_290 = arith.constant 16 : index
    %get3A_291 = tpu.vector_load %arg22[%get3A_289, %get3A_290] {strides = array<i32>} : memref<5x48xf32, #tpu.memory_space<vmem>>, vector<1x16xf32>,
    %get3A_292 = vector.shape_cast %get3A_291 : vector<1x16xf32> to vector<16xf32>
    %get3A_293 = arith.constant 4 : i32
    %get3A_294 = arith.index_cast %get3A_293 : i32 to index
    %get3A_295 = arith.constant 32 : index
    %get3A_296 = tpu.vector_load %arg22[%get3A_294, %get3A_295] {strides = array<i32>} : memref<5x48xf32, #tpu.memory_space<vmem>>, vector<1x16xf32>,
    %get3A_297 = vector.shape_cast %get3A_296 : vector<1x16xf32> to vector<16xf32>
    %scan3A_298 = arith.constant 0 : i32
    %scan3A_299 = arith.constant 0 : i32
    %scan3A_300 = arith.constant 125 : i32
    %scan3A_301 = arith.addi %scan3A_299, %scan3A_300 : i32
    %scan3A_302 = arith.constant 1 : i32
    scf.for %scan3A_607 = %scan3A_299 to %scan3A_301 step %scan3A_302  : i32 {
      %mul3A_608 = arith.constant 10000 : i32
      %mul3A_609 = arith.muli %arg1, %mul3A_608 : i32
      %mul3A_610 = arith.constant 80 : i32
      %mul3A_611 = arith.muli %scan3A_607, %mul3A_610 : i32
      %add3A_612 = arith.addi %mul3A_609, %mul3A_611 : i32
      "tpu.region"() ({
        %run_scoped3A = tpu.sem_alloc : memref<!tpu.dma_semaphore, #tpu.memory_space<semaphore_mem>>
        %dma_start3A_628 = tpu.memref_slice %arg5[%add3A_157, %add3A_612] : memref<8x160000xi32, #tpu.memory_space<hbm>> -> memref<1x80xi32, #tpu.memory_space<hbm>>
        %dma_start3A_629 = tpu.memref_squeeze %dma_start3A_628 : memref<1x80xi32, #tpu.memory_space<hbm>> -> memref<80xi32, #tpu.memory_space<hbm>>
        %dma_start3A_630 = tpu.memref_slice %arg5[%add3A_157, %add3A_612] : memref<8x160000xi32, #tpu.memory_space<hbm>> -> memref<1x80xi32, #tpu.memory_space<hbm>>
        %dma_start3A_631 = tpu.memref_squeeze %dma_start3A_630 : memref<1x80xi32, #tpu.memory_space<hbm>> -> memref<80xi32, #tpu.memory_space<hbm>>
        tpu.enqueue_dma source(%dma_start3A_631 : memref<80xi32, #tpu.memory_space<hbm>>) target(%arg15 : memref<80xi32, #tpu.memory_space<vmem>>) target_semaphore(%run_scoped3A : memref<!tpu.dma_semaphore, #tpu.memory_space<semaphore_mem>>)
        %dma_wait3A_632 = tpu.memref_slice %arg5[%add3A_157, %add3A_612] : memref<8x160000xi32, #tpu.memory_space<hbm>> -> memref<1x80xi32, #tpu.memory_space<hbm>>
        %dma_wait3A_633 = tpu.memref_squeeze %dma_wait3A_632 : memref<1x80xi32, #tpu.memory_space<hbm>> -> memref<80xi32, #tpu.memory_space<hbm>>
        %dma_wait3A_634 = tpu.memref_slice %arg5[%add3A_157, %add3A_612] : memref<8x160000xi32, #tpu.memory_space<hbm>> -> memref<1x80xi32, #tpu.memory_space<hbm>>
        %dma_wait3A_635 = tpu.memref_squeeze %dma_wait3A_634 : memref<1x80xi32, #tpu.memory_space<hbm>> -> memref<80xi32, #tpu.memory_space<hbm>>
        tpu.wait_dma2 semaphore(%run_scoped3A : memref<!tpu.dma_semaphore, #tpu.memory_space<semaphore_mem>>) src(%dma_wait3A_635 : memref<80xi32, #tpu.memory_space<hbm>>) dst(%arg15 : memref<80xi32, #tpu.memory_space<vmem>>)
        tpu.yield
      }) : () -> ()
      "tpu.region"() ({
        %run_scoped3A = tpu.sem_alloc : memref<!tpu.dma_semaphore, #tpu.memory_space<semaphore_mem>>
        %dma_start3A_628 = tpu.memref_slice %arg6[%add3A_612] : memref<160000xi32, #tpu.memory_space<hbm>> -> memref<80xi32, #tpu.memory_space<hbm>>
        %dma_start3A_629 = tpu.memref_slice %arg6[%add3A_612] : memref<160000xi32, #tpu.memory_space<hbm>> -> memref<80xi32, #tpu.memory_space<hbm>>
        tpu.enqueue_dma source(%dma_start3A_629 : memref<80xi32, #tpu.memory_space<hbm>>) target(%arg14 : memref<80xi32, #tpu.memory_space<vmem>>) target_semaphore(%run_scoped3A : memref<!tpu.dma_semaphore, #tpu.memory_space<semaphore_mem>>)
        %dma_wait3A_630 = tpu.memref_slice %arg6[%add3A_612] : memref<160000xi32, #tpu.memory_space<hbm>> -> memref<80xi32, #tpu.memory_space<hbm>>
        %dma_wait3A_631 = tpu.memref_slice %arg6[%add3A_612] : memref<160000xi32, #tpu.memory_space<hbm>> -> memref<80xi32, #tpu.memory_space<hbm>>
        tpu.wait_dma2 semaphore(%run_scoped3A : memref<!tpu.dma_semaphore, #tpu.memory_space<semaphore_mem>>) src(%dma_wait3A_631 : memref<80xi32, #tpu.memory_space<hbm>>) dst(%arg14 : memref<80xi32, #tpu.memory_space<vmem>>)
        tpu.yield
      }) : () -> ()
      %mul3A_613 = arith.constant 5000 : i32
      %mul3A_614 = arith.muli %arg1, %mul3A_613 : i32
      %mul3A_615 = arith.constant 40 : i32
      %mul3A_616 = arith.muli %scan3A_607, %mul3A_615 : i32
      %add3A_617 = arith.addi %mul3A_614, %mul3A_616 : i32
      "tpu.region"() ({
        %run_scoped3A = tpu.sem_alloc : memref<!tpu.dma_semaphore, #tpu.memory_space<semaphore_mem>>
        %dma_start3A_628 = arith.constant 0 : i32
        %dma_start3A_629 = tpu.memref_slice %arg4[%add3A_617, %dma_start3A_628] : memref<80000x16xf32, #tpu.memory_space<hbm>> -> memref<40x16xf32, #tpu.memory_space<hbm>>
        %dma_start3A_630 = arith.constant 0 : i32
        %dma_start3A_631 = tpu.memref_slice %arg4[%add3A_617, %dma_start3A_630] : memref<80000x16xf32, #tpu.memory_space<hbm>> -> memref<40x16xf32, #tpu.memory_space<hbm>>
        tpu.enqueue_dma source(%dma_start3A_631 : memref<40x16xf32, #tpu.memory_space<hbm>>) target(%arg16 : memref<40x16xf32, #tpu.memory_space<vmem>>) target_semaphore(%run_scoped3A : memref<!tpu.dma_semaphore, #tpu.memory_space<semaphore_mem>>)
        %dma_wait3A_632 = arith.constant 0 : i32
        %dma_wait3A_633 = tpu.memref_slice %arg4[%add3A_617, %dma_wait3A_632] : memref<80000x16xf32, #tpu.memory_space<hbm>> -> memref<40x16xf32, #tpu.memory_space<hbm>>
        %dma_wait3A_634 = arith.constant 0 : i32
        %dma_wait3A_635 = tpu.memref_slice %arg4[%add3A_617, %dma_wait3A_634] : memref<80000x16xf32, #tpu.memory_space<hbm>> -> memref<40x16xf32, #tpu.memory_space<hbm>>
        tpu.wait_dma2 semaphore(%run_scoped3A : memref<!tpu.dma_semaphore, #tpu.memory_space<semaphore_mem>>) src(%dma_wait3A_635 : memref<40x16xf32, #tpu.memory_space<hbm>>) dst(%arg16 : memref<40x16xf32, #tpu.memory_space<vmem>>)
        tpu.yield
      }) : () -> ()
      %dma_start3A = arith.constant 0 : i32
      %dma_start3A_618 = arith.constant 0 : i32
      %dma_start3A_619 = tpu.memref_slice %arg3[%dma_start3A, %dma_start3A_618] : memref<80000x48xf32, #tpu.memory_space<hbm>> -> memref<80000x48xf32, #tpu.memory_space<hbm>>
      tpu.enqueue_indirect_dma source(%dma_start3A_619 : memref<80000x48xf32, #tpu.memory_space<hbm>>) target(%arg18 : memref<80x48xf32, #tpu.memory_space<vmem>>) offsets(%arg15 : memref<80xi32, #tpu.memory_space<vmem>>) semaphore(%arg23 : memref<!tpu.dma_semaphore, #tpu.memory_space<semaphore_mem>>)
      %dma_wait3A = arith.constant 0 : i32
      %dma_wait3A_620 = arith.constant 0 : i32
      %dma_wait3A_621 = tpu.memref_slice %arg3[%dma_wait3A, %dma_wait3A_620] : memref<80000x48xf32, #tpu.memory_space<hbm>> -> memref<80000x48xf32, #tpu.memory_space<hbm>>
      tpu.wait_indirect_dma semaphore(%arg23 : memref<!tpu.dma_semaphore, #tpu.memory_space<semaphore_mem>>) src(%dma_wait3A_621 : memref<80000x48xf32, #tpu.memory_space<hbm>>) dst(%arg18 : memref<80x48xf32, #tpu.memory_space<vmem>>)
      %scan3A_622 = arith.constant 0 : i32
      %scan3A_623 = arith.constant 0 : i32
      %scan3A_624 = arith.constant 40 : i32
      %scan3A_625 = arith.addi %scan3A_623, %scan3A_624 : i32
      %scan3A_626 = arith.constant 2 : i32
      scf.for %scan3A_628 = %scan3A_623 to %scan3A_625 step %scan3A_626  : i32 {
        %get3A_629 = arith.index_cast %scan3A_628 : i32 to index
        %get3A_630 = arith.constant 0 : index
        %get3A_631 = tpu.vector_load %arg16[%get3A_629, %get3A_630] {strides = array<i32>} : memref<40x16xf32, #tpu.memory_space<vmem>>, vector<1x16xf32>,
        %get3A_632 = vector.shape_cast %get3A_631 : vector<1x16xf32> to vector<16xf32>
        %mul3A_633 = arith.constant 2 : i32
        %mul3A_634 = arith.muli %mul3A_633, %scan3A_628 : i32
        %add3A_635 = arith.constant 0 : i32
        %add3A_636 = arith.addi %mul3A_634, %add3A_635 : i32
        %slice3A = vector.extract_strided_slice %get3A_632 {offsets = [0], sizes = [1], strides = [1]} : vector<16xf32> to vector<1xf32>
        %squeeze3A = vector.extract %slice3A[0] : f32 from vector<1xf32>
        %slice3A_637 = vector.extract_strided_slice %get3A_632 {offsets = [1], sizes = [1], strides = [1]} : vector<16xf32> to vector<1xf32>
        %squeeze3A_638 = vector.extract %slice3A_637[0] : f32 from vector<1xf32>
        %slice3A_639 = vector.extract_strided_slice %get3A_632 {offsets = [2], sizes = [1], strides = [1]} : vector<16xf32> to vector<1xf32>
        %squeeze3A_640 = vector.extract %slice3A_639[0] : f32 from vector<1xf32>
        %slice3A_641 = vector.extract_strided_slice %get3A_632 {offsets = [3], sizes = [1], strides = [1]} : vector<16xf32> to vector<1xf32>
        %squeeze3A_642 = vector.extract %slice3A_641[0] : f32 from vector<1xf32>
        %slice3A_643 = vector.extract_strided_slice %get3A_632 {offsets = [4], sizes = [1], strides = [1]} : vector<16xf32> to vector<1xf32>
        %squeeze3A_644 = vector.extract %slice3A_643[0] : f32 from vector<1xf32>
        %mul3A_645 = vector.broadcast %squeeze3A : f32 to vector<16xf32>
        %mul3A_646 = arith.mulf %mul3A_645, %get3A_227 : vector<16xf32>
        %mul3A_647 = vector.broadcast %squeeze3A_638 : f32 to vector<16xf32>
        %mul3A_648 = arith.mulf %mul3A_647, %get3A_242 : vector<16xf32>
        %add3A_649 = arith.addf %mul3A_646, %mul3A_648 : vector<16xf32>
        %mul3A_650 = vector.broadcast %squeeze3A_640 : f32 to vector<16xf32>
        %mul3A_651 = arith.mulf %mul3A_650, %get3A_257 : vector<16xf32>
        %add3A_652 = arith.addf %add3A_649, %mul3A_651 : vector<16xf32>
        %mul3A_653 = vector.broadcast %squeeze3A_642 : f32 to vector<16xf32>
        %mul3A_654 = arith.mulf %mul3A_653, %get3A_272 : vector<16xf32>
        %add3A_655 = arith.addf %add3A_652, %mul3A_654 : vector<16xf32>
        %mul3A_656 = vector.broadcast %squeeze3A_644 : f32 to vector<16xf32>
        %mul3A_657 = arith.mulf %mul3A_656, %get3A_287 : vector<16xf32>
        %add3A_658 = arith.addf %add3A_655, %mul3A_657 : vector<16xf32>
        %get3A_659 = arith.index_cast %add3A_636 : i32 to index
        %get3A_660 = arith.constant 0 : index
        %get3A_661 = tpu.vector_load %arg18[%get3A_659, %get3A_660] {strides = array<i32>} : memref<80x48xf32, #tpu.memory_space<vmem>>, vector<1x16xf32>,
        %get3A_662 = vector.shape_cast %get3A_661 : vector<1x16xf32> to vector<16xf32>
        %mul3A_663 = arith.mulf %get3A_662, %add3A_658 : vector<16xf32>
        %swap3A = arith.index_cast %add3A_636 : i32 to index
        %swap3A_664 = arith.constant 0 : index
        %swap3A_665 = tpu.vector_load %arg19[%swap3A, %swap3A_664] {strides = array<i32>} : memref<80x64xf32, #tpu.memory_space<vmem>>, vector<1x16xf32>,
        %swap3A_666 = vector.shape_cast %swap3A_665 : vector<1x16xf32> to vector<16xf32>
        %swap3A_667 = vector.shape_cast %mul3A_663 : vector<16xf32> to vector<1x16xf32>
        tpu.vector_store %arg19[%swap3A, %swap3A_664], %swap3A_667 {strides = array<i32>} : memref<80x64xf32, #tpu.memory_space<vmem>>, vector<1x16xf32>,
        %mul3A_668 = vector.broadcast %squeeze3A : f32 to vector<16xf32>
        %mul3A_669 = arith.mulf %mul3A_668, %get3A_232 : vector<16xf32>
        %mul3A_670 = vector.broadcast %squeeze3A_638 : f32 to vector<16xf32>
        %mul3A_671 = arith.mulf %mul3A_670, %get3A_247 : vector<16xf32>
        %add3A_672 = arith.addf %mul3A_669, %mul3A_671 : vector<16xf32>
        %mul3A_673 = vector.broadcast %squeeze3A_640 : f32 to vector<16xf32>
        %mul3A_674 = arith.mulf %mul3A_673, %get3A_262 : vector<16xf32>
        %add3A_675 = arith.addf %add3A_672, %mul3A_674 : vector<16xf32>
        %mul3A_676 = vector.broadcast %squeeze3A_642 : f32 to vector<16xf32>
        %mul3A_677 = arith.mulf %mul3A_676, %get3A_277 : vector<16xf32>
        %add3A_678 = arith.addf %add3A_675, %mul3A_677 : vector<16xf32>
        %mul3A_679 = vector.broadcast %squeeze3A_644 : f32 to vector<16xf32>
        %mul3A_680 = arith.mulf %mul3A_679, %get3A_292 : vector<16xf32>
        %add3A_681 = arith.addf %add3A_678, %mul3A_680 : vector<16xf32>
        %get3A_682 = arith.index_cast %add3A_636 : i32 to index
        %get3A_683 = arith.constant 16 : index
        %get3A_684 = tpu.vector_load %arg18[%get3A_682, %get3A_683] {strides = array<i32>} : memref<80x48xf32, #tpu.memory_space<vmem>>, vector<1x16xf32>,
        %get3A_685 = vector.shape_cast %get3A_684 : vector<1x16xf32> to vector<16xf32>
        %mul3A_686 = arith.mulf %get3A_685, %add3A_681 : vector<16xf32>
        %swap3A_687 = arith.index_cast %add3A_636 : i32 to index
        %swap3A_688 = arith.constant 16 : index
        %swap3A_689 = tpu.vector_load %arg19[%swap3A_687, %swap3A_688] {strides = array<i32>} : memref<80x64xf32, #tpu.memory_space<vmem>>, vector<1x16xf32>,
        %swap3A_690 = vector.shape_cast %swap3A_689 : vector<1x16xf32> to vector<16xf32>
        %swap3A_691 = vector.shape_cast %mul3A_686 : vector<16xf32> to vector<1x16xf32>
        tpu.vector_store %arg19[%swap3A_687, %swap3A_688], %swap3A_691 {strides = array<i32>} : memref<80x64xf32, #tpu.memory_space<vmem>>, vector<1x16xf32>,
        %mul3A_692 = vector.broadcast %squeeze3A : f32 to vector<16xf32>
        %mul3A_693 = arith.mulf %mul3A_692, %get3A_237 : vector<16xf32>
        %mul3A_694 = vector.broadcast %squeeze3A_638 : f32 to vector<16xf32>
        %mul3A_695 = arith.mulf %mul3A_694, %get3A_252 : vector<16xf32>
        %add3A_696 = arith.addf %mul3A_693, %mul3A_695 : vector<16xf32>
        %mul3A_697 = vector.broadcast %squeeze3A_640 : f32 to vector<16xf32>
        %mul3A_698 = arith.mulf %mul3A_697, %get3A_267 : vector<16xf32>
        %add3A_699 = arith.addf %add3A_696, %mul3A_698 : vector<16xf32>
        %mul3A_700 = vector.broadcast %squeeze3A_642 : f32 to vector<16xf32>
        %mul3A_701 = arith.mulf %mul3A_700, %get3A_282 : vector<16xf32>
        %add3A_702 = arith.addf %add3A_699, %mul3A_701 : vector<16xf32>
        %mul3A_703 = vector.broadcast %squeeze3A_644 : f32 to vector<16xf32>
        %mul3A_704 = arith.mulf %mul3A_703, %get3A_297 : vector<16xf32>
        %add3A_705 = arith.addf %add3A_702, %mul3A_704 : vector<16xf32>
        %get3A_706 = arith.index_cast %add3A_636 : i32 to index
        %get3A_707 = arith.constant 32 : index
        %get3A_708 = tpu.vector_load %arg18[%get3A_706, %get3A_707] {strides = array<i32>} : memref<80x48xf32, #tpu.memory_space<vmem>>, vector<1x16xf32>,
        %get3A_709 = vector.shape_cast %get3A_708 : vector<1x16xf32> to vector<16xf32>
        %mul3A_710 = arith.mulf %get3A_709, %add3A_705 : vector<16xf32>
        %swap3A_711 = arith.index_cast %add3A_636 : i32 to index
        %swap3A_712 = arith.constant 32 : index
        %swap3A_713 = tpu.vector_load %arg19[%swap3A_711, %swap3A_712] {strides = array<i32>} : memref<80x64xf32, #tpu.memory_space<vmem>>, vector<1x16xf32>,
        %swap3A_714 = vector.shape_cast %swap3A_713 : vector<1x16xf32> to vector<16xf32>
        %swap3A_715 = vector.shape_cast %mul3A_710 : vector<16xf32> to vector<1x16xf32>
        tpu.vector_store %arg19[%swap3A_711, %swap3A_712], %swap3A_715 {strides = array<i32>} : memref<80x64xf32, #tpu.memory_space<vmem>>, vector<1x16xf32>,
        %mul3A_716 = arith.constant 2 : i32
        %mul3A_717 = arith.muli %mul3A_716, %scan3A_628 : i32
        %add3A_718 = arith.constant 1 : i32
        %add3A_719 = arith.addi %mul3A_717, %add3A_718 : i32
        %slice3A_720 = vector.extract_strided_slice %get3A_632 {offsets = [8], sizes = [1], strides = [1]} : vector<16xf32> to vector<1xf32>
        %squeeze3A_721 = vector.extract %slice3A_720[0] : f32 from vector<1xf32>
        %slice3A_722 = vector.extract_strided_slice %get3A_632 {offsets = [9], sizes = [1], strides = [1]} : vector<16xf32> to vector<1xf32>
        %squeeze3A_723 = vector.extract %slice3A_722[0] : f32 from vector<1xf32>
        %slice3A_724 = vector.extract_strided_slice %get3A_632 {offsets = [10], sizes = [1], strides = [1]} : vector<16xf32> to vector<1xf32>
        %squeeze3A_725 = vector.extract %slice3A_724[0] : f32 from vector<1xf32>
        %slice3A_726 = vector.extract_strided_slice %get3A_632 {offsets = [11], sizes = [1], strides = [1]} : vector<16xf32> to vector<1xf32>
        %squeeze3A_727 = vector.extract %slice3A_726[0] : f32 from vector<1xf32>
        %slice3A_728 = vector.extract_strided_slice %get3A_632 {offsets = [12], sizes = [1], strides = [1]} : vector<16xf32> to vector<1xf32>
        %squeeze3A_729 = vector.extract %slice3A_728[0] : f32 from vector<1xf32>
        %mul3A_730 = vector.broadcast %squeeze3A_721 : f32 to vector<16xf32>
        %mul3A_731 = arith.mulf %mul3A_730, %get3A_227 : vector<16xf32>
        %mul3A_732 = vector.broadcast %squeeze3A_723 : f32 to vector<16xf32>
        %mul3A_733 = arith.mulf %mul3A_732, %get3A_242 : vector<16xf32>
        %add3A_734 = arith.addf %mul3A_731, %mul3A_733 : vector<16xf32>
        %mul3A_735 = vector.broadcast %squeeze3A_725 : f32 to vector<16xf32>
        %mul3A_736 = arith.mulf %mul3A_735, %get3A_257 : vector<16xf32>
        %add3A_737 = arith.addf %add3A_734, %mul3A_736 : vector<16xf32>
        %mul3A_738 = vector.broadcast %squeeze3A_727 : f32 to vector<16xf32>
        %mul3A_739 = arith.mulf %mul3A_738, %get3A_272 : vector<16xf32>
        %add3A_740 = arith.addf %add3A_737, %mul3A_739 : vector<16xf32>
        %mul3A_741 = vector.broadcast %squeeze3A_729 : f32 to vector<16xf32>
        %mul3A_742 = arith.mulf %mul3A_741, %get3A_287 : vector<16xf32>
        %add3A_743 = arith.addf %add3A_740, %mul3A_742 : vector<16xf32>
        %get3A_744 = arith.index_cast %add3A_719 : i32 to index
        %get3A_745 = arith.constant 0 : index
        %get3A_746 = tpu.vector_load %arg18[%get3A_744, %get3A_745] {strides = array<i32>} : memref<80x48xf32, #tpu.memory_space<vmem>>, vector<1x16xf32>,
        %get3A_747 = vector.shape_cast %get3A_746 : vector<1x16xf32> to vector<16xf32>
        %mul3A_748 = arith.mulf %get3A_747, %add3A_743 : vector<16xf32>
        %swap3A_749 = arith.index_cast %add3A_719 : i32 to index
        %swap3A_750 = arith.constant 0 : index
        %swap3A_751 = tpu.vector_load %arg19[%swap3A_749, %swap3A_750] {strides = array<i32>} : memref<80x64xf32, #tpu.memory_space<vmem>>, vector<1x16xf32>,
        %swap3A_752 = vector.shape_cast %swap3A_751 : vector<1x16xf32> to vector<16xf32>
        %swap3A_753 = vector.shape_cast %mul3A_748 : vector<16xf32> to vector<1x16xf32>
        tpu.vector_store %arg19[%swap3A_749, %swap3A_750], %swap3A_753 {strides = array<i32>} : memref<80x64xf32, #tpu.memory_space<vmem>>, vector<1x16xf32>,
        %mul3A_754 = vector.broadcast %squeeze3A_721 : f32 to vector<16xf32>
        %mul3A_755 = arith.mulf %mul3A_754, %get3A_232 : vector<16xf32>
        %mul3A_756 = vector.broadcast %squeeze3A_723 : f32 to vector<16xf32>
        %mul3A_757 = arith.mulf %mul3A_756, %get3A_247 : vector<16xf32>
        %add3A_758 = arith.addf %mul3A_755, %mul3A_757 : vector<16xf32>
        %mul3A_759 = vector.broadcast %squeeze3A_725 : f32 to vector<16xf32>
        %mul3A_760 = arith.mulf %mul3A_759, %get3A_262 : vector<16xf32>
        %add3A_761 = arith.addf %add3A_758, %mul3A_760 : vector<16xf32>
        %mul3A_762 = vector.broadcast %squeeze3A_727 : f32 to vector<16xf32>
        %mul3A_763 = arith.mulf %mul3A_762, %get3A_277 : vector<16xf32>
        %add3A_764 = arith.addf %add3A_761, %mul3A_763 : vector<16xf32>
        %mul3A_765 = vector.broadcast %squeeze3A_729 : f32 to vector<16xf32>
        %mul3A_766 = arith.mulf %mul3A_765, %get3A_292 : vector<16xf32>
        %add3A_767 = arith.addf %add3A_764, %mul3A_766 : vector<16xf32>
        %get3A_768 = arith.index_cast %add3A_719 : i32 to index
        %get3A_769 = arith.constant 16 : index
        %get3A_770 = tpu.vector_load %arg18[%get3A_768, %get3A_769] {strides = array<i32>} : memref<80x48xf32, #tpu.memory_space<vmem>>, vector<1x16xf32>,
        %get3A_771 = vector.shape_cast %get3A_770 : vector<1x16xf32> to vector<16xf32>
        %mul3A_772 = arith.mulf %get3A_771, %add3A_767 : vector<16xf32>
        %swap3A_773 = arith.index_cast %add3A_719 : i32 to index
        %swap3A_774 = arith.constant 16 : index
        %swap3A_775 = tpu.vector_load %arg19[%swap3A_773, %swap3A_774] {strides = array<i32>} : memref<80x64xf32, #tpu.memory_space<vmem>>, vector<1x16xf32>,
        %swap3A_776 = vector.shape_cast %swap3A_775 : vector<1x16xf32> to vector<16xf32>
        %swap3A_777 = vector.shape_cast %mul3A_772 : vector<16xf32> to vector<1x16xf32>
        tpu.vector_store %arg19[%swap3A_773, %swap3A_774], %swap3A_777 {strides = array<i32>} : memref<80x64xf32, #tpu.memory_space<vmem>>, vector<1x16xf32>,
        %mul3A_778 = vector.broadcast %squeeze3A_721 : f32 to vector<16xf32>
        %mul3A_779 = arith.mulf %mul3A_778, %get3A_237 : vector<16xf32>
        %mul3A_780 = vector.broadcast %squeeze3A_723 : f32 to vector<16xf32>
        %mul3A_781 = arith.mulf %mul3A_780, %get3A_252 : vector<16xf32>
        %add3A_782 = arith.addf %mul3A_779, %mul3A_781 : vector<16xf32>
        %mul3A_783 = vector.broadcast %squeeze3A_725 : f32 to vector<16xf32>
        %mul3A_784 = arith.mulf %mul3A_783, %get3A_267 : vector<16xf32>
        %add3A_785 = arith.addf %add3A_782, %mul3A_784 : vector<16xf32>
        %mul3A_786 = vector.broadcast %squeeze3A_727 : f32 to vector<16xf32>
        %mul3A_787 = arith.mulf %mul3A_786, %get3A_282 : vector<16xf32>
        %add3A_788 = arith.addf %add3A_785, %mul3A_787 : vector<16xf32>
        %mul3A_789 = vector.broadcast %squeeze3A_729 : f32 to vector<16xf32>
        %mul3A_790 = arith.mulf %mul3A_789, %get3A_297 : vector<16xf32>
        %add3A_791 = arith.addf %add3A_788, %mul3A_790 : vector<16xf32>
        %get3A_792 = arith.index_cast %add3A_719 : i32 to index
        %get3A_793 = arith.constant 32 : index
        %get3A_794 = tpu.vector_load %arg18[%get3A_792, %get3A_793] {strides = array<i32>} : memref<80x48xf32, #tpu.memory_space<vmem>>, vector<1x16xf32>,
        %get3A_795 = vector.shape_cast %get3A_794 : vector<1x16xf32> to vector<16xf32>
        %mul3A_796 = arith.mulf %get3A_795, %add3A_791 : vector<16xf32>
        %swap3A_797 = arith.index_cast %add3A_719 : i32 to index
        %swap3A_798 = arith.constant 32 : index
        %swap3A_799 = tpu.vector_load %arg19[%swap3A_797, %swap3A_798] {strides = array<i32>} : memref<80x64xf32, #tpu.memory_space<vmem>>, vector<1x16xf32>,
        %swap3A_800 = vector.shape_cast %swap3A_799 : vector<1x16xf32> to vector<16xf32>
        %swap3A_801 = vector.shape_cast %mul3A_796 : vector<16xf32> to vector<1x16xf32>
        tpu.vector_store %arg19[%swap3A_797, %swap3A_798], %swap3A_801 {strides = array<i32>} : memref<80x64xf32, #tpu.memory_space<vmem>>, vector<1x16xf32>,
        %scan3A_802 = arith.constant 1 : i32
        %scan3A_803 = arith.addi %scan3A_628, %scan3A_802 : i32
        %get3A_804 = arith.index_cast %scan3A_803 : i32 to index
        %get3A_805 = arith.constant 0 : index
        %get3A_806 = tpu.vector_load %arg16[%get3A_804, %get3A_805] {strides = array<i32>} : memref<40x16xf32, #tpu.memory_space<vmem>>, vector<1x16xf32>,
        %get3A_807 = vector.shape_cast %get3A_806 : vector<1x16xf32> to vector<16xf32>
        %mul3A_808 = arith.constant 2 : i32
        %mul3A_809 = arith.muli %mul3A_808, %scan3A_803 : i32
        %add3A_810 = arith.constant 0 : i32
        %add3A_811 = arith.addi %mul3A_809, %add3A_810 : i32
        %slice3A_812 = vector.extract_strided_slice %get3A_807 {offsets = [0], sizes = [1], strides = [1]} : vector<16xf32> to vector<1xf32>
        %squeeze3A_813 = vector.extract %slice3A_812[0] : f32 from vector<1xf32>
        %slice3A_814 = vector.extract_strided_slice %get3A_807 {offsets = [1], sizes = [1], strides = [1]} : vector<16xf32> to vector<1xf32>
        %squeeze3A_815 = vector.extract %slice3A_814[0] : f32 from vector<1xf32>
        %slice3A_816 = vector.extract_strided_slice %get3A_807 {offsets = [2], sizes = [1], strides = [1]} : vector<16xf32> to vector<1xf32>
        %squeeze3A_817 = vector.extract %slice3A_816[0] : f32 from vector<1xf32>
        %slice3A_818 = vector.extract_strided_slice %get3A_807 {offsets = [3], sizes = [1], strides = [1]} : vector<16xf32> to vector<1xf32>
        %squeeze3A_819 = vector.extract %slice3A_818[0] : f32 from vector<1xf32>
        %slice3A_820 = vector.extract_strided_slice %get3A_807 {offsets = [4], sizes = [1], strides = [1]} : vector<16xf32> to vector<1xf32>
        %squeeze3A_821 = vector.extract %slice3A_820[0] : f32 from vector<1xf32>
        %mul3A_822 = vector.broadcast %squeeze3A_813 : f32 to vector<16xf32>
        %mul3A_823 = arith.mulf %mul3A_822, %get3A_227 : vector<16xf32>
        %mul3A_824 = vector.broadcast %squeeze3A_815 : f32 to vector<16xf32>
        %mul3A_825 = arith.mulf %mul3A_824, %get3A_242 : vector<16xf32>
        %add3A_826 = arith.addf %mul3A_823, %mul3A_825 : vector<16xf32>
        %mul3A_827 = vector.broadcast %squeeze3A_817 : f32 to vector<16xf32>
        %mul3A_828 = arith.mulf %mul3A_827, %get3A_257 : vector<16xf32>
        %add3A_829 = arith.addf %add3A_826, %mul3A_828 : vector<16xf32>
        %mul3A_830 = vector.broadcast %squeeze3A_819 : f32 to vector<16xf32>
        %mul3A_831 = arith.mulf %mul3A_830, %get3A_272 : vector<16xf32>
        %add3A_832 = arith.addf %add3A_829, %mul3A_831 : vector<16xf32>
        %mul3A_833 = vector.broadcast %squeeze3A_821 : f32 to vector<16xf32>
        %mul3A_834 = arith.mulf %mul3A_833, %get3A_287 : vector<16xf32>
        %add3A_835 = arith.addf %add3A_832, %mul3A_834 : vector<16xf32>
        %get3A_836 = arith.index_cast %add3A_811 : i32 to index
        %get3A_837 = arith.constant 0 : index
        %get3A_838 = tpu.vector_load %arg18[%get3A_836, %get3A_837] {strides = array<i32>} : memref<80x48xf32, #tpu.memory_space<vmem>>, vector<1x16xf32>,
        %get3A_839 = vector.shape_cast %get3A_838 : vector<1x16xf32> to vector<16xf32>
        %mul3A_840 = arith.mulf %get3A_839, %add3A_835 : vector<16xf32>
        %swap3A_841 = arith.index_cast %add3A_811 : i32 to index
        %swap3A_842 = arith.constant 0 : index
        %swap3A_843 = tpu.vector_load %arg19[%swap3A_841, %swap3A_842] {strides = array<i32>} : memref<80x64xf32, #tpu.memory_space<vmem>>, vector<1x16xf32>,
        %swap3A_844 = vector.shape_cast %swap3A_843 : vector<1x16xf32> to vector<16xf32>
        %swap3A_845 = vector.shape_cast %mul3A_840 : vector<16xf32> to vector<1x16xf32>
        tpu.vector_store %arg19[%swap3A_841, %swap3A_842], %swap3A_845 {strides = array<i32>} : memref<80x64xf32, #tpu.memory_space<vmem>>, vector<1x16xf32>,
        %mul3A_846 = vector.broadcast %squeeze3A_813 : f32 to vector<16xf32>
        %mul3A_847 = arith.mulf %mul3A_846, %get3A_232 : vector<16xf32>
        %mul3A_848 = vector.broadcast %squeeze3A_815 : f32 to vector<16xf32>
        %mul3A_849 = arith.mulf %mul3A_848, %get3A_247 : vector<16xf32>
        %add3A_850 = arith.addf %mul3A_847, %mul3A_849 : vector<16xf32>
        %mul3A_851 = vector.broadcast %squeeze3A_817 : f32 to vector<16xf32>
        %mul3A_852 = arith.mulf %mul3A_851, %get3A_262 : vector<16xf32>
        %add3A_853 = arith.addf %add3A_850, %mul3A_852 : vector<16xf32>
        %mul3A_854 = vector.broadcast %squeeze3A_819 : f32 to vector<16xf32>
        %mul3A_855 = arith.mulf %mul3A_854, %get3A_277 : vector<16xf32>
        %add3A_856 = arith.addf %add3A_853, %mul3A_855 : vector<16xf32>
        %mul3A_857 = vector.broadcast %squeeze3A_821 : f32 to vector<16xf32>
        %mul3A_858 = arith.mulf %mul3A_857, %get3A_292 : vector<16xf32>
        %add3A_859 = arith.addf %add3A_856, %mul3A_858 : vector<16xf32>
        %get3A_860 = arith.index_cast %add3A_811 : i32 to index
        %get3A_861 = arith.constant 16 : index
        %get3A_862 = tpu.vector_load %arg18[%get3A_860, %get3A_861] {strides = array<i32>} : memref<80x48xf32, #tpu.memory_space<vmem>>, vector<1x16xf32>,
        %get3A_863 = vector.shape_cast %get3A_862 : vector<1x16xf32> to vector<16xf32>
        %mul3A_864 = arith.mulf %get3A_863, %add3A_859 : vector<16xf32>
        %swap3A_865 = arith.index_cast %add3A_811 : i32 to index
        %swap3A_866 = arith.constant 16 : index
        %swap3A_867 = tpu.vector_load %arg19[%swap3A_865, %swap3A_866] {strides = array<i32>} : memref<80x64xf32, #tpu.memory_space<vmem>>, vector<1x16xf32>,
        %swap3A_868 = vector.shape_cast %swap3A_867 : vector<1x16xf32> to vector<16xf32>
        %swap3A_869 = vector.shape_cast %mul3A_864 : vector<16xf32> to vector<1x16xf32>
        tpu.vector_store %arg19[%swap3A_865, %swap3A_866], %swap3A_869 {strides = array<i32>} : memref<80x64xf32, #tpu.memory_space<vmem>>, vector<1x16xf32>,
        %mul3A_870 = vector.broadcast %squeeze3A_813 : f32 to vector<16xf32>
        %mul3A_871 = arith.mulf %mul3A_870, %get3A_237 : vector<16xf32>
        %mul3A_872 = vector.broadcast %squeeze3A_815 : f32 to vector<16xf32>
        %mul3A_873 = arith.mulf %mul3A_872, %get3A_252 : vector<16xf32>
        %add3A_874 = arith.addf %mul3A_871, %mul3A_873 : vector<16xf32>
        %mul3A_875 = vector.broadcast %squeeze3A_817 : f32 to vector<16xf32>
        %mul3A_876 = arith.mulf %mul3A_875, %get3A_267 : vector<16xf32>
        %add3A_877 = arith.addf %add3A_874, %mul3A_876 : vector<16xf32>
        %mul3A_878 = vector.broadcast %squeeze3A_819 : f32 to vector<16xf32>
        %mul3A_879 = arith.mulf %mul3A_878, %get3A_282 : vector<16xf32>
        %add3A_880 = arith.addf %add3A_877, %mul3A_879 : vector<16xf32>
        %mul3A_881 = vector.broadcast %squeeze3A_821 : f32 to vector<16xf32>
        %mul3A_882 = arith.mulf %mul3A_881, %get3A_297 : vector<16xf32>
        %add3A_883 = arith.addf %add3A_880, %mul3A_882 : vector<16xf32>
        %get3A_884 = arith.index_cast %add3A_811 : i32 to index
        %get3A_885 = arith.constant 32 : index
        %get3A_886 = tpu.vector_load %arg18[%get3A_884, %get3A_885] {strides = array<i32>} : memref<80x48xf32, #tpu.memory_space<vmem>>, vector<1x16xf32>,
        %get3A_887 = vector.shape_cast %get3A_886 : vector<1x16xf32> to vector<16xf32>
        %mul3A_888 = arith.mulf %get3A_887, %add3A_883 : vector<16xf32>
        %swap3A_889 = arith.index_cast %add3A_811 : i32 to index
        %swap3A_890 = arith.constant 32 : index
        %swap3A_891 = tpu.vector_load %arg19[%swap3A_889, %swap3A_890] {strides = array<i32>} : memref<80x64xf32, #tpu.memory_space<vmem>>, vector<1x16xf32>,
        %swap3A_892 = vector.shape_cast %swap3A_891 : vector<1x16xf32> to vector<16xf32>
        %swap3A_893 = vector.shape_cast %mul3A_888 : vector<16xf32> to vector<1x16xf32>
        tpu.vector_store %arg19[%swap3A_889, %swap3A_890], %swap3A_893 {strides = array<i32>} : memref<80x64xf32, #tpu.memory_space<vmem>>, vector<1x16xf32>,
        %mul3A_894 = arith.constant 2 : i32
        %mul3A_895 = arith.muli %mul3A_894, %scan3A_803 : i32
        %add3A_896 = arith.constant 1 : i32
        %add3A_897 = arith.addi %mul3A_895, %add3A_896 : i32
        %slice3A_898 = vector.extract_strided_slice %get3A_807 {offsets = [8], sizes = [1], strides = [1]} : vector<16xf32> to vector<1xf32>
        %squeeze3A_899 = vector.extract %slice3A_898[0] : f32 from vector<1xf32>
        %slice3A_900 = vector.extract_strided_slice %get3A_807 {offsets = [9], sizes = [1], strides = [1]} : vector<16xf32> to vector<1xf32>
        %squeeze3A_901 = vector.extract %slice3A_900[0] : f32 from vector<1xf32>
        %slice3A_902 = vector.extract_strided_slice %get3A_807 {offsets = [10], sizes = [1], strides = [1]} : vector<16xf32> to vector<1xf32>
        %squeeze3A_903 = vector.extract %slice3A_902[0] : f32 from vector<1xf32>
        %slice3A_904 = vector.extract_strided_slice %get3A_807 {offsets = [11], sizes = [1], strides = [1]} : vector<16xf32> to vector<1xf32>
        %squeeze3A_905 = vector.extract %slice3A_904[0] : f32 from vector<1xf32>
        %slice3A_906 = vector.extract_strided_slice %get3A_807 {offsets = [12], sizes = [1], strides = [1]} : vector<16xf32> to vector<1xf32>
        %squeeze3A_907 = vector.extract %slice3A_906[0] : f32 from vector<1xf32>
        %mul3A_908 = vector.broadcast %squeeze3A_899 : f32 to vector<16xf32>
        %mul3A_909 = arith.mulf %mul3A_908, %get3A_227 : vector<16xf32>
        %mul3A_910 = vector.broadcast %squeeze3A_901 : f32 to vector<16xf32>
        %mul3A_911 = arith.mulf %mul3A_910, %get3A_242 : vector<16xf32>
        %add3A_912 = arith.addf %mul3A_909, %mul3A_911 : vector<16xf32>
        %mul3A_913 = vector.broadcast %squeeze3A_903 : f32 to vector<16xf32>
        %mul3A_914 = arith.mulf %mul3A_913, %get3A_257 : vector<16xf32>
        %add3A_915 = arith.addf %add3A_912, %mul3A_914 : vector<16xf32>
        %mul3A_916 = vector.broadcast %squeeze3A_905 : f32 to vector<16xf32>
        %mul3A_917 = arith.mulf %mul3A_916, %get3A_272 : vector<16xf32>
        %add3A_918 = arith.addf %add3A_915, %mul3A_917 : vector<16xf32>
        %mul3A_919 = vector.broadcast %squeeze3A_907 : f32 to vector<16xf32>
        %mul3A_920 = arith.mulf %mul3A_919, %get3A_287 : vector<16xf32>
        %add3A_921 = arith.addf %add3A_918, %mul3A_920 : vector<16xf32>
        %get3A_922 = arith.index_cast %add3A_897 : i32 to index
        %get3A_923 = arith.constant 0 : index
        %get3A_924 = tpu.vector_load %arg18[%get3A_922, %get3A_923] {strides = array<i32>} : memref<80x48xf32, #tpu.memory_space<vmem>>, vector<1x16xf32>,
        %get3A_925 = vector.shape_cast %get3A_924 : vector<1x16xf32> to vector<16xf32>
        %mul3A_926 = arith.mulf %get3A_925, %add3A_921 : vector<16xf32>
        %swap3A_927 = arith.index_cast %add3A_897 : i32 to index
        %swap3A_928 = arith.constant 0 : index
        %swap3A_929 = tpu.vector_load %arg19[%swap3A_927, %swap3A_928] {strides = array<i32>} : memref<80x64xf32, #tpu.memory_space<vmem>>, vector<1x16xf32>,
        %swap3A_930 = vector.shape_cast %swap3A_929 : vector<1x16xf32> to vector<16xf32>
        %swap3A_931 = vector.shape_cast %mul3A_926 : vector<16xf32> to vector<1x16xf32>
        tpu.vector_store %arg19[%swap3A_927, %swap3A_928], %swap3A_931 {strides = array<i32>} : memref<80x64xf32, #tpu.memory_space<vmem>>, vector<1x16xf32>,
        %mul3A_932 = vector.broadcast %squeeze3A_899 : f32 to vector<16xf32>
        %mul3A_933 = arith.mulf %mul3A_932, %get3A_232 : vector<16xf32>
        %mul3A_934 = vector.broadcast %squeeze3A_901 : f32 to vector<16xf32>
        %mul3A_935 = arith.mulf %mul3A_934, %get3A_247 : vector<16xf32>
        %add3A_936 = arith.addf %mul3A_933, %mul3A_935 : vector<16xf32>
        %mul3A_937 = vector.broadcast %squeeze3A_903 : f32 to vector<16xf32>
        %mul3A_938 = arith.mulf %mul3A_937, %get3A_262 : vector<16xf32>
        %add3A_939 = arith.addf %add3A_936, %mul3A_938 : vector<16xf32>
        %mul3A_940 = vector.broadcast %squeeze3A_905 : f32 to vector<16xf32>
        %mul3A_941 = arith.mulf %mul3A_940, %get3A_277 : vector<16xf32>
        %add3A_942 = arith.addf %add3A_939, %mul3A_941 : vector<16xf32>
        %mul3A_943 = vector.broadcast %squeeze3A_907 : f32 to vector<16xf32>
        %mul3A_944 = arith.mulf %mul3A_943, %get3A_292 : vector<16xf32>
        %add3A_945 = arith.addf %add3A_942, %mul3A_944 : vector<16xf32>
        %get3A_946 = arith.index_cast %add3A_897 : i32 to index
        %get3A_947 = arith.constant 16 : index
        %get3A_948 = tpu.vector_load %arg18[%get3A_946, %get3A_947] {strides = array<i32>} : memref<80x48xf32, #tpu.memory_space<vmem>>, vector<1x16xf32>,
        %get3A_949 = vector.shape_cast %get3A_948 : vector<1x16xf32> to vector<16xf32>
        %mul3A_950 = arith.mulf %get3A_949, %add3A_945 : vector<16xf32>
        %swap3A_951 = arith.index_cast %add3A_897 : i32 to index
        %swap3A_952 = arith.constant 16 : index
        %swap3A_953 = tpu.vector_load %arg19[%swap3A_951, %swap3A_952] {strides = array<i32>} : memref<80x64xf32, #tpu.memory_space<vmem>>, vector<1x16xf32>,
        %swap3A_954 = vector.shape_cast %swap3A_953 : vector<1x16xf32> to vector<16xf32>
        %swap3A_955 = vector.shape_cast %mul3A_950 : vector<16xf32> to vector<1x16xf32>
        tpu.vector_store %arg19[%swap3A_951, %swap3A_952], %swap3A_955 {strides = array<i32>} : memref<80x64xf32, #tpu.memory_space<vmem>>, vector<1x16xf32>,
        %mul3A_956 = vector.broadcast %squeeze3A_899 : f32 to vector<16xf32>
        %mul3A_957 = arith.mulf %mul3A_956, %get3A_237 : vector<16xf32>
        %mul3A_958 = vector.broadcast %squeeze3A_901 : f32 to vector<16xf32>
        %mul3A_959 = arith.mulf %mul3A_958, %get3A_252 : vector<16xf32>
        %add3A_960 = arith.addf %mul3A_957, %mul3A_959 : vector<16xf32>
        %mul3A_961 = vector.broadcast %squeeze3A_903 : f32 to vector<16xf32>
        %mul3A_962 = arith.mulf %mul3A_961, %get3A_267 : vector<16xf32>
        %add3A_963 = arith.addf %add3A_960, %mul3A_962 : vector<16xf32>
        %mul3A_964 = vector.broadcast %squeeze3A_905 : f32 to vector<16xf32>
        %mul3A_965 = arith.mulf %mul3A_964, %get3A_282 : vector<16xf32>
        %add3A_966 = arith.addf %add3A_963, %mul3A_965 : vector<16xf32>
        %mul3A_967 = vector.broadcast %squeeze3A_907 : f32 to vector<16xf32>
        %mul3A_968 = arith.mulf %mul3A_967, %get3A_297 : vector<16xf32>
        %add3A_969 = arith.addf %add3A_966, %mul3A_968 : vector<16xf32>
        %get3A_970 = arith.index_cast %add3A_897 : i32 to index
        %get3A_971 = arith.constant 32 : index
        %get3A_972 = tpu.vector_load %arg18[%get3A_970, %get3A_971] {strides = array<i32>} : memref<80x48xf32, #tpu.memory_space<vmem>>, vector<1x16xf32>,
        %get3A_973 = vector.shape_cast %get3A_972 : vector<1x16xf32> to vector<16xf32>
        %mul3A_974 = arith.mulf %get3A_973, %add3A_969 : vector<16xf32>
        %swap3A_975 = arith.index_cast %add3A_897 : i32 to index
        %swap3A_976 = arith.constant 32 : index
        %swap3A_977 = tpu.vector_load %arg19[%swap3A_975, %swap3A_976] {strides = array<i32>} : memref<80x64xf32, #tpu.memory_space<vmem>>, vector<1x16xf32>,
        %swap3A_978 = vector.shape_cast %swap3A_977 : vector<1x16xf32> to vector<16xf32>
        %swap3A_979 = vector.shape_cast %mul3A_974 : vector<16xf32> to vector<1x16xf32>
        tpu.vector_store %arg19[%swap3A_975, %swap3A_976], %swap3A_979 {strides = array<i32>} : memref<80x64xf32, #tpu.memory_space<vmem>>, vector<1x16xf32>,
      }
      %scan3A_627 = arith.constant 40 : i32
      "tpu.region"() ({
        %run_scoped3A = tpu.sem_alloc : memref<!tpu.dma_semaphore, #tpu.memory_space<semaphore_mem>>
        %dma_start3A_628 = arith.constant 0 : i32
        %dma_start3A_629 = arith.constant 0 : i32
        %dma_start3A_630 = tpu.memref_slice %arg12[%dma_start3A_628, %dma_start3A_629] : memref<10000x64xf32, #tpu.memory_space<vmem_shared>> -> memref<10000x64xf32, #tpu.memory_space<vmem_shared>>
        tpu.enqueue_indirect_dma source(%arg19 : memref<80x64xf32, #tpu.memory_space<vmem>>) target(%dma_start3A_630 : memref<10000x64xf32, #tpu.memory_space<vmem_shared>>) offsets(%arg14 : memref<80xi32, #tpu.memory_space<vmem>>) semaphore(%run_scoped3A : memref<!tpu.dma_semaphore, #tpu.memory_space<semaphore_mem>>) {add = true}
        %dma_wait3A_631 = arith.constant 0 : i32
        %dma_wait3A_632 = arith.constant 0 : i32
        %dma_wait3A_633 = tpu.memref_slice %arg12[%dma_wait3A_631, %dma_wait3A_632] : memref<10000x64xf32, #tpu.memory_space<vmem_shared>> -> memref<10000x64xf32, #tpu.memory_space<vmem_shared>>
        tpu.wait_indirect_dma semaphore(%run_scoped3A : memref<!tpu.dma_semaphore, #tpu.memory_space<semaphore_mem>>) src(%arg19 : memref<80x64xf32, #tpu.memory_space<vmem>>) dst(%dma_wait3A_633 : memref<10000x64xf32, #tpu.memory_space<vmem_shared>>)
        tpu.yield
      }) : () -> ()
    }
    %scan3A_303 = arith.constant 125 : i32
    %barrier3A_304 = arith.constant 0 : index
    tpu.barrier barrier_id(%barrier3A_304)
    "tpu.region"() ({
      %run_scoped3A = tpu.sem_alloc : memref<!tpu.dma_semaphore, #tpu.memory_space<semaphore_mem>>
      %dma_start3A = arith.constant 0 : i32
      %dma_start3A_607 = tpu.memref_slice %arg11[%add3A_157, %mul3A_0, %dma_start3A] : memref<8x10000x64xf32, #tpu.memory_space<hbm>> -> memref<1x625x64xf32, #tpu.memory_space<hbm>>
      %dma_start3A_608 = tpu.memref_squeeze %dma_start3A_607 : memref<1x625x64xf32, #tpu.memory_space<hbm>> -> memref<625x64xf32, #tpu.memory_space<hbm>>
      %dma_start3A_609 = arith.constant 0 : i32
      %dma_start3A_610 = tpu.memref_slice %arg12[%mul3A_0, %dma_start3A_609] : memref<10000x64xf32, #tpu.memory_space<vmem_shared>> -> memref<625x64xf32, #tpu.memory_space<vmem_shared>>
      tpu.enqueue_dma source(%dma_start3A_610 : memref<625x64xf32, #tpu.memory_space<vmem_shared>>) target(%dma_start3A_608 : memref<625x64xf32, #tpu.memory_space<hbm>>) target_semaphore(%run_scoped3A : memref<!tpu.dma_semaphore, #tpu.memory_space<semaphore_mem>>)
      %dma_wait3A = arith.constant 0 : i32
      %dma_wait3A_611 = tpu.memref_slice %arg11[%add3A_157, %mul3A_0, %dma_wait3A] : memref<8x10000x64xf32, #tpu.memory_space<hbm>> -> memref<1x625x64xf32, #tpu.memory_space<hbm>>
      %dma_wait3A_612 = tpu.memref_squeeze %dma_wait3A_611 : memref<1x625x64xf32, #tpu.memory_space<hbm>> -> memref<625x64xf32, #tpu.memory_space<hbm>>
      %dma_wait3A_613 = arith.constant 0 : i32
      %dma_wait3A_614 = tpu.memref_slice %arg12[%mul3A_0, %dma_wait3A_613] : memref<10000x64xf32, #tpu.memory_space<vmem_shared>> -> memref<625x64xf32, #tpu.memory_space<vmem_shared>>
      tpu.wait_dma2 semaphore(%run_scoped3A : memref<!tpu.dma_semaphore, #tpu.memory_space<semaphore_mem>>) src(%dma_wait3A_614 : memref<625x64xf32, #tpu.memory_space<vmem_shared>>) dst(%dma_wait3A_612 : memref<625x64xf32, #tpu.memory_space<hbm>>)
      tpu.yield
    }) : () -> ()
    %mul3A_305 = arith.constant 4 : i32
    %mul3A_306 = arith.muli %arg0, %mul3A_305 : i32
    %add3A_307 = arith.constant 2 : i32
    %add3A_308 = arith.addi %mul3A_306, %add3A_307 : i32
    "tpu.region"() ({
      %run_scoped3A = tpu.sem_alloc : memref<!tpu.dma_semaphore, #tpu.memory_space<semaphore_mem>>
      %dma_start3A = arith.constant 0 : i32
      %dma_start3A_607 = arith.constant 0 : i32
      %dma_start3A_608 = tpu.memref_slice %arg7[%add3A_308, %dma_start3A, %dma_start3A_607] : memref<8x5x16xf32, #tpu.memory_space<hbm>> -> memref<1x5x16xf32, #tpu.memory_space<hbm>>
      %dma_start3A_609 = tpu.memref_squeeze %dma_start3A_608 : memref<1x5x16xf32, #tpu.memory_space<hbm>> -> memref<5x16xf32, #tpu.memory_space<hbm>>
      %dma_start3A_610 = arith.constant 0 : i32
      %dma_start3A_611 = arith.constant 0 : i32
      %dma_start3A_612 = tpu.memref_slice %arg7[%add3A_308, %dma_start3A_610, %dma_start3A_611] : memref<8x5x16xf32, #tpu.memory_space<hbm>> -> memref<1x5x16xf32, #tpu.memory_space<hbm>>
      %dma_start3A_613 = tpu.memref_squeeze %dma_start3A_612 : memref<1x5x16xf32, #tpu.memory_space<hbm>> -> memref<5x16xf32, #tpu.memory_space<hbm>>
      tpu.enqueue_dma source(%dma_start3A_613 : memref<5x16xf32, #tpu.memory_space<hbm>>) target(%arg20 : memref<5x16xf32, #tpu.memory_space<vmem>>) target_semaphore(%run_scoped3A : memref<!tpu.dma_semaphore, #tpu.memory_space<semaphore_mem>>)
      %dma_wait3A = arith.constant 0 : i32
      %dma_wait3A_614 = arith.constant 0 : i32
      %dma_wait3A_615 = tpu.memref_slice %arg7[%add3A_308, %dma_wait3A, %dma_wait3A_614] : memref<8x5x16xf32, #tpu.memory_space<hbm>> -> memref<1x5x16xf32, #tpu.memory_space<hbm>>
      %dma_wait3A_616 = tpu.memref_squeeze %dma_wait3A_615 : memref<1x5x16xf32, #tpu.memory_space<hbm>> -> memref<5x16xf32, #tpu.memory_space<hbm>>
      %dma_wait3A_617 = arith.constant 0 : i32
      %dma_wait3A_618 = arith.constant 0 : i32
      %dma_wait3A_619 = tpu.memref_slice %arg7[%add3A_308, %dma_wait3A_617, %dma_wait3A_618] : memref<8x5x16xf32, #tpu.memory_space<hbm>> -> memref<1x5x16xf32, #tpu.memory_space<hbm>>
      %dma_wait3A_620 = tpu.memref_squeeze %dma_wait3A_619 : memref<1x5x16xf32, #tpu.memory_space<hbm>> -> memref<5x16xf32, #tpu.memory_space<hbm>>
      tpu.wait_dma2 semaphore(%run_scoped3A : memref<!tpu.dma_semaphore, #tpu.memory_space<semaphore_mem>>) src(%dma_wait3A_620 : memref<5x16xf32, #tpu.memory_space<hbm>>) dst(%arg20 : memref<5x16xf32, #tpu.memory_space<vmem>>)
      tpu.yield
    }) : () -> ()
    "tpu.region"() ({
      %run_scoped3A = tpu.sem_alloc : memref<!tpu.dma_semaphore, #tpu.memory_space<semaphore_mem>>
      %dma_start3A = arith.constant 0 : i32
      %dma_start3A_607 = arith.constant 0 : i32
      %dma_start3A_608 = tpu.memref_slice %arg8[%add3A_308, %dma_start3A, %dma_start3A_607] : memref<8x5x16xf32, #tpu.memory_space<hbm>> -> memref<1x5x16xf32, #tpu.memory_space<hbm>>
      %dma_start3A_609 = tpu.memref_squeeze %dma_start3A_608 : memref<1x5x16xf32, #tpu.memory_space<hbm>> -> memref<5x16xf32, #tpu.memory_space<hbm>>
      %dma_start3A_610 = arith.constant 0 : i32
      %dma_start3A_611 = arith.constant 0 : i32
      %dma_start3A_612 = tpu.memref_slice %arg8[%add3A_308, %dma_start3A_610, %dma_start3A_611] : memref<8x5x16xf32, #tpu.memory_space<hbm>> -> memref<1x5x16xf32, #tpu.memory_space<hbm>>
      %dma_start3A_613 = tpu.memref_squeeze %dma_start3A_612 : memref<1x5x16xf32, #tpu.memory_space<hbm>> -> memref<5x16xf32, #tpu.memory_space<hbm>>
      tpu.enqueue_dma source(%dma_start3A_613 : memref<5x16xf32, #tpu.memory_space<hbm>>) target(%arg21 : memref<5x16xf32, #tpu.memory_space<vmem>>) target_semaphore(%run_scoped3A : memref<!tpu.dma_semaphore, #tpu.memory_space<semaphore_mem>>)
      %dma_wait3A = arith.constant 0 : i32
      %dma_wait3A_614 = arith.constant 0 : i32
      %dma_wait3A_615 = tpu.memref_slice %arg8[%add3A_308, %dma_wait3A, %dma_wait3A_614] : memref<8x5x16xf32, #tpu.memory_space<hbm>> -> memref<1x5x16xf32, #tpu.memory_space<hbm>>
      %dma_wait3A_616 = tpu.memref_squeeze %dma_wait3A_615 : memref<1x5x16xf32, #tpu.memory_space<hbm>> -> memref<5x16xf32, #tpu.memory_space<hbm>>
      %dma_wait3A_617 = arith.constant 0 : i32
      %dma_wait3A_618 = arith.constant 0 : i32
      %dma_wait3A_619 = tpu.memref_slice %arg8[%add3A_308, %dma_wait3A_617, %dma_wait3A_618] : memref<8x5x16xf32, #tpu.memory_space<hbm>> -> memref<1x5x16xf32, #tpu.memory_space<hbm>>
      %dma_wait3A_620 = tpu.memref_squeeze %dma_wait3A_619 : memref<1x5x16xf32, #tpu.memory_space<hbm>> -> memref<5x16xf32, #tpu.memory_space<hbm>>
      tpu.wait_dma2 semaphore(%run_scoped3A : memref<!tpu.dma_semaphore, #tpu.memory_space<semaphore_mem>>) src(%dma_wait3A_620 : memref<5x16xf32, #tpu.memory_space<hbm>>) dst(%arg21 : memref<5x16xf32, #tpu.memory_space<vmem>>)
      tpu.yield
    }) : () -> ()
    "tpu.region"() ({
      %run_scoped3A = tpu.sem_alloc : memref<!tpu.dma_semaphore, #tpu.memory_space<semaphore_mem>>
      %dma_start3A = arith.constant 0 : i32
      %dma_start3A_607 = arith.constant 0 : i32
      %dma_start3A_608 = tpu.memref_slice %arg9[%add3A_308, %dma_start3A, %dma_start3A_607] : memref<8x5x48xf32, #tpu.memory_space<hbm>> -> memref<1x5x48xf32, #tpu.memory_space<hbm>>
      %dma_start3A_609 = tpu.memref_squeeze %dma_start3A_608 : memref<1x5x48xf32, #tpu.memory_space<hbm>> -> memref<5x48xf32, #tpu.memory_space<hbm>>
      %dma_start3A_610 = arith.constant 0 : i32
      %dma_start3A_611 = arith.constant 0 : i32
      %dma_start3A_612 = tpu.memref_slice %arg9[%add3A_308, %dma_start3A_610, %dma_start3A_611] : memref<8x5x48xf32, #tpu.memory_space<hbm>> -> memref<1x5x48xf32, #tpu.memory_space<hbm>>
      %dma_start3A_613 = tpu.memref_squeeze %dma_start3A_612 : memref<1x5x48xf32, #tpu.memory_space<hbm>> -> memref<5x48xf32, #tpu.memory_space<hbm>>
      tpu.enqueue_dma source(%dma_start3A_613 : memref<5x48xf32, #tpu.memory_space<hbm>>) target(%arg22 : memref<5x48xf32, #tpu.memory_space<vmem>>) target_semaphore(%run_scoped3A : memref<!tpu.dma_semaphore, #tpu.memory_space<semaphore_mem>>)
      %dma_wait3A = arith.constant 0 : i32
      %dma_wait3A_614 = arith.constant 0 : i32
      %dma_wait3A_615 = tpu.memref_slice %arg9[%add3A_308, %dma_wait3A, %dma_wait3A_614] : memref<8x5x48xf32, #tpu.memory_space<hbm>> -> memref<1x5x48xf32, #tpu.memory_space<hbm>>
      %dma_wait3A_616 = tpu.memref_squeeze %dma_wait3A_615 : memref<1x5x48xf32, #tpu.memory_space<hbm>> -> memref<5x48xf32, #tpu.memory_space<hbm>>
      %dma_wait3A_617 = arith.constant 0 : i32
      %dma_wait3A_618 = arith.constant 0 : i32
      %dma_wait3A_619 = tpu.memref_slice %arg9[%add3A_308, %dma_wait3A_617, %dma_wait3A_618] : memref<8x5x48xf32, #tpu.memory_space<hbm>> -> memref<1x5x48xf32, #tpu.memory_space<hbm>>
      %dma_wait3A_620 = tpu.memref_squeeze %dma_wait3A_619 : memref<1x5x48xf32, #tpu.memory_space<hbm>> -> memref<5x48xf32, #tpu.memory_space<hbm>>
      tpu.wait_dma2 semaphore(%run_scoped3A : memref<!tpu.dma_semaphore, #tpu.memory_space<semaphore_mem>>) src(%dma_wait3A_620 : memref<5x48xf32, #tpu.memory_space<hbm>>) dst(%arg22 : memref<5x48xf32, #tpu.memory_space<vmem>>)
      tpu.yield
    }) : () -> ()
    "tpu.region"() ({
      %run_scoped3A = tpu.sem_alloc : memref<!tpu.dma_semaphore, #tpu.memory_space<semaphore_mem>>
      %dma_start3A = arith.constant 0 : i32
      %dma_start3A_607 = tpu.memref_slice %arg12[%mul3A_0, %dma_start3A] : memref<10000x64xf32, #tpu.memory_space<vmem_shared>> -> memref<625x64xf32, #tpu.memory_space<vmem_shared>>
      %dma_start3A_608 = arith.constant 0 : i32
      %dma_start3A_609 = tpu.memref_slice %arg12[%mul3A_0, %dma_start3A_608] : memref<10000x64xf32, #tpu.memory_space<vmem_shared>> -> memref<625x64xf32, #tpu.memory_space<vmem_shared>>
      tpu.enqueue_dma source(%arg13 : memref<625x64xf32, #tpu.memory_space<vmem>>) target(%dma_start3A_609 : memref<625x64xf32, #tpu.memory_space<vmem_shared>>) target_semaphore(%run_scoped3A : memref<!tpu.dma_semaphore, #tpu.memory_space<semaphore_mem>>)
      %dma_wait3A = arith.constant 0 : i32
      %dma_wait3A_610 = tpu.memref_slice %arg12[%mul3A_0, %dma_wait3A] : memref<10000x64xf32, #tpu.memory_space<vmem_shared>> -> memref<625x64xf32, #tpu.memory_space<vmem_shared>>
      %dma_wait3A_611 = arith.constant 0 : i32
      %dma_wait3A_612 = tpu.memref_slice %arg12[%mul3A_0, %dma_wait3A_611] : memref<10000x64xf32, #tpu.memory_space<vmem_shared>> -> memref<625x64xf32, #tpu.memory_space<vmem_shared>>
      tpu.wait_dma2 semaphore(%run_scoped3A : memref<!tpu.dma_semaphore, #tpu.memory_space<semaphore_mem>>) src(%arg13 : memref<625x64xf32, #tpu.memory_space<vmem>>) dst(%dma_wait3A_612 : memref<625x64xf32, #tpu.memory_space<vmem_shared>>)
      tpu.yield
    }) : () -> ()
    %barrier3A_309 = arith.constant 0 : index
    tpu.barrier barrier_id(%barrier3A_309)
    %get3A_310 = arith.constant 0 : i32
    %get3A_311 = arith.index_cast %get3A_310 : i32 to index
    %get3A_312 = arith.constant 0 : index
    %get3A_313 = tpu.vector_load %arg20[%get3A_311, %get3A_312] {strides = array<i32>} : memref<5x16xf32, #tpu.memory_space<vmem>>, vector<1x16xf32>,
    %get3A_314 = vector.shape_cast %get3A_313 : vector<1x16xf32> to vector<16xf32>
    %get3A_315 = arith.constant 1 : i32
    %get3A_316 = arith.index_cast %get3A_315 : i32 to index
    %get3A_317 = arith.constant 0 : index
    %get3A_318 = tpu.vector_load %arg20[%get3A_316, %get3A_317] {strides = array<i32>} : memref<5x16xf32, #tpu.memory_space<vmem>>, vector<1x16xf32>,
    %get3A_319 = vector.shape_cast %get3A_318 : vector<1x16xf32> to vector<16xf32>
    %get3A_320 = arith.constant 2 : i32
    %get3A_321 = arith.index_cast %get3A_320 : i32 to index
    %get3A_322 = arith.constant 0 : index
    %get3A_323 = tpu.vector_load %arg20[%get3A_321, %get3A_322] {strides = array<i32>} : memref<5x16xf32, #tpu.memory_space<vmem>>, vector<1x16xf32>,
    %get3A_324 = vector.shape_cast %get3A_323 : vector<1x16xf32> to vector<16xf32>
    %get3A_325 = arith.constant 3 : i32
    %get3A_326 = arith.index_cast %get3A_325 : i32 to index
    %get3A_327 = arith.constant 0 : index
    %get3A_328 = tpu.vector_load %arg20[%get3A_326, %get3A_327] {strides = array<i32>} : memref<5x16xf32, #tpu.memory_space<vmem>>, vector<1x16xf32>,
    %get3A_329 = vector.shape_cast %get3A_328 : vector<1x16xf32> to vector<16xf32>
    %get3A_330 = arith.constant 4 : i32
    %get3A_331 = arith.index_cast %get3A_330 : i32 to index
    %get3A_332 = arith.constant 0 : index
    %get3A_333 = tpu.vector_load %arg20[%get3A_331, %get3A_332] {strides = array<i32>} : memref<5x16xf32, #tpu.memory_space<vmem>>, vector<1x16xf32>,
    %get3A_334 = vector.shape_cast %get3A_333 : vector<1x16xf32> to vector<16xf32>
    %get3A_335 = arith.constant 0 : i32
    %get3A_336 = arith.index_cast %get3A_335 : i32 to index
    %get3A_337 = arith.constant 0 : index
    %get3A_338 = tpu.vector_load %arg21[%get3A_336, %get3A_337] {strides = array<i32>} : memref<5x16xf32, #tpu.memory_space<vmem>>, vector<1x16xf32>,
    %get3A_339 = vector.shape_cast %get3A_338 : vector<1x16xf32> to vector<16xf32>
    %get3A_340 = arith.constant 1 : i32
    %get3A_341 = arith.index_cast %get3A_340 : i32 to index
    %get3A_342 = arith.constant 0 : index
    %get3A_343 = tpu.vector_load %arg21[%get3A_341, %get3A_342] {strides = array<i32>} : memref<5x16xf32, #tpu.memory_space<vmem>>, vector<1x16xf32>,
    %get3A_344 = vector.shape_cast %get3A_343 : vector<1x16xf32> to vector<16xf32>
    %get3A_345 = arith.constant 2 : i32
    %get3A_346 = arith.index_cast %get3A_345 : i32 to index
    %get3A_347 = arith.constant 0 : index
    %get3A_348 = tpu.vector_load %arg21[%get3A_346, %get3A_347] {strides = array<i32>} : memref<5x16xf32, #tpu.memory_space<vmem>>, vector<1x16xf32>,
    %get3A_349 = vector.shape_cast %get3A_348 : vector<1x16xf32> to vector<16xf32>
    %get3A_350 = arith.constant 3 : i32
    %get3A_351 = arith.index_cast %get3A_350 : i32 to index
    %get3A_352 = arith.constant 0 : index
    %get3A_353 = tpu.vector_load %arg21[%get3A_351, %get3A_352] {strides = array<i32>} : memref<5x16xf32, #tpu.memory_space<vmem>>, vector<1x16xf32>,
    %get3A_354 = vector.shape_cast %get3A_353 : vector<1x16xf32> to vector<16xf32>
    %get3A_355 = arith.constant 4 : i32
    %get3A_356 = arith.index_cast %get3A_355 : i32 to index
    %get3A_357 = arith.constant 0 : index
    %get3A_358 = tpu.vector_load %arg21[%get3A_356, %get3A_357] {strides = array<i32>} : memref<5x16xf32, #tpu.memory_space<vmem>>, vector<1x16xf32>,
    %get3A_359 = vector.shape_cast %get3A_358 : vector<1x16xf32> to vector<16xf32>
    %scan3A_360 = arith.constant 0 : i32
    %scan3A_361 = arith.constant 0 : i32
    %scan3A_362 = arith.constant 125 : i32
    %scan3A_363 = arith.addi %scan3A_361, %scan3A_362 : i32
    %scan3A_364 = arith.constant 1 : i32
    scf.for %scan3A_607 = %scan3A_361 to %scan3A_363 step %scan3A_364  : i32 {
      %mul3A_608 = arith.constant 10000 : i32
      %mul3A_609 = arith.muli %arg1, %mul3A_608 : i32
      %mul3A_610 = arith.constant 80 : i32
      %mul3A_611 = arith.muli %scan3A_607, %mul3A_610 : i32
      %add3A_612 = arith.addi %mul3A_609, %mul3A_611 : i32
      "tpu.region"() ({
        %run_scoped3A = tpu.sem_alloc : memref<!tpu.dma_semaphore, #tpu.memory_space<semaphore_mem>>
        %dma_start3A_628 = tpu.memref_slice %arg5[%add3A_308, %add3A_612] : memref<8x160000xi32, #tpu.memory_space<hbm>> -> memref<1x80xi32, #tpu.memory_space<hbm>>
        %dma_start3A_629 = tpu.memref_squeeze %dma_start3A_628 : memref<1x80xi32, #tpu.memory_space<hbm>> -> memref<80xi32, #tpu.memory_space<hbm>>
        %dma_start3A_630 = tpu.memref_slice %arg5[%add3A_308, %add3A_612] : memref<8x160000xi32, #tpu.memory_space<hbm>> -> memref<1x80xi32, #tpu.memory_space<hbm>>
        %dma_start3A_631 = tpu.memref_squeeze %dma_start3A_630 : memref<1x80xi32, #tpu.memory_space<hbm>> -> memref<80xi32, #tpu.memory_space<hbm>>
        tpu.enqueue_dma source(%dma_start3A_631 : memref<80xi32, #tpu.memory_space<hbm>>) target(%arg15 : memref<80xi32, #tpu.memory_space<vmem>>) target_semaphore(%run_scoped3A : memref<!tpu.dma_semaphore, #tpu.memory_space<semaphore_mem>>)
        %dma_wait3A_632 = tpu.memref_slice %arg5[%add3A_308, %add3A_612] : memref<8x160000xi32, #tpu.memory_space<hbm>> -> memref<1x80xi32, #tpu.memory_space<hbm>>
        %dma_wait3A_633 = tpu.memref_squeeze %dma_wait3A_632 : memref<1x80xi32, #tpu.memory_space<hbm>> -> memref<80xi32, #tpu.memory_space<hbm>>
        %dma_wait3A_634 = tpu.memref_slice %arg5[%add3A_308, %add3A_612] : memref<8x160000xi32, #tpu.memory_space<hbm>> -> memref<1x80xi32, #tpu.memory_space<hbm>>
        %dma_wait3A_635 = tpu.memref_squeeze %dma_wait3A_634 : memref<1x80xi32, #tpu.memory_space<hbm>> -> memref<80xi32, #tpu.memory_space<hbm>>
        tpu.wait_dma2 semaphore(%run_scoped3A : memref<!tpu.dma_semaphore, #tpu.memory_space<semaphore_mem>>) src(%dma_wait3A_635 : memref<80xi32, #tpu.memory_space<hbm>>) dst(%arg15 : memref<80xi32, #tpu.memory_space<vmem>>)
        tpu.yield
      }) : () -> ()
      "tpu.region"() ({
        %run_scoped3A = tpu.sem_alloc : memref<!tpu.dma_semaphore, #tpu.memory_space<semaphore_mem>>
        %dma_start3A_628 = tpu.memref_slice %arg6[%add3A_612] : memref<160000xi32, #tpu.memory_space<hbm>> -> memref<80xi32, #tpu.memory_space<hbm>>
        %dma_start3A_629 = tpu.memref_slice %arg6[%add3A_612] : memref<160000xi32, #tpu.memory_space<hbm>> -> memref<80xi32, #tpu.memory_space<hbm>>
        tpu.enqueue_dma source(%dma_start3A_629 : memref<80xi32, #tpu.memory_space<hbm>>) target(%arg14 : memref<80xi32, #tpu.memory_space<vmem>>) target_semaphore(%run_scoped3A : memref<!tpu.dma_semaphore, #tpu.memory_space<semaphore_mem>>)
        %dma_wait3A_630 = tpu.memref_slice %arg6[%add3A_612] : memref<160000xi32, #tpu.memory_space<hbm>> -> memref<80xi32, #tpu.memory_space<hbm>>
        %dma_wait3A_631 = tpu.memref_slice %arg6[%add3A_612] : memref<160000xi32, #tpu.memory_space<hbm>> -> memref<80xi32, #tpu.memory_space<hbm>>
        tpu.wait_dma2 semaphore(%run_scoped3A : memref<!tpu.dma_semaphore, #tpu.memory_space<semaphore_mem>>) src(%dma_wait3A_631 : memref<80xi32, #tpu.memory_space<hbm>>) dst(%arg14 : memref<80xi32, #tpu.memory_space<vmem>>)
        tpu.yield
      }) : () -> ()
      %mul3A_613 = arith.constant 5000 : i32
      %mul3A_614 = arith.muli %arg1, %mul3A_613 : i32
      %mul3A_615 = arith.constant 40 : i32
      %mul3A_616 = arith.muli %scan3A_607, %mul3A_615 : i32
      %add3A_617 = arith.addi %mul3A_614, %mul3A_616 : i32
      "tpu.region"() ({
        %run_scoped3A = tpu.sem_alloc : memref<!tpu.dma_semaphore, #tpu.memory_space<semaphore_mem>>
        %dma_start3A_628 = arith.constant 0 : i32
        %dma_start3A_629 = tpu.memref_slice %arg4[%add3A_617, %dma_start3A_628] : memref<80000x16xf32, #tpu.memory_space<hbm>> -> memref<40x16xf32, #tpu.memory_space<hbm>>
        %dma_start3A_630 = arith.constant 0 : i32
        %dma_start3A_631 = tpu.memref_slice %arg4[%add3A_617, %dma_start3A_630] : memref<80000x16xf32, #tpu.memory_space<hbm>> -> memref<40x16xf32, #tpu.memory_space<hbm>>
        tpu.enqueue_dma source(%dma_start3A_631 : memref<40x16xf32, #tpu.memory_space<hbm>>) target(%arg16 : memref<40x16xf32, #tpu.memory_space<vmem>>) target_semaphore(%run_scoped3A : memref<!tpu.dma_semaphore, #tpu.memory_space<semaphore_mem>>)
        %dma_wait3A_632 = arith.constant 0 : i32
        %dma_wait3A_633 = tpu.memref_slice %arg4[%add3A_617, %dma_wait3A_632] : memref<80000x16xf32, #tpu.memory_space<hbm>> -> memref<40x16xf32, #tpu.memory_space<hbm>>
        %dma_wait3A_634 = arith.constant 0 : i32
        %dma_wait3A_635 = tpu.memref_slice %arg4[%add3A_617, %dma_wait3A_634] : memref<80000x16xf32, #tpu.memory_space<hbm>> -> memref<40x16xf32, #tpu.memory_space<hbm>>
        tpu.wait_dma2 semaphore(%run_scoped3A : memref<!tpu.dma_semaphore, #tpu.memory_space<semaphore_mem>>) src(%dma_wait3A_635 : memref<40x16xf32, #tpu.memory_space<hbm>>) dst(%arg16 : memref<40x16xf32, #tpu.memory_space<vmem>>)
        tpu.yield
      }) : () -> ()
      %dma_start3A = arith.constant 0 : i32
      %dma_start3A_618 = arith.constant 0 : i32
      %dma_start3A_619 = tpu.memref_slice %arg2[%dma_start3A, %dma_start3A_618] : memref<80000x16xf32, #tpu.memory_space<hbm>> -> memref<80000x16xf32, #tpu.memory_space<hbm>>
      tpu.enqueue_indirect_dma source(%dma_start3A_619 : memref<80000x16xf32, #tpu.memory_space<hbm>>) target(%arg17 : memref<80x16xf32, #tpu.memory_space<vmem>>) offsets(%arg15 : memref<80xi32, #tpu.memory_space<vmem>>) semaphore(%arg23 : memref<!tpu.dma_semaphore, #tpu.memory_space<semaphore_mem>>)
      %dma_wait3A = arith.constant 0 : i32
      %dma_wait3A_620 = arith.constant 0 : i32
      %dma_wait3A_621 = tpu.memref_slice %arg2[%dma_wait3A, %dma_wait3A_620] : memref<80000x16xf32, #tpu.memory_space<hbm>> -> memref<80000x16xf32, #tpu.memory_space<hbm>>
      tpu.wait_indirect_dma semaphore(%arg23 : memref<!tpu.dma_semaphore, #tpu.memory_space<semaphore_mem>>) src(%dma_wait3A_621 : memref<80000x16xf32, #tpu.memory_space<hbm>>) dst(%arg17 : memref<80x16xf32, #tpu.memory_space<vmem>>)
      %scan3A_622 = arith.constant 0 : i32
      %scan3A_623 = arith.constant 0 : i32
      %scan3A_624 = arith.constant 40 : i32
      %scan3A_625 = arith.addi %scan3A_623, %scan3A_624 : i32
      %scan3A_626 = arith.constant 2 : i32
      scf.for %scan3A_628 = %scan3A_623 to %scan3A_625 step %scan3A_626  : i32 {
        %get3A_629 = arith.index_cast %scan3A_628 : i32 to index
        %get3A_630 = arith.constant 0 : index
        %get3A_631 = tpu.vector_load %arg16[%get3A_629, %get3A_630] {strides = array<i32>} : memref<40x16xf32, #tpu.memory_space<vmem>>, vector<1x16xf32>,
        %get3A_632 = vector.shape_cast %get3A_631 : vector<1x16xf32> to vector<16xf32>
        %mul3A_633 = arith.constant 2 : i32
        %mul3A_634 = arith.muli %mul3A_633, %scan3A_628 : i32
        %add3A_635 = arith.constant 0 : i32
        %add3A_636 = arith.addi %mul3A_634, %add3A_635 : i32
        %slice3A = vector.extract_strided_slice %get3A_632 {offsets = [0], sizes = [1], strides = [1]} : vector<16xf32> to vector<1xf32>
        %squeeze3A = vector.extract %slice3A[0] : f32 from vector<1xf32>
        %slice3A_637 = vector.extract_strided_slice %get3A_632 {offsets = [1], sizes = [1], strides = [1]} : vector<16xf32> to vector<1xf32>
        %squeeze3A_638 = vector.extract %slice3A_637[0] : f32 from vector<1xf32>
        %slice3A_639 = vector.extract_strided_slice %get3A_632 {offsets = [2], sizes = [1], strides = [1]} : vector<16xf32> to vector<1xf32>
        %squeeze3A_640 = vector.extract %slice3A_639[0] : f32 from vector<1xf32>
        %slice3A_641 = vector.extract_strided_slice %get3A_632 {offsets = [3], sizes = [1], strides = [1]} : vector<16xf32> to vector<1xf32>
        %squeeze3A_642 = vector.extract %slice3A_641[0] : f32 from vector<1xf32>
        %slice3A_643 = vector.extract_strided_slice %get3A_632 {offsets = [4], sizes = [1], strides = [1]} : vector<16xf32> to vector<1xf32>
        %squeeze3A_644 = vector.extract %slice3A_643[0] : f32 from vector<1xf32>
        %mul3A_645 = vector.broadcast %squeeze3A : f32 to vector<16xf32>
        %mul3A_646 = arith.mulf %mul3A_645, %get3A_314 : vector<16xf32>
        %mul3A_647 = vector.broadcast %squeeze3A : f32 to vector<16xf32>
        %mul3A_648 = arith.mulf %mul3A_647, %get3A_339 : vector<16xf32>
        %mul3A_649 = vector.broadcast %squeeze3A_638 : f32 to vector<16xf32>
        %mul3A_650 = arith.mulf %mul3A_649, %get3A_319 : vector<16xf32>
        %add3A_651 = arith.addf %mul3A_646, %mul3A_650 : vector<16xf32>
        %mul3A_652 = vector.broadcast %squeeze3A_638 : f32 to vector<16xf32>
        %mul3A_653 = arith.mulf %mul3A_652, %get3A_344 : vector<16xf32>
        %add3A_654 = arith.addf %mul3A_648, %mul3A_653 : vector<16xf32>
        %mul3A_655 = vector.broadcast %squeeze3A_640 : f32 to vector<16xf32>
        %mul3A_656 = arith.mulf %mul3A_655, %get3A_324 : vector<16xf32>
        %add3A_657 = arith.addf %add3A_651, %mul3A_656 : vector<16xf32>
        %mul3A_658 = vector.broadcast %squeeze3A_640 : f32 to vector<16xf32>
        %mul3A_659 = arith.mulf %mul3A_658, %get3A_349 : vector<16xf32>
        %add3A_660 = arith.addf %add3A_654, %mul3A_659 : vector<16xf32>
        %mul3A_661 = vector.broadcast %squeeze3A_642 : f32 to vector<16xf32>
        %mul3A_662 = arith.mulf %mul3A_661, %get3A_329 : vector<16xf32>
        %add3A_663 = arith.addf %add3A_657, %mul3A_662 : vector<16xf32>
        %mul3A_664 = vector.broadcast %squeeze3A_642 : f32 to vector<16xf32>
        %mul3A_665 = arith.mulf %mul3A_664, %get3A_354 : vector<16xf32>
        %add3A_666 = arith.addf %add3A_660, %mul3A_665 : vector<16xf32>
        %mul3A_667 = vector.broadcast %squeeze3A_644 : f32 to vector<16xf32>
        %mul3A_668 = arith.mulf %mul3A_667, %get3A_334 : vector<16xf32>
        %add3A_669 = arith.addf %add3A_663, %mul3A_668 : vector<16xf32>
        %mul3A_670 = vector.broadcast %squeeze3A_644 : f32 to vector<16xf32>
        %mul3A_671 = arith.mulf %mul3A_670, %get3A_359 : vector<16xf32>
        %add3A_672 = arith.addf %add3A_666, %mul3A_671 : vector<16xf32>
        %get3A_673 = arith.index_cast %add3A_636 : i32 to index
        %get3A_674 = arith.constant 0 : index
        %get3A_675 = tpu.vector_load %arg17[%get3A_673, %get3A_674] {strides = array<i32>} : memref<80x16xf32, #tpu.memory_space<vmem>>, vector<1x16xf32>,
        %get3A_676 = vector.shape_cast %get3A_675 : vector<1x16xf32> to vector<16xf32>
        %mul3A_677 = arith.mulf %get3A_676, %add3A_669 : vector<16xf32>
        %swap3A = arith.index_cast %add3A_636 : i32 to index
        %swap3A_678 = arith.constant 0 : index
        %swap3A_679 = tpu.vector_load %arg19[%swap3A, %swap3A_678] {strides = array<i32>} : memref<80x64xf32, #tpu.memory_space<vmem>>, vector<1x16xf32>,
        %swap3A_680 = vector.shape_cast %swap3A_679 : vector<1x16xf32> to vector<16xf32>
        %swap3A_681 = vector.shape_cast %mul3A_677 : vector<16xf32> to vector<1x16xf32>
        tpu.vector_store %arg19[%swap3A, %swap3A_678], %swap3A_681 {strides = array<i32>} : memref<80x64xf32, #tpu.memory_space<vmem>>, vector<1x16xf32>,
        %mul3A_682 = arith.mulf %get3A_676, %add3A_672 : vector<16xf32>
        %slice3A_683 = vector.extract_strided_slice %get3A_632 {offsets = [5], sizes = [1], strides = [1]} : vector<16xf32> to vector<1xf32>
        %squeeze3A_684 = vector.extract %slice3A_683[0] : f32 from vector<1xf32>
        %mul3A_685 = vector.broadcast %squeeze3A_684 : f32 to vector<16xf32>
        %mul3A_686 = arith.mulf %mul3A_682, %mul3A_685 : vector<16xf32>
        %swap3A_687 = arith.index_cast %add3A_636 : i32 to index
        %swap3A_688 = arith.constant 16 : index
        %swap3A_689 = tpu.vector_load %arg19[%swap3A_687, %swap3A_688] {strides = array<i32>} : memref<80x64xf32, #tpu.memory_space<vmem>>, vector<1x16xf32>,
        %swap3A_690 = vector.shape_cast %swap3A_689 : vector<1x16xf32> to vector<16xf32>
        %swap3A_691 = vector.shape_cast %mul3A_686 : vector<16xf32> to vector<1x16xf32>
        tpu.vector_store %arg19[%swap3A_687, %swap3A_688], %swap3A_691 {strides = array<i32>} : memref<80x64xf32, #tpu.memory_space<vmem>>, vector<1x16xf32>,
        %slice3A_692 = vector.extract_strided_slice %get3A_632 {offsets = [6], sizes = [1], strides = [1]} : vector<16xf32> to vector<1xf32>
        %squeeze3A_693 = vector.extract %slice3A_692[0] : f32 from vector<1xf32>
        %mul3A_694 = vector.broadcast %squeeze3A_693 : f32 to vector<16xf32>
        %mul3A_695 = arith.mulf %mul3A_682, %mul3A_694 : vector<16xf32>
        %swap3A_696 = arith.index_cast %add3A_636 : i32 to index
        %swap3A_697 = arith.constant 32 : index
        %swap3A_698 = tpu.vector_load %arg19[%swap3A_696, %swap3A_697] {strides = array<i32>} : memref<80x64xf32, #tpu.memory_space<vmem>>, vector<1x16xf32>,
        %swap3A_699 = vector.shape_cast %swap3A_698 : vector<1x16xf32> to vector<16xf32>
        %swap3A_700 = vector.shape_cast %mul3A_695 : vector<16xf32> to vector<1x16xf32>
        tpu.vector_store %arg19[%swap3A_696, %swap3A_697], %swap3A_700 {strides = array<i32>} : memref<80x64xf32, #tpu.memory_space<vmem>>, vector<1x16xf32>,
        %slice3A_701 = vector.extract_strided_slice %get3A_632 {offsets = [7], sizes = [1], strides = [1]} : vector<16xf32> to vector<1xf32>
        %squeeze3A_702 = vector.extract %slice3A_701[0] : f32 from vector<1xf32>
        %mul3A_703 = vector.broadcast %squeeze3A_702 : f32 to vector<16xf32>
        %mul3A_704 = arith.mulf %mul3A_682, %mul3A_703 : vector<16xf32>
        %swap3A_705 = arith.index_cast %add3A_636 : i32 to index
        %swap3A_706 = arith.constant 48 : index
        %swap3A_707 = tpu.vector_load %arg19[%swap3A_705, %swap3A_706] {strides = array<i32>} : memref<80x64xf32, #tpu.memory_space<vmem>>, vector<1x16xf32>,
        %swap3A_708 = vector.shape_cast %swap3A_707 : vector<1x16xf32> to vector<16xf32>
        %swap3A_709 = vector.shape_cast %mul3A_704 : vector<16xf32> to vector<1x16xf32>
        tpu.vector_store %arg19[%swap3A_705, %swap3A_706], %swap3A_709 {strides = array<i32>} : memref<80x64xf32, #tpu.memory_space<vmem>>, vector<1x16xf32>,
        %mul3A_710 = arith.constant 2 : i32
        %mul3A_711 = arith.muli %mul3A_710, %scan3A_628 : i32
        %add3A_712 = arith.constant 1 : i32
        %add3A_713 = arith.addi %mul3A_711, %add3A_712 : i32
        %slice3A_714 = vector.extract_strided_slice %get3A_632 {offsets = [8], sizes = [1], strides = [1]} : vector<16xf32> to vector<1xf32>
        %squeeze3A_715 = vector.extract %slice3A_714[0] : f32 from vector<1xf32>
        %slice3A_716 = vector.extract_strided_slice %get3A_632 {offsets = [9], sizes = [1], strides = [1]} : vector<16xf32> to vector<1xf32>
        %squeeze3A_717 = vector.extract %slice3A_716[0] : f32 from vector<1xf32>
        %slice3A_718 = vector.extract_strided_slice %get3A_632 {offsets = [10], sizes = [1], strides = [1]} : vector<16xf32> to vector<1xf32>
        %squeeze3A_719 = vector.extract %slice3A_718[0] : f32 from vector<1xf32>
        %slice3A_720 = vector.extract_strided_slice %get3A_632 {offsets = [11], sizes = [1], strides = [1]} : vector<16xf32> to vector<1xf32>
        %squeeze3A_721 = vector.extract %slice3A_720[0] : f32 from vector<1xf32>
        %slice3A_722 = vector.extract_strided_slice %get3A_632 {offsets = [12], sizes = [1], strides = [1]} : vector<16xf32> to vector<1xf32>
        %squeeze3A_723 = vector.extract %slice3A_722[0] : f32 from vector<1xf32>
        %mul3A_724 = vector.broadcast %squeeze3A_715 : f32 to vector<16xf32>
        %mul3A_725 = arith.mulf %mul3A_724, %get3A_314 : vector<16xf32>
        %mul3A_726 = vector.broadcast %squeeze3A_715 : f32 to vector<16xf32>
        %mul3A_727 = arith.mulf %mul3A_726, %get3A_339 : vector<16xf32>
        %mul3A_728 = vector.broadcast %squeeze3A_717 : f32 to vector<16xf32>
        %mul3A_729 = arith.mulf %mul3A_728, %get3A_319 : vector<16xf32>
        %add3A_730 = arith.addf %mul3A_725, %mul3A_729 : vector<16xf32>
        %mul3A_731 = vector.broadcast %squeeze3A_717 : f32 to vector<16xf32>
        %mul3A_732 = arith.mulf %mul3A_731, %get3A_344 : vector<16xf32>
        %add3A_733 = arith.addf %mul3A_727, %mul3A_732 : vector<16xf32>
        %mul3A_734 = vector.broadcast %squeeze3A_719 : f32 to vector<16xf32>
        %mul3A_735 = arith.mulf %mul3A_734, %get3A_324 : vector<16xf32>
        %add3A_736 = arith.addf %add3A_730, %mul3A_735 : vector<16xf32>
        %mul3A_737 = vector.broadcast %squeeze3A_719 : f32 to vector<16xf32>
        %mul3A_738 = arith.mulf %mul3A_737, %get3A_349 : vector<16xf32>
        %add3A_739 = arith.addf %add3A_733, %mul3A_738 : vector<16xf32>
        %mul3A_740 = vector.broadcast %squeeze3A_721 : f32 to vector<16xf32>
        %mul3A_741 = arith.mulf %mul3A_740, %get3A_329 : vector<16xf32>
        %add3A_742 = arith.addf %add3A_736, %mul3A_741 : vector<16xf32>
        %mul3A_743 = vector.broadcast %squeeze3A_721 : f32 to vector<16xf32>
        %mul3A_744 = arith.mulf %mul3A_743, %get3A_354 : vector<16xf32>
        %add3A_745 = arith.addf %add3A_739, %mul3A_744 : vector<16xf32>
        %mul3A_746 = vector.broadcast %squeeze3A_723 : f32 to vector<16xf32>
        %mul3A_747 = arith.mulf %mul3A_746, %get3A_334 : vector<16xf32>
        %add3A_748 = arith.addf %add3A_742, %mul3A_747 : vector<16xf32>
        %mul3A_749 = vector.broadcast %squeeze3A_723 : f32 to vector<16xf32>
        %mul3A_750 = arith.mulf %mul3A_749, %get3A_359 : vector<16xf32>
        %add3A_751 = arith.addf %add3A_745, %mul3A_750 : vector<16xf32>
        %get3A_752 = arith.index_cast %add3A_713 : i32 to index
        %get3A_753 = arith.constant 0 : index
        %get3A_754 = tpu.vector_load %arg17[%get3A_752, %get3A_753] {strides = array<i32>} : memref<80x16xf32, #tpu.memory_space<vmem>>, vector<1x16xf32>,
        %get3A_755 = vector.shape_cast %get3A_754 : vector<1x16xf32> to vector<16xf32>
        %mul3A_756 = arith.mulf %get3A_755, %add3A_748 : vector<16xf32>
        %swap3A_757 = arith.index_cast %add3A_713 : i32 to index
        %swap3A_758 = arith.constant 0 : index
        %swap3A_759 = tpu.vector_load %arg19[%swap3A_757, %swap3A_758] {strides = array<i32>} : memref<80x64xf32, #tpu.memory_space<vmem>>, vector<1x16xf32>,
        %swap3A_760 = vector.shape_cast %swap3A_759 : vector<1x16xf32> to vector<16xf32>
        %swap3A_761 = vector.shape_cast %mul3A_756 : vector<16xf32> to vector<1x16xf32>
        tpu.vector_store %arg19[%swap3A_757, %swap3A_758], %swap3A_761 {strides = array<i32>} : memref<80x64xf32, #tpu.memory_space<vmem>>, vector<1x16xf32>,
        %mul3A_762 = arith.mulf %get3A_755, %add3A_751 : vector<16xf32>
        %slice3A_763 = vector.extract_strided_slice %get3A_632 {offsets = [13], sizes = [1], strides = [1]} : vector<16xf32> to vector<1xf32>
        %squeeze3A_764 = vector.extract %slice3A_763[0] : f32 from vector<1xf32>
        %mul3A_765 = vector.broadcast %squeeze3A_764 : f32 to vector<16xf32>
        %mul3A_766 = arith.mulf %mul3A_762, %mul3A_765 : vector<16xf32>
        %swap3A_767 = arith.index_cast %add3A_713 : i32 to index
        %swap3A_768 = arith.constant 16 : index
        %swap3A_769 = tpu.vector_load %arg19[%swap3A_767, %swap3A_768] {strides = array<i32>} : memref<80x64xf32, #tpu.memory_space<vmem>>, vector<1x16xf32>,
        %swap3A_770 = vector.shape_cast %swap3A_769 : vector<1x16xf32> to vector<16xf32>
        %swap3A_771 = vector.shape_cast %mul3A_766 : vector<16xf32> to vector<1x16xf32>
        tpu.vector_store %arg19[%swap3A_767, %swap3A_768], %swap3A_771 {strides = array<i32>} : memref<80x64xf32, #tpu.memory_space<vmem>>, vector<1x16xf32>,
        %slice3A_772 = vector.extract_strided_slice %get3A_632 {offsets = [14], sizes = [1], strides = [1]} : vector<16xf32> to vector<1xf32>
        %squeeze3A_773 = vector.extract %slice3A_772[0] : f32 from vector<1xf32>
        %mul3A_774 = vector.broadcast %squeeze3A_773 : f32 to vector<16xf32>
        %mul3A_775 = arith.mulf %mul3A_762, %mul3A_774 : vector<16xf32>
        %swap3A_776 = arith.index_cast %add3A_713 : i32 to index
        %swap3A_777 = arith.constant 32 : index
        %swap3A_778 = tpu.vector_load %arg19[%swap3A_776, %swap3A_777] {strides = array<i32>} : memref<80x64xf32, #tpu.memory_space<vmem>>, vector<1x16xf32>,
        %swap3A_779 = vector.shape_cast %swap3A_778 : vector<1x16xf32> to vector<16xf32>
        %swap3A_780 = vector.shape_cast %mul3A_775 : vector<16xf32> to vector<1x16xf32>
        tpu.vector_store %arg19[%swap3A_776, %swap3A_777], %swap3A_780 {strides = array<i32>} : memref<80x64xf32, #tpu.memory_space<vmem>>, vector<1x16xf32>,
        %slice3A_781 = vector.extract_strided_slice %get3A_632 {offsets = [15], sizes = [1], strides = [1]} : vector<16xf32> to vector<1xf32>
        %squeeze3A_782 = vector.extract %slice3A_781[0] : f32 from vector<1xf32>
        %mul3A_783 = vector.broadcast %squeeze3A_782 : f32 to vector<16xf32>
        %mul3A_784 = arith.mulf %mul3A_762, %mul3A_783 : vector<16xf32>
        %swap3A_785 = arith.index_cast %add3A_713 : i32 to index
        %swap3A_786 = arith.constant 48 : index
        %swap3A_787 = tpu.vector_load %arg19[%swap3A_785, %swap3A_786] {strides = array<i32>} : memref<80x64xf32, #tpu.memory_space<vmem>>, vector<1x16xf32>,
        %swap3A_788 = vector.shape_cast %swap3A_787 : vector<1x16xf32> to vector<16xf32>
        %swap3A_789 = vector.shape_cast %mul3A_784 : vector<16xf32> to vector<1x16xf32>
        tpu.vector_store %arg19[%swap3A_785, %swap3A_786], %swap3A_789 {strides = array<i32>} : memref<80x64xf32, #tpu.memory_space<vmem>>, vector<1x16xf32>,
        %scan3A_790 = arith.constant 1 : i32
        %scan3A_791 = arith.addi %scan3A_628, %scan3A_790 : i32
        %get3A_792 = arith.index_cast %scan3A_791 : i32 to index
        %get3A_793 = arith.constant 0 : index
        %get3A_794 = tpu.vector_load %arg16[%get3A_792, %get3A_793] {strides = array<i32>} : memref<40x16xf32, #tpu.memory_space<vmem>>, vector<1x16xf32>,
        %get3A_795 = vector.shape_cast %get3A_794 : vector<1x16xf32> to vector<16xf32>
        %mul3A_796 = arith.constant 2 : i32
        %mul3A_797 = arith.muli %mul3A_796, %scan3A_791 : i32
        %add3A_798 = arith.constant 0 : i32
        %add3A_799 = arith.addi %mul3A_797, %add3A_798 : i32
        %slice3A_800 = vector.extract_strided_slice %get3A_795 {offsets = [0], sizes = [1], strides = [1]} : vector<16xf32> to vector<1xf32>
        %squeeze3A_801 = vector.extract %slice3A_800[0] : f32 from vector<1xf32>
        %slice3A_802 = vector.extract_strided_slice %get3A_795 {offsets = [1], sizes = [1], strides = [1]} : vector<16xf32> to vector<1xf32>
        %squeeze3A_803 = vector.extract %slice3A_802[0] : f32 from vector<1xf32>
        %slice3A_804 = vector.extract_strided_slice %get3A_795 {offsets = [2], sizes = [1], strides = [1]} : vector<16xf32> to vector<1xf32>
        %squeeze3A_805 = vector.extract %slice3A_804[0] : f32 from vector<1xf32>
        %slice3A_806 = vector.extract_strided_slice %get3A_795 {offsets = [3], sizes = [1], strides = [1]} : vector<16xf32> to vector<1xf32>
        %squeeze3A_807 = vector.extract %slice3A_806[0] : f32 from vector<1xf32>
        %slice3A_808 = vector.extract_strided_slice %get3A_795 {offsets = [4], sizes = [1], strides = [1]} : vector<16xf32> to vector<1xf32>
        %squeeze3A_809 = vector.extract %slice3A_808[0] : f32 from vector<1xf32>
        %mul3A_810 = vector.broadcast %squeeze3A_801 : f32 to vector<16xf32>
        %mul3A_811 = arith.mulf %mul3A_810, %get3A_314 : vector<16xf32>
        %mul3A_812 = vector.broadcast %squeeze3A_801 : f32 to vector<16xf32>
        %mul3A_813 = arith.mulf %mul3A_812, %get3A_339 : vector<16xf32>
        %mul3A_814 = vector.broadcast %squeeze3A_803 : f32 to vector<16xf32>
        %mul3A_815 = arith.mulf %mul3A_814, %get3A_319 : vector<16xf32>
        %add3A_816 = arith.addf %mul3A_811, %mul3A_815 : vector<16xf32>
        %mul3A_817 = vector.broadcast %squeeze3A_803 : f32 to vector<16xf32>
        %mul3A_818 = arith.mulf %mul3A_817, %get3A_344 : vector<16xf32>
        %add3A_819 = arith.addf %mul3A_813, %mul3A_818 : vector<16xf32>
        %mul3A_820 = vector.broadcast %squeeze3A_805 : f32 to vector<16xf32>
        %mul3A_821 = arith.mulf %mul3A_820, %get3A_324 : vector<16xf32>
        %add3A_822 = arith.addf %add3A_816, %mul3A_821 : vector<16xf32>
        %mul3A_823 = vector.broadcast %squeeze3A_805 : f32 to vector<16xf32>
        %mul3A_824 = arith.mulf %mul3A_823, %get3A_349 : vector<16xf32>
        %add3A_825 = arith.addf %add3A_819, %mul3A_824 : vector<16xf32>
        %mul3A_826 = vector.broadcast %squeeze3A_807 : f32 to vector<16xf32>
        %mul3A_827 = arith.mulf %mul3A_826, %get3A_329 : vector<16xf32>
        %add3A_828 = arith.addf %add3A_822, %mul3A_827 : vector<16xf32>
        %mul3A_829 = vector.broadcast %squeeze3A_807 : f32 to vector<16xf32>
        %mul3A_830 = arith.mulf %mul3A_829, %get3A_354 : vector<16xf32>
        %add3A_831 = arith.addf %add3A_825, %mul3A_830 : vector<16xf32>
        %mul3A_832 = vector.broadcast %squeeze3A_809 : f32 to vector<16xf32>
        %mul3A_833 = arith.mulf %mul3A_832, %get3A_334 : vector<16xf32>
        %add3A_834 = arith.addf %add3A_828, %mul3A_833 : vector<16xf32>
        %mul3A_835 = vector.broadcast %squeeze3A_809 : f32 to vector<16xf32>
        %mul3A_836 = arith.mulf %mul3A_835, %get3A_359 : vector<16xf32>
        %add3A_837 = arith.addf %add3A_831, %mul3A_836 : vector<16xf32>
        %get3A_838 = arith.index_cast %add3A_799 : i32 to index
        %get3A_839 = arith.constant 0 : index
        %get3A_840 = tpu.vector_load %arg17[%get3A_838, %get3A_839] {strides = array<i32>} : memref<80x16xf32, #tpu.memory_space<vmem>>, vector<1x16xf32>,
        %get3A_841 = vector.shape_cast %get3A_840 : vector<1x16xf32> to vector<16xf32>
        %mul3A_842 = arith.mulf %get3A_841, %add3A_834 : vector<16xf32>
        %swap3A_843 = arith.index_cast %add3A_799 : i32 to index
        %swap3A_844 = arith.constant 0 : index
        %swap3A_845 = tpu.vector_load %arg19[%swap3A_843, %swap3A_844] {strides = array<i32>} : memref<80x64xf32, #tpu.memory_space<vmem>>, vector<1x16xf32>,
        %swap3A_846 = vector.shape_cast %swap3A_845 : vector<1x16xf32> to vector<16xf32>
        %swap3A_847 = vector.shape_cast %mul3A_842 : vector<16xf32> to vector<1x16xf32>
        tpu.vector_store %arg19[%swap3A_843, %swap3A_844], %swap3A_847 {strides = array<i32>} : memref<80x64xf32, #tpu.memory_space<vmem>>, vector<1x16xf32>,
        %mul3A_848 = arith.mulf %get3A_841, %add3A_837 : vector<16xf32>
        %slice3A_849 = vector.extract_strided_slice %get3A_795 {offsets = [5], sizes = [1], strides = [1]} : vector<16xf32> to vector<1xf32>
        %squeeze3A_850 = vector.extract %slice3A_849[0] : f32 from vector<1xf32>
        %mul3A_851 = vector.broadcast %squeeze3A_850 : f32 to vector<16xf32>
        %mul3A_852 = arith.mulf %mul3A_848, %mul3A_851 : vector<16xf32>
        %swap3A_853 = arith.index_cast %add3A_799 : i32 to index
        %swap3A_854 = arith.constant 16 : index
        %swap3A_855 = tpu.vector_load %arg19[%swap3A_853, %swap3A_854] {strides = array<i32>} : memref<80x64xf32, #tpu.memory_space<vmem>>, vector<1x16xf32>,
        %swap3A_856 = vector.shape_cast %swap3A_855 : vector<1x16xf32> to vector<16xf32>
        %swap3A_857 = vector.shape_cast %mul3A_852 : vector<16xf32> to vector<1x16xf32>
        tpu.vector_store %arg19[%swap3A_853, %swap3A_854], %swap3A_857 {strides = array<i32>} : memref<80x64xf32, #tpu.memory_space<vmem>>, vector<1x16xf32>,
        %slice3A_858 = vector.extract_strided_slice %get3A_795 {offsets = [6], sizes = [1], strides = [1]} : vector<16xf32> to vector<1xf32>
        %squeeze3A_859 = vector.extract %slice3A_858[0] : f32 from vector<1xf32>
        %mul3A_860 = vector.broadcast %squeeze3A_859 : f32 to vector<16xf32>
        %mul3A_861 = arith.mulf %mul3A_848, %mul3A_860 : vector<16xf32>
        %swap3A_862 = arith.index_cast %add3A_799 : i32 to index
        %swap3A_863 = arith.constant 32 : index
        %swap3A_864 = tpu.vector_load %arg19[%swap3A_862, %swap3A_863] {strides = array<i32>} : memref<80x64xf32, #tpu.memory_space<vmem>>, vector<1x16xf32>,
        %swap3A_865 = vector.shape_cast %swap3A_864 : vector<1x16xf32> to vector<16xf32>
        %swap3A_866 = vector.shape_cast %mul3A_861 : vector<16xf32> to vector<1x16xf32>
        tpu.vector_store %arg19[%swap3A_862, %swap3A_863], %swap3A_866 {strides = array<i32>} : memref<80x64xf32, #tpu.memory_space<vmem>>, vector<1x16xf32>,
        %slice3A_867 = vector.extract_strided_slice %get3A_795 {offsets = [7], sizes = [1], strides = [1]} : vector<16xf32> to vector<1xf32>
        %squeeze3A_868 = vector.extract %slice3A_867[0] : f32 from vector<1xf32>
        %mul3A_869 = vector.broadcast %squeeze3A_868 : f32 to vector<16xf32>
        %mul3A_870 = arith.mulf %mul3A_848, %mul3A_869 : vector<16xf32>
        %swap3A_871 = arith.index_cast %add3A_799 : i32 to index
        %swap3A_872 = arith.constant 48 : index
        %swap3A_873 = tpu.vector_load %arg19[%swap3A_871, %swap3A_872] {strides = array<i32>} : memref<80x64xf32, #tpu.memory_space<vmem>>, vector<1x16xf32>,
        %swap3A_874 = vector.shape_cast %swap3A_873 : vector<1x16xf32> to vector<16xf32>
        %swap3A_875 = vector.shape_cast %mul3A_870 : vector<16xf32> to vector<1x16xf32>
        tpu.vector_store %arg19[%swap3A_871, %swap3A_872], %swap3A_875 {strides = array<i32>} : memref<80x64xf32, #tpu.memory_space<vmem>>, vector<1x16xf32>,
        %mul3A_876 = arith.constant 2 : i32
        %mul3A_877 = arith.muli %mul3A_876, %scan3A_791 : i32
        %add3A_878 = arith.constant 1 : i32
        %add3A_879 = arith.addi %mul3A_877, %add3A_878 : i32
        %slice3A_880 = vector.extract_strided_slice %get3A_795 {offsets = [8], sizes = [1], strides = [1]} : vector<16xf32> to vector<1xf32>
        %squeeze3A_881 = vector.extract %slice3A_880[0] : f32 from vector<1xf32>
        %slice3A_882 = vector.extract_strided_slice %get3A_795 {offsets = [9], sizes = [1], strides = [1]} : vector<16xf32> to vector<1xf32>
        %squeeze3A_883 = vector.extract %slice3A_882[0] : f32 from vector<1xf32>
        %slice3A_884 = vector.extract_strided_slice %get3A_795 {offsets = [10], sizes = [1], strides = [1]} : vector<16xf32> to vector<1xf32>
        %squeeze3A_885 = vector.extract %slice3A_884[0] : f32 from vector<1xf32>
        %slice3A_886 = vector.extract_strided_slice %get3A_795 {offsets = [11], sizes = [1], strides = [1]} : vector<16xf32> to vector<1xf32>
        %squeeze3A_887 = vector.extract %slice3A_886[0] : f32 from vector<1xf32>
        %slice3A_888 = vector.extract_strided_slice %get3A_795 {offsets = [12], sizes = [1], strides = [1]} : vector<16xf32> to vector<1xf32>
        %squeeze3A_889 = vector.extract %slice3A_888[0] : f32 from vector<1xf32>
        %mul3A_890 = vector.broadcast %squeeze3A_881 : f32 to vector<16xf32>
        %mul3A_891 = arith.mulf %mul3A_890, %get3A_314 : vector<16xf32>
        %mul3A_892 = vector.broadcast %squeeze3A_881 : f32 to vector<16xf32>
        %mul3A_893 = arith.mulf %mul3A_892, %get3A_339 : vector<16xf32>
        %mul3A_894 = vector.broadcast %squeeze3A_883 : f32 to vector<16xf32>
        %mul3A_895 = arith.mulf %mul3A_894, %get3A_319 : vector<16xf32>
        %add3A_896 = arith.addf %mul3A_891, %mul3A_895 : vector<16xf32>
        %mul3A_897 = vector.broadcast %squeeze3A_883 : f32 to vector<16xf32>
        %mul3A_898 = arith.mulf %mul3A_897, %get3A_344 : vector<16xf32>
        %add3A_899 = arith.addf %mul3A_893, %mul3A_898 : vector<16xf32>
        %mul3A_900 = vector.broadcast %squeeze3A_885 : f32 to vector<16xf32>
        %mul3A_901 = arith.mulf %mul3A_900, %get3A_324 : vector<16xf32>
        %add3A_902 = arith.addf %add3A_896, %mul3A_901 : vector<16xf32>
        %mul3A_903 = vector.broadcast %squeeze3A_885 : f32 to vector<16xf32>
        %mul3A_904 = arith.mulf %mul3A_903, %get3A_349 : vector<16xf32>
        %add3A_905 = arith.addf %add3A_899, %mul3A_904 : vector<16xf32>
        %mul3A_906 = vector.broadcast %squeeze3A_887 : f32 to vector<16xf32>
        %mul3A_907 = arith.mulf %mul3A_906, %get3A_329 : vector<16xf32>
        %add3A_908 = arith.addf %add3A_902, %mul3A_907 : vector<16xf32>
        %mul3A_909 = vector.broadcast %squeeze3A_887 : f32 to vector<16xf32>
        %mul3A_910 = arith.mulf %mul3A_909, %get3A_354 : vector<16xf32>
        %add3A_911 = arith.addf %add3A_905, %mul3A_910 : vector<16xf32>
        %mul3A_912 = vector.broadcast %squeeze3A_889 : f32 to vector<16xf32>
        %mul3A_913 = arith.mulf %mul3A_912, %get3A_334 : vector<16xf32>
        %add3A_914 = arith.addf %add3A_908, %mul3A_913 : vector<16xf32>
        %mul3A_915 = vector.broadcast %squeeze3A_889 : f32 to vector<16xf32>
        %mul3A_916 = arith.mulf %mul3A_915, %get3A_359 : vector<16xf32>
        %add3A_917 = arith.addf %add3A_911, %mul3A_916 : vector<16xf32>
        %get3A_918 = arith.index_cast %add3A_879 : i32 to index
        %get3A_919 = arith.constant 0 : index
        %get3A_920 = tpu.vector_load %arg17[%get3A_918, %get3A_919] {strides = array<i32>} : memref<80x16xf32, #tpu.memory_space<vmem>>, vector<1x16xf32>,
        %get3A_921 = vector.shape_cast %get3A_920 : vector<1x16xf32> to vector<16xf32>
        %mul3A_922 = arith.mulf %get3A_921, %add3A_914 : vector<16xf32>
        %swap3A_923 = arith.index_cast %add3A_879 : i32 to index
        %swap3A_924 = arith.constant 0 : index
        %swap3A_925 = tpu.vector_load %arg19[%swap3A_923, %swap3A_924] {strides = array<i32>} : memref<80x64xf32, #tpu.memory_space<vmem>>, vector<1x16xf32>,
        %swap3A_926 = vector.shape_cast %swap3A_925 : vector<1x16xf32> to vector<16xf32>
        %swap3A_927 = vector.shape_cast %mul3A_922 : vector<16xf32> to vector<1x16xf32>
        tpu.vector_store %arg19[%swap3A_923, %swap3A_924], %swap3A_927 {strides = array<i32>} : memref<80x64xf32, #tpu.memory_space<vmem>>, vector<1x16xf32>,
        %mul3A_928 = arith.mulf %get3A_921, %add3A_917 : vector<16xf32>
        %slice3A_929 = vector.extract_strided_slice %get3A_795 {offsets = [13], sizes = [1], strides = [1]} : vector<16xf32> to vector<1xf32>
        %squeeze3A_930 = vector.extract %slice3A_929[0] : f32 from vector<1xf32>
        %mul3A_931 = vector.broadcast %squeeze3A_930 : f32 to vector<16xf32>
        %mul3A_932 = arith.mulf %mul3A_928, %mul3A_931 : vector<16xf32>
        %swap3A_933 = arith.index_cast %add3A_879 : i32 to index
        %swap3A_934 = arith.constant 16 : index
        %swap3A_935 = tpu.vector_load %arg19[%swap3A_933, %swap3A_934] {strides = array<i32>} : memref<80x64xf32, #tpu.memory_space<vmem>>, vector<1x16xf32>,
        %swap3A_936 = vector.shape_cast %swap3A_935 : vector<1x16xf32> to vector<16xf32>
        %swap3A_937 = vector.shape_cast %mul3A_932 : vector<16xf32> to vector<1x16xf32>
        tpu.vector_store %arg19[%swap3A_933, %swap3A_934], %swap3A_937 {strides = array<i32>} : memref<80x64xf32, #tpu.memory_space<vmem>>, vector<1x16xf32>,
        %slice3A_938 = vector.extract_strided_slice %get3A_795 {offsets = [14], sizes = [1], strides = [1]} : vector<16xf32> to vector<1xf32>
        %squeeze3A_939 = vector.extract %slice3A_938[0] : f32 from vector<1xf32>
        %mul3A_940 = vector.broadcast %squeeze3A_939 : f32 to vector<16xf32>
        %mul3A_941 = arith.mulf %mul3A_928, %mul3A_940 : vector<16xf32>
        %swap3A_942 = arith.index_cast %add3A_879 : i32 to index
        %swap3A_943 = arith.constant 32 : index
        %swap3A_944 = tpu.vector_load %arg19[%swap3A_942, %swap3A_943] {strides = array<i32>} : memref<80x64xf32, #tpu.memory_space<vmem>>, vector<1x16xf32>,
        %swap3A_945 = vector.shape_cast %swap3A_944 : vector<1x16xf32> to vector<16xf32>
        %swap3A_946 = vector.shape_cast %mul3A_941 : vector<16xf32> to vector<1x16xf32>
        tpu.vector_store %arg19[%swap3A_942, %swap3A_943], %swap3A_946 {strides = array<i32>} : memref<80x64xf32, #tpu.memory_space<vmem>>, vector<1x16xf32>,
        %slice3A_947 = vector.extract_strided_slice %get3A_795 {offsets = [15], sizes = [1], strides = [1]} : vector<16xf32> to vector<1xf32>
        %squeeze3A_948 = vector.extract %slice3A_947[0] : f32 from vector<1xf32>
        %mul3A_949 = vector.broadcast %squeeze3A_948 : f32 to vector<16xf32>
        %mul3A_950 = arith.mulf %mul3A_928, %mul3A_949 : vector<16xf32>
        %swap3A_951 = arith.index_cast %add3A_879 : i32 to index
        %swap3A_952 = arith.constant 48 : index
        %swap3A_953 = tpu.vector_load %arg19[%swap3A_951, %swap3A_952] {strides = array<i32>} : memref<80x64xf32, #tpu.memory_space<vmem>>, vector<1x16xf32>,
        %swap3A_954 = vector.shape_cast %swap3A_953 : vector<1x16xf32> to vector<16xf32>
        %swap3A_955 = vector.shape_cast %mul3A_950 : vector<16xf32> to vector<1x16xf32>
        tpu.vector_store %arg19[%swap3A_951, %swap3A_952], %swap3A_955 {strides = array<i32>} : memref<80x64xf32, #tpu.memory_space<vmem>>, vector<1x16xf32>,
      }
      %scan3A_627 = arith.constant 40 : i32
      "tpu.region"() ({
        %run_scoped3A = tpu.sem_alloc : memref<!tpu.dma_semaphore, #tpu.memory_space<semaphore_mem>>
        %dma_start3A_628 = arith.constant 0 : i32
        %dma_start3A_629 = arith.constant 0 : i32
        %dma_start3A_630 = tpu.memref_slice %arg12[%dma_start3A_628, %dma_start3A_629] : memref<10000x64xf32, #tpu.memory_space<vmem_shared>> -> memref<10000x64xf32, #tpu.memory_space<vmem_shared>>
        tpu.enqueue_indirect_dma source(%arg19 : memref<80x64xf32, #tpu.memory_space<vmem>>) target(%dma_start3A_630 : memref<10000x64xf32, #tpu.memory_space<vmem_shared>>) offsets(%arg14 : memref<80xi32, #tpu.memory_space<vmem>>) semaphore(%run_scoped3A : memref<!tpu.dma_semaphore, #tpu.memory_space<semaphore_mem>>) {add = true}
        %dma_wait3A_631 = arith.constant 0 : i32
        %dma_wait3A_632 = arith.constant 0 : i32
        %dma_wait3A_633 = tpu.memref_slice %arg12[%dma_wait3A_631, %dma_wait3A_632] : memref<10000x64xf32, #tpu.memory_space<vmem_shared>> -> memref<10000x64xf32, #tpu.memory_space<vmem_shared>>
        tpu.wait_indirect_dma semaphore(%run_scoped3A : memref<!tpu.dma_semaphore, #tpu.memory_space<semaphore_mem>>) src(%arg19 : memref<80x64xf32, #tpu.memory_space<vmem>>) dst(%dma_wait3A_633 : memref<10000x64xf32, #tpu.memory_space<vmem_shared>>)
        tpu.yield
      }) : () -> ()
    }
    %scan3A_365 = arith.constant 125 : i32
    %barrier3A_366 = arith.constant 0 : index
    tpu.barrier barrier_id(%barrier3A_366)
    "tpu.region"() ({
      %run_scoped3A = tpu.sem_alloc : memref<!tpu.dma_semaphore, #tpu.memory_space<semaphore_mem>>
      %dma_start3A = arith.constant 0 : i32
      %dma_start3A_607 = tpu.memref_slice %arg10[%add3A_308, %mul3A_0, %dma_start3A] : memref<8x10000x64xf32, #tpu.memory_space<hbm>> -> memref<1x625x64xf32, #tpu.memory_space<hbm>>
      %dma_start3A_608 = tpu.memref_squeeze %dma_start3A_607 : memref<1x625x64xf32, #tpu.memory_space<hbm>> -> memref<625x64xf32, #tpu.memory_space<hbm>>
      %dma_start3A_609 = arith.constant 0 : i32
      %dma_start3A_610 = tpu.memref_slice %arg12[%mul3A_0, %dma_start3A_609] : memref<10000x64xf32, #tpu.memory_space<vmem_shared>> -> memref<625x64xf32, #tpu.memory_space<vmem_shared>>
      tpu.enqueue_dma source(%dma_start3A_610 : memref<625x64xf32, #tpu.memory_space<vmem_shared>>) target(%dma_start3A_608 : memref<625x64xf32, #tpu.memory_space<hbm>>) target_semaphore(%run_scoped3A : memref<!tpu.dma_semaphore, #tpu.memory_space<semaphore_mem>>)
      %dma_wait3A = arith.constant 0 : i32
      %dma_wait3A_611 = tpu.memref_slice %arg10[%add3A_308, %mul3A_0, %dma_wait3A] : memref<8x10000x64xf32, #tpu.memory_space<hbm>> -> memref<1x625x64xf32, #tpu.memory_space<hbm>>
      %dma_wait3A_612 = tpu.memref_squeeze %dma_wait3A_611 : memref<1x625x64xf32, #tpu.memory_space<hbm>> -> memref<625x64xf32, #tpu.memory_space<hbm>>
      %dma_wait3A_613 = arith.constant 0 : i32
      %dma_wait3A_614 = tpu.memref_slice %arg12[%mul3A_0, %dma_wait3A_613] : memref<10000x64xf32, #tpu.memory_space<vmem_shared>> -> memref<625x64xf32, #tpu.memory_space<vmem_shared>>
      tpu.wait_dma2 semaphore(%run_scoped3A : memref<!tpu.dma_semaphore, #tpu.memory_space<semaphore_mem>>) src(%dma_wait3A_614 : memref<625x64xf32, #tpu.memory_space<vmem_shared>>) dst(%dma_wait3A_612 : memref<625x64xf32, #tpu.memory_space<hbm>>)
      tpu.yield
    }) : () -> ()
    "tpu.region"() ({
      %run_scoped3A = tpu.sem_alloc : memref<!tpu.dma_semaphore, #tpu.memory_space<semaphore_mem>>
      %dma_start3A = arith.constant 0 : i32
      %dma_start3A_607 = tpu.memref_slice %arg12[%mul3A_0, %dma_start3A] : memref<10000x64xf32, #tpu.memory_space<vmem_shared>> -> memref<625x64xf32, #tpu.memory_space<vmem_shared>>
      %dma_start3A_608 = arith.constant 0 : i32
      %dma_start3A_609 = tpu.memref_slice %arg12[%mul3A_0, %dma_start3A_608] : memref<10000x64xf32, #tpu.memory_space<vmem_shared>> -> memref<625x64xf32, #tpu.memory_space<vmem_shared>>
      tpu.enqueue_dma source(%arg13 : memref<625x64xf32, #tpu.memory_space<vmem>>) target(%dma_start3A_609 : memref<625x64xf32, #tpu.memory_space<vmem_shared>>) target_semaphore(%run_scoped3A : memref<!tpu.dma_semaphore, #tpu.memory_space<semaphore_mem>>)
      %dma_wait3A = arith.constant 0 : i32
      %dma_wait3A_610 = tpu.memref_slice %arg12[%mul3A_0, %dma_wait3A] : memref<10000x64xf32, #tpu.memory_space<vmem_shared>> -> memref<625x64xf32, #tpu.memory_space<vmem_shared>>
      %dma_wait3A_611 = arith.constant 0 : i32
      %dma_wait3A_612 = tpu.memref_slice %arg12[%mul3A_0, %dma_wait3A_611] : memref<10000x64xf32, #tpu.memory_space<vmem_shared>> -> memref<625x64xf32, #tpu.memory_space<vmem_shared>>
      tpu.wait_dma2 semaphore(%run_scoped3A : memref<!tpu.dma_semaphore, #tpu.memory_space<semaphore_mem>>) src(%arg13 : memref<625x64xf32, #tpu.memory_space<vmem>>) dst(%dma_wait3A_612 : memref<625x64xf32, #tpu.memory_space<vmem_shared>>)
      tpu.yield
    }) : () -> ()
    %scan3A_367 = arith.constant 0 : i32
    %scan3A_368 = arith.constant 0 : i32
    %scan3A_369 = arith.constant 80 : i32
    %scan3A_370 = arith.addi %scan3A_368, %scan3A_369 : i32
    %scan3A_371 = arith.constant 1 : i32
    scf.for %scan3A_607 = %scan3A_368 to %scan3A_370 step %scan3A_371  : i32 {
      %broadcast_in_dim3A = arith.constant 0.000000e+00 : f32
      %broadcast_in_dim3A_608 = vector.broadcast %broadcast_in_dim3A : f32 to vector<16xf32>
      %swap3A = arith.index_cast %scan3A_607 : i32 to index
      %swap3A_609 = arith.constant 48 : index
      %swap3A_610 = tpu.vector_load %arg19[%swap3A, %swap3A_609] {strides = array<i32>} : memref<80x64xf32, #tpu.memory_space<vmem>>, vector<1x16xf32>,
      %swap3A_611 = vector.shape_cast %swap3A_610 : vector<1x16xf32> to vector<16xf32>
      %swap3A_612 = vector.shape_cast %broadcast_in_dim3A_608 : vector<16xf32> to vector<1x16xf32>
      tpu.vector_store %arg19[%swap3A, %swap3A_609], %swap3A_612 {strides = array<i32>} : memref<80x64xf32, #tpu.memory_space<vmem>>, vector<1x16xf32>,
    }
    %scan3A_372 = arith.constant 80 : i32
    %barrier3A_373 = arith.constant 0 : index
    tpu.barrier barrier_id(%barrier3A_373)
    %get3A_374 = arith.constant 0 : i32
    %get3A_375 = arith.index_cast %get3A_374 : i32 to index
    %get3A_376 = arith.constant 0 : index
    %get3A_377 = tpu.vector_load %arg22[%get3A_375, %get3A_376] {strides = array<i32>} : memref<5x48xf32, #tpu.memory_space<vmem>>, vector<1x16xf32>,
    %get3A_378 = vector.shape_cast %get3A_377 : vector<1x16xf32> to vector<16xf32>
    %get3A_379 = arith.constant 0 : i32
    %get3A_380 = arith.index_cast %get3A_379 : i32 to index
    %get3A_381 = arith.constant 16 : index
    %get3A_382 = tpu.vector_load %arg22[%get3A_380, %get3A_381] {strides = array<i32>} : memref<5x48xf32, #tpu.memory_space<vmem>>, vector<1x16xf32>,
    %get3A_383 = vector.shape_cast %get3A_382 : vector<1x16xf32> to vector<16xf32>
    %get3A_384 = arith.constant 0 : i32
    %get3A_385 = arith.index_cast %get3A_384 : i32 to index
    %get3A_386 = arith.constant 32 : index
    %get3A_387 = tpu.vector_load %arg22[%get3A_385, %get3A_386] {strides = array<i32>} : memref<5x48xf32, #tpu.memory_space<vmem>>, vector<1x16xf32>,
    %get3A_388 = vector.shape_cast %get3A_387 : vector<1x16xf32> to vector<16xf32>
    %get3A_389 = arith.constant 1 : i32
    %get3A_390 = arith.index_cast %get3A_389 : i32 to index
    %get3A_391 = arith.constant 0 : index
    %get3A_392 = tpu.vector_load %arg22[%get3A_390, %get3A_391] {strides = array<i32>} : memref<5x48xf32, #tpu.memory_space<vmem>>, vector<1x16xf32>,
    %get3A_393 = vector.shape_cast %get3A_392 : vector<1x16xf32> to vector<16xf32>
    %get3A_394 = arith.constant 1 : i32
    %get3A_395 = arith.index_cast %get3A_394 : i32 to index
    %get3A_396 = arith.constant 16 : index
    %get3A_397 = tpu.vector_load %arg22[%get3A_395, %get3A_396] {strides = array<i32>} : memref<5x48xf32, #tpu.memory_space<vmem>>, vector<1x16xf32>,
    %get3A_398 = vector.shape_cast %get3A_397 : vector<1x16xf32> to vector<16xf32>
    %get3A_399 = arith.constant 1 : i32
    %get3A_400 = arith.index_cast %get3A_399 : i32 to index
    %get3A_401 = arith.constant 32 : index
    %get3A_402 = tpu.vector_load %arg22[%get3A_400, %get3A_401] {strides = array<i32>} : memref<5x48xf32, #tpu.memory_space<vmem>>, vector<1x16xf32>,
    %get3A_403 = vector.shape_cast %get3A_402 : vector<1x16xf32> to vector<16xf32>
    %get3A_404 = arith.constant 2 : i32
    %get3A_405 = arith.index_cast %get3A_404 : i32 to index
    %get3A_406 = arith.constant 0 : index
    %get3A_407 = tpu.vector_load %arg22[%get3A_405, %get3A_406] {strides = array<i32>} : memref<5x48xf32, #tpu.memory_space<vmem>>, vector<1x16xf32>,
    %get3A_408 = vector.shape_cast %get3A_407 : vector<1x16xf32> to vector<16xf32>
    %get3A_409 = arith.constant 2 : i32
    %get3A_410 = arith.index_cast %get3A_409 : i32 to index
    %get3A_411 = arith.constant 16 : index
    %get3A_412 = tpu.vector_load %arg22[%get3A_410, %get3A_411] {strides = array<i32>} : memref<5x48xf32, #tpu.memory_space<vmem>>, vector<1x16xf32>,
    %get3A_413 = vector.shape_cast %get3A_412 : vector<1x16xf32> to vector<16xf32>
    %get3A_414 = arith.constant 2 : i32
    %get3A_415 = arith.index_cast %get3A_414 : i32 to index
    %get3A_416 = arith.constant 32 : index
    %get3A_417 = tpu.vector_load %arg22[%get3A_415, %get3A_416] {strides = array<i32>} : memref<5x48xf32, #tpu.memory_space<vmem>>, vector<1x16xf32>,
    %get3A_418 = vector.shape_cast %get3A_417 : vector<1x16xf32> to vector<16xf32>
    %get3A_419 = arith.constant 3 : i32
    %get3A_420 = arith.index_cast %get3A_419 : i32 to index
    %get3A_421 = arith.constant 0 : index
    %get3A_422 = tpu.vector_load %arg22[%get3A_420, %get3A_421] {strides = array<i32>} : memref<5x48xf32, #tpu.memory_space<vmem>>, vector<1x16xf32>,
    %get3A_423 = vector.shape_cast %get3A_422 : vector<1x16xf32> to vector<16xf32>
    %get3A_424 = arith.constant 3 : i32
    %get3A_425 = arith.index_cast %get3A_424 : i32 to index
    %get3A_426 = arith.constant 16 : index
    %get3A_427 = tpu.vector_load %arg22[%get3A_425, %get3A_426] {strides = array<i32>} : memref<5x48xf32, #tpu.memory_space<vmem>>, vector<1x16xf32>,
    %get3A_428 = vector.shape_cast %get3A_427 : vector<1x16xf32> to vector<16xf32>
    %get3A_429 = arith.constant 3 : i32
    %get3A_430 = arith.index_cast %get3A_429 : i32 to index
    %get3A_431 = arith.constant 32 : index
    %get3A_432 = tpu.vector_load %arg22[%get3A_430, %get3A_431] {strides = array<i32>} : memref<5x48xf32, #tpu.memory_space<vmem>>, vector<1x16xf32>,
    %get3A_433 = vector.shape_cast %get3A_432 : vector<1x16xf32> to vector<16xf32>
    %get3A_434 = arith.constant 4 : i32
    %get3A_435 = arith.index_cast %get3A_434 : i32 to index
    %get3A_436 = arith.constant 0 : index
    %get3A_437 = tpu.vector_load %arg22[%get3A_435, %get3A_436] {strides = array<i32>} : memref<5x48xf32, #tpu.memory_space<vmem>>, vector<1x16xf32>,
    %get3A_438 = vector.shape_cast %get3A_437 : vector<1x16xf32> to vector<16xf32>
    %get3A_439 = arith.constant 4 : i32
    %get3A_440 = arith.index_cast %get3A_439 : i32 to index
    %get3A_441 = arith.constant 16 : index
    %get3A_442 = tpu.vector_load %arg22[%get3A_440, %get3A_441] {strides = array<i32>} : memref<5x48xf32, #tpu.memory_space<vmem>>, vector<1x16xf32>,
    %get3A_443 = vector.shape_cast %get3A_442 : vector<1x16xf32> to vector<16xf32>
    %get3A_444 = arith.constant 4 : i32
    %get3A_445 = arith.index_cast %get3A_444 : i32 to index
    %get3A_446 = arith.constant 32 : index
    %get3A_447 = tpu.vector_load %arg22[%get3A_445, %get3A_446] {strides = array<i32>} : memref<5x48xf32, #tpu.memory_space<vmem>>, vector<1x16xf32>,
    %get3A_448 = vector.shape_cast %get3A_447 : vector<1x16xf32> to vector<16xf32>
    %scan3A_449 = arith.constant 0 : i32
    %scan3A_450 = arith.constant 0 : i32
    %scan3A_451 = arith.constant 125 : i32
    %scan3A_452 = arith.addi %scan3A_450, %scan3A_451 : i32
    %scan3A_453 = arith.constant 1 : i32
    scf.for %scan3A_607 = %scan3A_450 to %scan3A_452 step %scan3A_453  : i32 {
      %mul3A_608 = arith.constant 10000 : i32
      %mul3A_609 = arith.muli %arg1, %mul3A_608 : i32
      %mul3A_610 = arith.constant 80 : i32
      %mul3A_611 = arith.muli %scan3A_607, %mul3A_610 : i32
      %add3A_612 = arith.addi %mul3A_609, %mul3A_611 : i32
      "tpu.region"() ({
        %run_scoped3A = tpu.sem_alloc : memref<!tpu.dma_semaphore, #tpu.memory_space<semaphore_mem>>
        %dma_start3A_628 = tpu.memref_slice %arg5[%add3A_308, %add3A_612] : memref<8x160000xi32, #tpu.memory_space<hbm>> -> memref<1x80xi32, #tpu.memory_space<hbm>>
        %dma_start3A_629 = tpu.memref_squeeze %dma_start3A_628 : memref<1x80xi32, #tpu.memory_space<hbm>> -> memref<80xi32, #tpu.memory_space<hbm>>
        %dma_start3A_630 = tpu.memref_slice %arg5[%add3A_308, %add3A_612] : memref<8x160000xi32, #tpu.memory_space<hbm>> -> memref<1x80xi32, #tpu.memory_space<hbm>>
        %dma_start3A_631 = tpu.memref_squeeze %dma_start3A_630 : memref<1x80xi32, #tpu.memory_space<hbm>> -> memref<80xi32, #tpu.memory_space<hbm>>
        tpu.enqueue_dma source(%dma_start3A_631 : memref<80xi32, #tpu.memory_space<hbm>>) target(%arg15 : memref<80xi32, #tpu.memory_space<vmem>>) target_semaphore(%run_scoped3A : memref<!tpu.dma_semaphore, #tpu.memory_space<semaphore_mem>>)
        %dma_wait3A_632 = tpu.memref_slice %arg5[%add3A_308, %add3A_612] : memref<8x160000xi32, #tpu.memory_space<hbm>> -> memref<1x80xi32, #tpu.memory_space<hbm>>
        %dma_wait3A_633 = tpu.memref_squeeze %dma_wait3A_632 : memref<1x80xi32, #tpu.memory_space<hbm>> -> memref<80xi32, #tpu.memory_space<hbm>>
        %dma_wait3A_634 = tpu.memref_slice %arg5[%add3A_308, %add3A_612] : memref<8x160000xi32, #tpu.memory_space<hbm>> -> memref<1x80xi32, #tpu.memory_space<hbm>>
        %dma_wait3A_635 = tpu.memref_squeeze %dma_wait3A_634 : memref<1x80xi32, #tpu.memory_space<hbm>> -> memref<80xi32, #tpu.memory_space<hbm>>
        tpu.wait_dma2 semaphore(%run_scoped3A : memref<!tpu.dma_semaphore, #tpu.memory_space<semaphore_mem>>) src(%dma_wait3A_635 : memref<80xi32, #tpu.memory_space<hbm>>) dst(%arg15 : memref<80xi32, #tpu.memory_space<vmem>>)
        tpu.yield
      }) : () -> ()
      "tpu.region"() ({
        %run_scoped3A = tpu.sem_alloc : memref<!tpu.dma_semaphore, #tpu.memory_space<semaphore_mem>>
        %dma_start3A_628 = tpu.memref_slice %arg6[%add3A_612] : memref<160000xi32, #tpu.memory_space<hbm>> -> memref<80xi32, #tpu.memory_space<hbm>>
        %dma_start3A_629 = tpu.memref_slice %arg6[%add3A_612] : memref<160000xi32, #tpu.memory_space<hbm>> -> memref<80xi32, #tpu.memory_space<hbm>>
        tpu.enqueue_dma source(%dma_start3A_629 : memref<80xi32, #tpu.memory_space<hbm>>) target(%arg14 : memref<80xi32, #tpu.memory_space<vmem>>) target_semaphore(%run_scoped3A : memref<!tpu.dma_semaphore, #tpu.memory_space<semaphore_mem>>)
        %dma_wait3A_630 = tpu.memref_slice %arg6[%add3A_612] : memref<160000xi32, #tpu.memory_space<hbm>> -> memref<80xi32, #tpu.memory_space<hbm>>
        %dma_wait3A_631 = tpu.memref_slice %arg6[%add3A_612] : memref<160000xi32, #tpu.memory_space<hbm>> -> memref<80xi32, #tpu.memory_space<hbm>>
        tpu.wait_dma2 semaphore(%run_scoped3A : memref<!tpu.dma_semaphore, #tpu.memory_space<semaphore_mem>>) src(%dma_wait3A_631 : memref<80xi32, #tpu.memory_space<hbm>>) dst(%arg14 : memref<80xi32, #tpu.memory_space<vmem>>)
        tpu.yield
      }) : () -> ()
      %mul3A_613 = arith.constant 5000 : i32
      %mul3A_614 = arith.muli %arg1, %mul3A_613 : i32
      %mul3A_615 = arith.constant 40 : i32
      %mul3A_616 = arith.muli %scan3A_607, %mul3A_615 : i32
      %add3A_617 = arith.addi %mul3A_614, %mul3A_616 : i32
      "tpu.region"() ({
        %run_scoped3A = tpu.sem_alloc : memref<!tpu.dma_semaphore, #tpu.memory_space<semaphore_mem>>
        %dma_start3A_628 = arith.constant 0 : i32
        %dma_start3A_629 = tpu.memref_slice %arg4[%add3A_617, %dma_start3A_628] : memref<80000x16xf32, #tpu.memory_space<hbm>> -> memref<40x16xf32, #tpu.memory_space<hbm>>
        %dma_start3A_630 = arith.constant 0 : i32
        %dma_start3A_631 = tpu.memref_slice %arg4[%add3A_617, %dma_start3A_630] : memref<80000x16xf32, #tpu.memory_space<hbm>> -> memref<40x16xf32, #tpu.memory_space<hbm>>
        tpu.enqueue_dma source(%dma_start3A_631 : memref<40x16xf32, #tpu.memory_space<hbm>>) target(%arg16 : memref<40x16xf32, #tpu.memory_space<vmem>>) target_semaphore(%run_scoped3A : memref<!tpu.dma_semaphore, #tpu.memory_space<semaphore_mem>>)
        %dma_wait3A_632 = arith.constant 0 : i32
        %dma_wait3A_633 = tpu.memref_slice %arg4[%add3A_617, %dma_wait3A_632] : memref<80000x16xf32, #tpu.memory_space<hbm>> -> memref<40x16xf32, #tpu.memory_space<hbm>>
        %dma_wait3A_634 = arith.constant 0 : i32
        %dma_wait3A_635 = tpu.memref_slice %arg4[%add3A_617, %dma_wait3A_634] : memref<80000x16xf32, #tpu.memory_space<hbm>> -> memref<40x16xf32, #tpu.memory_space<hbm>>
        tpu.wait_dma2 semaphore(%run_scoped3A : memref<!tpu.dma_semaphore, #tpu.memory_space<semaphore_mem>>) src(%dma_wait3A_635 : memref<40x16xf32, #tpu.memory_space<hbm>>) dst(%arg16 : memref<40x16xf32, #tpu.memory_space<vmem>>)
        tpu.yield
      }) : () -> ()
      %dma_start3A = arith.constant 0 : i32
      %dma_start3A_618 = arith.constant 0 : i32
      %dma_start3A_619 = tpu.memref_slice %arg3[%dma_start3A, %dma_start3A_618] : memref<80000x48xf32, #tpu.memory_space<hbm>> -> memref<80000x48xf32, #tpu.memory_space<hbm>>
      tpu.enqueue_indirect_dma source(%dma_start3A_619 : memref<80000x48xf32, #tpu.memory_space<hbm>>) target(%arg18 : memref<80x48xf32, #tpu.memory_space<vmem>>) offsets(%arg15 : memref<80xi32, #tpu.memory_space<vmem>>) semaphore(%arg23 : memref<!tpu.dma_semaphore, #tpu.memory_space<semaphore_mem>>)
      %dma_wait3A = arith.constant 0 : i32
      %dma_wait3A_620 = arith.constant 0 : i32
      %dma_wait3A_621 = tpu.memref_slice %arg3[%dma_wait3A, %dma_wait3A_620] : memref<80000x48xf32, #tpu.memory_space<hbm>> -> memref<80000x48xf32, #tpu.memory_space<hbm>>
      tpu.wait_indirect_dma semaphore(%arg23 : memref<!tpu.dma_semaphore, #tpu.memory_space<semaphore_mem>>) src(%dma_wait3A_621 : memref<80000x48xf32, #tpu.memory_space<hbm>>) dst(%arg18 : memref<80x48xf32, #tpu.memory_space<vmem>>)
      %scan3A_622 = arith.constant 0 : i32
      %scan3A_623 = arith.constant 0 : i32
      %scan3A_624 = arith.constant 40 : i32
      %scan3A_625 = arith.addi %scan3A_623, %scan3A_624 : i32
      %scan3A_626 = arith.constant 2 : i32
      scf.for %scan3A_628 = %scan3A_623 to %scan3A_625 step %scan3A_626  : i32 {
        %get3A_629 = arith.index_cast %scan3A_628 : i32 to index
        %get3A_630 = arith.constant 0 : index
        %get3A_631 = tpu.vector_load %arg16[%get3A_629, %get3A_630] {strides = array<i32>} : memref<40x16xf32, #tpu.memory_space<vmem>>, vector<1x16xf32>,
        %get3A_632 = vector.shape_cast %get3A_631 : vector<1x16xf32> to vector<16xf32>
        %mul3A_633 = arith.constant 2 : i32
        %mul3A_634 = arith.muli %mul3A_633, %scan3A_628 : i32
        %add3A_635 = arith.constant 0 : i32
        %add3A_636 = arith.addi %mul3A_634, %add3A_635 : i32
        %slice3A = vector.extract_strided_slice %get3A_632 {offsets = [0], sizes = [1], strides = [1]} : vector<16xf32> to vector<1xf32>
        %squeeze3A = vector.extract %slice3A[0] : f32 from vector<1xf32>
        %slice3A_637 = vector.extract_strided_slice %get3A_632 {offsets = [1], sizes = [1], strides = [1]} : vector<16xf32> to vector<1xf32>
        %squeeze3A_638 = vector.extract %slice3A_637[0] : f32 from vector<1xf32>
        %slice3A_639 = vector.extract_strided_slice %get3A_632 {offsets = [2], sizes = [1], strides = [1]} : vector<16xf32> to vector<1xf32>
        %squeeze3A_640 = vector.extract %slice3A_639[0] : f32 from vector<1xf32>
        %slice3A_641 = vector.extract_strided_slice %get3A_632 {offsets = [3], sizes = [1], strides = [1]} : vector<16xf32> to vector<1xf32>
        %squeeze3A_642 = vector.extract %slice3A_641[0] : f32 from vector<1xf32>
        %slice3A_643 = vector.extract_strided_slice %get3A_632 {offsets = [4], sizes = [1], strides = [1]} : vector<16xf32> to vector<1xf32>
        %squeeze3A_644 = vector.extract %slice3A_643[0] : f32 from vector<1xf32>
        %mul3A_645 = vector.broadcast %squeeze3A : f32 to vector<16xf32>
        %mul3A_646 = arith.mulf %mul3A_645, %get3A_378 : vector<16xf32>
        %mul3A_647 = vector.broadcast %squeeze3A_638 : f32 to vector<16xf32>
        %mul3A_648 = arith.mulf %mul3A_647, %get3A_393 : vector<16xf32>
        %add3A_649 = arith.addf %mul3A_646, %mul3A_648 : vector<16xf32>
        %mul3A_650 = vector.broadcast %squeeze3A_640 : f32 to vector<16xf32>
        %mul3A_651 = arith.mulf %mul3A_650, %get3A_408 : vector<16xf32>
        %add3A_652 = arith.addf %add3A_649, %mul3A_651 : vector<16xf32>
        %mul3A_653 = vector.broadcast %squeeze3A_642 : f32 to vector<16xf32>
        %mul3A_654 = arith.mulf %mul3A_653, %get3A_423 : vector<16xf32>
        %add3A_655 = arith.addf %add3A_652, %mul3A_654 : vector<16xf32>
        %mul3A_656 = vector.broadcast %squeeze3A_644 : f32 to vector<16xf32>
        %mul3A_657 = arith.mulf %mul3A_656, %get3A_438 : vector<16xf32>
        %add3A_658 = arith.addf %add3A_655, %mul3A_657 : vector<16xf32>
        %get3A_659 = arith.index_cast %add3A_636 : i32 to index
        %get3A_660 = arith.constant 0 : index
        %get3A_661 = tpu.vector_load %arg18[%get3A_659, %get3A_660] {strides = array<i32>} : memref<80x48xf32, #tpu.memory_space<vmem>>, vector<1x16xf32>,
        %get3A_662 = vector.shape_cast %get3A_661 : vector<1x16xf32> to vector<16xf32>
        %mul3A_663 = arith.mulf %get3A_662, %add3A_658 : vector<16xf32>
        %swap3A = arith.index_cast %add3A_636 : i32 to index
        %swap3A_664 = arith.constant 0 : index
        %swap3A_665 = tpu.vector_load %arg19[%swap3A, %swap3A_664] {strides = array<i32>} : memref<80x64xf32, #tpu.memory_space<vmem>>, vector<1x16xf32>,
        %swap3A_666 = vector.shape_cast %swap3A_665 : vector<1x16xf32> to vector<16xf32>
        %swap3A_667 = vector.shape_cast %mul3A_663 : vector<16xf32> to vector<1x16xf32>
        tpu.vector_store %arg19[%swap3A, %swap3A_664], %swap3A_667 {strides = array<i32>} : memref<80x64xf32, #tpu.memory_space<vmem>>, vector<1x16xf32>,
        %mul3A_668 = vector.broadcast %squeeze3A : f32 to vector<16xf32>
        %mul3A_669 = arith.mulf %mul3A_668, %get3A_383 : vector<16xf32>
        %mul3A_670 = vector.broadcast %squeeze3A_638 : f32 to vector<16xf32>
        %mul3A_671 = arith.mulf %mul3A_670, %get3A_398 : vector<16xf32>
        %add3A_672 = arith.addf %mul3A_669, %mul3A_671 : vector<16xf32>
        %mul3A_673 = vector.broadcast %squeeze3A_640 : f32 to vector<16xf32>
        %mul3A_674 = arith.mulf %mul3A_673, %get3A_413 : vector<16xf32>
        %add3A_675 = arith.addf %add3A_672, %mul3A_674 : vector<16xf32>
        %mul3A_676 = vector.broadcast %squeeze3A_642 : f32 to vector<16xf32>
        %mul3A_677 = arith.mulf %mul3A_676, %get3A_428 : vector<16xf32>
        %add3A_678 = arith.addf %add3A_675, %mul3A_677 : vector<16xf32>
        %mul3A_679 = vector.broadcast %squeeze3A_644 : f32 to vector<16xf32>
        %mul3A_680 = arith.mulf %mul3A_679, %get3A_443 : vector<16xf32>
        %add3A_681 = arith.addf %add3A_678, %mul3A_680 : vector<16xf32>
        %get3A_682 = arith.index_cast %add3A_636 : i32 to index
        %get3A_683 = arith.constant 16 : index
        %get3A_684 = tpu.vector_load %arg18[%get3A_682, %get3A_683] {strides = array<i32>} : memref<80x48xf32, #tpu.memory_space<vmem>>, vector<1x16xf32>,
        %get3A_685 = vector.shape_cast %get3A_684 : vector<1x16xf32> to vector<16xf32>
        %mul3A_686 = arith.mulf %get3A_685, %add3A_681 : vector<16xf32>
        %swap3A_687 = arith.index_cast %add3A_636 : i32 to index
        %swap3A_688 = arith.constant 16 : index
        %swap3A_689 = tpu.vector_load %arg19[%swap3A_687, %swap3A_688] {strides = array<i32>} : memref<80x64xf32, #tpu.memory_space<vmem>>, vector<1x16xf32>,
        %swap3A_690 = vector.shape_cast %swap3A_689 : vector<1x16xf32> to vector<16xf32>
        %swap3A_691 = vector.shape_cast %mul3A_686 : vector<16xf32> to vector<1x16xf32>
        tpu.vector_store %arg19[%swap3A_687, %swap3A_688], %swap3A_691 {strides = array<i32>} : memref<80x64xf32, #tpu.memory_space<vmem>>, vector<1x16xf32>,
        %mul3A_692 = vector.broadcast %squeeze3A : f32 to vector<16xf32>
        %mul3A_693 = arith.mulf %mul3A_692, %get3A_388 : vector<16xf32>
        %mul3A_694 = vector.broadcast %squeeze3A_638 : f32 to vector<16xf32>
        %mul3A_695 = arith.mulf %mul3A_694, %get3A_403 : vector<16xf32>
        %add3A_696 = arith.addf %mul3A_693, %mul3A_695 : vector<16xf32>
        %mul3A_697 = vector.broadcast %squeeze3A_640 : f32 to vector<16xf32>
        %mul3A_698 = arith.mulf %mul3A_697, %get3A_418 : vector<16xf32>
        %add3A_699 = arith.addf %add3A_696, %mul3A_698 : vector<16xf32>
        %mul3A_700 = vector.broadcast %squeeze3A_642 : f32 to vector<16xf32>
        %mul3A_701 = arith.mulf %mul3A_700, %get3A_433 : vector<16xf32>
        %add3A_702 = arith.addf %add3A_699, %mul3A_701 : vector<16xf32>
        %mul3A_703 = vector.broadcast %squeeze3A_644 : f32 to vector<16xf32>
        %mul3A_704 = arith.mulf %mul3A_703, %get3A_448 : vector<16xf32>
        %add3A_705 = arith.addf %add3A_702, %mul3A_704 : vector<16xf32>
        %get3A_706 = arith.index_cast %add3A_636 : i32 to index
        %get3A_707 = arith.constant 32 : index
        %get3A_708 = tpu.vector_load %arg18[%get3A_706, %get3A_707] {strides = array<i32>} : memref<80x48xf32, #tpu.memory_space<vmem>>, vector<1x16xf32>,
        %get3A_709 = vector.shape_cast %get3A_708 : vector<1x16xf32> to vector<16xf32>
        %mul3A_710 = arith.mulf %get3A_709, %add3A_705 : vector<16xf32>
        %swap3A_711 = arith.index_cast %add3A_636 : i32 to index
        %swap3A_712 = arith.constant 32 : index
        %swap3A_713 = tpu.vector_load %arg19[%swap3A_711, %swap3A_712] {strides = array<i32>} : memref<80x64xf32, #tpu.memory_space<vmem>>, vector<1x16xf32>,
        %swap3A_714 = vector.shape_cast %swap3A_713 : vector<1x16xf32> to vector<16xf32>
        %swap3A_715 = vector.shape_cast %mul3A_710 : vector<16xf32> to vector<1x16xf32>
        tpu.vector_store %arg19[%swap3A_711, %swap3A_712], %swap3A_715 {strides = array<i32>} : memref<80x64xf32, #tpu.memory_space<vmem>>, vector<1x16xf32>,
        %mul3A_716 = arith.constant 2 : i32
        %mul3A_717 = arith.muli %mul3A_716, %scan3A_628 : i32
        %add3A_718 = arith.constant 1 : i32
        %add3A_719 = arith.addi %mul3A_717, %add3A_718 : i32
        %slice3A_720 = vector.extract_strided_slice %get3A_632 {offsets = [8], sizes = [1], strides = [1]} : vector<16xf32> to vector<1xf32>
        %squeeze3A_721 = vector.extract %slice3A_720[0] : f32 from vector<1xf32>
        %slice3A_722 = vector.extract_strided_slice %get3A_632 {offsets = [9], sizes = [1], strides = [1]} : vector<16xf32> to vector<1xf32>
        %squeeze3A_723 = vector.extract %slice3A_722[0] : f32 from vector<1xf32>
        %slice3A_724 = vector.extract_strided_slice %get3A_632 {offsets = [10], sizes = [1], strides = [1]} : vector<16xf32> to vector<1xf32>
        %squeeze3A_725 = vector.extract %slice3A_724[0] : f32 from vector<1xf32>
        %slice3A_726 = vector.extract_strided_slice %get3A_632 {offsets = [11], sizes = [1], strides = [1]} : vector<16xf32> to vector<1xf32>
        %squeeze3A_727 = vector.extract %slice3A_726[0] : f32 from vector<1xf32>
        %slice3A_728 = vector.extract_strided_slice %get3A_632 {offsets = [12], sizes = [1], strides = [1]} : vector<16xf32> to vector<1xf32>
        %squeeze3A_729 = vector.extract %slice3A_728[0] : f32 from vector<1xf32>
        %mul3A_730 = vector.broadcast %squeeze3A_721 : f32 to vector<16xf32>
        %mul3A_731 = arith.mulf %mul3A_730, %get3A_378 : vector<16xf32>
        %mul3A_732 = vector.broadcast %squeeze3A_723 : f32 to vector<16xf32>
        %mul3A_733 = arith.mulf %mul3A_732, %get3A_393 : vector<16xf32>
        %add3A_734 = arith.addf %mul3A_731, %mul3A_733 : vector<16xf32>
        %mul3A_735 = vector.broadcast %squeeze3A_725 : f32 to vector<16xf32>
        %mul3A_736 = arith.mulf %mul3A_735, %get3A_408 : vector<16xf32>
        %add3A_737 = arith.addf %add3A_734, %mul3A_736 : vector<16xf32>
        %mul3A_738 = vector.broadcast %squeeze3A_727 : f32 to vector<16xf32>
        %mul3A_739 = arith.mulf %mul3A_738, %get3A_423 : vector<16xf32>
        %add3A_740 = arith.addf %add3A_737, %mul3A_739 : vector<16xf32>
        %mul3A_741 = vector.broadcast %squeeze3A_729 : f32 to vector<16xf32>
        %mul3A_742 = arith.mulf %mul3A_741, %get3A_438 : vector<16xf32>
        %add3A_743 = arith.addf %add3A_740, %mul3A_742 : vector<16xf32>
        %get3A_744 = arith.index_cast %add3A_719 : i32 to index
        %get3A_745 = arith.constant 0 : index
        %get3A_746 = tpu.vector_load %arg18[%get3A_744, %get3A_745] {strides = array<i32>} : memref<80x48xf32, #tpu.memory_space<vmem>>, vector<1x16xf32>,
        %get3A_747 = vector.shape_cast %get3A_746 : vector<1x16xf32> to vector<16xf32>
        %mul3A_748 = arith.mulf %get3A_747, %add3A_743 : vector<16xf32>
        %swap3A_749 = arith.index_cast %add3A_719 : i32 to index
        %swap3A_750 = arith.constant 0 : index
        %swap3A_751 = tpu.vector_load %arg19[%swap3A_749, %swap3A_750] {strides = array<i32>} : memref<80x64xf32, #tpu.memory_space<vmem>>, vector<1x16xf32>,
        %swap3A_752 = vector.shape_cast %swap3A_751 : vector<1x16xf32> to vector<16xf32>
        %swap3A_753 = vector.shape_cast %mul3A_748 : vector<16xf32> to vector<1x16xf32>
        tpu.vector_store %arg19[%swap3A_749, %swap3A_750], %swap3A_753 {strides = array<i32>} : memref<80x64xf32, #tpu.memory_space<vmem>>, vector<1x16xf32>,
        %mul3A_754 = vector.broadcast %squeeze3A_721 : f32 to vector<16xf32>
        %mul3A_755 = arith.mulf %mul3A_754, %get3A_383 : vector<16xf32>
        %mul3A_756 = vector.broadcast %squeeze3A_723 : f32 to vector<16xf32>
        %mul3A_757 = arith.mulf %mul3A_756, %get3A_398 : vector<16xf32>
        %add3A_758 = arith.addf %mul3A_755, %mul3A_757 : vector<16xf32>
        %mul3A_759 = vector.broadcast %squeeze3A_725 : f32 to vector<16xf32>
        %mul3A_760 = arith.mulf %mul3A_759, %get3A_413 : vector<16xf32>
        %add3A_761 = arith.addf %add3A_758, %mul3A_760 : vector<16xf32>
        %mul3A_762 = vector.broadcast %squeeze3A_727 : f32 to vector<16xf32>
        %mul3A_763 = arith.mulf %mul3A_762, %get3A_428 : vector<16xf32>
        %add3A_764 = arith.addf %add3A_761, %mul3A_763 : vector<16xf32>
        %mul3A_765 = vector.broadcast %squeeze3A_729 : f32 to vector<16xf32>
        %mul3A_766 = arith.mulf %mul3A_765, %get3A_443 : vector<16xf32>
        %add3A_767 = arith.addf %add3A_764, %mul3A_766 : vector<16xf32>
        %get3A_768 = arith.index_cast %add3A_719 : i32 to index
        %get3A_769 = arith.constant 16 : index
        %get3A_770 = tpu.vector_load %arg18[%get3A_768, %get3A_769] {strides = array<i32>} : memref<80x48xf32, #tpu.memory_space<vmem>>, vector<1x16xf32>,
        %get3A_771 = vector.shape_cast %get3A_770 : vector<1x16xf32> to vector<16xf32>
        %mul3A_772 = arith.mulf %get3A_771, %add3A_767 : vector<16xf32>
        %swap3A_773 = arith.index_cast %add3A_719 : i32 to index
        %swap3A_774 = arith.constant 16 : index
        %swap3A_775 = tpu.vector_load %arg19[%swap3A_773, %swap3A_774] {strides = array<i32>} : memref<80x64xf32, #tpu.memory_space<vmem>>, vector<1x16xf32>,
        %swap3A_776 = vector.shape_cast %swap3A_775 : vector<1x16xf32> to vector<16xf32>
        %swap3A_777 = vector.shape_cast %mul3A_772 : vector<16xf32> to vector<1x16xf32>
        tpu.vector_store %arg19[%swap3A_773, %swap3A_774], %swap3A_777 {strides = array<i32>} : memref<80x64xf32, #tpu.memory_space<vmem>>, vector<1x16xf32>,
        %mul3A_778 = vector.broadcast %squeeze3A_721 : f32 to vector<16xf32>
        %mul3A_779 = arith.mulf %mul3A_778, %get3A_388 : vector<16xf32>
        %mul3A_780 = vector.broadcast %squeeze3A_723 : f32 to vector<16xf32>
        %mul3A_781 = arith.mulf %mul3A_780, %get3A_403 : vector<16xf32>
        %add3A_782 = arith.addf %mul3A_779, %mul3A_781 : vector<16xf32>
        %mul3A_783 = vector.broadcast %squeeze3A_725 : f32 to vector<16xf32>
        %mul3A_784 = arith.mulf %mul3A_783, %get3A_418 : vector<16xf32>
        %add3A_785 = arith.addf %add3A_782, %mul3A_784 : vector<16xf32>
        %mul3A_786 = vector.broadcast %squeeze3A_727 : f32 to vector<16xf32>
        %mul3A_787 = arith.mulf %mul3A_786, %get3A_433 : vector<16xf32>
        %add3A_788 = arith.addf %add3A_785, %mul3A_787 : vector<16xf32>
        %mul3A_789 = vector.broadcast %squeeze3A_729 : f32 to vector<16xf32>
        %mul3A_790 = arith.mulf %mul3A_789, %get3A_448 : vector<16xf32>
        %add3A_791 = arith.addf %add3A_788, %mul3A_790 : vector<16xf32>
        %get3A_792 = arith.index_cast %add3A_719 : i32 to index
        %get3A_793 = arith.constant 32 : index
        %get3A_794 = tpu.vector_load %arg18[%get3A_792, %get3A_793] {strides = array<i32>} : memref<80x48xf32, #tpu.memory_space<vmem>>, vector<1x16xf32>,
        %get3A_795 = vector.shape_cast %get3A_794 : vector<1x16xf32> to vector<16xf32>
        %mul3A_796 = arith.mulf %get3A_795, %add3A_791 : vector<16xf32>
        %swap3A_797 = arith.index_cast %add3A_719 : i32 to index
        %swap3A_798 = arith.constant 32 : index
        %swap3A_799 = tpu.vector_load %arg19[%swap3A_797, %swap3A_798] {strides = array<i32>} : memref<80x64xf32, #tpu.memory_space<vmem>>, vector<1x16xf32>,
        %swap3A_800 = vector.shape_cast %swap3A_799 : vector<1x16xf32> to vector<16xf32>
        %swap3A_801 = vector.shape_cast %mul3A_796 : vector<16xf32> to vector<1x16xf32>
        tpu.vector_store %arg19[%swap3A_797, %swap3A_798], %swap3A_801 {strides = array<i32>} : memref<80x64xf32, #tpu.memory_space<vmem>>, vector<1x16xf32>,
        %scan3A_802 = arith.constant 1 : i32
        %scan3A_803 = arith.addi %scan3A_628, %scan3A_802 : i32
        %get3A_804 = arith.index_cast %scan3A_803 : i32 to index
        %get3A_805 = arith.constant 0 : index
        %get3A_806 = tpu.vector_load %arg16[%get3A_804, %get3A_805] {strides = array<i32>} : memref<40x16xf32, #tpu.memory_space<vmem>>, vector<1x16xf32>,
        %get3A_807 = vector.shape_cast %get3A_806 : vector<1x16xf32> to vector<16xf32>
        %mul3A_808 = arith.constant 2 : i32
        %mul3A_809 = arith.muli %mul3A_808, %scan3A_803 : i32
        %add3A_810 = arith.constant 0 : i32
        %add3A_811 = arith.addi %mul3A_809, %add3A_810 : i32
        %slice3A_812 = vector.extract_strided_slice %get3A_807 {offsets = [0], sizes = [1], strides = [1]} : vector<16xf32> to vector<1xf32>
        %squeeze3A_813 = vector.extract %slice3A_812[0] : f32 from vector<1xf32>
        %slice3A_814 = vector.extract_strided_slice %get3A_807 {offsets = [1], sizes = [1], strides = [1]} : vector<16xf32> to vector<1xf32>
        %squeeze3A_815 = vector.extract %slice3A_814[0] : f32 from vector<1xf32>
        %slice3A_816 = vector.extract_strided_slice %get3A_807 {offsets = [2], sizes = [1], strides = [1]} : vector<16xf32> to vector<1xf32>
        %squeeze3A_817 = vector.extract %slice3A_816[0] : f32 from vector<1xf32>
        %slice3A_818 = vector.extract_strided_slice %get3A_807 {offsets = [3], sizes = [1], strides = [1]} : vector<16xf32> to vector<1xf32>
        %squeeze3A_819 = vector.extract %slice3A_818[0] : f32 from vector<1xf32>
        %slice3A_820 = vector.extract_strided_slice %get3A_807 {offsets = [4], sizes = [1], strides = [1]} : vector<16xf32> to vector<1xf32>
        %squeeze3A_821 = vector.extract %slice3A_820[0] : f32 from vector<1xf32>
        %mul3A_822 = vector.broadcast %squeeze3A_813 : f32 to vector<16xf32>
        %mul3A_823 = arith.mulf %mul3A_822, %get3A_378 : vector<16xf32>
        %mul3A_824 = vector.broadcast %squeeze3A_815 : f32 to vector<16xf32>
        %mul3A_825 = arith.mulf %mul3A_824, %get3A_393 : vector<16xf32>
        %add3A_826 = arith.addf %mul3A_823, %mul3A_825 : vector<16xf32>
        %mul3A_827 = vector.broadcast %squeeze3A_817 : f32 to vector<16xf32>
        %mul3A_828 = arith.mulf %mul3A_827, %get3A_408 : vector<16xf32>
        %add3A_829 = arith.addf %add3A_826, %mul3A_828 : vector<16xf32>
        %mul3A_830 = vector.broadcast %squeeze3A_819 : f32 to vector<16xf32>
        %mul3A_831 = arith.mulf %mul3A_830, %get3A_423 : vector<16xf32>
        %add3A_832 = arith.addf %add3A_829, %mul3A_831 : vector<16xf32>
        %mul3A_833 = vector.broadcast %squeeze3A_821 : f32 to vector<16xf32>
        %mul3A_834 = arith.mulf %mul3A_833, %get3A_438 : vector<16xf32>
        %add3A_835 = arith.addf %add3A_832, %mul3A_834 : vector<16xf32>
        %get3A_836 = arith.index_cast %add3A_811 : i32 to index
        %get3A_837 = arith.constant 0 : index
        %get3A_838 = tpu.vector_load %arg18[%get3A_836, %get3A_837] {strides = array<i32>} : memref<80x48xf32, #tpu.memory_space<vmem>>, vector<1x16xf32>,
        %get3A_839 = vector.shape_cast %get3A_838 : vector<1x16xf32> to vector<16xf32>
        %mul3A_840 = arith.mulf %get3A_839, %add3A_835 : vector<16xf32>
        %swap3A_841 = arith.index_cast %add3A_811 : i32 to index
        %swap3A_842 = arith.constant 0 : index
        %swap3A_843 = tpu.vector_load %arg19[%swap3A_841, %swap3A_842] {strides = array<i32>} : memref<80x64xf32, #tpu.memory_space<vmem>>, vector<1x16xf32>,
        %swap3A_844 = vector.shape_cast %swap3A_843 : vector<1x16xf32> to vector<16xf32>
        %swap3A_845 = vector.shape_cast %mul3A_840 : vector<16xf32> to vector<1x16xf32>
        tpu.vector_store %arg19[%swap3A_841, %swap3A_842], %swap3A_845 {strides = array<i32>} : memref<80x64xf32, #tpu.memory_space<vmem>>, vector<1x16xf32>,
        %mul3A_846 = vector.broadcast %squeeze3A_813 : f32 to vector<16xf32>
        %mul3A_847 = arith.mulf %mul3A_846, %get3A_383 : vector<16xf32>
        %mul3A_848 = vector.broadcast %squeeze3A_815 : f32 to vector<16xf32>
        %mul3A_849 = arith.mulf %mul3A_848, %get3A_398 : vector<16xf32>
        %add3A_850 = arith.addf %mul3A_847, %mul3A_849 : vector<16xf32>
        %mul3A_851 = vector.broadcast %squeeze3A_817 : f32 to vector<16xf32>
        %mul3A_852 = arith.mulf %mul3A_851, %get3A_413 : vector<16xf32>
        %add3A_853 = arith.addf %add3A_850, %mul3A_852 : vector<16xf32>
        %mul3A_854 = vector.broadcast %squeeze3A_819 : f32 to vector<16xf32>
        %mul3A_855 = arith.mulf %mul3A_854, %get3A_428 : vector<16xf32>
        %add3A_856 = arith.addf %add3A_853, %mul3A_855 : vector<16xf32>
        %mul3A_857 = vector.broadcast %squeeze3A_821 : f32 to vector<16xf32>
        %mul3A_858 = arith.mulf %mul3A_857, %get3A_443 : vector<16xf32>
        %add3A_859 = arith.addf %add3A_856, %mul3A_858 : vector<16xf32>
        %get3A_860 = arith.index_cast %add3A_811 : i32 to index
        %get3A_861 = arith.constant 16 : index
        %get3A_862 = tpu.vector_load %arg18[%get3A_860, %get3A_861] {strides = array<i32>} : memref<80x48xf32, #tpu.memory_space<vmem>>, vector<1x16xf32>,
        %get3A_863 = vector.shape_cast %get3A_862 : vector<1x16xf32> to vector<16xf32>
        %mul3A_864 = arith.mulf %get3A_863, %add3A_859 : vector<16xf32>
        %swap3A_865 = arith.index_cast %add3A_811 : i32 to index
        %swap3A_866 = arith.constant 16 : index
        %swap3A_867 = tpu.vector_load %arg19[%swap3A_865, %swap3A_866] {strides = array<i32>} : memref<80x64xf32, #tpu.memory_space<vmem>>, vector<1x16xf32>,
        %swap3A_868 = vector.shape_cast %swap3A_867 : vector<1x16xf32> to vector<16xf32>
        %swap3A_869 = vector.shape_cast %mul3A_864 : vector<16xf32> to vector<1x16xf32>
        tpu.vector_store %arg19[%swap3A_865, %swap3A_866], %swap3A_869 {strides = array<i32>} : memref<80x64xf32, #tpu.memory_space<vmem>>, vector<1x16xf32>,
        %mul3A_870 = vector.broadcast %squeeze3A_813 : f32 to vector<16xf32>
        %mul3A_871 = arith.mulf %mul3A_870, %get3A_388 : vector<16xf32>
        %mul3A_872 = vector.broadcast %squeeze3A_815 : f32 to vector<16xf32>
        %mul3A_873 = arith.mulf %mul3A_872, %get3A_403 : vector<16xf32>
        %add3A_874 = arith.addf %mul3A_871, %mul3A_873 : vector<16xf32>
        %mul3A_875 = vector.broadcast %squeeze3A_817 : f32 to vector<16xf32>
        %mul3A_876 = arith.mulf %mul3A_875, %get3A_418 : vector<16xf32>
        %add3A_877 = arith.addf %add3A_874, %mul3A_876 : vector<16xf32>
        %mul3A_878 = vector.broadcast %squeeze3A_819 : f32 to vector<16xf32>
        %mul3A_879 = arith.mulf %mul3A_878, %get3A_433 : vector<16xf32>
        %add3A_880 = arith.addf %add3A_877, %mul3A_879 : vector<16xf32>
        %mul3A_881 = vector.broadcast %squeeze3A_821 : f32 to vector<16xf32>
        %mul3A_882 = arith.mulf %mul3A_881, %get3A_448 : vector<16xf32>
        %add3A_883 = arith.addf %add3A_880, %mul3A_882 : vector<16xf32>
        %get3A_884 = arith.index_cast %add3A_811 : i32 to index
        %get3A_885 = arith.constant 32 : index
        %get3A_886 = tpu.vector_load %arg18[%get3A_884, %get3A_885] {strides = array<i32>} : memref<80x48xf32, #tpu.memory_space<vmem>>, vector<1x16xf32>,
        %get3A_887 = vector.shape_cast %get3A_886 : vector<1x16xf32> to vector<16xf32>
        %mul3A_888 = arith.mulf %get3A_887, %add3A_883 : vector<16xf32>
        %swap3A_889 = arith.index_cast %add3A_811 : i32 to index
        %swap3A_890 = arith.constant 32 : index
        %swap3A_891 = tpu.vector_load %arg19[%swap3A_889, %swap3A_890] {strides = array<i32>} : memref<80x64xf32, #tpu.memory_space<vmem>>, vector<1x16xf32>,
        %swap3A_892 = vector.shape_cast %swap3A_891 : vector<1x16xf32> to vector<16xf32>
        %swap3A_893 = vector.shape_cast %mul3A_888 : vector<16xf32> to vector<1x16xf32>
        tpu.vector_store %arg19[%swap3A_889, %swap3A_890], %swap3A_893 {strides = array<i32>} : memref<80x64xf32, #tpu.memory_space<vmem>>, vector<1x16xf32>,
        %mul3A_894 = arith.constant 2 : i32
        %mul3A_895 = arith.muli %mul3A_894, %scan3A_803 : i32
        %add3A_896 = arith.constant 1 : i32
        %add3A_897 = arith.addi %mul3A_895, %add3A_896 : i32
        %slice3A_898 = vector.extract_strided_slice %get3A_807 {offsets = [8], sizes = [1], strides = [1]} : vector<16xf32> to vector<1xf32>
        %squeeze3A_899 = vector.extract %slice3A_898[0] : f32 from vector<1xf32>
        %slice3A_900 = vector.extract_strided_slice %get3A_807 {offsets = [9], sizes = [1], strides = [1]} : vector<16xf32> to vector<1xf32>
        %squeeze3A_901 = vector.extract %slice3A_900[0] : f32 from vector<1xf32>
        %slice3A_902 = vector.extract_strided_slice %get3A_807 {offsets = [10], sizes = [1], strides = [1]} : vector<16xf32> to vector<1xf32>
        %squeeze3A_903 = vector.extract %slice3A_902[0] : f32 from vector<1xf32>
        %slice3A_904 = vector.extract_strided_slice %get3A_807 {offsets = [11], sizes = [1], strides = [1]} : vector<16xf32> to vector<1xf32>
        %squeeze3A_905 = vector.extract %slice3A_904[0] : f32 from vector<1xf32>
        %slice3A_906 = vector.extract_strided_slice %get3A_807 {offsets = [12], sizes = [1], strides = [1]} : vector<16xf32> to vector<1xf32>
        %squeeze3A_907 = vector.extract %slice3A_906[0] : f32 from vector<1xf32>
        %mul3A_908 = vector.broadcast %squeeze3A_899 : f32 to vector<16xf32>
        %mul3A_909 = arith.mulf %mul3A_908, %get3A_378 : vector<16xf32>
        %mul3A_910 = vector.broadcast %squeeze3A_901 : f32 to vector<16xf32>
        %mul3A_911 = arith.mulf %mul3A_910, %get3A_393 : vector<16xf32>
        %add3A_912 = arith.addf %mul3A_909, %mul3A_911 : vector<16xf32>
        %mul3A_913 = vector.broadcast %squeeze3A_903 : f32 to vector<16xf32>
        %mul3A_914 = arith.mulf %mul3A_913, %get3A_408 : vector<16xf32>
        %add3A_915 = arith.addf %add3A_912, %mul3A_914 : vector<16xf32>
        %mul3A_916 = vector.broadcast %squeeze3A_905 : f32 to vector<16xf32>
        %mul3A_917 = arith.mulf %mul3A_916, %get3A_423 : vector<16xf32>
        %add3A_918 = arith.addf %add3A_915, %mul3A_917 : vector<16xf32>
        %mul3A_919 = vector.broadcast %squeeze3A_907 : f32 to vector<16xf32>
        %mul3A_920 = arith.mulf %mul3A_919, %get3A_438 : vector<16xf32>
        %add3A_921 = arith.addf %add3A_918, %mul3A_920 : vector<16xf32>
        %get3A_922 = arith.index_cast %add3A_897 : i32 to index
        %get3A_923 = arith.constant 0 : index
        %get3A_924 = tpu.vector_load %arg18[%get3A_922, %get3A_923] {strides = array<i32>} : memref<80x48xf32, #tpu.memory_space<vmem>>, vector<1x16xf32>,
        %get3A_925 = vector.shape_cast %get3A_924 : vector<1x16xf32> to vector<16xf32>
        %mul3A_926 = arith.mulf %get3A_925, %add3A_921 : vector<16xf32>
        %swap3A_927 = arith.index_cast %add3A_897 : i32 to index
        %swap3A_928 = arith.constant 0 : index
        %swap3A_929 = tpu.vector_load %arg19[%swap3A_927, %swap3A_928] {strides = array<i32>} : memref<80x64xf32, #tpu.memory_space<vmem>>, vector<1x16xf32>,
        %swap3A_930 = vector.shape_cast %swap3A_929 : vector<1x16xf32> to vector<16xf32>
        %swap3A_931 = vector.shape_cast %mul3A_926 : vector<16xf32> to vector<1x16xf32>
        tpu.vector_store %arg19[%swap3A_927, %swap3A_928], %swap3A_931 {strides = array<i32>} : memref<80x64xf32, #tpu.memory_space<vmem>>, vector<1x16xf32>,
        %mul3A_932 = vector.broadcast %squeeze3A_899 : f32 to vector<16xf32>
        %mul3A_933 = arith.mulf %mul3A_932, %get3A_383 : vector<16xf32>
        %mul3A_934 = vector.broadcast %squeeze3A_901 : f32 to vector<16xf32>
        %mul3A_935 = arith.mulf %mul3A_934, %get3A_398 : vector<16xf32>
        %add3A_936 = arith.addf %mul3A_933, %mul3A_935 : vector<16xf32>
        %mul3A_937 = vector.broadcast %squeeze3A_903 : f32 to vector<16xf32>
        %mul3A_938 = arith.mulf %mul3A_937, %get3A_413 : vector<16xf32>
        %add3A_939 = arith.addf %add3A_936, %mul3A_938 : vector<16xf32>
        %mul3A_940 = vector.broadcast %squeeze3A_905 : f32 to vector<16xf32>
        %mul3A_941 = arith.mulf %mul3A_940, %get3A_428 : vector<16xf32>
        %add3A_942 = arith.addf %add3A_939, %mul3A_941 : vector<16xf32>
        %mul3A_943 = vector.broadcast %squeeze3A_907 : f32 to vector<16xf32>
        %mul3A_944 = arith.mulf %mul3A_943, %get3A_443 : vector<16xf32>
        %add3A_945 = arith.addf %add3A_942, %mul3A_944 : vector<16xf32>
        %get3A_946 = arith.index_cast %add3A_897 : i32 to index
        %get3A_947 = arith.constant 16 : index
        %get3A_948 = tpu.vector_load %arg18[%get3A_946, %get3A_947] {strides = array<i32>} : memref<80x48xf32, #tpu.memory_space<vmem>>, vector<1x16xf32>,
        %get3A_949 = vector.shape_cast %get3A_948 : vector<1x16xf32> to vector<16xf32>
        %mul3A_950 = arith.mulf %get3A_949, %add3A_945 : vector<16xf32>
        %swap3A_951 = arith.index_cast %add3A_897 : i32 to index
        %swap3A_952 = arith.constant 16 : index
        %swap3A_953 = tpu.vector_load %arg19[%swap3A_951, %swap3A_952] {strides = array<i32>} : memref<80x64xf32, #tpu.memory_space<vmem>>, vector<1x16xf32>,
        %swap3A_954 = vector.shape_cast %swap3A_953 : vector<1x16xf32> to vector<16xf32>
        %swap3A_955 = vector.shape_cast %mul3A_950 : vector<16xf32> to vector<1x16xf32>
        tpu.vector_store %arg19[%swap3A_951, %swap3A_952], %swap3A_955 {strides = array<i32>} : memref<80x64xf32, #tpu.memory_space<vmem>>, vector<1x16xf32>,
        %mul3A_956 = vector.broadcast %squeeze3A_899 : f32 to vector<16xf32>
        %mul3A_957 = arith.mulf %mul3A_956, %get3A_388 : vector<16xf32>
        %mul3A_958 = vector.broadcast %squeeze3A_901 : f32 to vector<16xf32>
        %mul3A_959 = arith.mulf %mul3A_958, %get3A_403 : vector<16xf32>
        %add3A_960 = arith.addf %mul3A_957, %mul3A_959 : vector<16xf32>
        %mul3A_961 = vector.broadcast %squeeze3A_903 : f32 to vector<16xf32>
        %mul3A_962 = arith.mulf %mul3A_961, %get3A_418 : vector<16xf32>
        %add3A_963 = arith.addf %add3A_960, %mul3A_962 : vector<16xf32>
        %mul3A_964 = vector.broadcast %squeeze3A_905 : f32 to vector<16xf32>
        %mul3A_965 = arith.mulf %mul3A_964, %get3A_433 : vector<16xf32>
        %add3A_966 = arith.addf %add3A_963, %mul3A_965 : vector<16xf32>
        %mul3A_967 = vector.broadcast %squeeze3A_907 : f32 to vector<16xf32>
        %mul3A_968 = arith.mulf %mul3A_967, %get3A_448 : vector<16xf32>
        %add3A_969 = arith.addf %add3A_966, %mul3A_968 : vector<16xf32>
        %get3A_970 = arith.index_cast %add3A_897 : i32 to index
        %get3A_971 = arith.constant 32 : index
        %get3A_972 = tpu.vector_load %arg18[%get3A_970, %get3A_971] {strides = array<i32>} : memref<80x48xf32, #tpu.memory_space<vmem>>, vector<1x16xf32>,
        %get3A_973 = vector.shape_cast %get3A_972 : vector<1x16xf32> to vector<16xf32>
        %mul3A_974 = arith.mulf %get3A_973, %add3A_969 : vector<16xf32>
        %swap3A_975 = arith.index_cast %add3A_897 : i32 to index
        %swap3A_976 = arith.constant 32 : index
        %swap3A_977 = tpu.vector_load %arg19[%swap3A_975, %swap3A_976] {strides = array<i32>} : memref<80x64xf32, #tpu.memory_space<vmem>>, vector<1x16xf32>,
        %swap3A_978 = vector.shape_cast %swap3A_977 : vector<1x16xf32> to vector<16xf32>
        %swap3A_979 = vector.shape_cast %mul3A_974 : vector<16xf32> to vector<1x16xf32>
        tpu.vector_store %arg19[%swap3A_975, %swap3A_976], %swap3A_979 {strides = array<i32>} : memref<80x64xf32, #tpu.memory_space<vmem>>, vector<1x16xf32>,
      }
      %scan3A_627 = arith.constant 40 : i32
      "tpu.region"() ({
        %run_scoped3A = tpu.sem_alloc : memref<!tpu.dma_semaphore, #tpu.memory_space<semaphore_mem>>
        %dma_start3A_628 = arith.constant 0 : i32
        %dma_start3A_629 = arith.constant 0 : i32
        %dma_start3A_630 = tpu.memref_slice %arg12[%dma_start3A_628, %dma_start3A_629] : memref<10000x64xf32, #tpu.memory_space<vmem_shared>> -> memref<10000x64xf32, #tpu.memory_space<vmem_shared>>
        tpu.enqueue_indirect_dma source(%arg19 : memref<80x64xf32, #tpu.memory_space<vmem>>) target(%dma_start3A_630 : memref<10000x64xf32, #tpu.memory_space<vmem_shared>>) offsets(%arg14 : memref<80xi32, #tpu.memory_space<vmem>>) semaphore(%run_scoped3A : memref<!tpu.dma_semaphore, #tpu.memory_space<semaphore_mem>>) {add = true}
        %dma_wait3A_631 = arith.constant 0 : i32
        %dma_wait3A_632 = arith.constant 0 : i32
        %dma_wait3A_633 = tpu.memref_slice %arg12[%dma_wait3A_631, %dma_wait3A_632] : memref<10000x64xf32, #tpu.memory_space<vmem_shared>> -> memref<10000x64xf32, #tpu.memory_space<vmem_shared>>
        tpu.wait_indirect_dma semaphore(%run_scoped3A : memref<!tpu.dma_semaphore, #tpu.memory_space<semaphore_mem>>) src(%arg19 : memref<80x64xf32, #tpu.memory_space<vmem>>) dst(%dma_wait3A_633 : memref<10000x64xf32, #tpu.memory_space<vmem_shared>>)
        tpu.yield
      }) : () -> ()
    }
    %scan3A_454 = arith.constant 125 : i32
    %barrier3A_455 = arith.constant 0 : index
    tpu.barrier barrier_id(%barrier3A_455)
    "tpu.region"() ({
      %run_scoped3A = tpu.sem_alloc : memref<!tpu.dma_semaphore, #tpu.memory_space<semaphore_mem>>
      %dma_start3A = arith.constant 0 : i32
      %dma_start3A_607 = tpu.memref_slice %arg11[%add3A_308, %mul3A_0, %dma_start3A] : memref<8x10000x64xf32, #tpu.memory_space<hbm>> -> memref<1x625x64xf32, #tpu.memory_space<hbm>>
      %dma_start3A_608 = tpu.memref_squeeze %dma_start3A_607 : memref<1x625x64xf32, #tpu.memory_space<hbm>> -> memref<625x64xf32, #tpu.memory_space<hbm>>
      %dma_start3A_609 = arith.constant 0 : i32
      %dma_start3A_610 = tpu.memref_slice %arg12[%mul3A_0, %dma_start3A_609] : memref<10000x64xf32, #tpu.memory_space<vmem_shared>> -> memref<625x64xf32, #tpu.memory_space<vmem_shared>>
      tpu.enqueue_dma source(%dma_start3A_610 : memref<625x64xf32, #tpu.memory_space<vmem_shared>>) target(%dma_start3A_608 : memref<625x64xf32, #tpu.memory_space<hbm>>) target_semaphore(%run_scoped3A : memref<!tpu.dma_semaphore, #tpu.memory_space<semaphore_mem>>)
      %dma_wait3A = arith.constant 0 : i32
      %dma_wait3A_611 = tpu.memref_slice %arg11[%add3A_308, %mul3A_0, %dma_wait3A] : memref<8x10000x64xf32, #tpu.memory_space<hbm>> -> memref<1x625x64xf32, #tpu.memory_space<hbm>>
      %dma_wait3A_612 = tpu.memref_squeeze %dma_wait3A_611 : memref<1x625x64xf32, #tpu.memory_space<hbm>> -> memref<625x64xf32, #tpu.memory_space<hbm>>
      %dma_wait3A_613 = arith.constant 0 : i32
      %dma_wait3A_614 = tpu.memref_slice %arg12[%mul3A_0, %dma_wait3A_613] : memref<10000x64xf32, #tpu.memory_space<vmem_shared>> -> memref<625x64xf32, #tpu.memory_space<vmem_shared>>
      tpu.wait_dma2 semaphore(%run_scoped3A : memref<!tpu.dma_semaphore, #tpu.memory_space<semaphore_mem>>) src(%dma_wait3A_614 : memref<625x64xf32, #tpu.memory_space<vmem_shared>>) dst(%dma_wait3A_612 : memref<625x64xf32, #tpu.memory_space<hbm>>)
      tpu.yield
    }) : () -> ()
    %mul3A_456 = arith.constant 4 : i32
    %mul3A_457 = arith.muli %arg0, %mul3A_456 : i32
    %add3A_458 = arith.constant 3 : i32
    %add3A_459 = arith.addi %mul3A_457, %add3A_458 : i32
    "tpu.region"() ({
      %run_scoped3A = tpu.sem_alloc : memref<!tpu.dma_semaphore, #tpu.memory_space<semaphore_mem>>
      %dma_start3A = arith.constant 0 : i32
      %dma_start3A_607 = arith.constant 0 : i32
      %dma_start3A_608 = tpu.memref_slice %arg7[%add3A_459, %dma_start3A, %dma_start3A_607] : memref<8x5x16xf32, #tpu.memory_space<hbm>> -> memref<1x5x16xf32, #tpu.memory_space<hbm>>
      %dma_start3A_609 = tpu.memref_squeeze %dma_start3A_608 : memref<1x5x16xf32, #tpu.memory_space<hbm>> -> memref<5x16xf32, #tpu.memory_space<hbm>>
      %dma_start3A_610 = arith.constant 0 : i32
      %dma_start3A_611 = arith.constant 0 : i32
      %dma_start3A_612 = tpu.memref_slice %arg7[%add3A_459, %dma_start3A_610, %dma_start3A_611] : memref<8x5x16xf32, #tpu.memory_space<hbm>> -> memref<1x5x16xf32, #tpu.memory_space<hbm>>
      %dma_start3A_613 = tpu.memref_squeeze %dma_start3A_612 : memref<1x5x16xf32, #tpu.memory_space<hbm>> -> memref<5x16xf32, #tpu.memory_space<hbm>>
      tpu.enqueue_dma source(%dma_start3A_613 : memref<5x16xf32, #tpu.memory_space<hbm>>) target(%arg20 : memref<5x16xf32, #tpu.memory_space<vmem>>) target_semaphore(%run_scoped3A : memref<!tpu.dma_semaphore, #tpu.memory_space<semaphore_mem>>)
      %dma_wait3A = arith.constant 0 : i32
      %dma_wait3A_614 = arith.constant 0 : i32
      %dma_wait3A_615 = tpu.memref_slice %arg7[%add3A_459, %dma_wait3A, %dma_wait3A_614] : memref<8x5x16xf32, #tpu.memory_space<hbm>> -> memref<1x5x16xf32, #tpu.memory_space<hbm>>
      %dma_wait3A_616 = tpu.memref_squeeze %dma_wait3A_615 : memref<1x5x16xf32, #tpu.memory_space<hbm>> -> memref<5x16xf32, #tpu.memory_space<hbm>>
      %dma_wait3A_617 = arith.constant 0 : i32
      %dma_wait3A_618 = arith.constant 0 : i32
      %dma_wait3A_619 = tpu.memref_slice %arg7[%add3A_459, %dma_wait3A_617, %dma_wait3A_618] : memref<8x5x16xf32, #tpu.memory_space<hbm>> -> memref<1x5x16xf32, #tpu.memory_space<hbm>>
      %dma_wait3A_620 = tpu.memref_squeeze %dma_wait3A_619 : memref<1x5x16xf32, #tpu.memory_space<hbm>> -> memref<5x16xf32, #tpu.memory_space<hbm>>
      tpu.wait_dma2 semaphore(%run_scoped3A : memref<!tpu.dma_semaphore, #tpu.memory_space<semaphore_mem>>) src(%dma_wait3A_620 : memref<5x16xf32, #tpu.memory_space<hbm>>) dst(%arg20 : memref<5x16xf32, #tpu.memory_space<vmem>>)
      tpu.yield
    }) : () -> ()
    "tpu.region"() ({
      %run_scoped3A = tpu.sem_alloc : memref<!tpu.dma_semaphore, #tpu.memory_space<semaphore_mem>>
      %dma_start3A = arith.constant 0 : i32
      %dma_start3A_607 = arith.constant 0 : i32
      %dma_start3A_608 = tpu.memref_slice %arg8[%add3A_459, %dma_start3A, %dma_start3A_607] : memref<8x5x16xf32, #tpu.memory_space<hbm>> -> memref<1x5x16xf32, #tpu.memory_space<hbm>>
      %dma_start3A_609 = tpu.memref_squeeze %dma_start3A_608 : memref<1x5x16xf32, #tpu.memory_space<hbm>> -> memref<5x16xf32, #tpu.memory_space<hbm>>
      %dma_start3A_610 = arith.constant 0 : i32
      %dma_start3A_611 = arith.constant 0 : i32
      %dma_start3A_612 = tpu.memref_slice %arg8[%add3A_459, %dma_start3A_610, %dma_start3A_611] : memref<8x5x16xf32, #tpu.memory_space<hbm>> -> memref<1x5x16xf32, #tpu.memory_space<hbm>>
      %dma_start3A_613 = tpu.memref_squeeze %dma_start3A_612 : memref<1x5x16xf32, #tpu.memory_space<hbm>> -> memref<5x16xf32, #tpu.memory_space<hbm>>
      tpu.enqueue_dma source(%dma_start3A_613 : memref<5x16xf32, #tpu.memory_space<hbm>>) target(%arg21 : memref<5x16xf32, #tpu.memory_space<vmem>>) target_semaphore(%run_scoped3A : memref<!tpu.dma_semaphore, #tpu.memory_space<semaphore_mem>>)
      %dma_wait3A = arith.constant 0 : i32
      %dma_wait3A_614 = arith.constant 0 : i32
      %dma_wait3A_615 = tpu.memref_slice %arg8[%add3A_459, %dma_wait3A, %dma_wait3A_614] : memref<8x5x16xf32, #tpu.memory_space<hbm>> -> memref<1x5x16xf32, #tpu.memory_space<hbm>>
      %dma_wait3A_616 = tpu.memref_squeeze %dma_wait3A_615 : memref<1x5x16xf32, #tpu.memory_space<hbm>> -> memref<5x16xf32, #tpu.memory_space<hbm>>
      %dma_wait3A_617 = arith.constant 0 : i32
      %dma_wait3A_618 = arith.constant 0 : i32
      %dma_wait3A_619 = tpu.memref_slice %arg8[%add3A_459, %dma_wait3A_617, %dma_wait3A_618] : memref<8x5x16xf32, #tpu.memory_space<hbm>> -> memref<1x5x16xf32, #tpu.memory_space<hbm>>
      %dma_wait3A_620 = tpu.memref_squeeze %dma_wait3A_619 : memref<1x5x16xf32, #tpu.memory_space<hbm>> -> memref<5x16xf32, #tpu.memory_space<hbm>>
      tpu.wait_dma2 semaphore(%run_scoped3A : memref<!tpu.dma_semaphore, #tpu.memory_space<semaphore_mem>>) src(%dma_wait3A_620 : memref<5x16xf32, #tpu.memory_space<hbm>>) dst(%arg21 : memref<5x16xf32, #tpu.memory_space<vmem>>)
      tpu.yield
    }) : () -> ()
    "tpu.region"() ({
      %run_scoped3A = tpu.sem_alloc : memref<!tpu.dma_semaphore, #tpu.memory_space<semaphore_mem>>
      %dma_start3A = arith.constant 0 : i32
      %dma_start3A_607 = arith.constant 0 : i32
      %dma_start3A_608 = tpu.memref_slice %arg9[%add3A_459, %dma_start3A, %dma_start3A_607] : memref<8x5x48xf32, #tpu.memory_space<hbm>> -> memref<1x5x48xf32, #tpu.memory_space<hbm>>
      %dma_start3A_609 = tpu.memref_squeeze %dma_start3A_608 : memref<1x5x48xf32, #tpu.memory_space<hbm>> -> memref<5x48xf32, #tpu.memory_space<hbm>>
      %dma_start3A_610 = arith.constant 0 : i32
      %dma_start3A_611 = arith.constant 0 : i32
      %dma_start3A_612 = tpu.memref_slice %arg9[%add3A_459, %dma_start3A_610, %dma_start3A_611] : memref<8x5x48xf32, #tpu.memory_space<hbm>> -> memref<1x5x48xf32, #tpu.memory_space<hbm>>
      %dma_start3A_613 = tpu.memref_squeeze %dma_start3A_612 : memref<1x5x48xf32, #tpu.memory_space<hbm>> -> memref<5x48xf32, #tpu.memory_space<hbm>>
      tpu.enqueue_dma source(%dma_start3A_613 : memref<5x48xf32, #tpu.memory_space<hbm>>) target(%arg22 : memref<5x48xf32, #tpu.memory_space<vmem>>) target_semaphore(%run_scoped3A : memref<!tpu.dma_semaphore, #tpu.memory_space<semaphore_mem>>)
      %dma_wait3A = arith.constant 0 : i32
      %dma_wait3A_614 = arith.constant 0 : i32
      %dma_wait3A_615 = tpu.memref_slice %arg9[%add3A_459, %dma_wait3A, %dma_wait3A_614] : memref<8x5x48xf32, #tpu.memory_space<hbm>> -> memref<1x5x48xf32, #tpu.memory_space<hbm>>
      %dma_wait3A_616 = tpu.memref_squeeze %dma_wait3A_615 : memref<1x5x48xf32, #tpu.memory_space<hbm>> -> memref<5x48xf32, #tpu.memory_space<hbm>>
      %dma_wait3A_617 = arith.constant 0 : i32
      %dma_wait3A_618 = arith.constant 0 : i32
      %dma_wait3A_619 = tpu.memref_slice %arg9[%add3A_459, %dma_wait3A_617, %dma_wait3A_618] : memref<8x5x48xf32, #tpu.memory_space<hbm>> -> memref<1x5x48xf32, #tpu.memory_space<hbm>>
      %dma_wait3A_620 = tpu.memref_squeeze %dma_wait3A_619 : memref<1x5x48xf32, #tpu.memory_space<hbm>> -> memref<5x48xf32, #tpu.memory_space<hbm>>
      tpu.wait_dma2 semaphore(%run_scoped3A : memref<!tpu.dma_semaphore, #tpu.memory_space<semaphore_mem>>) src(%dma_wait3A_620 : memref<5x48xf32, #tpu.memory_space<hbm>>) dst(%arg22 : memref<5x48xf32, #tpu.memory_space<vmem>>)
      tpu.yield
    }) : () -> ()
    "tpu.region"() ({
      %run_scoped3A = tpu.sem_alloc : memref<!tpu.dma_semaphore, #tpu.memory_space<semaphore_mem>>
      %dma_start3A = arith.constant 0 : i32
      %dma_start3A_607 = tpu.memref_slice %arg12[%mul3A_0, %dma_start3A] : memref<10000x64xf32, #tpu.memory_space<vmem_shared>> -> memref<625x64xf32, #tpu.memory_space<vmem_shared>>
      %dma_start3A_608 = arith.constant 0 : i32
      %dma_start3A_609 = tpu.memref_slice %arg12[%mul3A_0, %dma_start3A_608] : memref<10000x64xf32, #tpu.memory_space<vmem_shared>> -> memref<625x64xf32, #tpu.memory_space<vmem_shared>>
      tpu.enqueue_dma source(%arg13 : memref<625x64xf32, #tpu.memory_space<vmem>>) target(%dma_start3A_609 : memref<625x64xf32, #tpu.memory_space<vmem_shared>>) target_semaphore(%run_scoped3A : memref<!tpu.dma_semaphore, #tpu.memory_space<semaphore_mem>>)
      %dma_wait3A = arith.constant 0 : i32
      %dma_wait3A_610 = tpu.memref_slice %arg12[%mul3A_0, %dma_wait3A] : memref<10000x64xf32, #tpu.memory_space<vmem_shared>> -> memref<625x64xf32, #tpu.memory_space<vmem_shared>>
      %dma_wait3A_611 = arith.constant 0 : i32
      %dma_wait3A_612 = tpu.memref_slice %arg12[%mul3A_0, %dma_wait3A_611] : memref<10000x64xf32, #tpu.memory_space<vmem_shared>> -> memref<625x64xf32, #tpu.memory_space<vmem_shared>>
      tpu.wait_dma2 semaphore(%run_scoped3A : memref<!tpu.dma_semaphore, #tpu.memory_space<semaphore_mem>>) src(%arg13 : memref<625x64xf32, #tpu.memory_space<vmem>>) dst(%dma_wait3A_612 : memref<625x64xf32, #tpu.memory_space<vmem_shared>>)
      tpu.yield
    }) : () -> ()
    %barrier3A_460 = arith.constant 0 : index
    tpu.barrier barrier_id(%barrier3A_460)
    %get3A_461 = arith.constant 0 : i32
    %get3A_462 = arith.index_cast %get3A_461 : i32 to index
    %get3A_463 = arith.constant 0 : index
    %get3A_464 = tpu.vector_load %arg20[%get3A_462, %get3A_463] {strides = array<i32>} : memref<5x16xf32, #tpu.memory_space<vmem>>, vector<1x16xf32>,
    %get3A_465 = vector.shape_cast %get3A_464 : vector<1x16xf32> to vector<16xf32>
    %get3A_466 = arith.constant 1 : i32
    %get3A_467 = arith.index_cast %get3A_466 : i32 to index
    %get3A_468 = arith.constant 0 : index
    %get3A_469 = tpu.vector_load %arg20[%get3A_467, %get3A_468] {strides = array<i32>} : memref<5x16xf32, #tpu.memory_space<vmem>>, vector<1x16xf32>,
    %get3A_470 = vector.shape_cast %get3A_469 : vector<1x16xf32> to vector<16xf32>
    %get3A_471 = arith.constant 2 : i32
    %get3A_472 = arith.index_cast %get3A_471 : i32 to index
    %get3A_473 = arith.constant 0 : index
    %get3A_474 = tpu.vector_load %arg20[%get3A_472, %get3A_473] {strides = array<i32>} : memref<5x16xf32, #tpu.memory_space<vmem>>, vector<1x16xf32>,
    %get3A_475 = vector.shape_cast %get3A_474 : vector<1x16xf32> to vector<16xf32>
    %get3A_476 = arith.constant 3 : i32
    %get3A_477 = arith.index_cast %get3A_476 : i32 to index
    %get3A_478 = arith.constant 0 : index
    %get3A_479 = tpu.vector_load %arg20[%get3A_477, %get3A_478] {strides = array<i32>} : memref<5x16xf32, #tpu.memory_space<vmem>>, vector<1x16xf32>,
    %get3A_480 = vector.shape_cast %get3A_479 : vector<1x16xf32> to vector<16xf32>
    %get3A_481 = arith.constant 4 : i32
    %get3A_482 = arith.index_cast %get3A_481 : i32 to index
    %get3A_483 = arith.constant 0 : index
    %get3A_484 = tpu.vector_load %arg20[%get3A_482, %get3A_483] {strides = array<i32>} : memref<5x16xf32, #tpu.memory_space<vmem>>, vector<1x16xf32>,
    %get3A_485 = vector.shape_cast %get3A_484 : vector<1x16xf32> to vector<16xf32>
    %get3A_486 = arith.constant 0 : i32
    %get3A_487 = arith.index_cast %get3A_486 : i32 to index
    %get3A_488 = arith.constant 0 : index
    %get3A_489 = tpu.vector_load %arg21[%get3A_487, %get3A_488] {strides = array<i32>} : memref<5x16xf32, #tpu.memory_space<vmem>>, vector<1x16xf32>,
    %get3A_490 = vector.shape_cast %get3A_489 : vector<1x16xf32> to vector<16xf32>
    %get3A_491 = arith.constant 1 : i32
    %get3A_492 = arith.index_cast %get3A_491 : i32 to index
    %get3A_493 = arith.constant 0 : index
    %get3A_494 = tpu.vector_load %arg21[%get3A_492, %get3A_493] {strides = array<i32>} : memref<5x16xf32, #tpu.memory_space<vmem>>, vector<1x16xf32>,
    %get3A_495 = vector.shape_cast %get3A_494 : vector<1x16xf32> to vector<16xf32>
    %get3A_496 = arith.constant 2 : i32
    %get3A_497 = arith.index_cast %get3A_496 : i32 to index
    %get3A_498 = arith.constant 0 : index
    %get3A_499 = tpu.vector_load %arg21[%get3A_497, %get3A_498] {strides = array<i32>} : memref<5x16xf32, #tpu.memory_space<vmem>>, vector<1x16xf32>,
    %get3A_500 = vector.shape_cast %get3A_499 : vector<1x16xf32> to vector<16xf32>
    %get3A_501 = arith.constant 3 : i32
    %get3A_502 = arith.index_cast %get3A_501 : i32 to index
    %get3A_503 = arith.constant 0 : index
    %get3A_504 = tpu.vector_load %arg21[%get3A_502, %get3A_503] {strides = array<i32>} : memref<5x16xf32, #tpu.memory_space<vmem>>, vector<1x16xf32>,
    %get3A_505 = vector.shape_cast %get3A_504 : vector<1x16xf32> to vector<16xf32>
    %get3A_506 = arith.constant 4 : i32
    %get3A_507 = arith.index_cast %get3A_506 : i32 to index
    %get3A_508 = arith.constant 0 : index
    %get3A_509 = tpu.vector_load %arg21[%get3A_507, %get3A_508] {strides = array<i32>} : memref<5x16xf32, #tpu.memory_space<vmem>>, vector<1x16xf32>,
    %get3A_510 = vector.shape_cast %get3A_509 : vector<1x16xf32> to vector<16xf32>
    %scan3A_511 = arith.constant 0 : i32
    %scan3A_512 = arith.constant 0 : i32
    %scan3A_513 = arith.constant 125 : i32
    %scan3A_514 = arith.addi %scan3A_512, %scan3A_513 : i32
    %scan3A_515 = arith.constant 1 : i32
    scf.for %scan3A_607 = %scan3A_512 to %scan3A_514 step %scan3A_515  : i32 {
      %mul3A_608 = arith.constant 10000 : i32
      %mul3A_609 = arith.muli %arg1, %mul3A_608 : i32
      %mul3A_610 = arith.constant 80 : i32
      %mul3A_611 = arith.muli %scan3A_607, %mul3A_610 : i32
      %add3A_612 = arith.addi %mul3A_609, %mul3A_611 : i32
      "tpu.region"() ({
        %run_scoped3A = tpu.sem_alloc : memref<!tpu.dma_semaphore, #tpu.memory_space<semaphore_mem>>
        %dma_start3A_628 = tpu.memref_slice %arg5[%add3A_459, %add3A_612] : memref<8x160000xi32, #tpu.memory_space<hbm>> -> memref<1x80xi32, #tpu.memory_space<hbm>>
        %dma_start3A_629 = tpu.memref_squeeze %dma_start3A_628 : memref<1x80xi32, #tpu.memory_space<hbm>> -> memref<80xi32, #tpu.memory_space<hbm>>
        %dma_start3A_630 = tpu.memref_slice %arg5[%add3A_459, %add3A_612] : memref<8x160000xi32, #tpu.memory_space<hbm>> -> memref<1x80xi32, #tpu.memory_space<hbm>>
        %dma_start3A_631 = tpu.memref_squeeze %dma_start3A_630 : memref<1x80xi32, #tpu.memory_space<hbm>> -> memref<80xi32, #tpu.memory_space<hbm>>
        tpu.enqueue_dma source(%dma_start3A_631 : memref<80xi32, #tpu.memory_space<hbm>>) target(%arg15 : memref<80xi32, #tpu.memory_space<vmem>>) target_semaphore(%run_scoped3A : memref<!tpu.dma_semaphore, #tpu.memory_space<semaphore_mem>>)
        %dma_wait3A_632 = tpu.memref_slice %arg5[%add3A_459, %add3A_612] : memref<8x160000xi32, #tpu.memory_space<hbm>> -> memref<1x80xi32, #tpu.memory_space<hbm>>
        %dma_wait3A_633 = tpu.memref_squeeze %dma_wait3A_632 : memref<1x80xi32, #tpu.memory_space<hbm>> -> memref<80xi32, #tpu.memory_space<hbm>>
        %dma_wait3A_634 = tpu.memref_slice %arg5[%add3A_459, %add3A_612] : memref<8x160000xi32, #tpu.memory_space<hbm>> -> memref<1x80xi32, #tpu.memory_space<hbm>>
        %dma_wait3A_635 = tpu.memref_squeeze %dma_wait3A_634 : memref<1x80xi32, #tpu.memory_space<hbm>> -> memref<80xi32, #tpu.memory_space<hbm>>
        tpu.wait_dma2 semaphore(%run_scoped3A : memref<!tpu.dma_semaphore, #tpu.memory_space<semaphore_mem>>) src(%dma_wait3A_635 : memref<80xi32, #tpu.memory_space<hbm>>) dst(%arg15 : memref<80xi32, #tpu.memory_space<vmem>>)
        tpu.yield
      }) : () -> ()
      "tpu.region"() ({
        %run_scoped3A = tpu.sem_alloc : memref<!tpu.dma_semaphore, #tpu.memory_space<semaphore_mem>>
        %dma_start3A_628 = tpu.memref_slice %arg6[%add3A_612] : memref<160000xi32, #tpu.memory_space<hbm>> -> memref<80xi32, #tpu.memory_space<hbm>>
        %dma_start3A_629 = tpu.memref_slice %arg6[%add3A_612] : memref<160000xi32, #tpu.memory_space<hbm>> -> memref<80xi32, #tpu.memory_space<hbm>>
        tpu.enqueue_dma source(%dma_start3A_629 : memref<80xi32, #tpu.memory_space<hbm>>) target(%arg14 : memref<80xi32, #tpu.memory_space<vmem>>) target_semaphore(%run_scoped3A : memref<!tpu.dma_semaphore, #tpu.memory_space<semaphore_mem>>)
        %dma_wait3A_630 = tpu.memref_slice %arg6[%add3A_612] : memref<160000xi32, #tpu.memory_space<hbm>> -> memref<80xi32, #tpu.memory_space<hbm>>
        %dma_wait3A_631 = tpu.memref_slice %arg6[%add3A_612] : memref<160000xi32, #tpu.memory_space<hbm>> -> memref<80xi32, #tpu.memory_space<hbm>>
        tpu.wait_dma2 semaphore(%run_scoped3A : memref<!tpu.dma_semaphore, #tpu.memory_space<semaphore_mem>>) src(%dma_wait3A_631 : memref<80xi32, #tpu.memory_space<hbm>>) dst(%arg14 : memref<80xi32, #tpu.memory_space<vmem>>)
        tpu.yield
      }) : () -> ()
      %mul3A_613 = arith.constant 5000 : i32
      %mul3A_614 = arith.muli %arg1, %mul3A_613 : i32
      %mul3A_615 = arith.constant 40 : i32
      %mul3A_616 = arith.muli %scan3A_607, %mul3A_615 : i32
      %add3A_617 = arith.addi %mul3A_614, %mul3A_616 : i32
      "tpu.region"() ({
        %run_scoped3A = tpu.sem_alloc : memref<!tpu.dma_semaphore, #tpu.memory_space<semaphore_mem>>
        %dma_start3A_628 = arith.constant 0 : i32
        %dma_start3A_629 = tpu.memref_slice %arg4[%add3A_617, %dma_start3A_628] : memref<80000x16xf32, #tpu.memory_space<hbm>> -> memref<40x16xf32, #tpu.memory_space<hbm>>
        %dma_start3A_630 = arith.constant 0 : i32
        %dma_start3A_631 = tpu.memref_slice %arg4[%add3A_617, %dma_start3A_630] : memref<80000x16xf32, #tpu.memory_space<hbm>> -> memref<40x16xf32, #tpu.memory_space<hbm>>
        tpu.enqueue_dma source(%dma_start3A_631 : memref<40x16xf32, #tpu.memory_space<hbm>>) target(%arg16 : memref<40x16xf32, #tpu.memory_space<vmem>>) target_semaphore(%run_scoped3A : memref<!tpu.dma_semaphore, #tpu.memory_space<semaphore_mem>>)
        %dma_wait3A_632 = arith.constant 0 : i32
        %dma_wait3A_633 = tpu.memref_slice %arg4[%add3A_617, %dma_wait3A_632] : memref<80000x16xf32, #tpu.memory_space<hbm>> -> memref<40x16xf32, #tpu.memory_space<hbm>>
        %dma_wait3A_634 = arith.constant 0 : i32
        %dma_wait3A_635 = tpu.memref_slice %arg4[%add3A_617, %dma_wait3A_634] : memref<80000x16xf32, #tpu.memory_space<hbm>> -> memref<40x16xf32, #tpu.memory_space<hbm>>
        tpu.wait_dma2 semaphore(%run_scoped3A : memref<!tpu.dma_semaphore, #tpu.memory_space<semaphore_mem>>) src(%dma_wait3A_635 : memref<40x16xf32, #tpu.memory_space<hbm>>) dst(%arg16 : memref<40x16xf32, #tpu.memory_space<vmem>>)
        tpu.yield
      }) : () -> ()
      %dma_start3A = arith.constant 0 : i32
      %dma_start3A_618 = arith.constant 0 : i32
      %dma_start3A_619 = tpu.memref_slice %arg2[%dma_start3A, %dma_start3A_618] : memref<80000x16xf32, #tpu.memory_space<hbm>> -> memref<80000x16xf32, #tpu.memory_space<hbm>>
      tpu.enqueue_indirect_dma source(%dma_start3A_619 : memref<80000x16xf32, #tpu.memory_space<hbm>>) target(%arg17 : memref<80x16xf32, #tpu.memory_space<vmem>>) offsets(%arg15 : memref<80xi32, #tpu.memory_space<vmem>>) semaphore(%arg23 : memref<!tpu.dma_semaphore, #tpu.memory_space<semaphore_mem>>)
      %dma_wait3A = arith.constant 0 : i32
      %dma_wait3A_620 = arith.constant 0 : i32
      %dma_wait3A_621 = tpu.memref_slice %arg2[%dma_wait3A, %dma_wait3A_620] : memref<80000x16xf32, #tpu.memory_space<hbm>> -> memref<80000x16xf32, #tpu.memory_space<hbm>>
      tpu.wait_indirect_dma semaphore(%arg23 : memref<!tpu.dma_semaphore, #tpu.memory_space<semaphore_mem>>) src(%dma_wait3A_621 : memref<80000x16xf32, #tpu.memory_space<hbm>>) dst(%arg17 : memref<80x16xf32, #tpu.memory_space<vmem>>)
      %scan3A_622 = arith.constant 0 : i32
      %scan3A_623 = arith.constant 0 : i32
      %scan3A_624 = arith.constant 40 : i32
      %scan3A_625 = arith.addi %scan3A_623, %scan3A_624 : i32
      %scan3A_626 = arith.constant 2 : i32
      scf.for %scan3A_628 = %scan3A_623 to %scan3A_625 step %scan3A_626  : i32 {
        %get3A_629 = arith.index_cast %scan3A_628 : i32 to index
        %get3A_630 = arith.constant 0 : index
        %get3A_631 = tpu.vector_load %arg16[%get3A_629, %get3A_630] {strides = array<i32>} : memref<40x16xf32, #tpu.memory_space<vmem>>, vector<1x16xf32>,
        %get3A_632 = vector.shape_cast %get3A_631 : vector<1x16xf32> to vector<16xf32>
        %mul3A_633 = arith.constant 2 : i32
        %mul3A_634 = arith.muli %mul3A_633, %scan3A_628 : i32
        %add3A_635 = arith.constant 0 : i32
        %add3A_636 = arith.addi %mul3A_634, %add3A_635 : i32
        %slice3A = vector.extract_strided_slice %get3A_632 {offsets = [0], sizes = [1], strides = [1]} : vector<16xf32> to vector<1xf32>
        %squeeze3A = vector.extract %slice3A[0] : f32 from vector<1xf32>
        %slice3A_637 = vector.extract_strided_slice %get3A_632 {offsets = [1], sizes = [1], strides = [1]} : vector<16xf32> to vector<1xf32>
        %squeeze3A_638 = vector.extract %slice3A_637[0] : f32 from vector<1xf32>
        %slice3A_639 = vector.extract_strided_slice %get3A_632 {offsets = [2], sizes = [1], strides = [1]} : vector<16xf32> to vector<1xf32>
        %squeeze3A_640 = vector.extract %slice3A_639[0] : f32 from vector<1xf32>
        %slice3A_641 = vector.extract_strided_slice %get3A_632 {offsets = [3], sizes = [1], strides = [1]} : vector<16xf32> to vector<1xf32>
        %squeeze3A_642 = vector.extract %slice3A_641[0] : f32 from vector<1xf32>
        %slice3A_643 = vector.extract_strided_slice %get3A_632 {offsets = [4], sizes = [1], strides = [1]} : vector<16xf32> to vector<1xf32>
        %squeeze3A_644 = vector.extract %slice3A_643[0] : f32 from vector<1xf32>
        %mul3A_645 = vector.broadcast %squeeze3A : f32 to vector<16xf32>
        %mul3A_646 = arith.mulf %mul3A_645, %get3A_465 : vector<16xf32>
        %mul3A_647 = vector.broadcast %squeeze3A : f32 to vector<16xf32>
        %mul3A_648 = arith.mulf %mul3A_647, %get3A_490 : vector<16xf32>
        %mul3A_649 = vector.broadcast %squeeze3A_638 : f32 to vector<16xf32>
        %mul3A_650 = arith.mulf %mul3A_649, %get3A_470 : vector<16xf32>
        %add3A_651 = arith.addf %mul3A_646, %mul3A_650 : vector<16xf32>
        %mul3A_652 = vector.broadcast %squeeze3A_638 : f32 to vector<16xf32>
        %mul3A_653 = arith.mulf %mul3A_652, %get3A_495 : vector<16xf32>
        %add3A_654 = arith.addf %mul3A_648, %mul3A_653 : vector<16xf32>
        %mul3A_655 = vector.broadcast %squeeze3A_640 : f32 to vector<16xf32>
        %mul3A_656 = arith.mulf %mul3A_655, %get3A_475 : vector<16xf32>
        %add3A_657 = arith.addf %add3A_651, %mul3A_656 : vector<16xf32>
        %mul3A_658 = vector.broadcast %squeeze3A_640 : f32 to vector<16xf32>
        %mul3A_659 = arith.mulf %mul3A_658, %get3A_500 : vector<16xf32>
        %add3A_660 = arith.addf %add3A_654, %mul3A_659 : vector<16xf32>
        %mul3A_661 = vector.broadcast %squeeze3A_642 : f32 to vector<16xf32>
        %mul3A_662 = arith.mulf %mul3A_661, %get3A_480 : vector<16xf32>
        %add3A_663 = arith.addf %add3A_657, %mul3A_662 : vector<16xf32>
        %mul3A_664 = vector.broadcast %squeeze3A_642 : f32 to vector<16xf32>
        %mul3A_665 = arith.mulf %mul3A_664, %get3A_505 : vector<16xf32>
        %add3A_666 = arith.addf %add3A_660, %mul3A_665 : vector<16xf32>
        %mul3A_667 = vector.broadcast %squeeze3A_644 : f32 to vector<16xf32>
        %mul3A_668 = arith.mulf %mul3A_667, %get3A_485 : vector<16xf32>
        %add3A_669 = arith.addf %add3A_663, %mul3A_668 : vector<16xf32>
        %mul3A_670 = vector.broadcast %squeeze3A_644 : f32 to vector<16xf32>
        %mul3A_671 = arith.mulf %mul3A_670, %get3A_510 : vector<16xf32>
        %add3A_672 = arith.addf %add3A_666, %mul3A_671 : vector<16xf32>
        %get3A_673 = arith.index_cast %add3A_636 : i32 to index
        %get3A_674 = arith.constant 0 : index
        %get3A_675 = tpu.vector_load %arg17[%get3A_673, %get3A_674] {strides = array<i32>} : memref<80x16xf32, #tpu.memory_space<vmem>>, vector<1x16xf32>,
        %get3A_676 = vector.shape_cast %get3A_675 : vector<1x16xf32> to vector<16xf32>
        %mul3A_677 = arith.mulf %get3A_676, %add3A_669 : vector<16xf32>
        %swap3A = arith.index_cast %add3A_636 : i32 to index
        %swap3A_678 = arith.constant 0 : index
        %swap3A_679 = tpu.vector_load %arg19[%swap3A, %swap3A_678] {strides = array<i32>} : memref<80x64xf32, #tpu.memory_space<vmem>>, vector<1x16xf32>,
        %swap3A_680 = vector.shape_cast %swap3A_679 : vector<1x16xf32> to vector<16xf32>
        %swap3A_681 = vector.shape_cast %mul3A_677 : vector<16xf32> to vector<1x16xf32>
        tpu.vector_store %arg19[%swap3A, %swap3A_678], %swap3A_681 {strides = array<i32>} : memref<80x64xf32, #tpu.memory_space<vmem>>, vector<1x16xf32>,
        %mul3A_682 = arith.mulf %get3A_676, %add3A_672 : vector<16xf32>
        %slice3A_683 = vector.extract_strided_slice %get3A_632 {offsets = [5], sizes = [1], strides = [1]} : vector<16xf32> to vector<1xf32>
        %squeeze3A_684 = vector.extract %slice3A_683[0] : f32 from vector<1xf32>
        %mul3A_685 = vector.broadcast %squeeze3A_684 : f32 to vector<16xf32>
        %mul3A_686 = arith.mulf %mul3A_682, %mul3A_685 : vector<16xf32>
        %swap3A_687 = arith.index_cast %add3A_636 : i32 to index
        %swap3A_688 = arith.constant 16 : index
        %swap3A_689 = tpu.vector_load %arg19[%swap3A_687, %swap3A_688] {strides = array<i32>} : memref<80x64xf32, #tpu.memory_space<vmem>>, vector<1x16xf32>,
        %swap3A_690 = vector.shape_cast %swap3A_689 : vector<1x16xf32> to vector<16xf32>
        %swap3A_691 = vector.shape_cast %mul3A_686 : vector<16xf32> to vector<1x16xf32>
        tpu.vector_store %arg19[%swap3A_687, %swap3A_688], %swap3A_691 {strides = array<i32>} : memref<80x64xf32, #tpu.memory_space<vmem>>, vector<1x16xf32>,
        %slice3A_692 = vector.extract_strided_slice %get3A_632 {offsets = [6], sizes = [1], strides = [1]} : vector<16xf32> to vector<1xf32>
        %squeeze3A_693 = vector.extract %slice3A_692[0] : f32 from vector<1xf32>
        %mul3A_694 = vector.broadcast %squeeze3A_693 : f32 to vector<16xf32>
        %mul3A_695 = arith.mulf %mul3A_682, %mul3A_694 : vector<16xf32>
        %swap3A_696 = arith.index_cast %add3A_636 : i32 to index
        %swap3A_697 = arith.constant 32 : index
        %swap3A_698 = tpu.vector_load %arg19[%swap3A_696, %swap3A_697] {strides = array<i32>} : memref<80x64xf32, #tpu.memory_space<vmem>>, vector<1x16xf32>,
        %swap3A_699 = vector.shape_cast %swap3A_698 : vector<1x16xf32> to vector<16xf32>
        %swap3A_700 = vector.shape_cast %mul3A_695 : vector<16xf32> to vector<1x16xf32>
        tpu.vector_store %arg19[%swap3A_696, %swap3A_697], %swap3A_700 {strides = array<i32>} : memref<80x64xf32, #tpu.memory_space<vmem>>, vector<1x16xf32>,
        %slice3A_701 = vector.extract_strided_slice %get3A_632 {offsets = [7], sizes = [1], strides = [1]} : vector<16xf32> to vector<1xf32>
        %squeeze3A_702 = vector.extract %slice3A_701[0] : f32 from vector<1xf32>
        %mul3A_703 = vector.broadcast %squeeze3A_702 : f32 to vector<16xf32>
        %mul3A_704 = arith.mulf %mul3A_682, %mul3A_703 : vector<16xf32>
        %swap3A_705 = arith.index_cast %add3A_636 : i32 to index
        %swap3A_706 = arith.constant 48 : index
        %swap3A_707 = tpu.vector_load %arg19[%swap3A_705, %swap3A_706] {strides = array<i32>} : memref<80x64xf32, #tpu.memory_space<vmem>>, vector<1x16xf32>,
        %swap3A_708 = vector.shape_cast %swap3A_707 : vector<1x16xf32> to vector<16xf32>
        %swap3A_709 = vector.shape_cast %mul3A_704 : vector<16xf32> to vector<1x16xf32>
        tpu.vector_store %arg19[%swap3A_705, %swap3A_706], %swap3A_709 {strides = array<i32>} : memref<80x64xf32, #tpu.memory_space<vmem>>, vector<1x16xf32>,
        %mul3A_710 = arith.constant 2 : i32
        %mul3A_711 = arith.muli %mul3A_710, %scan3A_628 : i32
        %add3A_712 = arith.constant 1 : i32
        %add3A_713 = arith.addi %mul3A_711, %add3A_712 : i32
        %slice3A_714 = vector.extract_strided_slice %get3A_632 {offsets = [8], sizes = [1], strides = [1]} : vector<16xf32> to vector<1xf32>
        %squeeze3A_715 = vector.extract %slice3A_714[0] : f32 from vector<1xf32>
        %slice3A_716 = vector.extract_strided_slice %get3A_632 {offsets = [9], sizes = [1], strides = [1]} : vector<16xf32> to vector<1xf32>
        %squeeze3A_717 = vector.extract %slice3A_716[0] : f32 from vector<1xf32>
        %slice3A_718 = vector.extract_strided_slice %get3A_632 {offsets = [10], sizes = [1], strides = [1]} : vector<16xf32> to vector<1xf32>
        %squeeze3A_719 = vector.extract %slice3A_718[0] : f32 from vector<1xf32>
        %slice3A_720 = vector.extract_strided_slice %get3A_632 {offsets = [11], sizes = [1], strides = [1]} : vector<16xf32> to vector<1xf32>
        %squeeze3A_721 = vector.extract %slice3A_720[0] : f32 from vector<1xf32>
        %slice3A_722 = vector.extract_strided_slice %get3A_632 {offsets = [12], sizes = [1], strides = [1]} : vector<16xf32> to vector<1xf32>
        %squeeze3A_723 = vector.extract %slice3A_722[0] : f32 from vector<1xf32>
        %mul3A_724 = vector.broadcast %squeeze3A_715 : f32 to vector<16xf32>
        %mul3A_725 = arith.mulf %mul3A_724, %get3A_465 : vector<16xf32>
        %mul3A_726 = vector.broadcast %squeeze3A_715 : f32 to vector<16xf32>
        %mul3A_727 = arith.mulf %mul3A_726, %get3A_490 : vector<16xf32>
        %mul3A_728 = vector.broadcast %squeeze3A_717 : f32 to vector<16xf32>
        %mul3A_729 = arith.mulf %mul3A_728, %get3A_470 : vector<16xf32>
        %add3A_730 = arith.addf %mul3A_725, %mul3A_729 : vector<16xf32>
        %mul3A_731 = vector.broadcast %squeeze3A_717 : f32 to vector<16xf32>
        %mul3A_732 = arith.mulf %mul3A_731, %get3A_495 : vector<16xf32>
        %add3A_733 = arith.addf %mul3A_727, %mul3A_732 : vector<16xf32>
        %mul3A_734 = vector.broadcast %squeeze3A_719 : f32 to vector<16xf32>
        %mul3A_735 = arith.mulf %mul3A_734, %get3A_475 : vector<16xf32>
        %add3A_736 = arith.addf %add3A_730, %mul3A_735 : vector<16xf32>
        %mul3A_737 = vector.broadcast %squeeze3A_719 : f32 to vector<16xf32>
        %mul3A_738 = arith.mulf %mul3A_737, %get3A_500 : vector<16xf32>
        %add3A_739 = arith.addf %add3A_733, %mul3A_738 : vector<16xf32>
        %mul3A_740 = vector.broadcast %squeeze3A_721 : f32 to vector<16xf32>
        %mul3A_741 = arith.mulf %mul3A_740, %get3A_480 : vector<16xf32>
        %add3A_742 = arith.addf %add3A_736, %mul3A_741 : vector<16xf32>
        %mul3A_743 = vector.broadcast %squeeze3A_721 : f32 to vector<16xf32>
        %mul3A_744 = arith.mulf %mul3A_743, %get3A_505 : vector<16xf32>
        %add3A_745 = arith.addf %add3A_739, %mul3A_744 : vector<16xf32>
        %mul3A_746 = vector.broadcast %squeeze3A_723 : f32 to vector<16xf32>
        %mul3A_747 = arith.mulf %mul3A_746, %get3A_485 : vector<16xf32>
        %add3A_748 = arith.addf %add3A_742, %mul3A_747 : vector<16xf32>
        %mul3A_749 = vector.broadcast %squeeze3A_723 : f32 to vector<16xf32>
        %mul3A_750 = arith.mulf %mul3A_749, %get3A_510 : vector<16xf32>
        %add3A_751 = arith.addf %add3A_745, %mul3A_750 : vector<16xf32>
        %get3A_752 = arith.index_cast %add3A_713 : i32 to index
        %get3A_753 = arith.constant 0 : index
        %get3A_754 = tpu.vector_load %arg17[%get3A_752, %get3A_753] {strides = array<i32>} : memref<80x16xf32, #tpu.memory_space<vmem>>, vector<1x16xf32>,
        %get3A_755 = vector.shape_cast %get3A_754 : vector<1x16xf32> to vector<16xf32>
        %mul3A_756 = arith.mulf %get3A_755, %add3A_748 : vector<16xf32>
        %swap3A_757 = arith.index_cast %add3A_713 : i32 to index
        %swap3A_758 = arith.constant 0 : index
        %swap3A_759 = tpu.vector_load %arg19[%swap3A_757, %swap3A_758] {strides = array<i32>} : memref<80x64xf32, #tpu.memory_space<vmem>>, vector<1x16xf32>,
        %swap3A_760 = vector.shape_cast %swap3A_759 : vector<1x16xf32> to vector<16xf32>
        %swap3A_761 = vector.shape_cast %mul3A_756 : vector<16xf32> to vector<1x16xf32>
        tpu.vector_store %arg19[%swap3A_757, %swap3A_758], %swap3A_761 {strides = array<i32>} : memref<80x64xf32, #tpu.memory_space<vmem>>, vector<1x16xf32>,
        %mul3A_762 = arith.mulf %get3A_755, %add3A_751 : vector<16xf32>
        %slice3A_763 = vector.extract_strided_slice %get3A_632 {offsets = [13], sizes = [1], strides = [1]} : vector<16xf32> to vector<1xf32>
        %squeeze3A_764 = vector.extract %slice3A_763[0] : f32 from vector<1xf32>
        %mul3A_765 = vector.broadcast %squeeze3A_764 : f32 to vector<16xf32>
        %mul3A_766 = arith.mulf %mul3A_762, %mul3A_765 : vector<16xf32>
        %swap3A_767 = arith.index_cast %add3A_713 : i32 to index
        %swap3A_768 = arith.constant 16 : index
        %swap3A_769 = tpu.vector_load %arg19[%swap3A_767, %swap3A_768] {strides = array<i32>} : memref<80x64xf32, #tpu.memory_space<vmem>>, vector<1x16xf32>,
        %swap3A_770 = vector.shape_cast %swap3A_769 : vector<1x16xf32> to vector<16xf32>
        %swap3A_771 = vector.shape_cast %mul3A_766 : vector<16xf32> to vector<1x16xf32>
        tpu.vector_store %arg19[%swap3A_767, %swap3A_768], %swap3A_771 {strides = array<i32>} : memref<80x64xf32, #tpu.memory_space<vmem>>, vector<1x16xf32>,
        %slice3A_772 = vector.extract_strided_slice %get3A_632 {offsets = [14], sizes = [1], strides = [1]} : vector<16xf32> to vector<1xf32>
        %squeeze3A_773 = vector.extract %slice3A_772[0] : f32 from vector<1xf32>
        %mul3A_774 = vector.broadcast %squeeze3A_773 : f32 to vector<16xf32>
        %mul3A_775 = arith.mulf %mul3A_762, %mul3A_774 : vector<16xf32>
        %swap3A_776 = arith.index_cast %add3A_713 : i32 to index
        %swap3A_777 = arith.constant 32 : index
        %swap3A_778 = tpu.vector_load %arg19[%swap3A_776, %swap3A_777] {strides = array<i32>} : memref<80x64xf32, #tpu.memory_space<vmem>>, vector<1x16xf32>,
        %swap3A_779 = vector.shape_cast %swap3A_778 : vector<1x16xf32> to vector<16xf32>
        %swap3A_780 = vector.shape_cast %mul3A_775 : vector<16xf32> to vector<1x16xf32>
        tpu.vector_store %arg19[%swap3A_776, %swap3A_777], %swap3A_780 {strides = array<i32>} : memref<80x64xf32, #tpu.memory_space<vmem>>, vector<1x16xf32>,
        %slice3A_781 = vector.extract_strided_slice %get3A_632 {offsets = [15], sizes = [1], strides = [1]} : vector<16xf32> to vector<1xf32>
        %squeeze3A_782 = vector.extract %slice3A_781[0] : f32 from vector<1xf32>
        %mul3A_783 = vector.broadcast %squeeze3A_782 : f32 to vector<16xf32>
        %mul3A_784 = arith.mulf %mul3A_762, %mul3A_783 : vector<16xf32>
        %swap3A_785 = arith.index_cast %add3A_713 : i32 to index
        %swap3A_786 = arith.constant 48 : index
        %swap3A_787 = tpu.vector_load %arg19[%swap3A_785, %swap3A_786] {strides = array<i32>} : memref<80x64xf32, #tpu.memory_space<vmem>>, vector<1x16xf32>,
        %swap3A_788 = vector.shape_cast %swap3A_787 : vector<1x16xf32> to vector<16xf32>
        %swap3A_789 = vector.shape_cast %mul3A_784 : vector<16xf32> to vector<1x16xf32>
        tpu.vector_store %arg19[%swap3A_785, %swap3A_786], %swap3A_789 {strides = array<i32>} : memref<80x64xf32, #tpu.memory_space<vmem>>, vector<1x16xf32>,
        %scan3A_790 = arith.constant 1 : i32
        %scan3A_791 = arith.addi %scan3A_628, %scan3A_790 : i32
        %get3A_792 = arith.index_cast %scan3A_791 : i32 to index
        %get3A_793 = arith.constant 0 : index
        %get3A_794 = tpu.vector_load %arg16[%get3A_792, %get3A_793] {strides = array<i32>} : memref<40x16xf32, #tpu.memory_space<vmem>>, vector<1x16xf32>,
        %get3A_795 = vector.shape_cast %get3A_794 : vector<1x16xf32> to vector<16xf32>
        %mul3A_796 = arith.constant 2 : i32
        %mul3A_797 = arith.muli %mul3A_796, %scan3A_791 : i32
        %add3A_798 = arith.constant 0 : i32
        %add3A_799 = arith.addi %mul3A_797, %add3A_798 : i32
        %slice3A_800 = vector.extract_strided_slice %get3A_795 {offsets = [0], sizes = [1], strides = [1]} : vector<16xf32> to vector<1xf32>
        %squeeze3A_801 = vector.extract %slice3A_800[0] : f32 from vector<1xf32>
        %slice3A_802 = vector.extract_strided_slice %get3A_795 {offsets = [1], sizes = [1], strides = [1]} : vector<16xf32> to vector<1xf32>
        %squeeze3A_803 = vector.extract %slice3A_802[0] : f32 from vector<1xf32>
        %slice3A_804 = vector.extract_strided_slice %get3A_795 {offsets = [2], sizes = [1], strides = [1]} : vector<16xf32> to vector<1xf32>
        %squeeze3A_805 = vector.extract %slice3A_804[0] : f32 from vector<1xf32>
        %slice3A_806 = vector.extract_strided_slice %get3A_795 {offsets = [3], sizes = [1], strides = [1]} : vector<16xf32> to vector<1xf32>
        %squeeze3A_807 = vector.extract %slice3A_806[0] : f32 from vector<1xf32>
        %slice3A_808 = vector.extract_strided_slice %get3A_795 {offsets = [4], sizes = [1], strides = [1]} : vector<16xf32> to vector<1xf32>
        %squeeze3A_809 = vector.extract %slice3A_808[0] : f32 from vector<1xf32>
        %mul3A_810 = vector.broadcast %squeeze3A_801 : f32 to vector<16xf32>
        %mul3A_811 = arith.mulf %mul3A_810, %get3A_465 : vector<16xf32>
        %mul3A_812 = vector.broadcast %squeeze3A_801 : f32 to vector<16xf32>
        %mul3A_813 = arith.mulf %mul3A_812, %get3A_490 : vector<16xf32>
        %mul3A_814 = vector.broadcast %squeeze3A_803 : f32 to vector<16xf32>
        %mul3A_815 = arith.mulf %mul3A_814, %get3A_470 : vector<16xf32>
        %add3A_816 = arith.addf %mul3A_811, %mul3A_815 : vector<16xf32>
        %mul3A_817 = vector.broadcast %squeeze3A_803 : f32 to vector<16xf32>
        %mul3A_818 = arith.mulf %mul3A_817, %get3A_495 : vector<16xf32>
        %add3A_819 = arith.addf %mul3A_813, %mul3A_818 : vector<16xf32>
        %mul3A_820 = vector.broadcast %squeeze3A_805 : f32 to vector<16xf32>
        %mul3A_821 = arith.mulf %mul3A_820, %get3A_475 : vector<16xf32>
        %add3A_822 = arith.addf %add3A_816, %mul3A_821 : vector<16xf32>
        %mul3A_823 = vector.broadcast %squeeze3A_805 : f32 to vector<16xf32>
        %mul3A_824 = arith.mulf %mul3A_823, %get3A_500 : vector<16xf32>
        %add3A_825 = arith.addf %add3A_819, %mul3A_824 : vector<16xf32>
        %mul3A_826 = vector.broadcast %squeeze3A_807 : f32 to vector<16xf32>
        %mul3A_827 = arith.mulf %mul3A_826, %get3A_480 : vector<16xf32>
        %add3A_828 = arith.addf %add3A_822, %mul3A_827 : vector<16xf32>
        %mul3A_829 = vector.broadcast %squeeze3A_807 : f32 to vector<16xf32>
        %mul3A_830 = arith.mulf %mul3A_829, %get3A_505 : vector<16xf32>
        %add3A_831 = arith.addf %add3A_825, %mul3A_830 : vector<16xf32>
        %mul3A_832 = vector.broadcast %squeeze3A_809 : f32 to vector<16xf32>
        %mul3A_833 = arith.mulf %mul3A_832, %get3A_485 : vector<16xf32>
        %add3A_834 = arith.addf %add3A_828, %mul3A_833 : vector<16xf32>
        %mul3A_835 = vector.broadcast %squeeze3A_809 : f32 to vector<16xf32>
        %mul3A_836 = arith.mulf %mul3A_835, %get3A_510 : vector<16xf32>
        %add3A_837 = arith.addf %add3A_831, %mul3A_836 : vector<16xf32>
        %get3A_838 = arith.index_cast %add3A_799 : i32 to index
        %get3A_839 = arith.constant 0 : index
        %get3A_840 = tpu.vector_load %arg17[%get3A_838, %get3A_839] {strides = array<i32>} : memref<80x16xf32, #tpu.memory_space<vmem>>, vector<1x16xf32>,
        %get3A_841 = vector.shape_cast %get3A_840 : vector<1x16xf32> to vector<16xf32>
        %mul3A_842 = arith.mulf %get3A_841, %add3A_834 : vector<16xf32>
        %swap3A_843 = arith.index_cast %add3A_799 : i32 to index
        %swap3A_844 = arith.constant 0 : index
        %swap3A_845 = tpu.vector_load %arg19[%swap3A_843, %swap3A_844] {strides = array<i32>} : memref<80x64xf32, #tpu.memory_space<vmem>>, vector<1x16xf32>,
        %swap3A_846 = vector.shape_cast %swap3A_845 : vector<1x16xf32> to vector<16xf32>
        %swap3A_847 = vector.shape_cast %mul3A_842 : vector<16xf32> to vector<1x16xf32>
        tpu.vector_store %arg19[%swap3A_843, %swap3A_844], %swap3A_847 {strides = array<i32>} : memref<80x64xf32, #tpu.memory_space<vmem>>, vector<1x16xf32>,
        %mul3A_848 = arith.mulf %get3A_841, %add3A_837 : vector<16xf32>
        %slice3A_849 = vector.extract_strided_slice %get3A_795 {offsets = [5], sizes = [1], strides = [1]} : vector<16xf32> to vector<1xf32>
        %squeeze3A_850 = vector.extract %slice3A_849[0] : f32 from vector<1xf32>
        %mul3A_851 = vector.broadcast %squeeze3A_850 : f32 to vector<16xf32>
        %mul3A_852 = arith.mulf %mul3A_848, %mul3A_851 : vector<16xf32>
        %swap3A_853 = arith.index_cast %add3A_799 : i32 to index
        %swap3A_854 = arith.constant 16 : index
        %swap3A_855 = tpu.vector_load %arg19[%swap3A_853, %swap3A_854] {strides = array<i32>} : memref<80x64xf32, #tpu.memory_space<vmem>>, vector<1x16xf32>,
        %swap3A_856 = vector.shape_cast %swap3A_855 : vector<1x16xf32> to vector<16xf32>
        %swap3A_857 = vector.shape_cast %mul3A_852 : vector<16xf32> to vector<1x16xf32>
        tpu.vector_store %arg19[%swap3A_853, %swap3A_854], %swap3A_857 {strides = array<i32>} : memref<80x64xf32, #tpu.memory_space<vmem>>, vector<1x16xf32>,
        %slice3A_858 = vector.extract_strided_slice %get3A_795 {offsets = [6], sizes = [1], strides = [1]} : vector<16xf32> to vector<1xf32>
        %squeeze3A_859 = vector.extract %slice3A_858[0] : f32 from vector<1xf32>
        %mul3A_860 = vector.broadcast %squeeze3A_859 : f32 to vector<16xf32>
        %mul3A_861 = arith.mulf %mul3A_848, %mul3A_860 : vector<16xf32>
        %swap3A_862 = arith.index_cast %add3A_799 : i32 to index
        %swap3A_863 = arith.constant 32 : index
        %swap3A_864 = tpu.vector_load %arg19[%swap3A_862, %swap3A_863] {strides = array<i32>} : memref<80x64xf32, #tpu.memory_space<vmem>>, vector<1x16xf32>,
        %swap3A_865 = vector.shape_cast %swap3A_864 : vector<1x16xf32> to vector<16xf32>
        %swap3A_866 = vector.shape_cast %mul3A_861 : vector<16xf32> to vector<1x16xf32>
        tpu.vector_store %arg19[%swap3A_862, %swap3A_863], %swap3A_866 {strides = array<i32>} : memref<80x64xf32, #tpu.memory_space<vmem>>, vector<1x16xf32>,
        %slice3A_867 = vector.extract_strided_slice %get3A_795 {offsets = [7], sizes = [1], strides = [1]} : vector<16xf32> to vector<1xf32>
        %squeeze3A_868 = vector.extract %slice3A_867[0] : f32 from vector<1xf32>
        %mul3A_869 = vector.broadcast %squeeze3A_868 : f32 to vector<16xf32>
        %mul3A_870 = arith.mulf %mul3A_848, %mul3A_869 : vector<16xf32>
        %swap3A_871 = arith.index_cast %add3A_799 : i32 to index
        %swap3A_872 = arith.constant 48 : index
        %swap3A_873 = tpu.vector_load %arg19[%swap3A_871, %swap3A_872] {strides = array<i32>} : memref<80x64xf32, #tpu.memory_space<vmem>>, vector<1x16xf32>,
        %swap3A_874 = vector.shape_cast %swap3A_873 : vector<1x16xf32> to vector<16xf32>
        %swap3A_875 = vector.shape_cast %mul3A_870 : vector<16xf32> to vector<1x16xf32>
        tpu.vector_store %arg19[%swap3A_871, %swap3A_872], %swap3A_875 {strides = array<i32>} : memref<80x64xf32, #tpu.memory_space<vmem>>, vector<1x16xf32>,
        %mul3A_876 = arith.constant 2 : i32
        %mul3A_877 = arith.muli %mul3A_876, %scan3A_791 : i32
        %add3A_878 = arith.constant 1 : i32
        %add3A_879 = arith.addi %mul3A_877, %add3A_878 : i32
        %slice3A_880 = vector.extract_strided_slice %get3A_795 {offsets = [8], sizes = [1], strides = [1]} : vector<16xf32> to vector<1xf32>
        %squeeze3A_881 = vector.extract %slice3A_880[0] : f32 from vector<1xf32>
        %slice3A_882 = vector.extract_strided_slice %get3A_795 {offsets = [9], sizes = [1], strides = [1]} : vector<16xf32> to vector<1xf32>
        %squeeze3A_883 = vector.extract %slice3A_882[0] : f32 from vector<1xf32>
        %slice3A_884 = vector.extract_strided_slice %get3A_795 {offsets = [10], sizes = [1], strides = [1]} : vector<16xf32> to vector<1xf32>
        %squeeze3A_885 = vector.extract %slice3A_884[0] : f32 from vector<1xf32>
        %slice3A_886 = vector.extract_strided_slice %get3A_795 {offsets = [11], sizes = [1], strides = [1]} : vector<16xf32> to vector<1xf32>
        %squeeze3A_887 = vector.extract %slice3A_886[0] : f32 from vector<1xf32>
        %slice3A_888 = vector.extract_strided_slice %get3A_795 {offsets = [12], sizes = [1], strides = [1]} : vector<16xf32> to vector<1xf32>
        %squeeze3A_889 = vector.extract %slice3A_888[0] : f32 from vector<1xf32>
        %mul3A_890 = vector.broadcast %squeeze3A_881 : f32 to vector<16xf32>
        %mul3A_891 = arith.mulf %mul3A_890, %get3A_465 : vector<16xf32>
        %mul3A_892 = vector.broadcast %squeeze3A_881 : f32 to vector<16xf32>
        %mul3A_893 = arith.mulf %mul3A_892, %get3A_490 : vector<16xf32>
        %mul3A_894 = vector.broadcast %squeeze3A_883 : f32 to vector<16xf32>
        %mul3A_895 = arith.mulf %mul3A_894, %get3A_470 : vector<16xf32>
        %add3A_896 = arith.addf %mul3A_891, %mul3A_895 : vector<16xf32>
        %mul3A_897 = vector.broadcast %squeeze3A_883 : f32 to vector<16xf32>
        %mul3A_898 = arith.mulf %mul3A_897, %get3A_495 : vector<16xf32>
        %add3A_899 = arith.addf %mul3A_893, %mul3A_898 : vector<16xf32>
        %mul3A_900 = vector.broadcast %squeeze3A_885 : f32 to vector<16xf32>
        %mul3A_901 = arith.mulf %mul3A_900, %get3A_475 : vector<16xf32>
        %add3A_902 = arith.addf %add3A_896, %mul3A_901 : vector<16xf32>
        %mul3A_903 = vector.broadcast %squeeze3A_885 : f32 to vector<16xf32>
        %mul3A_904 = arith.mulf %mul3A_903, %get3A_500 : vector<16xf32>
        %add3A_905 = arith.addf %add3A_899, %mul3A_904 : vector<16xf32>
        %mul3A_906 = vector.broadcast %squeeze3A_887 : f32 to vector<16xf32>
        %mul3A_907 = arith.mulf %mul3A_906, %get3A_480 : vector<16xf32>
        %add3A_908 = arith.addf %add3A_902, %mul3A_907 : vector<16xf32>
        %mul3A_909 = vector.broadcast %squeeze3A_887 : f32 to vector<16xf32>
        %mul3A_910 = arith.mulf %mul3A_909, %get3A_505 : vector<16xf32>
        %add3A_911 = arith.addf %add3A_905, %mul3A_910 : vector<16xf32>
        %mul3A_912 = vector.broadcast %squeeze3A_889 : f32 to vector<16xf32>
        %mul3A_913 = arith.mulf %mul3A_912, %get3A_485 : vector<16xf32>
        %add3A_914 = arith.addf %add3A_908, %mul3A_913 : vector<16xf32>
        %mul3A_915 = vector.broadcast %squeeze3A_889 : f32 to vector<16xf32>
        %mul3A_916 = arith.mulf %mul3A_915, %get3A_510 : vector<16xf32>
        %add3A_917 = arith.addf %add3A_911, %mul3A_916 : vector<16xf32>
        %get3A_918 = arith.index_cast %add3A_879 : i32 to index
        %get3A_919 = arith.constant 0 : index
        %get3A_920 = tpu.vector_load %arg17[%get3A_918, %get3A_919] {strides = array<i32>} : memref<80x16xf32, #tpu.memory_space<vmem>>, vector<1x16xf32>,
        %get3A_921 = vector.shape_cast %get3A_920 : vector<1x16xf32> to vector<16xf32>
        %mul3A_922 = arith.mulf %get3A_921, %add3A_914 : vector<16xf32>
        %swap3A_923 = arith.index_cast %add3A_879 : i32 to index
        %swap3A_924 = arith.constant 0 : index
        %swap3A_925 = tpu.vector_load %arg19[%swap3A_923, %swap3A_924] {strides = array<i32>} : memref<80x64xf32, #tpu.memory_space<vmem>>, vector<1x16xf32>,
        %swap3A_926 = vector.shape_cast %swap3A_925 : vector<1x16xf32> to vector<16xf32>
        %swap3A_927 = vector.shape_cast %mul3A_922 : vector<16xf32> to vector<1x16xf32>
        tpu.vector_store %arg19[%swap3A_923, %swap3A_924], %swap3A_927 {strides = array<i32>} : memref<80x64xf32, #tpu.memory_space<vmem>>, vector<1x16xf32>,
        %mul3A_928 = arith.mulf %get3A_921, %add3A_917 : vector<16xf32>
        %slice3A_929 = vector.extract_strided_slice %get3A_795 {offsets = [13], sizes = [1], strides = [1]} : vector<16xf32> to vector<1xf32>
        %squeeze3A_930 = vector.extract %slice3A_929[0] : f32 from vector<1xf32>
        %mul3A_931 = vector.broadcast %squeeze3A_930 : f32 to vector<16xf32>
        %mul3A_932 = arith.mulf %mul3A_928, %mul3A_931 : vector<16xf32>
        %swap3A_933 = arith.index_cast %add3A_879 : i32 to index
        %swap3A_934 = arith.constant 16 : index
        %swap3A_935 = tpu.vector_load %arg19[%swap3A_933, %swap3A_934] {strides = array<i32>} : memref<80x64xf32, #tpu.memory_space<vmem>>, vector<1x16xf32>,
        %swap3A_936 = vector.shape_cast %swap3A_935 : vector<1x16xf32> to vector<16xf32>
        %swap3A_937 = vector.shape_cast %mul3A_932 : vector<16xf32> to vector<1x16xf32>
        tpu.vector_store %arg19[%swap3A_933, %swap3A_934], %swap3A_937 {strides = array<i32>} : memref<80x64xf32, #tpu.memory_space<vmem>>, vector<1x16xf32>,
        %slice3A_938 = vector.extract_strided_slice %get3A_795 {offsets = [14], sizes = [1], strides = [1]} : vector<16xf32> to vector<1xf32>
        %squeeze3A_939 = vector.extract %slice3A_938[0] : f32 from vector<1xf32>
        %mul3A_940 = vector.broadcast %squeeze3A_939 : f32 to vector<16xf32>
        %mul3A_941 = arith.mulf %mul3A_928, %mul3A_940 : vector<16xf32>
        %swap3A_942 = arith.index_cast %add3A_879 : i32 to index
        %swap3A_943 = arith.constant 32 : index
        %swap3A_944 = tpu.vector_load %arg19[%swap3A_942, %swap3A_943] {strides = array<i32>} : memref<80x64xf32, #tpu.memory_space<vmem>>, vector<1x16xf32>,
        %swap3A_945 = vector.shape_cast %swap3A_944 : vector<1x16xf32> to vector<16xf32>
        %swap3A_946 = vector.shape_cast %mul3A_941 : vector<16xf32> to vector<1x16xf32>
        tpu.vector_store %arg19[%swap3A_942, %swap3A_943], %swap3A_946 {strides = array<i32>} : memref<80x64xf32, #tpu.memory_space<vmem>>, vector<1x16xf32>,
        %slice3A_947 = vector.extract_strided_slice %get3A_795 {offsets = [15], sizes = [1], strides = [1]} : vector<16xf32> to vector<1xf32>
        %squeeze3A_948 = vector.extract %slice3A_947[0] : f32 from vector<1xf32>
        %mul3A_949 = vector.broadcast %squeeze3A_948 : f32 to vector<16xf32>
        %mul3A_950 = arith.mulf %mul3A_928, %mul3A_949 : vector<16xf32>
        %swap3A_951 = arith.index_cast %add3A_879 : i32 to index
        %swap3A_952 = arith.constant 48 : index
        %swap3A_953 = tpu.vector_load %arg19[%swap3A_951, %swap3A_952] {strides = array<i32>} : memref<80x64xf32, #tpu.memory_space<vmem>>, vector<1x16xf32>,
        %swap3A_954 = vector.shape_cast %swap3A_953 : vector<1x16xf32> to vector<16xf32>
        %swap3A_955 = vector.shape_cast %mul3A_950 : vector<16xf32> to vector<1x16xf32>
        tpu.vector_store %arg19[%swap3A_951, %swap3A_952], %swap3A_955 {strides = array<i32>} : memref<80x64xf32, #tpu.memory_space<vmem>>, vector<1x16xf32>,
      }
      %scan3A_627 = arith.constant 40 : i32
      "tpu.region"() ({
        %run_scoped3A = tpu.sem_alloc : memref<!tpu.dma_semaphore, #tpu.memory_space<semaphore_mem>>
        %dma_start3A_628 = arith.constant 0 : i32
        %dma_start3A_629 = arith.constant 0 : i32
        %dma_start3A_630 = tpu.memref_slice %arg12[%dma_start3A_628, %dma_start3A_629] : memref<10000x64xf32, #tpu.memory_space<vmem_shared>> -> memref<10000x64xf32, #tpu.memory_space<vmem_shared>>
        tpu.enqueue_indirect_dma source(%arg19 : memref<80x64xf32, #tpu.memory_space<vmem>>) target(%dma_start3A_630 : memref<10000x64xf32, #tpu.memory_space<vmem_shared>>) offsets(%arg14 : memref<80xi32, #tpu.memory_space<vmem>>) semaphore(%run_scoped3A : memref<!tpu.dma_semaphore, #tpu.memory_space<semaphore_mem>>) {add = true}
        %dma_wait3A_631 = arith.constant 0 : i32
        %dma_wait3A_632 = arith.constant 0 : i32
        %dma_wait3A_633 = tpu.memref_slice %arg12[%dma_wait3A_631, %dma_wait3A_632] : memref<10000x64xf32, #tpu.memory_space<vmem_shared>> -> memref<10000x64xf32, #tpu.memory_space<vmem_shared>>
        tpu.wait_indirect_dma semaphore(%run_scoped3A : memref<!tpu.dma_semaphore, #tpu.memory_space<semaphore_mem>>) src(%arg19 : memref<80x64xf32, #tpu.memory_space<vmem>>) dst(%dma_wait3A_633 : memref<10000x64xf32, #tpu.memory_space<vmem_shared>>)
        tpu.yield
      }) : () -> ()
    }
    %scan3A_516 = arith.constant 125 : i32
    %barrier3A_517 = arith.constant 0 : index
    tpu.barrier barrier_id(%barrier3A_517)
    "tpu.region"() ({
      %run_scoped3A = tpu.sem_alloc : memref<!tpu.dma_semaphore, #tpu.memory_space<semaphore_mem>>
      %dma_start3A = arith.constant 0 : i32
      %dma_start3A_607 = tpu.memref_slice %arg10[%add3A_459, %mul3A_0, %dma_start3A] : memref<8x10000x64xf32, #tpu.memory_space<hbm>> -> memref<1x625x64xf32, #tpu.memory_space<hbm>>
      %dma_start3A_608 = tpu.memref_squeeze %dma_start3A_607 : memref<1x625x64xf32, #tpu.memory_space<hbm>> -> memref<625x64xf32, #tpu.memory_space<hbm>>
      %dma_start3A_609 = arith.constant 0 : i32
      %dma_start3A_610 = tpu.memref_slice %arg12[%mul3A_0, %dma_start3A_609] : memref<10000x64xf32, #tpu.memory_space<vmem_shared>> -> memref<625x64xf32, #tpu.memory_space<vmem_shared>>
      tpu.enqueue_dma source(%dma_start3A_610 : memref<625x64xf32, #tpu.memory_space<vmem_shared>>) target(%dma_start3A_608 : memref<625x64xf32, #tpu.memory_space<hbm>>) target_semaphore(%run_scoped3A : memref<!tpu.dma_semaphore, #tpu.memory_space<semaphore_mem>>)
      %dma_wait3A = arith.constant 0 : i32
      %dma_wait3A_611 = tpu.memref_slice %arg10[%add3A_459, %mul3A_0, %dma_wait3A] : memref<8x10000x64xf32, #tpu.memory_space<hbm>> -> memref<1x625x64xf32, #tpu.memory_space<hbm>>
      %dma_wait3A_612 = tpu.memref_squeeze %dma_wait3A_611 : memref<1x625x64xf32, #tpu.memory_space<hbm>> -> memref<625x64xf32, #tpu.memory_space<hbm>>
      %dma_wait3A_613 = arith.constant 0 : i32
      %dma_wait3A_614 = tpu.memref_slice %arg12[%mul3A_0, %dma_wait3A_613] : memref<10000x64xf32, #tpu.memory_space<vmem_shared>> -> memref<625x64xf32, #tpu.memory_space<vmem_shared>>
      tpu.wait_dma2 semaphore(%run_scoped3A : memref<!tpu.dma_semaphore, #tpu.memory_space<semaphore_mem>>) src(%dma_wait3A_614 : memref<625x64xf32, #tpu.memory_space<vmem_shared>>) dst(%dma_wait3A_612 : memref<625x64xf32, #tpu.memory_space<hbm>>)
      tpu.yield
    }) : () -> ()
    "tpu.region"() ({
      %run_scoped3A = tpu.sem_alloc : memref<!tpu.dma_semaphore, #tpu.memory_space<semaphore_mem>>
      %dma_start3A = arith.constant 0 : i32
      %dma_start3A_607 = tpu.memref_slice %arg12[%mul3A_0, %dma_start3A] : memref<10000x64xf32, #tpu.memory_space<vmem_shared>> -> memref<625x64xf32, #tpu.memory_space<vmem_shared>>
      %dma_start3A_608 = arith.constant 0 : i32
      %dma_start3A_609 = tpu.memref_slice %arg12[%mul3A_0, %dma_start3A_608] : memref<10000x64xf32, #tpu.memory_space<vmem_shared>> -> memref<625x64xf32, #tpu.memory_space<vmem_shared>>
      tpu.enqueue_dma source(%arg13 : memref<625x64xf32, #tpu.memory_space<vmem>>) target(%dma_start3A_609 : memref<625x64xf32, #tpu.memory_space<vmem_shared>>) target_semaphore(%run_scoped3A : memref<!tpu.dma_semaphore, #tpu.memory_space<semaphore_mem>>)
      %dma_wait3A = arith.constant 0 : i32
      %dma_wait3A_610 = tpu.memref_slice %arg12[%mul3A_0, %dma_wait3A] : memref<10000x64xf32, #tpu.memory_space<vmem_shared>> -> memref<625x64xf32, #tpu.memory_space<vmem_shared>>
      %dma_wait3A_611 = arith.constant 0 : i32
      %dma_wait3A_612 = tpu.memref_slice %arg12[%mul3A_0, %dma_wait3A_611] : memref<10000x64xf32, #tpu.memory_space<vmem_shared>> -> memref<625x64xf32, #tpu.memory_space<vmem_shared>>
      tpu.wait_dma2 semaphore(%run_scoped3A : memref<!tpu.dma_semaphore, #tpu.memory_space<semaphore_mem>>) src(%arg13 : memref<625x64xf32, #tpu.memory_space<vmem>>) dst(%dma_wait3A_612 : memref<625x64xf32, #tpu.memory_space<vmem_shared>>)
      tpu.yield
    }) : () -> ()
    %scan3A_518 = arith.constant 0 : i32
    %scan3A_519 = arith.constant 0 : i32
    %scan3A_520 = arith.constant 80 : i32
    %scan3A_521 = arith.addi %scan3A_519, %scan3A_520 : i32
    %scan3A_522 = arith.constant 1 : i32
    scf.for %scan3A_607 = %scan3A_519 to %scan3A_521 step %scan3A_522  : i32 {
      %broadcast_in_dim3A = arith.constant 0.000000e+00 : f32
      %broadcast_in_dim3A_608 = vector.broadcast %broadcast_in_dim3A : f32 to vector<16xf32>
      %swap3A = arith.index_cast %scan3A_607 : i32 to index
      %swap3A_609 = arith.constant 48 : index
      %swap3A_610 = tpu.vector_load %arg19[%swap3A, %swap3A_609] {strides = array<i32>} : memref<80x64xf32, #tpu.memory_space<vmem>>, vector<1x16xf32>,
      %swap3A_611 = vector.shape_cast %swap3A_610 : vector<1x16xf32> to vector<16xf32>
      %swap3A_612 = vector.shape_cast %broadcast_in_dim3A_608 : vector<16xf32> to vector<1x16xf32>
      tpu.vector_store %arg19[%swap3A, %swap3A_609], %swap3A_612 {strides = array<i32>} : memref<80x64xf32, #tpu.memory_space<vmem>>, vector<1x16xf32>,
    }
    %scan3A_523 = arith.constant 80 : i32
    %barrier3A_524 = arith.constant 0 : index
    tpu.barrier barrier_id(%barrier3A_524)
    %get3A_525 = arith.constant 0 : i32
    %get3A_526 = arith.index_cast %get3A_525 : i32 to index
    %get3A_527 = arith.constant 0 : index
    %get3A_528 = tpu.vector_load %arg22[%get3A_526, %get3A_527] {strides = array<i32>} : memref<5x48xf32, #tpu.memory_space<vmem>>, vector<1x16xf32>,
    %get3A_529 = vector.shape_cast %get3A_528 : vector<1x16xf32> to vector<16xf32>
    %get3A_530 = arith.constant 0 : i32
    %get3A_531 = arith.index_cast %get3A_530 : i32 to index
    %get3A_532 = arith.constant 16 : index
    %get3A_533 = tpu.vector_load %arg22[%get3A_531, %get3A_532] {strides = array<i32>} : memref<5x48xf32, #tpu.memory_space<vmem>>, vector<1x16xf32>,
    %get3A_534 = vector.shape_cast %get3A_533 : vector<1x16xf32> to vector<16xf32>
    %get3A_535 = arith.constant 0 : i32
    %get3A_536 = arith.index_cast %get3A_535 : i32 to index
    %get3A_537 = arith.constant 32 : index
    %get3A_538 = tpu.vector_load %arg22[%get3A_536, %get3A_537] {strides = array<i32>} : memref<5x48xf32, #tpu.memory_space<vmem>>, vector<1x16xf32>,
    %get3A_539 = vector.shape_cast %get3A_538 : vector<1x16xf32> to vector<16xf32>
    %get3A_540 = arith.constant 1 : i32
    %get3A_541 = arith.index_cast %get3A_540 : i32 to index
    %get3A_542 = arith.constant 0 : index
    %get3A_543 = tpu.vector_load %arg22[%get3A_541, %get3A_542] {strides = array<i32>} : memref<5x48xf32, #tpu.memory_space<vmem>>, vector<1x16xf32>,
    %get3A_544 = vector.shape_cast %get3A_543 : vector<1x16xf32> to vector<16xf32>
    %get3A_545 = arith.constant 1 : i32
    %get3A_546 = arith.index_cast %get3A_545 : i32 to index
    %get3A_547 = arith.constant 16 : index
    %get3A_548 = tpu.vector_load %arg22[%get3A_546, %get3A_547] {strides = array<i32>} : memref<5x48xf32, #tpu.memory_space<vmem>>, vector<1x16xf32>,
    %get3A_549 = vector.shape_cast %get3A_548 : vector<1x16xf32> to vector<16xf32>
    %get3A_550 = arith.constant 1 : i32
    %get3A_551 = arith.index_cast %get3A_550 : i32 to index
    %get3A_552 = arith.constant 32 : index
    %get3A_553 = tpu.vector_load %arg22[%get3A_551, %get3A_552] {strides = array<i32>} : memref<5x48xf32, #tpu.memory_space<vmem>>, vector<1x16xf32>,
    %get3A_554 = vector.shape_cast %get3A_553 : vector<1x16xf32> to vector<16xf32>
    %get3A_555 = arith.constant 2 : i32
    %get3A_556 = arith.index_cast %get3A_555 : i32 to index
    %get3A_557 = arith.constant 0 : index
    %get3A_558 = tpu.vector_load %arg22[%get3A_556, %get3A_557] {strides = array<i32>} : memref<5x48xf32, #tpu.memory_space<vmem>>, vector<1x16xf32>,
    %get3A_559 = vector.shape_cast %get3A_558 : vector<1x16xf32> to vector<16xf32>
    %get3A_560 = arith.constant 2 : i32
    %get3A_561 = arith.index_cast %get3A_560 : i32 to index
    %get3A_562 = arith.constant 16 : index
    %get3A_563 = tpu.vector_load %arg22[%get3A_561, %get3A_562] {strides = array<i32>} : memref<5x48xf32, #tpu.memory_space<vmem>>, vector<1x16xf32>,
    %get3A_564 = vector.shape_cast %get3A_563 : vector<1x16xf32> to vector<16xf32>
    %get3A_565 = arith.constant 2 : i32
    %get3A_566 = arith.index_cast %get3A_565 : i32 to index
    %get3A_567 = arith.constant 32 : index
    %get3A_568 = tpu.vector_load %arg22[%get3A_566, %get3A_567] {strides = array<i32>} : memref<5x48xf32, #tpu.memory_space<vmem>>, vector<1x16xf32>,
    %get3A_569 = vector.shape_cast %get3A_568 : vector<1x16xf32> to vector<16xf32>
    %get3A_570 = arith.constant 3 : i32
    %get3A_571 = arith.index_cast %get3A_570 : i32 to index
    %get3A_572 = arith.constant 0 : index
    %get3A_573 = tpu.vector_load %arg22[%get3A_571, %get3A_572] {strides = array<i32>} : memref<5x48xf32, #tpu.memory_space<vmem>>, vector<1x16xf32>,
    %get3A_574 = vector.shape_cast %get3A_573 : vector<1x16xf32> to vector<16xf32>
    %get3A_575 = arith.constant 3 : i32
    %get3A_576 = arith.index_cast %get3A_575 : i32 to index
    %get3A_577 = arith.constant 16 : index
    %get3A_578 = tpu.vector_load %arg22[%get3A_576, %get3A_577] {strides = array<i32>} : memref<5x48xf32, #tpu.memory_space<vmem>>, vector<1x16xf32>,
    %get3A_579 = vector.shape_cast %get3A_578 : vector<1x16xf32> to vector<16xf32>
    %get3A_580 = arith.constant 3 : i32
    %get3A_581 = arith.index_cast %get3A_580 : i32 to index
    %get3A_582 = arith.constant 32 : index
    %get3A_583 = tpu.vector_load %arg22[%get3A_581, %get3A_582] {strides = array<i32>} : memref<5x48xf32, #tpu.memory_space<vmem>>, vector<1x16xf32>,
    %get3A_584 = vector.shape_cast %get3A_583 : vector<1x16xf32> to vector<16xf32>
    %get3A_585 = arith.constant 4 : i32
    %get3A_586 = arith.index_cast %get3A_585 : i32 to index
    %get3A_587 = arith.constant 0 : index
    %get3A_588 = tpu.vector_load %arg22[%get3A_586, %get3A_587] {strides = array<i32>} : memref<5x48xf32, #tpu.memory_space<vmem>>, vector<1x16xf32>,
    %get3A_589 = vector.shape_cast %get3A_588 : vector<1x16xf32> to vector<16xf32>
    %get3A_590 = arith.constant 4 : i32
    %get3A_591 = arith.index_cast %get3A_590 : i32 to index
    %get3A_592 = arith.constant 16 : index
    %get3A_593 = tpu.vector_load %arg22[%get3A_591, %get3A_592] {strides = array<i32>} : memref<5x48xf32, #tpu.memory_space<vmem>>, vector<1x16xf32>,
    %get3A_594 = vector.shape_cast %get3A_593 : vector<1x16xf32> to vector<16xf32>
    %get3A_595 = arith.constant 4 : i32
    %get3A_596 = arith.index_cast %get3A_595 : i32 to index
    %get3A_597 = arith.constant 32 : index
    %get3A_598 = tpu.vector_load %arg22[%get3A_596, %get3A_597] {strides = array<i32>} : memref<5x48xf32, #tpu.memory_space<vmem>>, vector<1x16xf32>,
    %get3A_599 = vector.shape_cast %get3A_598 : vector<1x16xf32> to vector<16xf32>
    %scan3A_600 = arith.constant 0 : i32
    %scan3A_601 = arith.constant 0 : i32
    %scan3A_602 = arith.constant 125 : i32
    %scan3A_603 = arith.addi %scan3A_601, %scan3A_602 : i32
    %scan3A_604 = arith.constant 1 : i32
    scf.for %scan3A_607 = %scan3A_601 to %scan3A_603 step %scan3A_604  : i32 {
      %mul3A_608 = arith.constant 10000 : i32
      %mul3A_609 = arith.muli %arg1, %mul3A_608 : i32
      %mul3A_610 = arith.constant 80 : i32
      %mul3A_611 = arith.muli %scan3A_607, %mul3A_610 : i32
      %add3A_612 = arith.addi %mul3A_609, %mul3A_611 : i32
      "tpu.region"() ({
        %run_scoped3A = tpu.sem_alloc : memref<!tpu.dma_semaphore, #tpu.memory_space<semaphore_mem>>
        %dma_start3A_628 = tpu.memref_slice %arg5[%add3A_459, %add3A_612] : memref<8x160000xi32, #tpu.memory_space<hbm>> -> memref<1x80xi32, #tpu.memory_space<hbm>>
        %dma_start3A_629 = tpu.memref_squeeze %dma_start3A_628 : memref<1x80xi32, #tpu.memory_space<hbm>> -> memref<80xi32, #tpu.memory_space<hbm>>
        %dma_start3A_630 = tpu.memref_slice %arg5[%add3A_459, %add3A_612] : memref<8x160000xi32, #tpu.memory_space<hbm>> -> memref<1x80xi32, #tpu.memory_space<hbm>>
        %dma_start3A_631 = tpu.memref_squeeze %dma_start3A_630 : memref<1x80xi32, #tpu.memory_space<hbm>> -> memref<80xi32, #tpu.memory_space<hbm>>
        tpu.enqueue_dma source(%dma_start3A_631 : memref<80xi32, #tpu.memory_space<hbm>>) target(%arg15 : memref<80xi32, #tpu.memory_space<vmem>>) target_semaphore(%run_scoped3A : memref<!tpu.dma_semaphore, #tpu.memory_space<semaphore_mem>>)
        %dma_wait3A_632 = tpu.memref_slice %arg5[%add3A_459, %add3A_612] : memref<8x160000xi32, #tpu.memory_space<hbm>> -> memref<1x80xi32, #tpu.memory_space<hbm>>
        %dma_wait3A_633 = tpu.memref_squeeze %dma_wait3A_632 : memref<1x80xi32, #tpu.memory_space<hbm>> -> memref<80xi32, #tpu.memory_space<hbm>>
        %dma_wait3A_634 = tpu.memref_slice %arg5[%add3A_459, %add3A_612] : memref<8x160000xi32, #tpu.memory_space<hbm>> -> memref<1x80xi32, #tpu.memory_space<hbm>>
        %dma_wait3A_635 = tpu.memref_squeeze %dma_wait3A_634 : memref<1x80xi32, #tpu.memory_space<hbm>> -> memref<80xi32, #tpu.memory_space<hbm>>
        tpu.wait_dma2 semaphore(%run_scoped3A : memref<!tpu.dma_semaphore, #tpu.memory_space<semaphore_mem>>) src(%dma_wait3A_635 : memref<80xi32, #tpu.memory_space<hbm>>) dst(%arg15 : memref<80xi32, #tpu.memory_space<vmem>>)
        tpu.yield
      }) : () -> ()
      "tpu.region"() ({
        %run_scoped3A = tpu.sem_alloc : memref<!tpu.dma_semaphore, #tpu.memory_space<semaphore_mem>>
        %dma_start3A_628 = tpu.memref_slice %arg6[%add3A_612] : memref<160000xi32, #tpu.memory_space<hbm>> -> memref<80xi32, #tpu.memory_space<hbm>>
        %dma_start3A_629 = tpu.memref_slice %arg6[%add3A_612] : memref<160000xi32, #tpu.memory_space<hbm>> -> memref<80xi32, #tpu.memory_space<hbm>>
        tpu.enqueue_dma source(%dma_start3A_629 : memref<80xi32, #tpu.memory_space<hbm>>) target(%arg14 : memref<80xi32, #tpu.memory_space<vmem>>) target_semaphore(%run_scoped3A : memref<!tpu.dma_semaphore, #tpu.memory_space<semaphore_mem>>)
        %dma_wait3A_630 = tpu.memref_slice %arg6[%add3A_612] : memref<160000xi32, #tpu.memory_space<hbm>> -> memref<80xi32, #tpu.memory_space<hbm>>
        %dma_wait3A_631 = tpu.memref_slice %arg6[%add3A_612] : memref<160000xi32, #tpu.memory_space<hbm>> -> memref<80xi32, #tpu.memory_space<hbm>>
        tpu.wait_dma2 semaphore(%run_scoped3A : memref<!tpu.dma_semaphore, #tpu.memory_space<semaphore_mem>>) src(%dma_wait3A_631 : memref<80xi32, #tpu.memory_space<hbm>>) dst(%arg14 : memref<80xi32, #tpu.memory_space<vmem>>)
        tpu.yield
      }) : () -> ()
      %mul3A_613 = arith.constant 5000 : i32
      %mul3A_614 = arith.muli %arg1, %mul3A_613 : i32
      %mul3A_615 = arith.constant 40 : i32
      %mul3A_616 = arith.muli %scan3A_607, %mul3A_615 : i32
      %add3A_617 = arith.addi %mul3A_614, %mul3A_616 : i32
      "tpu.region"() ({
        %run_scoped3A = tpu.sem_alloc : memref<!tpu.dma_semaphore, #tpu.memory_space<semaphore_mem>>
        %dma_start3A_628 = arith.constant 0 : i32
        %dma_start3A_629 = tpu.memref_slice %arg4[%add3A_617, %dma_start3A_628] : memref<80000x16xf32, #tpu.memory_space<hbm>> -> memref<40x16xf32, #tpu.memory_space<hbm>>
        %dma_start3A_630 = arith.constant 0 : i32
        %dma_start3A_631 = tpu.memref_slice %arg4[%add3A_617, %dma_start3A_630] : memref<80000x16xf32, #tpu.memory_space<hbm>> -> memref<40x16xf32, #tpu.memory_space<hbm>>
        tpu.enqueue_dma source(%dma_start3A_631 : memref<40x16xf32, #tpu.memory_space<hbm>>) target(%arg16 : memref<40x16xf32, #tpu.memory_space<vmem>>) target_semaphore(%run_scoped3A : memref<!tpu.dma_semaphore, #tpu.memory_space<semaphore_mem>>)
        %dma_wait3A_632 = arith.constant 0 : i32
        %dma_wait3A_633 = tpu.memref_slice %arg4[%add3A_617, %dma_wait3A_632] : memref<80000x16xf32, #tpu.memory_space<hbm>> -> memref<40x16xf32, #tpu.memory_space<hbm>>
        %dma_wait3A_634 = arith.constant 0 : i32
        %dma_wait3A_635 = tpu.memref_slice %arg4[%add3A_617, %dma_wait3A_634] : memref<80000x16xf32, #tpu.memory_space<hbm>> -> memref<40x16xf32, #tpu.memory_space<hbm>>
        tpu.wait_dma2 semaphore(%run_scoped3A : memref<!tpu.dma_semaphore, #tpu.memory_space<semaphore_mem>>) src(%dma_wait3A_635 : memref<40x16xf32, #tpu.memory_space<hbm>>) dst(%arg16 : memref<40x16xf32, #tpu.memory_space<vmem>>)
        tpu.yield
      }) : () -> ()
      %dma_start3A = arith.constant 0 : i32
      %dma_start3A_618 = arith.constant 0 : i32
      %dma_start3A_619 = tpu.memref_slice %arg3[%dma_start3A, %dma_start3A_618] : memref<80000x48xf32, #tpu.memory_space<hbm>> -> memref<80000x48xf32, #tpu.memory_space<hbm>>
      tpu.enqueue_indirect_dma source(%dma_start3A_619 : memref<80000x48xf32, #tpu.memory_space<hbm>>) target(%arg18 : memref<80x48xf32, #tpu.memory_space<vmem>>) offsets(%arg15 : memref<80xi32, #tpu.memory_space<vmem>>) semaphore(%arg23 : memref<!tpu.dma_semaphore, #tpu.memory_space<semaphore_mem>>)
      %dma_wait3A = arith.constant 0 : i32
      %dma_wait3A_620 = arith.constant 0 : i32
      %dma_wait3A_621 = tpu.memref_slice %arg3[%dma_wait3A, %dma_wait3A_620] : memref<80000x48xf32, #tpu.memory_space<hbm>> -> memref<80000x48xf32, #tpu.memory_space<hbm>>
      tpu.wait_indirect_dma semaphore(%arg23 : memref<!tpu.dma_semaphore, #tpu.memory_space<semaphore_mem>>) src(%dma_wait3A_621 : memref<80000x48xf32, #tpu.memory_space<hbm>>) dst(%arg18 : memref<80x48xf32, #tpu.memory_space<vmem>>)
      %scan3A_622 = arith.constant 0 : i32
      %scan3A_623 = arith.constant 0 : i32
      %scan3A_624 = arith.constant 40 : i32
      %scan3A_625 = arith.addi %scan3A_623, %scan3A_624 : i32
      %scan3A_626 = arith.constant 2 : i32
      scf.for %scan3A_628 = %scan3A_623 to %scan3A_625 step %scan3A_626  : i32 {
        %get3A_629 = arith.index_cast %scan3A_628 : i32 to index
        %get3A_630 = arith.constant 0 : index
        %get3A_631 = tpu.vector_load %arg16[%get3A_629, %get3A_630] {strides = array<i32>} : memref<40x16xf32, #tpu.memory_space<vmem>>, vector<1x16xf32>,
        %get3A_632 = vector.shape_cast %get3A_631 : vector<1x16xf32> to vector<16xf32>
        %mul3A_633 = arith.constant 2 : i32
        %mul3A_634 = arith.muli %mul3A_633, %scan3A_628 : i32
        %add3A_635 = arith.constant 0 : i32
        %add3A_636 = arith.addi %mul3A_634, %add3A_635 : i32
        %slice3A = vector.extract_strided_slice %get3A_632 {offsets = [0], sizes = [1], strides = [1]} : vector<16xf32> to vector<1xf32>
        %squeeze3A = vector.extract %slice3A[0] : f32 from vector<1xf32>
        %slice3A_637 = vector.extract_strided_slice %get3A_632 {offsets = [1], sizes = [1], strides = [1]} : vector<16xf32> to vector<1xf32>
        %squeeze3A_638 = vector.extract %slice3A_637[0] : f32 from vector<1xf32>
        %slice3A_639 = vector.extract_strided_slice %get3A_632 {offsets = [2], sizes = [1], strides = [1]} : vector<16xf32> to vector<1xf32>
        %squeeze3A_640 = vector.extract %slice3A_639[0] : f32 from vector<1xf32>
        %slice3A_641 = vector.extract_strided_slice %get3A_632 {offsets = [3], sizes = [1], strides = [1]} : vector<16xf32> to vector<1xf32>
        %squeeze3A_642 = vector.extract %slice3A_641[0] : f32 from vector<1xf32>
        %slice3A_643 = vector.extract_strided_slice %get3A_632 {offsets = [4], sizes = [1], strides = [1]} : vector<16xf32> to vector<1xf32>
        %squeeze3A_644 = vector.extract %slice3A_643[0] : f32 from vector<1xf32>
        %mul3A_645 = vector.broadcast %squeeze3A : f32 to vector<16xf32>
        %mul3A_646 = arith.mulf %mul3A_645, %get3A_529 : vector<16xf32>
        %mul3A_647 = vector.broadcast %squeeze3A_638 : f32 to vector<16xf32>
        %mul3A_648 = arith.mulf %mul3A_647, %get3A_544 : vector<16xf32>
        %add3A_649 = arith.addf %mul3A_646, %mul3A_648 : vector<16xf32>
        %mul3A_650 = vector.broadcast %squeeze3A_640 : f32 to vector<16xf32>
        %mul3A_651 = arith.mulf %mul3A_650, %get3A_559 : vector<16xf32>
        %add3A_652 = arith.addf %add3A_649, %mul3A_651 : vector<16xf32>
        %mul3A_653 = vector.broadcast %squeeze3A_642 : f32 to vector<16xf32>
        %mul3A_654 = arith.mulf %mul3A_653, %get3A_574 : vector<16xf32>
        %add3A_655 = arith.addf %add3A_652, %mul3A_654 : vector<16xf32>
        %mul3A_656 = vector.broadcast %squeeze3A_644 : f32 to vector<16xf32>
        %mul3A_657 = arith.mulf %mul3A_656, %get3A_589 : vector<16xf32>
        %add3A_658 = arith.addf %add3A_655, %mul3A_657 : vector<16xf32>
        %get3A_659 = arith.index_cast %add3A_636 : i32 to index
        %get3A_660 = arith.constant 0 : index
        %get3A_661 = tpu.vector_load %arg18[%get3A_659, %get3A_660] {strides = array<i32>} : memref<80x48xf32, #tpu.memory_space<vmem>>, vector<1x16xf32>,
        %get3A_662 = vector.shape_cast %get3A_661 : vector<1x16xf32> to vector<16xf32>
        %mul3A_663 = arith.mulf %get3A_662, %add3A_658 : vector<16xf32>
        %swap3A = arith.index_cast %add3A_636 : i32 to index
        %swap3A_664 = arith.constant 0 : index
        %swap3A_665 = tpu.vector_load %arg19[%swap3A, %swap3A_664] {strides = array<i32>} : memref<80x64xf32, #tpu.memory_space<vmem>>, vector<1x16xf32>,
        %swap3A_666 = vector.shape_cast %swap3A_665 : vector<1x16xf32> to vector<16xf32>
        %swap3A_667 = vector.shape_cast %mul3A_663 : vector<16xf32> to vector<1x16xf32>
        tpu.vector_store %arg19[%swap3A, %swap3A_664], %swap3A_667 {strides = array<i32>} : memref<80x64xf32, #tpu.memory_space<vmem>>, vector<1x16xf32>,
        %mul3A_668 = vector.broadcast %squeeze3A : f32 to vector<16xf32>
        %mul3A_669 = arith.mulf %mul3A_668, %get3A_534 : vector<16xf32>
        %mul3A_670 = vector.broadcast %squeeze3A_638 : f32 to vector<16xf32>
        %mul3A_671 = arith.mulf %mul3A_670, %get3A_549 : vector<16xf32>
        %add3A_672 = arith.addf %mul3A_669, %mul3A_671 : vector<16xf32>
        %mul3A_673 = vector.broadcast %squeeze3A_640 : f32 to vector<16xf32>
        %mul3A_674 = arith.mulf %mul3A_673, %get3A_564 : vector<16xf32>
        %add3A_675 = arith.addf %add3A_672, %mul3A_674 : vector<16xf32>
        %mul3A_676 = vector.broadcast %squeeze3A_642 : f32 to vector<16xf32>
        %mul3A_677 = arith.mulf %mul3A_676, %get3A_579 : vector<16xf32>
        %add3A_678 = arith.addf %add3A_675, %mul3A_677 : vector<16xf32>
        %mul3A_679 = vector.broadcast %squeeze3A_644 : f32 to vector<16xf32>
        %mul3A_680 = arith.mulf %mul3A_679, %get3A_594 : vector<16xf32>
        %add3A_681 = arith.addf %add3A_678, %mul3A_680 : vector<16xf32>
        %get3A_682 = arith.index_cast %add3A_636 : i32 to index
        %get3A_683 = arith.constant 16 : index
        %get3A_684 = tpu.vector_load %arg18[%get3A_682, %get3A_683] {strides = array<i32>} : memref<80x48xf32, #tpu.memory_space<vmem>>, vector<1x16xf32>,
        %get3A_685 = vector.shape_cast %get3A_684 : vector<1x16xf32> to vector<16xf32>
        %mul3A_686 = arith.mulf %get3A_685, %add3A_681 : vector<16xf32>
        %swap3A_687 = arith.index_cast %add3A_636 : i32 to index
        %swap3A_688 = arith.constant 16 : index
        %swap3A_689 = tpu.vector_load %arg19[%swap3A_687, %swap3A_688] {strides = array<i32>} : memref<80x64xf32, #tpu.memory_space<vmem>>, vector<1x16xf32>,
        %swap3A_690 = vector.shape_cast %swap3A_689 : vector<1x16xf32> to vector<16xf32>
        %swap3A_691 = vector.shape_cast %mul3A_686 : vector<16xf32> to vector<1x16xf32>
        tpu.vector_store %arg19[%swap3A_687, %swap3A_688], %swap3A_691 {strides = array<i32>} : memref<80x64xf32, #tpu.memory_space<vmem>>, vector<1x16xf32>,
        %mul3A_692 = vector.broadcast %squeeze3A : f32 to vector<16xf32>
        %mul3A_693 = arith.mulf %mul3A_692, %get3A_539 : vector<16xf32>
        %mul3A_694 = vector.broadcast %squeeze3A_638 : f32 to vector<16xf32>
        %mul3A_695 = arith.mulf %mul3A_694, %get3A_554 : vector<16xf32>
        %add3A_696 = arith.addf %mul3A_693, %mul3A_695 : vector<16xf32>
        %mul3A_697 = vector.broadcast %squeeze3A_640 : f32 to vector<16xf32>
        %mul3A_698 = arith.mulf %mul3A_697, %get3A_569 : vector<16xf32>
        %add3A_699 = arith.addf %add3A_696, %mul3A_698 : vector<16xf32>
        %mul3A_700 = vector.broadcast %squeeze3A_642 : f32 to vector<16xf32>
        %mul3A_701 = arith.mulf %mul3A_700, %get3A_584 : vector<16xf32>
        %add3A_702 = arith.addf %add3A_699, %mul3A_701 : vector<16xf32>
        %mul3A_703 = vector.broadcast %squeeze3A_644 : f32 to vector<16xf32>
        %mul3A_704 = arith.mulf %mul3A_703, %get3A_599 : vector<16xf32>
        %add3A_705 = arith.addf %add3A_702, %mul3A_704 : vector<16xf32>
        %get3A_706 = arith.index_cast %add3A_636 : i32 to index
        %get3A_707 = arith.constant 32 : index
        %get3A_708 = tpu.vector_load %arg18[%get3A_706, %get3A_707] {strides = array<i32>} : memref<80x48xf32, #tpu.memory_space<vmem>>, vector<1x16xf32>,
        %get3A_709 = vector.shape_cast %get3A_708 : vector<1x16xf32> to vector<16xf32>
        %mul3A_710 = arith.mulf %get3A_709, %add3A_705 : vector<16xf32>
        %swap3A_711 = arith.index_cast %add3A_636 : i32 to index
        %swap3A_712 = arith.constant 32 : index
        %swap3A_713 = tpu.vector_load %arg19[%swap3A_711, %swap3A_712] {strides = array<i32>} : memref<80x64xf32, #tpu.memory_space<vmem>>, vector<1x16xf32>,
        %swap3A_714 = vector.shape_cast %swap3A_713 : vector<1x16xf32> to vector<16xf32>
        %swap3A_715 = vector.shape_cast %mul3A_710 : vector<16xf32> to vector<1x16xf32>
        tpu.vector_store %arg19[%swap3A_711, %swap3A_712], %swap3A_715 {strides = array<i32>} : memref<80x64xf32, #tpu.memory_space<vmem>>, vector<1x16xf32>,
        %mul3A_716 = arith.constant 2 : i32
        %mul3A_717 = arith.muli %mul3A_716, %scan3A_628 : i32
        %add3A_718 = arith.constant 1 : i32
        %add3A_719 = arith.addi %mul3A_717, %add3A_718 : i32
        %slice3A_720 = vector.extract_strided_slice %get3A_632 {offsets = [8], sizes = [1], strides = [1]} : vector<16xf32> to vector<1xf32>
        %squeeze3A_721 = vector.extract %slice3A_720[0] : f32 from vector<1xf32>
        %slice3A_722 = vector.extract_strided_slice %get3A_632 {offsets = [9], sizes = [1], strides = [1]} : vector<16xf32> to vector<1xf32>
        %squeeze3A_723 = vector.extract %slice3A_722[0] : f32 from vector<1xf32>
        %slice3A_724 = vector.extract_strided_slice %get3A_632 {offsets = [10], sizes = [1], strides = [1]} : vector<16xf32> to vector<1xf32>
        %squeeze3A_725 = vector.extract %slice3A_724[0] : f32 from vector<1xf32>
        %slice3A_726 = vector.extract_strided_slice %get3A_632 {offsets = [11], sizes = [1], strides = [1]} : vector<16xf32> to vector<1xf32>
        %squeeze3A_727 = vector.extract %slice3A_726[0] : f32 from vector<1xf32>
        %slice3A_728 = vector.extract_strided_slice %get3A_632 {offsets = [12], sizes = [1], strides = [1]} : vector<16xf32> to vector<1xf32>
        %squeeze3A_729 = vector.extract %slice3A_728[0] : f32 from vector<1xf32>
        %mul3A_730 = vector.broadcast %squeeze3A_721 : f32 to vector<16xf32>
        %mul3A_731 = arith.mulf %mul3A_730, %get3A_529 : vector<16xf32>
        %mul3A_732 = vector.broadcast %squeeze3A_723 : f32 to vector<16xf32>
        %mul3A_733 = arith.mulf %mul3A_732, %get3A_544 : vector<16xf32>
        %add3A_734 = arith.addf %mul3A_731, %mul3A_733 : vector<16xf32>
        %mul3A_735 = vector.broadcast %squeeze3A_725 : f32 to vector<16xf32>
        %mul3A_736 = arith.mulf %mul3A_735, %get3A_559 : vector<16xf32>
        %add3A_737 = arith.addf %add3A_734, %mul3A_736 : vector<16xf32>
        %mul3A_738 = vector.broadcast %squeeze3A_727 : f32 to vector<16xf32>
        %mul3A_739 = arith.mulf %mul3A_738, %get3A_574 : vector<16xf32>
        %add3A_740 = arith.addf %add3A_737, %mul3A_739 : vector<16xf32>
        %mul3A_741 = vector.broadcast %squeeze3A_729 : f32 to vector<16xf32>
        %mul3A_742 = arith.mulf %mul3A_741, %get3A_589 : vector<16xf32>
        %add3A_743 = arith.addf %add3A_740, %mul3A_742 : vector<16xf32>
        %get3A_744 = arith.index_cast %add3A_719 : i32 to index
        %get3A_745 = arith.constant 0 : index
        %get3A_746 = tpu.vector_load %arg18[%get3A_744, %get3A_745] {strides = array<i32>} : memref<80x48xf32, #tpu.memory_space<vmem>>, vector<1x16xf32>,
        %get3A_747 = vector.shape_cast %get3A_746 : vector<1x16xf32> to vector<16xf32>
        %mul3A_748 = arith.mulf %get3A_747, %add3A_743 : vector<16xf32>
        %swap3A_749 = arith.index_cast %add3A_719 : i32 to index
        %swap3A_750 = arith.constant 0 : index
        %swap3A_751 = tpu.vector_load %arg19[%swap3A_749, %swap3A_750] {strides = array<i32>} : memref<80x64xf32, #tpu.memory_space<vmem>>, vector<1x16xf32>,
        %swap3A_752 = vector.shape_cast %swap3A_751 : vector<1x16xf32> to vector<16xf32>
        %swap3A_753 = vector.shape_cast %mul3A_748 : vector<16xf32> to vector<1x16xf32>
        tpu.vector_store %arg19[%swap3A_749, %swap3A_750], %swap3A_753 {strides = array<i32>} : memref<80x64xf32, #tpu.memory_space<vmem>>, vector<1x16xf32>,
        %mul3A_754 = vector.broadcast %squeeze3A_721 : f32 to vector<16xf32>
        %mul3A_755 = arith.mulf %mul3A_754, %get3A_534 : vector<16xf32>
        %mul3A_756 = vector.broadcast %squeeze3A_723 : f32 to vector<16xf32>
        %mul3A_757 = arith.mulf %mul3A_756, %get3A_549 : vector<16xf32>
        %add3A_758 = arith.addf %mul3A_755, %mul3A_757 : vector<16xf32>
        %mul3A_759 = vector.broadcast %squeeze3A_725 : f32 to vector<16xf32>
        %mul3A_760 = arith.mulf %mul3A_759, %get3A_564 : vector<16xf32>
        %add3A_761 = arith.addf %add3A_758, %mul3A_760 : vector<16xf32>
        %mul3A_762 = vector.broadcast %squeeze3A_727 : f32 to vector<16xf32>
        %mul3A_763 = arith.mulf %mul3A_762, %get3A_579 : vector<16xf32>
        %add3A_764 = arith.addf %add3A_761, %mul3A_763 : vector<16xf32>
        %mul3A_765 = vector.broadcast %squeeze3A_729 : f32 to vector<16xf32>
        %mul3A_766 = arith.mulf %mul3A_765, %get3A_594 : vector<16xf32>
        %add3A_767 = arith.addf %add3A_764, %mul3A_766 : vector<16xf32>
        %get3A_768 = arith.index_cast %add3A_719 : i32 to index
        %get3A_769 = arith.constant 16 : index
        %get3A_770 = tpu.vector_load %arg18[%get3A_768, %get3A_769] {strides = array<i32>} : memref<80x48xf32, #tpu.memory_space<vmem>>, vector<1x16xf32>,
        %get3A_771 = vector.shape_cast %get3A_770 : vector<1x16xf32> to vector<16xf32>
        %mul3A_772 = arith.mulf %get3A_771, %add3A_767 : vector<16xf32>
        %swap3A_773 = arith.index_cast %add3A_719 : i32 to index
        %swap3A_774 = arith.constant 16 : index
        %swap3A_775 = tpu.vector_load %arg19[%swap3A_773, %swap3A_774] {strides = array<i32>} : memref<80x64xf32, #tpu.memory_space<vmem>>, vector<1x16xf32>,
        %swap3A_776 = vector.shape_cast %swap3A_775 : vector<1x16xf32> to vector<16xf32>
        %swap3A_777 = vector.shape_cast %mul3A_772 : vector<16xf32> to vector<1x16xf32>
        tpu.vector_store %arg19[%swap3A_773, %swap3A_774], %swap3A_777 {strides = array<i32>} : memref<80x64xf32, #tpu.memory_space<vmem>>, vector<1x16xf32>,
        %mul3A_778 = vector.broadcast %squeeze3A_721 : f32 to vector<16xf32>
        %mul3A_779 = arith.mulf %mul3A_778, %get3A_539 : vector<16xf32>
        %mul3A_780 = vector.broadcast %squeeze3A_723 : f32 to vector<16xf32>
        %mul3A_781 = arith.mulf %mul3A_780, %get3A_554 : vector<16xf32>
        %add3A_782 = arith.addf %mul3A_779, %mul3A_781 : vector<16xf32>
        %mul3A_783 = vector.broadcast %squeeze3A_725 : f32 to vector<16xf32>
        %mul3A_784 = arith.mulf %mul3A_783, %get3A_569 : vector<16xf32>
        %add3A_785 = arith.addf %add3A_782, %mul3A_784 : vector<16xf32>
        %mul3A_786 = vector.broadcast %squeeze3A_727 : f32 to vector<16xf32>
        %mul3A_787 = arith.mulf %mul3A_786, %get3A_584 : vector<16xf32>
        %add3A_788 = arith.addf %add3A_785, %mul3A_787 : vector<16xf32>
        %mul3A_789 = vector.broadcast %squeeze3A_729 : f32 to vector<16xf32>
        %mul3A_790 = arith.mulf %mul3A_789, %get3A_599 : vector<16xf32>
        %add3A_791 = arith.addf %add3A_788, %mul3A_790 : vector<16xf32>
        %get3A_792 = arith.index_cast %add3A_719 : i32 to index
        %get3A_793 = arith.constant 32 : index
        %get3A_794 = tpu.vector_load %arg18[%get3A_792, %get3A_793] {strides = array<i32>} : memref<80x48xf32, #tpu.memory_space<vmem>>, vector<1x16xf32>,
        %get3A_795 = vector.shape_cast %get3A_794 : vector<1x16xf32> to vector<16xf32>
        %mul3A_796 = arith.mulf %get3A_795, %add3A_791 : vector<16xf32>
        %swap3A_797 = arith.index_cast %add3A_719 : i32 to index
        %swap3A_798 = arith.constant 32 : index
        %swap3A_799 = tpu.vector_load %arg19[%swap3A_797, %swap3A_798] {strides = array<i32>} : memref<80x64xf32, #tpu.memory_space<vmem>>, vector<1x16xf32>,
        %swap3A_800 = vector.shape_cast %swap3A_799 : vector<1x16xf32> to vector<16xf32>
        %swap3A_801 = vector.shape_cast %mul3A_796 : vector<16xf32> to vector<1x16xf32>
        tpu.vector_store %arg19[%swap3A_797, %swap3A_798], %swap3A_801 {strides = array<i32>} : memref<80x64xf32, #tpu.memory_space<vmem>>, vector<1x16xf32>,
        %scan3A_802 = arith.constant 1 : i32
        %scan3A_803 = arith.addi %scan3A_628, %scan3A_802 : i32
        %get3A_804 = arith.index_cast %scan3A_803 : i32 to index
        %get3A_805 = arith.constant 0 : index
        %get3A_806 = tpu.vector_load %arg16[%get3A_804, %get3A_805] {strides = array<i32>} : memref<40x16xf32, #tpu.memory_space<vmem>>, vector<1x16xf32>,
        %get3A_807 = vector.shape_cast %get3A_806 : vector<1x16xf32> to vector<16xf32>
        %mul3A_808 = arith.constant 2 : i32
        %mul3A_809 = arith.muli %mul3A_808, %scan3A_803 : i32
        %add3A_810 = arith.constant 0 : i32
        %add3A_811 = arith.addi %mul3A_809, %add3A_810 : i32
        %slice3A_812 = vector.extract_strided_slice %get3A_807 {offsets = [0], sizes = [1], strides = [1]} : vector<16xf32> to vector<1xf32>
        %squeeze3A_813 = vector.extract %slice3A_812[0] : f32 from vector<1xf32>
        %slice3A_814 = vector.extract_strided_slice %get3A_807 {offsets = [1], sizes = [1], strides = [1]} : vector<16xf32> to vector<1xf32>
        %squeeze3A_815 = vector.extract %slice3A_814[0] : f32 from vector<1xf32>
        %slice3A_816 = vector.extract_strided_slice %get3A_807 {offsets = [2], sizes = [1], strides = [1]} : vector<16xf32> to vector<1xf32>
        %squeeze3A_817 = vector.extract %slice3A_816[0] : f32 from vector<1xf32>
        %slice3A_818 = vector.extract_strided_slice %get3A_807 {offsets = [3], sizes = [1], strides = [1]} : vector<16xf32> to vector<1xf32>
        %squeeze3A_819 = vector.extract %slice3A_818[0] : f32 from vector<1xf32>
        %slice3A_820 = vector.extract_strided_slice %get3A_807 {offsets = [4], sizes = [1], strides = [1]} : vector<16xf32> to vector<1xf32>
        %squeeze3A_821 = vector.extract %slice3A_820[0] : f32 from vector<1xf32>
        %mul3A_822 = vector.broadcast %squeeze3A_813 : f32 to vector<16xf32>
        %mul3A_823 = arith.mulf %mul3A_822, %get3A_529 : vector<16xf32>
        %mul3A_824 = vector.broadcast %squeeze3A_815 : f32 to vector<16xf32>
        %mul3A_825 = arith.mulf %mul3A_824, %get3A_544 : vector<16xf32>
        %add3A_826 = arith.addf %mul3A_823, %mul3A_825 : vector<16xf32>
        %mul3A_827 = vector.broadcast %squeeze3A_817 : f32 to vector<16xf32>
        %mul3A_828 = arith.mulf %mul3A_827, %get3A_559 : vector<16xf32>
        %add3A_829 = arith.addf %add3A_826, %mul3A_828 : vector<16xf32>
        %mul3A_830 = vector.broadcast %squeeze3A_819 : f32 to vector<16xf32>
        %mul3A_831 = arith.mulf %mul3A_830, %get3A_574 : vector<16xf32>
        %add3A_832 = arith.addf %add3A_829, %mul3A_831 : vector<16xf32>
        %mul3A_833 = vector.broadcast %squeeze3A_821 : f32 to vector<16xf32>
        %mul3A_834 = arith.mulf %mul3A_833, %get3A_589 : vector<16xf32>
        %add3A_835 = arith.addf %add3A_832, %mul3A_834 : vector<16xf32>
        %get3A_836 = arith.index_cast %add3A_811 : i32 to index
        %get3A_837 = arith.constant 0 : index
        %get3A_838 = tpu.vector_load %arg18[%get3A_836, %get3A_837] {strides = array<i32>} : memref<80x48xf32, #tpu.memory_space<vmem>>, vector<1x16xf32>,
        %get3A_839 = vector.shape_cast %get3A_838 : vector<1x16xf32> to vector<16xf32>
        %mul3A_840 = arith.mulf %get3A_839, %add3A_835 : vector<16xf32>
        %swap3A_841 = arith.index_cast %add3A_811 : i32 to index
        %swap3A_842 = arith.constant 0 : index
        %swap3A_843 = tpu.vector_load %arg19[%swap3A_841, %swap3A_842] {strides = array<i32>} : memref<80x64xf32, #tpu.memory_space<vmem>>, vector<1x16xf32>,
        %swap3A_844 = vector.shape_cast %swap3A_843 : vector<1x16xf32> to vector<16xf32>
        %swap3A_845 = vector.shape_cast %mul3A_840 : vector<16xf32> to vector<1x16xf32>
        tpu.vector_store %arg19[%swap3A_841, %swap3A_842], %swap3A_845 {strides = array<i32>} : memref<80x64xf32, #tpu.memory_space<vmem>>, vector<1x16xf32>,
        %mul3A_846 = vector.broadcast %squeeze3A_813 : f32 to vector<16xf32>
        %mul3A_847 = arith.mulf %mul3A_846, %get3A_534 : vector<16xf32>
        %mul3A_848 = vector.broadcast %squeeze3A_815 : f32 to vector<16xf32>
        %mul3A_849 = arith.mulf %mul3A_848, %get3A_549 : vector<16xf32>
        %add3A_850 = arith.addf %mul3A_847, %mul3A_849 : vector<16xf32>
        %mul3A_851 = vector.broadcast %squeeze3A_817 : f32 to vector<16xf32>
        %mul3A_852 = arith.mulf %mul3A_851, %get3A_564 : vector<16xf32>
        %add3A_853 = arith.addf %add3A_850, %mul3A_852 : vector<16xf32>
        %mul3A_854 = vector.broadcast %squeeze3A_819 : f32 to vector<16xf32>
        %mul3A_855 = arith.mulf %mul3A_854, %get3A_579 : vector<16xf32>
        %add3A_856 = arith.addf %add3A_853, %mul3A_855 : vector<16xf32>
        %mul3A_857 = vector.broadcast %squeeze3A_821 : f32 to vector<16xf32>
        %mul3A_858 = arith.mulf %mul3A_857, %get3A_594 : vector<16xf32>
        %add3A_859 = arith.addf %add3A_856, %mul3A_858 : vector<16xf32>
        %get3A_860 = arith.index_cast %add3A_811 : i32 to index
        %get3A_861 = arith.constant 16 : index
        %get3A_862 = tpu.vector_load %arg18[%get3A_860, %get3A_861] {strides = array<i32>} : memref<80x48xf32, #tpu.memory_space<vmem>>, vector<1x16xf32>,
        %get3A_863 = vector.shape_cast %get3A_862 : vector<1x16xf32> to vector<16xf32>
        %mul3A_864 = arith.mulf %get3A_863, %add3A_859 : vector<16xf32>
        %swap3A_865 = arith.index_cast %add3A_811 : i32 to index
        %swap3A_866 = arith.constant 16 : index
        %swap3A_867 = tpu.vector_load %arg19[%swap3A_865, %swap3A_866] {strides = array<i32>} : memref<80x64xf32, #tpu.memory_space<vmem>>, vector<1x16xf32>,
        %swap3A_868 = vector.shape_cast %swap3A_867 : vector<1x16xf32> to vector<16xf32>
        %swap3A_869 = vector.shape_cast %mul3A_864 : vector<16xf32> to vector<1x16xf32>
        tpu.vector_store %arg19[%swap3A_865, %swap3A_866], %swap3A_869 {strides = array<i32>} : memref<80x64xf32, #tpu.memory_space<vmem>>, vector<1x16xf32>,
        %mul3A_870 = vector.broadcast %squeeze3A_813 : f32 to vector<16xf32>
        %mul3A_871 = arith.mulf %mul3A_870, %get3A_539 : vector<16xf32>
        %mul3A_872 = vector.broadcast %squeeze3A_815 : f32 to vector<16xf32>
        %mul3A_873 = arith.mulf %mul3A_872, %get3A_554 : vector<16xf32>
        %add3A_874 = arith.addf %mul3A_871, %mul3A_873 : vector<16xf32>
        %mul3A_875 = vector.broadcast %squeeze3A_817 : f32 to vector<16xf32>
        %mul3A_876 = arith.mulf %mul3A_875, %get3A_569 : vector<16xf32>
        %add3A_877 = arith.addf %add3A_874, %mul3A_876 : vector<16xf32>
        %mul3A_878 = vector.broadcast %squeeze3A_819 : f32 to vector<16xf32>
        %mul3A_879 = arith.mulf %mul3A_878, %get3A_584 : vector<16xf32>
        %add3A_880 = arith.addf %add3A_877, %mul3A_879 : vector<16xf32>
        %mul3A_881 = vector.broadcast %squeeze3A_821 : f32 to vector<16xf32>
        %mul3A_882 = arith.mulf %mul3A_881, %get3A_599 : vector<16xf32>
        %add3A_883 = arith.addf %add3A_880, %mul3A_882 : vector<16xf32>
        %get3A_884 = arith.index_cast %add3A_811 : i32 to index
        %get3A_885 = arith.constant 32 : index
        %get3A_886 = tpu.vector_load %arg18[%get3A_884, %get3A_885] {strides = array<i32>} : memref<80x48xf32, #tpu.memory_space<vmem>>, vector<1x16xf32>,
        %get3A_887 = vector.shape_cast %get3A_886 : vector<1x16xf32> to vector<16xf32>
        %mul3A_888 = arith.mulf %get3A_887, %add3A_883 : vector<16xf32>
        %swap3A_889 = arith.index_cast %add3A_811 : i32 to index
        %swap3A_890 = arith.constant 32 : index
        %swap3A_891 = tpu.vector_load %arg19[%swap3A_889, %swap3A_890] {strides = array<i32>} : memref<80x64xf32, #tpu.memory_space<vmem>>, vector<1x16xf32>,
        %swap3A_892 = vector.shape_cast %swap3A_891 : vector<1x16xf32> to vector<16xf32>
        %swap3A_893 = vector.shape_cast %mul3A_888 : vector<16xf32> to vector<1x16xf32>
        tpu.vector_store %arg19[%swap3A_889, %swap3A_890], %swap3A_893 {strides = array<i32>} : memref<80x64xf32, #tpu.memory_space<vmem>>, vector<1x16xf32>,
        %mul3A_894 = arith.constant 2 : i32
        %mul3A_895 = arith.muli %mul3A_894, %scan3A_803 : i32
        %add3A_896 = arith.constant 1 : i32
        %add3A_897 = arith.addi %mul3A_895, %add3A_896 : i32
        %slice3A_898 = vector.extract_strided_slice %get3A_807 {offsets = [8], sizes = [1], strides = [1]} : vector<16xf32> to vector<1xf32>
        %squeeze3A_899 = vector.extract %slice3A_898[0] : f32 from vector<1xf32>
        %slice3A_900 = vector.extract_strided_slice %get3A_807 {offsets = [9], sizes = [1], strides = [1]} : vector<16xf32> to vector<1xf32>
        %squeeze3A_901 = vector.extract %slice3A_900[0] : f32 from vector<1xf32>
        %slice3A_902 = vector.extract_strided_slice %get3A_807 {offsets = [10], sizes = [1], strides = [1]} : vector<16xf32> to vector<1xf32>
        %squeeze3A_903 = vector.extract %slice3A_902[0] : f32 from vector<1xf32>
        %slice3A_904 = vector.extract_strided_slice %get3A_807 {offsets = [11], sizes = [1], strides = [1]} : vector<16xf32> to vector<1xf32>
        %squeeze3A_905 = vector.extract %slice3A_904[0] : f32 from vector<1xf32>
        %slice3A_906 = vector.extract_strided_slice %get3A_807 {offsets = [12], sizes = [1], strides = [1]} : vector<16xf32> to vector<1xf32>
        %squeeze3A_907 = vector.extract %slice3A_906[0] : f32 from vector<1xf32>
        %mul3A_908 = vector.broadcast %squeeze3A_899 : f32 to vector<16xf32>
        %mul3A_909 = arith.mulf %mul3A_908, %get3A_529 : vector<16xf32>
        %mul3A_910 = vector.broadcast %squeeze3A_901 : f32 to vector<16xf32>
        %mul3A_911 = arith.mulf %mul3A_910, %get3A_544 : vector<16xf32>
        %add3A_912 = arith.addf %mul3A_909, %mul3A_911 : vector<16xf32>
        %mul3A_913 = vector.broadcast %squeeze3A_903 : f32 to vector<16xf32>
        %mul3A_914 = arith.mulf %mul3A_913, %get3A_559 : vector<16xf32>
        %add3A_915 = arith.addf %add3A_912, %mul3A_914 : vector<16xf32>
        %mul3A_916 = vector.broadcast %squeeze3A_905 : f32 to vector<16xf32>
        %mul3A_917 = arith.mulf %mul3A_916, %get3A_574 : vector<16xf32>
        %add3A_918 = arith.addf %add3A_915, %mul3A_917 : vector<16xf32>
        %mul3A_919 = vector.broadcast %squeeze3A_907 : f32 to vector<16xf32>
        %mul3A_920 = arith.mulf %mul3A_919, %get3A_589 : vector<16xf32>
        %add3A_921 = arith.addf %add3A_918, %mul3A_920 : vector<16xf32>
        %get3A_922 = arith.index_cast %add3A_897 : i32 to index
        %get3A_923 = arith.constant 0 : index
        %get3A_924 = tpu.vector_load %arg18[%get3A_922, %get3A_923] {strides = array<i32>} : memref<80x48xf32, #tpu.memory_space<vmem>>, vector<1x16xf32>,
        %get3A_925 = vector.shape_cast %get3A_924 : vector<1x16xf32> to vector<16xf32>
        %mul3A_926 = arith.mulf %get3A_925, %add3A_921 : vector<16xf32>
        %swap3A_927 = arith.index_cast %add3A_897 : i32 to index
        %swap3A_928 = arith.constant 0 : index
        %swap3A_929 = tpu.vector_load %arg19[%swap3A_927, %swap3A_928] {strides = array<i32>} : memref<80x64xf32, #tpu.memory_space<vmem>>, vector<1x16xf32>,
        %swap3A_930 = vector.shape_cast %swap3A_929 : vector<1x16xf32> to vector<16xf32>
        %swap3A_931 = vector.shape_cast %mul3A_926 : vector<16xf32> to vector<1x16xf32>
        tpu.vector_store %arg19[%swap3A_927, %swap3A_928], %swap3A_931 {strides = array<i32>} : memref<80x64xf32, #tpu.memory_space<vmem>>, vector<1x16xf32>,
        %mul3A_932 = vector.broadcast %squeeze3A_899 : f32 to vector<16xf32>
        %mul3A_933 = arith.mulf %mul3A_932, %get3A_534 : vector<16xf32>
        %mul3A_934 = vector.broadcast %squeeze3A_901 : f32 to vector<16xf32>
        %mul3A_935 = arith.mulf %mul3A_934, %get3A_549 : vector<16xf32>
        %add3A_936 = arith.addf %mul3A_933, %mul3A_935 : vector<16xf32>
        %mul3A_937 = vector.broadcast %squeeze3A_903 : f32 to vector<16xf32>
        %mul3A_938 = arith.mulf %mul3A_937, %get3A_564 : vector<16xf32>
        %add3A_939 = arith.addf %add3A_936, %mul3A_938 : vector<16xf32>
        %mul3A_940 = vector.broadcast %squeeze3A_905 : f32 to vector<16xf32>
        %mul3A_941 = arith.mulf %mul3A_940, %get3A_579 : vector<16xf32>
        %add3A_942 = arith.addf %add3A_939, %mul3A_941 : vector<16xf32>
        %mul3A_943 = vector.broadcast %squeeze3A_907 : f32 to vector<16xf32>
        %mul3A_944 = arith.mulf %mul3A_943, %get3A_594 : vector<16xf32>
        %add3A_945 = arith.addf %add3A_942, %mul3A_944 : vector<16xf32>
        %get3A_946 = arith.index_cast %add3A_897 : i32 to index
        %get3A_947 = arith.constant 16 : index
        %get3A_948 = tpu.vector_load %arg18[%get3A_946, %get3A_947] {strides = array<i32>} : memref<80x48xf32, #tpu.memory_space<vmem>>, vector<1x16xf32>,
        %get3A_949 = vector.shape_cast %get3A_948 : vector<1x16xf32> to vector<16xf32>
        %mul3A_950 = arith.mulf %get3A_949, %add3A_945 : vector<16xf32>
        %swap3A_951 = arith.index_cast %add3A_897 : i32 to index
        %swap3A_952 = arith.constant 16 : index
        %swap3A_953 = tpu.vector_load %arg19[%swap3A_951, %swap3A_952] {strides = array<i32>} : memref<80x64xf32, #tpu.memory_space<vmem>>, vector<1x16xf32>,
        %swap3A_954 = vector.shape_cast %swap3A_953 : vector<1x16xf32> to vector<16xf32>
        %swap3A_955 = vector.shape_cast %mul3A_950 : vector<16xf32> to vector<1x16xf32>
        tpu.vector_store %arg19[%swap3A_951, %swap3A_952], %swap3A_955 {strides = array<i32>} : memref<80x64xf32, #tpu.memory_space<vmem>>, vector<1x16xf32>,
        %mul3A_956 = vector.broadcast %squeeze3A_899 : f32 to vector<16xf32>
        %mul3A_957 = arith.mulf %mul3A_956, %get3A_539 : vector<16xf32>
        %mul3A_958 = vector.broadcast %squeeze3A_901 : f32 to vector<16xf32>
        %mul3A_959 = arith.mulf %mul3A_958, %get3A_554 : vector<16xf32>
        %add3A_960 = arith.addf %mul3A_957, %mul3A_959 : vector<16xf32>
        %mul3A_961 = vector.broadcast %squeeze3A_903 : f32 to vector<16xf32>
        %mul3A_962 = arith.mulf %mul3A_961, %get3A_569 : vector<16xf32>
        %add3A_963 = arith.addf %add3A_960, %mul3A_962 : vector<16xf32>
        %mul3A_964 = vector.broadcast %squeeze3A_905 : f32 to vector<16xf32>
        %mul3A_965 = arith.mulf %mul3A_964, %get3A_584 : vector<16xf32>
        %add3A_966 = arith.addf %add3A_963, %mul3A_965 : vector<16xf32>
        %mul3A_967 = vector.broadcast %squeeze3A_907 : f32 to vector<16xf32>
        %mul3A_968 = arith.mulf %mul3A_967, %get3A_599 : vector<16xf32>
        %add3A_969 = arith.addf %add3A_966, %mul3A_968 : vector<16xf32>
        %get3A_970 = arith.index_cast %add3A_897 : i32 to index
        %get3A_971 = arith.constant 32 : index
        %get3A_972 = tpu.vector_load %arg18[%get3A_970, %get3A_971] {strides = array<i32>} : memref<80x48xf32, #tpu.memory_space<vmem>>, vector<1x16xf32>,
        %get3A_973 = vector.shape_cast %get3A_972 : vector<1x16xf32> to vector<16xf32>
        %mul3A_974 = arith.mulf %get3A_973, %add3A_969 : vector<16xf32>
        %swap3A_975 = arith.index_cast %add3A_897 : i32 to index
        %swap3A_976 = arith.constant 32 : index
        %swap3A_977 = tpu.vector_load %arg19[%swap3A_975, %swap3A_976] {strides = array<i32>} : memref<80x64xf32, #tpu.memory_space<vmem>>, vector<1x16xf32>,
        %swap3A_978 = vector.shape_cast %swap3A_977 : vector<1x16xf32> to vector<16xf32>
        %swap3A_979 = vector.shape_cast %mul3A_974 : vector<16xf32> to vector<1x16xf32>
        tpu.vector_store %arg19[%swap3A_975, %swap3A_976], %swap3A_979 {strides = array<i32>} : memref<80x64xf32, #tpu.memory_space<vmem>>, vector<1x16xf32>,
      }
      %scan3A_627 = arith.constant 40 : i32
      "tpu.region"() ({
        %run_scoped3A = tpu.sem_alloc : memref<!tpu.dma_semaphore, #tpu.memory_space<semaphore_mem>>
        %dma_start3A_628 = arith.constant 0 : i32
        %dma_start3A_629 = arith.constant 0 : i32
        %dma_start3A_630 = tpu.memref_slice %arg12[%dma_start3A_628, %dma_start3A_629] : memref<10000x64xf32, #tpu.memory_space<vmem_shared>> -> memref<10000x64xf32, #tpu.memory_space<vmem_shared>>
        tpu.enqueue_indirect_dma source(%arg19 : memref<80x64xf32, #tpu.memory_space<vmem>>) target(%dma_start3A_630 : memref<10000x64xf32, #tpu.memory_space<vmem_shared>>) offsets(%arg14 : memref<80xi32, #tpu.memory_space<vmem>>) semaphore(%run_scoped3A : memref<!tpu.dma_semaphore, #tpu.memory_space<semaphore_mem>>) {add = true}
        %dma_wait3A_631 = arith.constant 0 : i32
        %dma_wait3A_632 = arith.constant 0 : i32
        %dma_wait3A_633 = tpu.memref_slice %arg12[%dma_wait3A_631, %dma_wait3A_632] : memref<10000x64xf32, #tpu.memory_space<vmem_shared>> -> memref<10000x64xf32, #tpu.memory_space<vmem_shared>>
        tpu.wait_indirect_dma semaphore(%run_scoped3A : memref<!tpu.dma_semaphore, #tpu.memory_space<semaphore_mem>>) src(%arg19 : memref<80x64xf32, #tpu.memory_space<vmem>>) dst(%dma_wait3A_633 : memref<10000x64xf32, #tpu.memory_space<vmem_shared>>)
        tpu.yield
      }) : () -> ()
    }
    %scan3A_605 = arith.constant 125 : i32
    %barrier3A_606 = arith.constant 0 : index
    tpu.barrier barrier_id(%barrier3A_606)
    "tpu.region"() ({
      %run_scoped3A = tpu.sem_alloc : memref<!tpu.dma_semaphore, #tpu.memory_space<semaphore_mem>>
      %dma_start3A = arith.constant 0 : i32
      %dma_start3A_607 = tpu.memref_slice %arg11[%add3A_459, %mul3A_0, %dma_start3A] : memref<8x10000x64xf32, #tpu.memory_space<hbm>> -> memref<1x625x64xf32, #tpu.memory_space<hbm>>
      %dma_start3A_608 = tpu.memref_squeeze %dma_start3A_607 : memref<1x625x64xf32, #tpu.memory_space<hbm>> -> memref<625x64xf32, #tpu.memory_space<hbm>>
      %dma_start3A_609 = arith.constant 0 : i32
      %dma_start3A_610 = tpu.memref_slice %arg12[%mul3A_0, %dma_start3A_609] : memref<10000x64xf32, #tpu.memory_space<vmem_shared>> -> memref<625x64xf32, #tpu.memory_space<vmem_shared>>
      tpu.enqueue_dma source(%dma_start3A_610 : memref<625x64xf32, #tpu.memory_space<vmem_shared>>) target(%dma_start3A_608 : memref<625x64xf32, #tpu.memory_space<hbm>>) target_semaphore(%run_scoped3A : memref<!tpu.dma_semaphore, #tpu.memory_space<semaphore_mem>>)
      %dma_wait3A = arith.constant 0 : i32
      %dma_wait3A_611 = tpu.memref_slice %arg11[%add3A_459, %mul3A_0, %dma_wait3A] : memref<8x10000x64xf32, #tpu.memory_space<hbm>> -> memref<1x625x64xf32, #tpu.memory_space<hbm>>
      %dma_wait3A_612 = tpu.memref_squeeze %dma_wait3A_611 : memref<1x625x64xf32, #tpu.memory_space<hbm>> -> memref<625x64xf32, #tpu.memory_space<hbm>>
      %dma_wait3A_613 = arith.constant 0 : i32
      %dma_wait3A_614 = tpu.memref_slice %arg12[%mul3A_0, %dma_wait3A_613] : memref<10000x64xf32, #tpu.memory_space<vmem_shared>> -> memref<625x64xf32, #tpu.memory_space<vmem_shared>>
      tpu.wait_dma2 semaphore(%run_scoped3A : memref<!tpu.dma_semaphore, #tpu.memory_space<semaphore_mem>>) src(%dma_wait3A_614 : memref<625x64xf32, #tpu.memory_space<vmem_shared>>) dst(%dma_wait3A_612 : memref<625x64xf32, #tpu.memory_space<hbm>>)
      tpu.yield
    }) : () -> ()
    return
  }
}

</mosaic_0001>

<sc_bundles>
// kernel: _sc_call.3.cloned.1.call-start
scs
__scs_entry_jumppad:
0x0: {  	(pc) =	sbr.rel $0x88, $3  }
0x1: {  	(tag) =	ssettag $0x0;
	lr =	simm.s32 $0x1  }
0x2: {  	[smem:$0x3F99] =	sst lr;
	_ =	strace $0xD0000000  }
0x3: {  	_ = 	snop  }
0x4: {  	_ = 	snop  }
0x5: {  	_ = 	snop  }
0x6: {  	_ = 	snop  }
0x7: {  	_ = 	snop  }
__scs_overlays_trampoline_lowered:
0x8: {  	[smem:$0x3FA8] =	sst s0  }
0x9: {  	[smem:$0x3FA9] =	sst s1  }
0xa: {  	[smem:$0x3FAA] =	sst s2  }
0xb: {  	[smem:$0x3FAB] =	sst s3  }
0xc: {  	[smem:$0x3FAC] =	sst s4  }
0xd: {  	[smem:$0x3FAD] =	sst s5  }
0xe: {  	[smem:$0x3FAE] =	sst s6  }
0xf: {  	[smem:$0x3FAF] =	sst s7  }
0x10: {  	[smem:$0x3FB0] =	sst s8  }
0x11: {  	[smem:$0x3FB1] =	sst s9;
	s0 =	simm.s32 @!p0 $0x0  }
0x12: {  	s1 =	sld [smem:$0x3F97];
	s0 =	simm.s32 @p0 $0x1  }
0x13: {  	[smem:$0x3FB2] =	sst s0;
	s0 =	simm.s32 @!p1 $0x0  }
0x14: {  	s2 =	sld [smem:$0x3F96];
	s0 =	simm.s32 @p1 $0x1  }
0x15: {  	[smem:$0x3FB3] =	sst s0;
	s0 =	simm.s32 @!p2 $0x0  }
0x16: {  	s3 =	sld [smem:$0x3FDB];
	s0 =	simm.s32 @p2 $0x1  }
0x17: {  	s4 =	simm.s32 $0x1BF5;
	[smem:$0x3FB5] =	sst s0  }
0x18: {  	s0 =	sld [smem:$0x3F98];
	_ =	swait.ge [sflag:s4], $0x0  }
0x19: {  	s7 =	sld [smem:$0x3F99]  }
0x1a: {  	s8 =	sadd.s32 $0xFFFFE003, lr  }
0x1b: {  	s9 =	sadd.s32 $0xFFFFFEF7, lr;
	s5 =	simm.s32 $0xFFFFFFFF;
	p2 =	slt.u32 s8, $0xFFFFF086  }
0x1c: {  	p1 =	slt.u32 s9, $0xF7A;
	s5 =	simm.s32 @!p2 $0x0  }
0x1d: {  	s5 =	simm.s32 @p1 $0x1;
	p0 =	seq.s32 s7, s2  }
0x1e: {  	s7 =	smul.u32 @!p0 $0xF7A, s2;
	p2 =	seq.s32 @!p0 s5, $0x0  }
0x1f: {  	s9 =	smul.u32 $0xF7A, s1;
	s8 =	simm.s32 @!p0 $0x1BF5;
	p2 =	por !p2, p0  }
0x20: {  	[sflag:s8] =	ssyncset.s32 @!p0 $0xFFFFF086;
	s6 =	sadd.s32 @!p0 s3, s7;
	s7 =	simm.s32 @!p0 $0x108  }
0x21: {  	s3 =	sadd.s32 s3, s9;
	s6 =	sadd.s32 @!p0 $0x88, s6;
	s7 =	simm.s32 @p2 $0x1082  }
0x22: {  	[simem:s7], [sflag:s8] =	dma.local @!p0 [hbm:s6], $0xF7A  }
0x23: {  	s9 =	sor.u32 $0xD0000000, s2;
	s6 =	simm.s32 $0x108;
	_ =	swait.ge @!p0 [sflag:s8], $0x0  }
0x24: {  	s3 =	sadd.s32 $0x88, s3;
	s6 =	simm.s32 @!p1 $0x1082;
	[sflag:s4] =	ssyncset.s32 $0xFFFFF086  }
0x25: {  	[simem:s6], [sflag:s4] =	dma.local [hbm:s3], $0xF7A  }
0x26: {  	[smem:$0x3F99] =	sst s1;
	(tag) =	ssettag s2;
	_ =	strace s9  }
0x27: {  	s1 =	sld [smem:$0x3FA9]  }
0x28: {  	s2 =	sld [smem:$0x3FAA]  }
0x29: {  	s4 =	sld [smem:$0x3FAC]  }
0x2a: {  	p0 =	seq.s32 s5, $0x0;
	s5 =	sld [smem:$0x3FAD]  }
0x2b: {  	s6 =	sld [smem:$0x3FAE]  }
0x2c: {  	s7 =	sld [smem:$0x3FAF]  }
0x2d: {  	s3 =	simm.s32 $0x108;
	s8 =	sld [smem:$0x3FB0]  }
0x2e: {  	s3 =	simm.s32 @!p0 $0x1082;
	s9 =	sld [smem:$0x3FB1]  }
0x2f: {  	lr =	sadd.s32 s0, s3;
	s0 =	sld [smem:$0x3FA8]  }
0x30: {  	s3 =	sld [smem:$0x3FAB]  }
0x31: {  	[smem:$0x3FB4] =	sst s10  }
0x32: {  	s10 =	sld [smem:$0x3FB2];
	_ =	sdelay $0x3  }
0x33: {  	p0 =	seq.s32 s10, $0x1;
	s10 =	sld [smem:$0x3FB4];
	_ =	sdelay $0x3  }
0x34: {  	[smem:$0x3FB4] =	sst s10  }
0x35: {  	s10 =	sld [smem:$0x3FB3];
	_ =	sdelay $0x3  }
0x36: {  	p1 =	seq.s32 s10, $0x1;
	s10 =	sld [smem:$0x3FB4];
	_ =	sdelay $0x3  }
0x37: {  	[smem:$0x3FB4] =	sst s10  }
0x38: {  	s10 =	sld [smem:$0x3FB5]  }
0x39: {  	_ = 	snop;
	(pc) =	sbr.ind lr, $3  }
0x3a: {  	_ = 	snop  }
0x3b: {  	_ = 	snop  }
0x3c: {  	p2 =	seq.s32 s10, $0x1;
	s10 =	sld [smem:$0x3FB4]  }
0x3d: {  	_ =	shalt  }
0x3e: {  	_ =	shalt  }
0x3f: {  	_ =	shalt  }
0x40: {  	_ =	shalt  }
0x41: {  	_ =	shalt  }
0x42: {  	_ =	shalt  }
0x43: {  	_ =	shalt  }
0x44: {  	_ =	shalt  }
0x45: {  	_ =	shalt  }
0x46: {  	_ =	shalt  }
0x47: {  	_ =	shalt  }
0x48: {  	_ =	shalt  }
0x49: {  	_ =	shalt  }
0x4a: {  	_ =	shalt  }
0x4b: {  	_ =	shalt  }
0x4c: {  	_ =	shalt  }
0x4d: {  	_ =	shalt  }
0x4e: {  	_ =	shalt  }
0x4f: {  	_ =	shalt  }
0x50: {  	_ =	shalt  }
0x51: {  	_ =	shalt  }
0x52: {  	_ =	shalt  }
0x53: {  	_ =	shalt  }
0x54: {  	_ =	shalt  }
0x55: {  	_ =	shalt  }
0x56: {  	_ =	shalt  }
0x57: {  	_ =	shalt  }
0x58: {  	_ =	shalt  }
0x59: {  	_ =	shalt  }
0x5a: {  	_ =	shalt  }
0x5b: {  	_ =	shalt  }
0x5c: {  	_ =	shalt  }
0x5d: {  	_ =	shalt  }
0x5e: {  	_ =	shalt  }
0x5f: {  	_ =	shalt  }
0x60: {  	_ =	shalt  }
0x61: {  	_ =	shalt  }
0x62: {  	_ =	shalt  }
0x63: {  	_ =	shalt  }
0x64: {  	_ =	shalt  }
0x65: {  	_ =	shalt  }
0x66: {  	_ =	shalt  }
0x67: {  	_ =	shalt  }
0x68: {  	_ =	shalt  }
0x69: {  	_ =	shalt  }
0x6a: {  	_ =	shalt  }
0x6b: {  	_ =	shalt  }
0x6c: {  	_ =	shalt  }
0x6d: {  	_ =	shalt  }
0x6e: {  	_ =	shalt  }
0x6f: {  	_ =	shalt  }
0x70: {  	_ =	shalt  }
0x71: {  	_ =	shalt  }
0x72: {  	_ =	shalt  }
0x73: {  	_ =	shalt  }
0x74: {  	_ =	shalt  }
0x75: {  	_ =	shalt  }
0x76: {  	_ =	shalt  }
0x77: {  	_ =	shalt  }
0x78: {  	_ =	shalt  }
0x79: {  	_ =	shalt  }
0x7a: {  	_ =	shalt  }
0x7b: {  	_ =	shalt  }
0x7c: {  	_ =	shalt  }
0x7d: {  	_ =	shalt  }
0x7e: {  	_ =	shalt  }
0x7f: {  	_ =	shalt  }
0x80: {  	_ =	shalt  }
0x81: {  	_ =	shalt  }
0x82: {  	_ =	shalt  }
0x83: {  	_ =	shalt  }
0x84: {  	_ =	shalt  }
0x85: {  	_ =	shalt  }
0x86: {  	_ =	shalt  }
0x87: {  	_ =	shalt  }
.Lfunc_end0:
.L_simem_size_0:
called_computation_lowered:
.L_overlay_start_0:
0x88: {  	s2 =	sld [smem:$0x3FD9]  }
0x89: {  	s3 =	sld [smem:$0x3FFE];
	_ =	sdelay $0x1  }
0x8a: {  	s1 =	srdreg.scid  }
0x8b: {  	s0 =	sand.u32 $0x1, s1  }
0x8c: {  	s14 =	sshll.u32 s0, $0xA;
	s2 =	sadd.s32 s3, s2  }
0x8d: {  	s2 =	sadd.s32 s2, s14  }
0x8e: {  	[smem:$0x3FC0] =	sst s2  }
0x8f: {  	_ = 	snop  }
0x90: {  	s2 =	sld [smem:$0x3FD0];
	_ =	sdelay $0x2  }
0x91: {  	s4 =	simm.s32 $0xA;
	s5 =	simm.s32 $0x10;
	s15 =	sld [smem:$0x3FC5]  }
0x92: {  	[smem:s5], [sflag:s4] =	dma.local [hbm:s2], $0x1  }
0x93: {  	_ =	swait.eq [sflag:s4], $0x1  }
0x94: {  	[sflag:s4] =	ssyncset.done $0x0  }
0x95: {  	s16 =	sld [smem:$0x10];
	[sflag:s4] =	ssyncadd.s32 $0xFFFFFFFF  }
0x96: {  	s17 =	sld [smem:$0x11];
	(tm) =	ssettm $0x1  }
0x97: {  	s18 =	sld [smem:$0x3FFB];
	_ =	sdelay $0x3  }
0x98: {  	_ =	strace s18  }
0x99: {  	s5 =	sld [smem:$0x3FFC];
	_ =	sdelay $0x3  }
0x9a: {  	_ =	strace s5  }
0x9b: {  	s5 =	sld [smem:$0x3FFD];
	_ =	sdelay $0x3  }
0x9c: {  	_ =	strace s5  }
0x9d: {  	_ =	strace $0x8FFFFFFF  }
0x9e: {  	s19 =	sld [smem:$0x3FDB];
	_ =	sdelay $0x1  }
0x9f: {  	s6 =	simm.s32 $_scs_section_size  }
0xa0: {  	s7 =	simm.s32 $_size__tile_overlayer_lowered;
	s8 =	simm.s32 $_tile_overlayer_lowered  }
0xa1: {  	s22 =	simm.s32 $0x1BFF;
	s21 =	sshll.u32 s8, $0x1;
	s5 =	sadd.s32 s6, s19  }
0xa2: {  	s9 =	simm.s32 $0x0;
	s20 =	sshll.u32 s7, $0x1;
	s7 =	sadd.s32 s21, s5  }
0xa3: {  	[timem:s9], [sflag:s22] =	dma.local [hbm:s7], s20  }
0xa4: {  	_ =	swait.ge [sflag:s22], s20  }
0xa5: {  	s6 =	ssub.s32 $0x0, s20;
	[sflag:s22] =	ssyncset.done $0x0  }
0xa6: {  	[sflag:s22] =	ssyncadd.s32 s6;
	_ =	sdelay $0x1  }
0xa7: {  	s23 =	simm.s32 $0x1B8B  }
0xa8: {  	_ =	swait.ge [sflag:s23], $0x1  }
0xa9: {  	[sflag:s23] =	ssyncset.done $0x0  }
0xaa: {  	s25 =	simm.s32 $0x1B8E;
	s24 =	sld [smem:$0x3FFE];
	[sflag:s23] =	ssyncadd.s32 $0xFFFFFFFF  }
0xab: {  	s26 =	simm.s32 $execute0_lowered;
	[smem:$0x3FD2] =	sst s25  }
0xac: {  	s7 =	sshll.u32 s26, $0x1;
	_ =	strace $0x80000046;
	[dreg:$0x1] =	wrdreg $0xFFFFFFFF  }
0xad: {  	s28 =	simm.s32 $_size_execute0_lowered;
	s5 =	sadd.s32 s5, s7;
	[dreg:$0x0] =	wrdreg $0x0  }
0xae: {  	s7 =	sshll.u32 s28, $0x1;
	[dreg:$0x2] =	wrdreg s5  }
0xaf: {  	[dreg:$0x3] =	wrdreg s7  }
0xb0: {  	[dreg:$0x4] =	wrdreg $0xC0  }
0xb1: {  	_ =	task [dreg:s9], $0x5FFFF  }
0xb2: {  	[dreg:$0x1] =	wrdreg $0xFFFFFFFF  }
0xb3: {  	[dreg:$0x0] =	wrdreg $0x60  }
0xb4: {  	[dreg:$0x2] =	wrdreg s24  }
0xb5: {  	[dreg:$0x3] =	wrdreg s15  }
0xb6: {  	[dreg:$0x4] =	wrdreg s16  }
0xb7: {  	[dreg:$0x5] =	wrdreg s17  }
0xb8: {  	[dreg:$0x6] =	wrdreg $0x0  }
0xb9: {  	[dreg:$0x7] =	wrdreg $0x9  }
0xba: {  	_ =	task.clear_ibuf [dreg:s9], $0x8FFFF;
	_ =	strace $0x90000046  }
0xbb: {  	s29 =	simm.s32 $0x9;
	_ =	strace $0x80000048  }
0xbc: {  	_ =	swait.ge [sflag:s29], $0x1  }
0xbd: {  	[sflag:s29] =	ssyncadd.s32 $0xFFFFFFFF  }
0xbe: {  	_ =	strace $0x90000048  }
0xbf: {  	_ =	sfence  }
0xc0: {  	s30 =	sld [smem:$0x0];
	_ =	sdelay $0x2  }
0xc1: {  	s31 =	sshll.u32 s1, $0xD;
	s1 =	sshrl.u32 s1, $0x2  }
0xc2: {  	s3 =	sand.u32 $0x4000, s31;
	s1 =	sadd.s32 s1, s30  }
0xc3: {  	s0 =	sor.u32 s3, s0;
	s1 =	sshll.u32 s1, $0x11  }
0xc4: {  	s0 =	sor.u32 s1, s0  }
0xc5: {  	s0 =	sadd.s32 $0x8F2B, s0  }
0xc6: {  	[sflag:s0] =	ssyncadd.remote.s32 $0x1  }
0xc7: {  	_ =	sfence.sel $0xFFFF  }
0xc8: {  	[dreg:$0x0] =	wrdreg $0xFFFFFFFF;
	(pc) =	sbr.abs _section_cstart, $3  }
0xc9: {  	[dreg:$0x1] =	wrdreg $0xFFFFFFFF  }
0xca: {  	_ =	task.clear_ibuf [dreg:s9], $0x2FFFF;
	_ =	strace $0x9FFFFFFF  }
0xcb: {  	(tm) =	ssettm $0x7FFFFFFF  }
tec
execute0_lowered:
.L_overlay_start_1:
0x0: {  	(tag) =	ssettag $0x1  }
0x1: {  	s1 =	rddreg [dreg:$0x0]  }
0x2: {  	s0 =	rddreg [dreg:$0x1]  }
0x3: {  	s3 =	rddreg [dreg:$0x2]  }
0x4: {  	s4 =	rddreg [dreg:$0x3];
	s5 =	srdreg.scid  }
0x5: {  	s2 =	rddreg [dreg:$0x4];
	s19 =	stileid.u32  }
0x6: {  	s5 =	sand.u32 $0x1, s5;
	s6 =	sadd.s32 $0x2200, s1;
	s13 =	smul.u32 $0x9C40, s19  }
0x7: {  	s7 =	sadd.s32 $0x2400, s1;
	s15 =	sadd.s32 $0x2600, s1;
	s8 =	smul.u32 $0x28, s5  }
0x8: {  	s29 =	sadd.s32 $0x162200, s1;
	s9 =	ssub.s32 $0x2, s5;
	s11 =	smul.u32 $0x78, s5  }
0x9: {  	s10 =	sshll.u32 s5, $0x2;
	s18 =	sshllo.u32 s5, $0x2;
	s22 =	smul.u32 $0x271000, s5  }
0xa: {  	s12 =	sshrl.u32 s9, $0x1;
	s14 =	sor.u32 $0x1, s10;
	s28 =	smul.u32 $0xA, s18  }
0xb: {  	s10 =	sor.u32 $0x2, s10;
	s21 =	smul.u32 $0x1E, s18;
	s16 =	sadd.s32 s6, s8  }
0xc: {  	s9 =	ssub.s32 s9, s12;
	s8 =	sadd.s32 s7, s8;
	[dreg:$0x6] =	wrdreg s16  }
0xd: {  	s23 =	smul.u32 $0xA, s14;
	s11 =	sadd.s32 s15, s11;
	[dreg:$0x7] =	wrdreg s8  }
0xe: {  	s24 =	smul.u32 $0x1E, s14;
	[dreg:$0x8] =	wrdreg s11;
	s16 =	simm.s32 $0x0  }
0xf: {  	s25 =	smul.u32 $0xA, s10;
	s26 =	sadd.s32 s6, s23;
	[smem:$0x7FF] =	sst s16  }
0x10: {  	s20 =	smul.u32 $0x1E, s10;
	s12 =	sadd.s32 s7, s23;
	[dreg:$0x9] =	wrdreg s26  }
0x11: {  	s17 =	sadd.s32 s6, s25;
	s8 =	sadd.s32 s7, s25;
	[dreg:$0xa] =	wrdreg s12  }
0x12: {  	s6 =	sadd.s32 s6, s28;
	s23 =	sadd.s32 s15, s24;
	[dreg:$0xb] =	wrdreg s17  }
0x13: {  	s24 =	sadd.s32 s15, s20;
	s20 =	smul.u32 $0x27100, s14;
	[dreg:$0xc] =	wrdreg s8  }
0x14: {  	s7 =	sadd.s32 s7, s28;
	[dreg:$0xd] =	wrdreg s6;
	s17 =	smul.u32 $0x9C400, s5  }
0x15: {  	s30 =	sadd.s32 $0x189400, s1;
	[dreg:$0xe] =	wrdreg s7;
	s26 =	smul.u32 $0x9C400, s14  }
0x16: {  	s31 =	sadd.s32 $0x2800, s1;
	[dreg:$0xf] =	wrdreg s23;
	s8 =	smul.u32 $0x9C400, s10  }
0x17: {  	s25 =	sadd.s32 s13, s22;
	[dreg:$0x10] =	wrdreg s24;
	s12 =	smul.u32 $0x9C400, s18  }
0x18: {  	s6 =	sadd.s32 s15, s21;
	s5 =	sshrl.u32 s25, $0x3;
	s14 =	smul.u32 $0x27100, s10  }
0x19: {  	s10 =	simm.s32 $0x9C40;
	[dreg:$0x11] =	wrdreg s6;
	s28 =	sadd.s32 s3, s5  }
0x1a: {  	s5 =	sadd.s32 s4, s5;
	_ =	strace $0x80000047;
	[dreg:$0x12] =	wrdreg s28  }
0x1b: {  	[dreg:$0x13] =	wrdreg s5;
	s11 =	sadd.s32 s13, s26;
	s7 =	sadd.s32 s13, s8  }
0x1c: {  	s6 =	sadd.s32 s13, s12;
	s26 =	smul.u32 $0x2710, s19;
	s28 =	smax.u32 s9, $0x1  }
0x1d: {  	s12 =	simm.s32 $0x13880;
	s19 =	simm.s32 $0x1;
	s5 =	sshrl.u32 s11, $0x3  }
0x1e: {  	s7 =	sshrl.u32 s7, $0x3;
	s21 =	sshrl.u32 s6, $0x3;
	[dreg:$0x1a] =	wrdreg s28  }
0x1f: {  	s11 =	simm.s32 $0x138D0;
	s15 =	sadd.s32 s3, s5;
	s5 =	sadd.s32 s4, s5  }
0x20: {  	s22 =	sadd.s32 s3, s7;
	s23 =	sadd.s32 s4, s7;
	[dreg:$0x14] =	wrdreg s15  }
0x21: {  	s3 =	sadd.s32 s3, s21;
	s24 =	sadd.s32 s4, s21;
	[dreg:$0x15] =	wrdreg s5  }
0x22: {  	s25 =	sadd.s32 s26, s1;
	s1 =	sadd.s32 s13, s2;
	[dreg:$0x16] =	wrdreg s22  }
0x23: {  	s4 =	smul.u32 $0x27100, s18;
	s7 =	simm.s32 $0x2;
	[dreg:$0x17] =	wrdreg s23  }
0x24: {  	s13 =	simm.s32 $0x13920;
	s18 =	simm.s32 $0x13BA0;
	[dreg:$0x18] =	wrdreg s3  }
0x25: {  	s21 =	simm.s32 $0x14FA0;
	[dreg:$0x19] =	wrdreg s24;
	s3 =	sadd.s32 $0x1FE800, s25  }
0x26: {  	v0 =	vimm.f32 $0.0e+00;
	s15 =	simm.s32 $0x50;
	s22 =	simm.s32 $0x140A0;
	s23 =	simm.s32 $0x0  }
.LBB2_1:
0x27: {  	s6 =	simm.s32 $0x100;
	s5 =	simm.s32 $0x0  }
.LBB2_2:
0x28: {  	p0 =	sne.s32 s6, $0x27000;
	[tilespmem:s5+$0x9C70] =	vst v0;
	s8 =	smov.u32 s6;
	s6 =	sadd.s32 $0x100, s6  }
.Ltmp0:
0x29: {  	[tilespmem:s5+$0x9C60] =	vst v0;
	(pc) =	sbr.rel @p0 .LBB2_2-.Ltmp0, $3  }
0x2a: {  	[tilespmem:s5+$0x9C40] =	vst v0  }
0x2b: {  	[tilespmem:s5+$0x9C50] =	vst v0;
	_ =	sdelay $0x1  }
0x2c: {  	s5 =	sshra.s32 s8, $0x2  }
0x2d: {  	[tilespmem:s5+$0x9C70] =	vst v0  }
0x2e: {  	[tilespmem:s5+$0x9C60] =	vst v0  }
0x2f: {  	[tilespmem:s5+$0x9C40] =	vst v0  }
0x30: {  	[tilespmem:s5+$0x9C50] =	vst v0;
	s24 =	simm.s32 $0x0;
	s28 =	rddreg [dreg:$0x6];
	s6 =	simm.s32 $0x163A0  }
0x31: {  	[tilespmem:s6], [sflag:$0x2] =	stream.linear.gather [hbm4b:s28+s24], $0x50, $0x38;
	[tilespmem:$0x16530] =	vst v63  }
0x32: {  	_ =	swait.ge [sflag:s7], $0x50  }
0x33: {  	[sflag:s7] =	ssyncset.done $0x0  }
0x34: {  	s9 =	simm.s32 $0x163F0;
	s8 =	rddreg [dreg:$0x7];
	[sflag:s7] =	ssyncadd.s32 $0xFFFFFFB0  }
0x35: {  	[tilespmem:s9], [sflag:$0x2] =	stream.linear.gather [hbm4b:s8+s24], $0x50, $0x38;
	[tilespmem:$0x16530] =	vst v63  }
0x36: {  	_ =	swait.ge [sflag:s7], $0x50  }
0x37: {  	[sflag:s7] =	ssyncset.done $0x0  }
0x38: {  	s28 =	simm.s32 $0x16440;
	s25 =	rddreg [dreg:$0x8];
	[sflag:s7] =	ssyncadd.s32 $0xFFFFFFB0  }
0x39: {  	[tilespmem:s28], [sflag:$0x2] =	stream.linear.gather [hbm4b:s25+s24], $0xF0, $0x38;
	[tilespmem:$0x16530] =	vst v63  }
0x3a: {  	_ =	swait.ge [sflag:s7], $0xF0  }
0x3b: {  	[sflag:s7] =	ssyncset.done $0x0  }
0x3c: {  	[sflag:s7] =	ssyncadd.s32 $0xFFFFFF10  }
0x3d: {  	[spmem:s1] =	stream.linear.scatter [tilespmem:s10], [sflag:$0x2], $0x9C40, $0x38;
	[tilespmem:$0x16530] =	vst v63  }
0x3e: {  	_ =	swait.ge [sflag:s7], $0x9C40  }
0x3f: {  	[sflag:s7] =	ssyncset.done $0x0  }
0x40: {  	[sflag:s7] =	ssyncadd.s32 $0xFFFF63C0  }
0x41: {  	[bflag:$0x0] =	sbarrier.arrive $0xFFFF  }
0x42: {  	v1 =	vld [tilespmem:$0x163A0]  }
0x43: {  	v2 =	vld [tilespmem:$0x163B0]  }
0x44: {  	v3 =	vld [tilespmem:$0x163C0]  }
0x45: {  	v4 =	vld [tilespmem:$0x163D0]  }
0x46: {  	v5 =	vld [tilespmem:$0x163E0]  }
0x47: {  	v6 =	vld [tilespmem:$0x163F0]  }
0x48: {  	v7 =	vld [tilespmem:$0x16400]  }
0x49: {  	v8 =	vld [tilespmem:$0x16410]  }
0x4a: {  	v9 =	vld [tilespmem:$0x16420]  }
0x4b: {  	v10 =	vld [tilespmem:$0x16430]  }
.LBB2_4:
0x4c: {  	s5 =	smul.u32 $0x50, s24;
	_ =	sdelay $0x1  }
0x4d: {  	s6 =	sadd.s32 s26, s5  }
0x4e: {  	s8 =	sadd.s32 s17, s6  }
0x4f: {  	s8 =	sshrl.u32 s8, $0x3  }
0x50: {  	s8 =	sadd.s32 s31, s8  }
0x51: {  	[tilespmem:s11], [sflag:$0x2] =	stream.linear.gather [hbm4b:s8+s16], $0x50, $0x38;
	[tilespmem:$0x16530] =	vst v63  }
0x52: {  	_ =	swait.ge [sflag:s7], $0x50  }
0x53: {  	s6 =	sshrl.u32 s6, $0x3;
	[sflag:s7] =	ssyncset.done $0x0  }
0x54: {  	s6 =	sadd.s32 s0, s6;
	[sflag:s7] =	ssyncadd.s32 $0xFFFFFFB0  }
0x55: {  	[tilespmem:s12], [sflag:$0x2] =	stream.linear.gather [hbm4b:s6+s16], $0x50, $0x38;
	[tilespmem:$0x16530] =	vst v63  }
0x56: {  	_ =	swait.ge [sflag:s7], $0x50  }
0x57: {  	[sflag:s7] =	ssyncset.done $0x0  }
0x58: {  	s5 =	sadd.s32 s3, s5;
	[sflag:s7] =	ssyncadd.s32 $0xFFFFFFB0  }
0x59: {  	[tilespmem:s13], [sflag:$0x2] =	stream.linear.gather [hbm4b:s5+s16], $0x280, $0x38;
	[tilespmem:$0x16530] =	vst v63  }
0x5a: {  	_ =	swait.ge [sflag:s7], $0x280  }
0x5b: {  	[sflag:s7] =	ssyncset.done $0x0  }
0x5c: {  	[sflag:s7] =	ssyncadd.s32 $0xFFFFFD80  }
0x5d: {  	[tilespmem:s18], [sflag:$0x1] =	stream.indirect.gather [hbm4b:s29+s15], $0x10, s11, s15, $0xb8;
	[tilespmem:$0x16530] =	vst v63  }
0x5e: {  	_ =	swait.ge [sflag:s19], $0x500  }
0x5f: {  	s9 =	simm.s32 $0x15020;
	s8 =	simm.s32 $0x13BC0;
	[sflag:s19] =	ssyncset.done $0x0  }
0x60: {  	s6 =	simm.s32 $0x13930;
	s5 =	simm.s32 $0xFFFFFFFE;
	[sflag:s19] =	ssyncadd.s32 $0xFFFFFB00  }
.LBB2_5:
0x61: {  	v11 =	vld [tilespmem:s6+$0xFFFFFFF0];
	_ =	sdelay $0x4  }
0x62: {  	v12 =	vbroadcast v11, $0x0;
	v13 =	vbroadcast v11, $0x1  }
0x63: {  	v16 =	vbroadcast v11, $0x2  }
0x64: {  	v14 =	vmul.f32 v12, v6;
	v15 =	vmul.f32 v13, v7  }
0x65: {  	v12 =	vmul.f32 v12, v1;
	v13 =	vmul.f32 v13, v2  }
0x66: {  	v17 =	vbroadcast v11, $0x3;
	v39 =	vmul.f32 v16, v8;
	v14 =	vadd.f32 v15, v14  }
0x67: {  	v40 =	vmul.f32 v16, v3;
	v12 =	vadd.f32 v13, v12  }
0x68: {  	v42 =	vbroadcast v11, $0x4;
	v41 =	vmul.f32 v17, v9;
	v14 =	vadd.f32 v14, v39  }
0x69: {  	v44 =	vld [tilespmem:s8+$0xFFFFFFE0];
	v48 =	vbroadcast v11, $0x5;
	v43 =	vmul.f32 v17, v4;
	v12 =	vadd.f32 v12, v40  }
0x6a: {  	v49 =	vbroadcast v11, $0x6;
	v45 =	vmul.f32 v42, v10;
	v14 =	vadd.f32 v14, v41  }
0x6b: {  	v50 =	vbroadcast v11, $0x7;
	v46 =	vmul.f32 v42, v5;
	v12 =	vadd.f32 v12, v43  }
0x6c: {  	v51 =	vbroadcast v11, $0x8;
	v18 =	vbroadcast v11, $0x9;
	v14 =	vadd.f32 v14, v45  }
0x6d: {  	v20 =	vbroadcast v11, $0xA;
	v57 =	vbroadcast v11, $0xB;
	v12 =	vadd.f32 v12, v46  }
0x6e: {  	v52 =	vmul.f32 v51, v6;
	v47 =	vmul.f32 v14, v44  }
0x6f: {  	v19 =	vmul.f32 v18, v7;
	v12 =	vmul.f32 v12, v44  }
0x70: {  	v53 =	vmul.f32 v51, v1;
	v14 =	vmul.f32 v47, v48  }
0x71: {  	v54 =	vmul.f32 v18, v2;
	v15 =	vmul.f32 v47, v49;
	[tilespmem:s9+$0xFFFFFF80] =	vst v12  }
0x72: {  	v56 =	vmul.f32 v20, v8;
	v55 =	vadd.f32 v19, v52;
	v13 =	vmul.f32 v47, v50;
	[tilespmem:s9+$0xFFFFFF90] =	vst v14  }
0x73: {  	v58 =	vmul.f32 v20, v3;
	v12 =	vadd.f32 v54, v53;
	[tilespmem:s9+$0xFFFFFFA0] =	vst v15  }
0x74: {  	v61 =	vbroadcast v11, $0xC;
	v60 =	vmul.f32 v57, v9;
	v59 =	vadd.f32 v55, v56;
	[tilespmem:s9+$0xFFFFFFB0] =	vst v13  }
0x75: {  	v62 =	vmul.f32 v57, v4;
	v12 =	vadd.f32 v12, v58;
	v63 =	vld [tilespmem:s8+$0xFFFFFFF0]  }
0x76: {  	v20 =	vmul.f32 v61, v10;
	v13 =	vadd.f32 v59, v60  }
0x77: {  	v21 =	vmul.f32 v61, v5;
	v12 =	vadd.f32 v12, v62  }
0x78: {  	v13 =	vadd.f32 v13, v20  }
0x79: {  	v12 =	vadd.f32 v12, v21  }
0x7a: {  	v22 =	vbroadcast v11, $0xD;
	v13 =	vmul.f32 v13, v63  }
0x7b: {  	v23 =	vbroadcast v11, $0xE;
	v12 =	vmul.f32 v12, v63  }
0x7c: {  	v11 =	vbroadcast v11, $0xF;
	v14 =	vmul.f32 v13, v22  }
0x7d: {  	[tilespmem:s9+$0xFFFFFFC0] =	vst v12;
	v24 =	vmul.f32 v13, v23  }
0x7e: {  	v11 =	vmul.f32 v13, v11;
	[tilespmem:s9+$0xFFFFFFD0] =	vst v14  }
0x7f: {  	[tilespmem:s9+$0xFFFFFFE0] =	vst v24  }
0x80: {  	[tilespmem:s9+$0xFFFFFFF0] =	vst v11  }
0x81: {  	v11 =	vld [tilespmem:s6+$0x0];
	_ =	sdelay $0x4  }
0x82: {  	v25 =	vbroadcast v11, $0x0;
	v26 =	vbroadcast v11, $0x1  }
0x83: {  	v29 =	vbroadcast v11, $0x2  }
0x84: {  	v27 =	vmul.f32 v25, v6;
	v28 =	vmul.f32 v26, v7  }
0x85: {  	v12 =	vmul.f32 v25, v1;
	v13 =	vmul.f32 v26, v2  }
0x86: {  	v31 =	vbroadcast v11, $0x3;
	v30 =	vmul.f32 v29, v8;
	v14 =	vadd.f32 v28, v27  }
0x87: {  	v32 =	vmul.f32 v29, v3;
	v12 =	vadd.f32 v13, v12  }
0x88: {  	v34 =	vbroadcast v11, $0x4;
	v33 =	vmul.f32 v31, v9;
	v14 =	vadd.f32 v14, v30  }
0x89: {  	v36 =	vld [tilespmem:s8+$0x0];
	v40 =	vbroadcast v11, $0x5;
	v35 =	vmul.f32 v31, v4;
	v12 =	vadd.f32 v12, v32  }
0x8a: {  	v41 =	vbroadcast v11, $0x6;
	v37 =	vmul.f32 v34, v10;
	v14 =	vadd.f32 v14, v33  }
0x8b: {  	v42 =	vbroadcast v11, $0x7;
	v38 =	vmul.f32 v34, v5;
	v12 =	vadd.f32 v12, v35  }
0x8c: {  	v43 =	vbroadcast v11, $0x8;
	v44 =	vbroadcast v11, $0x9;
	v14 =	vadd.f32 v14, v37  }
0x8d: {  	v47 =	vbroadcast v11, $0xA;
	v52 =	vbroadcast v11, $0xB;
	v12 =	vadd.f32 v12, v38  }
0x8e: {  	v45 =	vmul.f32 v43, v6;
	v39 =	vmul.f32 v14, v36  }
0x8f: {  	v46 =	vmul.f32 v44, v7;
	v12 =	vmul.f32 v12, v36  }
0x90: {  	v48 =	vmul.f32 v43, v1;
	v14 =	vmul.f32 v39, v40  }
0x91: {  	v49 =	vmul.f32 v44, v2;
	v15 =	vmul.f32 v39, v41;
	[tilespmem:s9+$0x0] =	vst v12  }
0x92: {  	v51 =	vmul.f32 v47, v8;
	v50 =	vadd.f32 v46, v45;
	v13 =	vmul.f32 v39, v42;
	[tilespmem:s9+$0x10] =	vst v14  }
0x93: {  	v53 =	vmul.f32 v47, v3;
	v12 =	vadd.f32 v49, v48;
	[tilespmem:s9+$0x20] =	vst v15  }
0x94: {  	v56 =	vbroadcast v11, $0xC;
	v55 =	vmul.f32 v52, v9;
	v54 =	vadd.f32 v50, v51;
	[tilespmem:s9+$0x30] =	vst v13  }
0x95: {  	v57 =	vmul.f32 v52, v4;
	v12 =	vadd.f32 v12, v53;
	v58 =	vld [tilespmem:s8+$0x10]  }
0x96: {  	v59 =	vmul.f32 v56, v10;
	v13 =	vadd.f32 v54, v55  }
0x97: {  	v60 =	vmul.f32 v56, v5;
	v12 =	vadd.f32 v12, v57  }
0x98: {  	v13 =	vadd.f32 v13, v59  }
0x99: {  	v12 =	vadd.f32 v12, v60  }
0x9a: {  	s5 =	sadd.s32 $0x2, s5;
	v61 =	vbroadcast v11, $0xD;
	v13 =	vmul.f32 v13, v58  }
0x9b: {  	p0 =	slt.u32 s5, $0x26;
	v62 =	vbroadcast v11, $0xE;
	v12 =	vmul.f32 v12, v58  }
.Ltmp1:
0x9c: {  	v11 =	vbroadcast v11, $0xF;
	v14 =	vmul.f32 v13, v61;
	(pc) =	sbr.rel @p0 .LBB2_5-.Ltmp1, $4  }
0x9d: {  	[tilespmem:s9+$0x40] =	vst v12;
	v63 =	vmul.f32 v13, v62  }
0x9e: {  	v11 =	vmul.f32 v13, v11;
	[tilespmem:s9+$0x50] =	vst v14  }
0x9f: {  	[tilespmem:s9+$0x60] =	vst v63  }
0xa0: {  	s6 =	sadd.s32 $0x20, s6;
	s8 =	sadd.s32 $0x40, s8;
	[tilespmem:s9+$0x70] =	vst v11;
	s9 =	sadd.s32 $0x100, s9  }
0xa1: {  	s24 =	sadd.s32 $0x1, s24  }
0xa2: {  	p0 =	sne.s32 s24, $0x7D  }
.Ltmp2:
0xa3: {  	_ = 	snop;
	(pc) =	sbr.rel @p0 .LBB2_4-.Ltmp2, $4  }
0xa4: {  	[spmem:s2] =	stream.indirect.scatter.add.f32 [tilespmem:s21], [sflag:$0x2], $0x40, s12, s15, $0xb8;
	[tilespmem:$0x16530] =	vst v63  }
0xa5: {  	_ =	swait.ge [sflag:s7], $0x1400  }
0xa6: {  	[sflag:s7] =	ssyncset.done $0x0  }
0xa7: {  	[sflag:s7] =	ssyncadd.s32 $0xFFFFEC00  }
0xa8: {  	s5 =	stileid.u32  }
0xa9: {  	[bflag:$0x0] =	sbarrier.arrive $0xFFFF;
	s5 =	sshll.u32 s5, $0x6  }
0xaa: {  	s25 =	sshrl.u32 s1, $0x3;
	s28 =	rddreg [dreg:$0x12];
	s24 =	sor.u32 $0x1C02, s5  }
0xab: {  	[hbm:s28], [sflag:s24] =	dma.local [spmem:s25], $0x1388  }
0xac: {  	_ =	swait.ge [sflag:s7], $0x1388  }
0xad: {  	[sflag:s7] =	ssyncset.done $0x0  }
0xae: {  	[sflag:s7] =	ssyncadd.s32 $0xFFFFEC78  }
0xaf: {  	[spmem:s1] =	stream.linear.scatter [tilespmem:s10], [sflag:$0x2], $0x9C40, $0x38;
	[tilespmem:$0x16530] =	vst v63  }
0xb0: {  	_ =	swait.ge [sflag:s7], $0x9C40  }
0xb1: {  	[sflag:s7] =	ssyncset.done $0x0  }
0xb2: {  	s6 =	simm.s32 $0x30;
	s5 =	simm.s32 $0x1C0;
	[sflag:s7] =	ssyncadd.s32 $0xFFFF63C0  }
.LBB2_8:
0xb3: {  	p0 =	sne.s32 s5, $0x4FC0;
	[tilespmem:s6+$0x14FA0] =	vst v0;
	s6 =	smov.u32 s5;
	s5 =	sadd.s32 $0x100, s5  }
.Ltmp3:
0xb4: {  	(pc) =	sbr.rel @p0 .LBB2_8-.Ltmp3, $2  }
0xb5: {  	_ =	sdelay $0x2  }
0xb6: {  	s6 =	sshra.s32 s6, $0x2  }
0xb7: {  	[tilespmem:s6+$0x14FA0] =	vst v0  }
0xb8: {  	[bflag:$0x0] =	sbarrier.arrive $0xFFFF  }
0xb9: {  	v1 =	vld [tilespmem:$0x16440]  }
0xba: {  	v2 =	vld [tilespmem:$0x16450]  }
0xbb: {  	v3 =	vld [tilespmem:$0x16460]  }
0xbc: {  	v4 =	vld [tilespmem:$0x16470]  }
0xbd: {  	v5 =	vld [tilespmem:$0x16480]  }
0xbe: {  	v6 =	vld [tilespmem:$0x16490]  }
0xbf: {  	v7 =	vld [tilespmem:$0x164A0]  }
0xc0: {  	v8 =	vld [tilespmem:$0x164B0]  }
0xc1: {  	v9 =	vld [tilespmem:$0x164C0]  }
0xc2: {  	v10 =	vld [tilespmem:$0x164D0]  }
0xc3: {  	v11 =	vld [tilespmem:$0x164E0]  }
0xc4: {  	v12 =	vld [tilespmem:$0x164F0]  }
0xc5: {  	v13 =	vld [tilespmem:$0x16500]  }
0xc6: {  	v14 =	vld [tilespmem:$0x16510]  }
0xc7: {  	s28 =	simm.s32 $0x0;
	v15 =	vld [tilespmem:$0x16520]  }
.LBB2_10:
0xc8: {  	s5 =	smul.u32 $0x50, s28;
	_ =	sdelay $0x1  }
0xc9: {  	s6 =	sadd.s32 s26, s5  }
0xca: {  	s8 =	sadd.s32 s17, s6  }
0xcb: {  	s8 =	sshrl.u32 s8, $0x3  }
0xcc: {  	s8 =	sadd.s32 s31, s8  }
0xcd: {  	[tilespmem:s11], [sflag:$0x2] =	stream.linear.gather [hbm4b:s8+s16], $0x50, $0x38;
	[tilespmem:$0x16530] =	vst v63  }
0xce: {  	_ =	swait.ge [sflag:s7], $0x50  }
0xcf: {  	s6 =	sshrl.u32 s6, $0x3;
	[sflag:s7] =	ssyncset.done $0x0  }
0xd0: {  	s6 =	sadd.s32 s0, s6;
	[sflag:s7] =	ssyncadd.s32 $0xFFFFFFB0  }
0xd1: {  	[tilespmem:s12], [sflag:$0x2] =	stream.linear.gather [hbm4b:s6+s16], $0x50, $0x38;
	[tilespmem:$0x16530] =	vst v63  }
0xd2: {  	_ =	swait.ge [sflag:s7], $0x50  }
0xd3: {  	[sflag:s7] =	ssyncset.done $0x0  }
0xd4: {  	s5 =	sadd.s32 s3, s5;
	[sflag:s7] =	ssyncadd.s32 $0xFFFFFFB0  }
0xd5: {  	[tilespmem:s13], [sflag:$0x2] =	stream.linear.gather [hbm4b:s5+s16], $0x280, $0x38;
	[tilespmem:$0x16530] =	vst v63  }
0xd6: {  	_ =	swait.ge [sflag:s7], $0x280  }
0xd7: {  	[sflag:s7] =	ssyncset.done $0x0  }
0xd8: {  	[sflag:s7] =	ssyncadd.s32 $0xFFFFFD80  }
0xd9: {  	[tilespmem:s22], [sflag:$0x1] =	stream.indirect.gather [hbm4b:s30+s15], $0x30, s11, s15, $0xb8;
	[tilespmem:$0x16530] =	vst v63  }
0xda: {  	_ =	swait.ge [sflag:s19], $0xF00  }
0xdb: {  	s9 =	simm.s32 $0x14100;
	s8 =	simm.s32 $0x15020;
	[sflag:s19] =	ssyncset.done $0x0  }
0xdc: {  	s6 =	simm.s32 $0x13930;
	s5 =	simm.s32 $0xFFFFFFFE;
	[sflag:s19] =	ssyncadd.s32 $0xFFFFF100  }
.LBB2_11:
0xdd: {  	v16 =	vld [tilespmem:s6+$0xFFFFFFF0];
	_ =	sdelay $0x4  }
0xde: {  	v17 =	vbroadcast v16, $0x0;
	v18 =	vbroadcast v16, $0x1  }
0xdf: {  	v21 =	vbroadcast v16, $0x2  }
0xe0: {  	v19 =	vmul.f32 v17, v1;
	v20 =	vmul.f32 v18, v4;
	_ =	sdelay $0x1  }
0xe1: {  	v22 =	vbroadcast v16, $0x3;
	v27 =	vmul.f32 v21, v7;
	v19 =	vadd.f32 v20, v19;
	_ =	sdelay $0x1  }
0xe2: {  	v23 =	vbroadcast v16, $0x4;
	v28 =	vmul.f32 v22, v10;
	v19 =	vadd.f32 v19, v27  }
0xe3: {  	v24 =	vld [tilespmem:s9+$0xFFFFFFA0]  }
0xe4: {  	v29 =	vmul.f32 v23, v13;
	v19 =	vadd.f32 v19, v28;
	_ =	sdelay $0x1  }
0xe5: {  	v30 =	vmul.f32 v17, v2;
	v25 =	vmul.f32 v18, v5;
	v19 =	vadd.f32 v19, v29;
	_ =	sdelay $0x1  }
0xe6: {  	v31 =	vmul.f32 v21, v8;
	v20 =	vadd.f32 v25, v30;
	v19 =	vmul.f32 v19, v24;
	_ =	sdelay $0x1  }
0xe7: {  	v33 =	vmul.f32 v22, v11;
	v32 =	vadd.f32 v20, v31;
	[tilespmem:s8+$0xFFFFFF80] =	vst v19  }
0xe8: {  	v34 =	vld [tilespmem:s9+$0xFFFFFFB0]  }
0xe9: {  	v35 =	vmul.f32 v23, v14;
	v19 =	vadd.f32 v32, v33;
	_ =	sdelay $0x1  }
0xea: {  	v17 =	vmul.f32 v17, v3;
	v18 =	vmul.f32 v18, v6;
	v19 =	vadd.f32 v19, v35;
	_ =	sdelay $0x1  }
0xeb: {  	v36 =	vmul.f32 v21, v9;
	v17 =	vadd.f32 v18, v17;
	v19 =	vmul.f32 v19, v34;
	_ =	sdelay $0x1  }
0xec: {  	v37 =	vmul.f32 v22, v12;
	v17 =	vadd.f32 v17, v36;
	[tilespmem:s8+$0xFFFFFF90] =	vst v19  }
0xed: {  	v39 =	vbroadcast v16, $0x8;
	v19 =	vld [tilespmem:s9+$0xFFFFFFC0]  }
0xee: {  	v40 =	vbroadcast v16, $0x9;
	v38 =	vmul.f32 v23, v15;
	v17 =	vadd.f32 v17, v37  }
0xef: {  	v43 =	vbroadcast v16, $0xA  }
0xf0: {  	v41 =	vmul.f32 v39, v1;
	v42 =	vmul.f32 v40, v4;
	v17 =	vadd.f32 v17, v38  }
0xf1: {  	v45 =	vbroadcast v16, $0xB  }
0xf2: {  	v44 =	vmul.f32 v43, v7;
	v18 =	vadd.f32 v42, v41;
	v17 =	vmul.f32 v17, v19;
	_ =	sdelay $0x1  }
0xf3: {  	v16 =	vbroadcast v16, $0xC;
	v46 =	vmul.f32 v45, v10;
	[tilespmem:s8+$0xFFFFFFA0] =	vst v17;
	v17 =	vadd.f32 v18, v44  }
0xf4: {  	v47 =	vld [tilespmem:s9+$0xFFFFFFD0]  }
0xf5: {  	v48 =	vmul.f32 v16, v13;
	v17 =	vadd.f32 v17, v46;
	_ =	sdelay $0x1  }
0xf6: {  	v49 =	vmul.f32 v39, v2;
	v50 =	vmul.f32 v40, v5;
	v17 =	vadd.f32 v17, v48;
	_ =	sdelay $0x1  }
0xf7: {  	v51 =	vmul.f32 v43, v8;
	v18 =	vadd.f32 v50, v49;
	v17 =	vmul.f32 v47, v17;
	_ =	sdelay $0x1  }
0xf8: {  	v52 =	vmul.f32 v45, v11;
	[tilespmem:s8+$0xFFFFFFC0] =	vst v17;
	v17 =	vadd.f32 v18, v51  }
0xf9: {  	v53 =	vld [tilespmem:s9+$0xFFFFFFE0]  }
0xfa: {  	v54 =	vmul.f32 v16, v14;
	v17 =	vadd.f32 v17, v52;
	_ =	sdelay $0x1  }
0xfb: {  	v55 =	vmul.f32 v39, v3;
	v56 =	vmul.f32 v40, v6;
	v17 =	vadd.f32 v17, v54;
	_ =	sdelay $0x1  }
0xfc: {  	v57 =	vmul.f32 v43, v9;
	v18 =	vadd.f32 v56, v55;
	v17 =	vmul.f32 v53, v17;
	_ =	sdelay $0x1  }
0xfd: {  	v58 =	vmul.f32 v45, v12;
	[tilespmem:s8+$0xFFFFFFD0] =	vst v17;
	v17 =	vadd.f32 v18, v57  }
0xfe: {  	v59 =	vld [tilespmem:s9+$0xFFFFFFF0]  }
0xff: {  	v16 =	vmul.f32 v16, v15;
	v17 =	vadd.f32 v17, v58;
	_ =	sdelay $0x1  }
0x100: {  	v16 =	vadd.f32 v17, v16;
	_ =	sdelay $0x1  }
0x101: {  	v16 =	vmul.f32 v59, v16;
	_ =	sdelay $0x1  }
0x102: {  	[tilespmem:s8+$0xFFFFFFE0] =	vst v16  }
0x103: {  	v16 =	vld [tilespmem:s6+$0x0];
	_ =	sdelay $0x4  }
0x104: {  	v17 =	vbroadcast v16, $0x0;
	v60 =	vbroadcast v16, $0x1  }
0x105: {  	v63 =	vbroadcast v16, $0x2  }
0x106: {  	v61 =	vmul.f32 v17, v1;
	v62 =	vmul.f32 v60, v4;
	_ =	sdelay $0x1  }
0x107: {  	v28 =	vbroadcast v16, $0x3;
	v27 =	vmul.f32 v63, v7;
	v19 =	vadd.f32 v62, v61;
	_ =	sdelay $0x1  }
0x108: {  	v30 =	vbroadcast v16, $0x4;
	v29 =	vmul.f32 v28, v10;
	v19 =	vadd.f32 v19, v27  }
0x109: {  	v31 =	vld [tilespmem:s9+$0x0]  }
0x10a: {  	v32 =	vmul.f32 v30, v13;
	v19 =	vadd.f32 v19, v29;
	_ =	sdelay $0x1  }
0x10b: {  	v33 =	vmul.f32 v17, v2;
	v34 =	vmul.f32 v60, v5;
	v19 =	vadd.f32 v19, v32;
	_ =	sdelay $0x1  }
0x10c: {  	v35 =	vmul.f32 v63, v8;
	v20 =	vadd.f32 v34, v33;
	v19 =	vmul.f32 v19, v31;
	_ =	sdelay $0x1  }
0x10d: {  	v37 =	vmul.f32 v28, v11;
	v36 =	vadd.f32 v20, v35;
	[tilespmem:s8+$0x0] =	vst v19  }
0x10e: {  	v38 =	vld [tilespmem:s9+$0x10]  }
0x10f: {  	v39 =	vmul.f32 v30, v14;
	v19 =	vadd.f32 v36, v37;
	_ =	sdelay $0x1  }
0x110: {  	v17 =	vmul.f32 v17, v3;
	v18 =	vmul.f32 v60, v6;
	v19 =	vadd.f32 v19, v39;
	_ =	sdelay $0x1  }
0x111: {  	v40 =	vmul.f32 v63, v9;
	v17 =	vadd.f32 v18, v17;
	v19 =	vmul.f32 v19, v38;
	_ =	sdelay $0x1  }
0x112: {  	v41 =	vmul.f32 v28, v12;
	v17 =	vadd.f32 v17, v40;
	[tilespmem:s8+$0x10] =	vst v19  }
0x113: {  	v43 =	vbroadcast v16, $0x8;
	v19 =	vld [tilespmem:s9+$0x20]  }
0x114: {  	v44 =	vbroadcast v16, $0x9;
	v42 =	vmul.f32 v30, v15;
	v17 =	vadd.f32 v17, v41  }
0x115: {  	v47 =	vbroadcast v16, $0xA  }
0x116: {  	v45 =	vmul.f32 v43, v1;
	v46 =	vmul.f32 v44, v4;
	v17 =	vadd.f32 v17, v42  }
0x117: {  	v49 =	vbroadcast v16, $0xB  }
0x118: {  	v48 =	vmul.f32 v47, v7;
	v18 =	vadd.f32 v46, v45;
	v17 =	vmul.f32 v17, v19;
	_ =	sdelay $0x1  }
0x119: {  	v16 =	vbroadcast v16, $0xC;
	v50 =	vmul.f32 v49, v10;
	[tilespmem:s8+$0x20] =	vst v17;
	v17 =	vadd.f32 v18, v48  }
0x11a: {  	v51 =	vld [tilespmem:s9+$0x30]  }
0x11b: {  	v52 =	vmul.f32 v16, v13;
	v17 =	vadd.f32 v17, v50;
	_ =	sdelay $0x1  }
0x11c: {  	v53 =	vmul.f32 v43, v2;
	v54 =	vmul.f32 v44, v5;
	v17 =	vadd.f32 v17, v52;
	_ =	sdelay $0x1  }
0x11d: {  	v55 =	vmul.f32 v47, v8;
	v18 =	vadd.f32 v54, v53;
	v17 =	vmul.f32 v51, v17;
	_ =	sdelay $0x1  }
0x11e: {  	v56 =	vmul.f32 v49, v11;
	[tilespmem:s8+$0x40] =	vst v17;
	v17 =	vadd.f32 v18, v55  }
0x11f: {  	v57 =	vld [tilespmem:s9+$0x40]  }
0x120: {  	v58 =	vmul.f32 v16, v14;
	v17 =	vadd.f32 v17, v56;
	_ =	sdelay $0x1  }
0x121: {  	v59 =	vmul.f32 v43, v3;
	v60 =	vmul.f32 v44, v6;
	v17 =	vadd.f32 v17, v58;
	_ =	sdelay $0x1  }
0x122: {  	v61 =	vmul.f32 v47, v9;
	v18 =	vadd.f32 v60, v59;
	v17 =	vmul.f32 v57, v17;
	_ =	sdelay $0x1  }
0x123: {  	v62 =	vmul.f32 v49, v12;
	[tilespmem:s8+$0x50] =	vst v17;
	v17 =	vadd.f32 v18, v61  }
0x124: {  	v63 =	vld [tilespmem:s9+$0x50]  }
0x125: {  	s5 =	sadd.s32 $0x2, s5;
	v16 =	vmul.f32 v16, v15;
	v17 =	vadd.f32 v17, v62  }
0x126: {  	p0 =	slt.u32 s5, $0x26  }
.Ltmp4:
0x127: {  	v16 =	vadd.f32 v17, v16;
	(pc) =	sbr.rel @p0 .LBB2_11-.Ltmp4, $3  }
0x128: {  	_ = 	snop  }
0x129: {  	v16 =	vmul.f32 v63, v16;
	_ =	sdelay $0x1  }
0x12a: {  	s6 =	sadd.s32 $0x20, s6;
	s9 =	sadd.s32 $0xC0, s9;
	[tilespmem:s8+$0x60] =	vst v16;
	s8 =	sadd.s32 $0x100, s8  }
0x12b: {  	s28 =	sadd.s32 $0x1, s28  }
0x12c: {  	p0 =	sne.s32 s28, $0x7D  }
.Ltmp5:
0x12d: {  	_ = 	snop;
	(pc) =	sbr.rel @p0 .LBB2_10-.Ltmp5, $4  }
0x12e: {  	[spmem:s2] =	stream.indirect.scatter.add.f32 [tilespmem:s21], [sflag:$0x2], $0x40, s12, s15, $0xb8;
	[tilespmem:$0x16530] =	vst v63  }
0x12f: {  	_ =	swait.ge [sflag:s7], $0x1400  }
0x130: {  	[sflag:s7] =	ssyncset.done $0x0  }
0x131: {  	[sflag:s7] =	ssyncadd.s32 $0xFFFFEC00  }
0x132: {  	[bflag:$0x0] =	sbarrier.arrive $0xFFFF  }
0x133: {  	s5 =	rddreg [dreg:$0x13]  }
0x134: {  	[hbm:s5], [sflag:s24] =	dma.local [spmem:s25], $0x1388  }
0x135: {  	_ =	swait.ge [sflag:s7], $0x1388  }
0x136: {  	s28 =	simm.s32 $0x0;
	[sflag:s7] =	ssyncset.done $0x0  }
0x137: {  	s6 =	simm.s32 $0x163A0;
	s9 =	rddreg [dreg:$0x9];
	[sflag:s7] =	ssyncadd.s32 $0xFFFFEC78  }
0x138: {  	[tilespmem:s6], [sflag:$0x2] =	stream.linear.gather [hbm4b:s9+s28], $0x50, $0x38;
	[tilespmem:$0x16530] =	vst v63  }
0x139: {  	_ =	swait.ge [sflag:s7], $0x50  }
0x13a: {  	[sflag:s7] =	ssyncset.done $0x0  }
0x13b: {  	s9 =	simm.s32 $0x163F0;
	s8 =	rddreg [dreg:$0xa];
	[sflag:s7] =	ssyncadd.s32 $0xFFFFFFB0  }
0x13c: {  	[tilespmem:s9], [sflag:$0x2] =	stream.linear.gather [hbm4b:s8+s28], $0x50, $0x38;
	[tilespmem:$0x16530] =	vst v63  }
0x13d: {  	_ =	swait.ge [sflag:s7], $0x50  }
0x13e: {  	[sflag:s7] =	ssyncset.done $0x0  }
0x13f: {  	s9 =	simm.s32 $0x16440;
	s8 =	rddreg [dreg:$0xf];
	[sflag:s7] =	ssyncadd.s32 $0xFFFFFFB0  }
0x140: {  	[tilespmem:s9], [sflag:$0x2] =	stream.linear.gather [hbm4b:s8+s28], $0xF0, $0x38;
	[tilespmem:$0x16530] =	vst v63  }
0x141: {  	_ =	swait.ge [sflag:s7], $0xF0  }
0x142: {  	[sflag:s7] =	ssyncset.done $0x0  }
0x143: {  	[sflag:s7] =	ssyncadd.s32 $0xFFFFFF10  }
0x144: {  	[spmem:s1] =	stream.linear.scatter [tilespmem:s10], [sflag:$0x2], $0x9C40, $0x38;
	[tilespmem:$0x16530] =	vst v63  }
0x145: {  	_ =	swait.ge [sflag:s7], $0x9C40  }
0x146: {  	[sflag:s7] =	ssyncset.done $0x0  }
0x147: {  	[sflag:s7] =	ssyncadd.s32 $0xFFFF63C0  }
0x148: {  	[bflag:$0x0] =	sbarrier.arrive $0xFFFF  }
0x149: {  	v1 =	vld [tilespmem:$0x163A0]  }
0x14a: {  	v2 =	vld [tilespmem:$0x163B0]  }
0x14b: {  	v3 =	vld [tilespmem:$0x163C0]  }
0x14c: {  	v4 =	vld [tilespmem:$0x163D0]  }
0x14d: {  	v5 =	vld [tilespmem:$0x163E0]  }
0x14e: {  	v6 =	vld [tilespmem:$0x163F0]  }
0x14f: {  	v7 =	vld [tilespmem:$0x16400]  }
0x150: {  	v8 =	vld [tilespmem:$0x16410]  }
0x151: {  	v9 =	vld [tilespmem:$0x16420]  }
0x152: {  	v10 =	vld [tilespmem:$0x16430]  }
.LBB2_14:
0x153: {  	s5 =	smul.u32 $0x50, s28;
	_ =	sdelay $0x1  }
0x154: {  	s6 =	sadd.s32 s26, s5  }
0x155: {  	s8 =	sadd.s32 s20, s6  }
0x156: {  	s8 =	sshrl.u32 s8, $0x3  }
0x157: {  	s8 =	sadd.s32 s31, s8  }
0x158: {  	[tilespmem:s11], [sflag:$0x2] =	stream.linear.gather [hbm4b:s8+s16], $0x50, $0x38;
	[tilespmem:$0x16530] =	vst v63  }
0x159: {  	_ =	swait.ge [sflag:s7], $0x50  }
0x15a: {  	s6 =	sshrl.u32 s6, $0x3;
	[sflag:s7] =	ssyncset.done $0x0  }
0x15b: {  	s6 =	sadd.s32 s0, s6;
	[sflag:s7] =	ssyncadd.s32 $0xFFFFFFB0  }
0x15c: {  	[tilespmem:s12], [sflag:$0x2] =	stream.linear.gather [hbm4b:s6+s16], $0x50, $0x38;
	[tilespmem:$0x16530] =	vst v63  }
0x15d: {  	_ =	swait.ge [sflag:s7], $0x50  }
0x15e: {  	[sflag:s7] =	ssyncset.done $0x0  }
0x15f: {  	s5 =	sadd.s32 s3, s5;
	[sflag:s7] =	ssyncadd.s32 $0xFFFFFFB0  }
0x160: {  	[tilespmem:s13], [sflag:$0x2] =	stream.linear.gather [hbm4b:s5+s16], $0x280, $0x38;
	[tilespmem:$0x16530] =	vst v63  }
0x161: {  	_ =	swait.ge [sflag:s7], $0x280  }
0x162: {  	[sflag:s7] =	ssyncset.done $0x0  }
0x163: {  	[sflag:s7] =	ssyncadd.s32 $0xFFFFFD80  }
0x164: {  	[tilespmem:s18], [sflag:$0x1] =	stream.indirect.gather [hbm4b:s29+s15], $0x10, s11, s15, $0xb8;
	[tilespmem:$0x16530] =	vst v63  }
0x165: {  	_ =	swait.ge [sflag:s19], $0x500  }
0x166: {  	s9 =	simm.s32 $0x15020;
	s8 =	simm.s32 $0x13BC0;
	[sflag:s19] =	ssyncset.done $0x0  }
0x167: {  	s6 =	simm.s32 $0x13930;
	s5 =	simm.s32 $0xFFFFFFFE;
	[sflag:s19] =	ssyncadd.s32 $0xFFFFFB00  }
.LBB2_15:
0x168: {  	v11 =	vld [tilespmem:s6+$0xFFFFFFF0];
	_ =	sdelay $0x4  }
0x169: {  	v12 =	vbroadcast v11, $0x0;
	v13 =	vbroadcast v11, $0x1  }
0x16a: {  	v16 =	vbroadcast v11, $0x2  }
0x16b: {  	v14 =	vmul.f32 v12, v6;
	v15 =	vmul.f32 v13, v7  }
0x16c: {  	v12 =	vmul.f32 v12, v1;
	v13 =	vmul.f32 v13, v2  }
0x16d: {  	v17 =	vbroadcast v11, $0x3;
	v39 =	vmul.f32 v16, v8;
	v14 =	vadd.f32 v15, v14  }
0x16e: {  	v40 =	vmul.f32 v16, v3;
	v12 =	vadd.f32 v13, v12  }
0x16f: {  	v42 =	vbroadcast v11, $0x4;
	v41 =	vmul.f32 v17, v9;
	v14 =	vadd.f32 v14, v39  }
0x170: {  	v44 =	vld [tilespmem:s8+$0xFFFFFFE0];
	v48 =	vbroadcast v11, $0x5;
	v43 =	vmul.f32 v17, v4;
	v12 =	vadd.f32 v12, v40  }
0x171: {  	v49 =	vbroadcast v11, $0x6;
	v45 =	vmul.f32 v42, v10;
	v14 =	vadd.f32 v14, v41  }
0x172: {  	v50 =	vbroadcast v11, $0x7;
	v46 =	vmul.f32 v42, v5;
	v12 =	vadd.f32 v12, v43  }
0x173: {  	v51 =	vbroadcast v11, $0x8;
	v18 =	vbroadcast v11, $0x9;
	v14 =	vadd.f32 v14, v45  }
0x174: {  	v20 =	vbroadcast v11, $0xA;
	v57 =	vbroadcast v11, $0xB;
	v12 =	vadd.f32 v12, v46  }
0x175: {  	v52 =	vmul.f32 v51, v6;
	v47 =	vmul.f32 v14, v44  }
0x176: {  	v19 =	vmul.f32 v18, v7;
	v12 =	vmul.f32 v12, v44  }
0x177: {  	v53 =	vmul.f32 v51, v1;
	v14 =	vmul.f32 v47, v48  }
0x178: {  	v54 =	vmul.f32 v18, v2;
	v15 =	vmul.f32 v47, v49;
	[tilespmem:s9+$0xFFFFFF80] =	vst v12  }
0x179: {  	v56 =	vmul.f32 v20, v8;
	v55 =	vadd.f32 v19, v52;
	v13 =	vmul.f32 v47, v50;
	[tilespmem:s9+$0xFFFFFF90] =	vst v14  }
0x17a: {  	v58 =	vmul.f32 v20, v3;
	v12 =	vadd.f32 v54, v53;
	[tilespmem:s9+$0xFFFFFFA0] =	vst v15  }
0x17b: {  	v61 =	vbroadcast v11, $0xC;
	v60 =	vmul.f32 v57, v9;
	v59 =	vadd.f32 v55, v56;
	[tilespmem:s9+$0xFFFFFFB0] =	vst v13  }
0x17c: {  	v62 =	vmul.f32 v57, v4;
	v12 =	vadd.f32 v12, v58;
	v63 =	vld [tilespmem:s8+$0xFFFFFFF0]  }
0x17d: {  	v20 =	vmul.f32 v61, v10;
	v13 =	vadd.f32 v59, v60  }
0x17e: {  	v21 =	vmul.f32 v61, v5;
	v12 =	vadd.f32 v12, v62  }
0x17f: {  	v13 =	vadd.f32 v13, v20  }
0x180: {  	v12 =	vadd.f32 v12, v21  }
0x181: {  	v22 =	vbroadcast v11, $0xD;
	v13 =	vmul.f32 v13, v63  }
0x182: {  	v23 =	vbroadcast v11, $0xE;
	v12 =	vmul.f32 v12, v63  }
0x183: {  	v11 =	vbroadcast v11, $0xF;
	v14 =	vmul.f32 v13, v22  }
0x184: {  	[tilespmem:s9+$0xFFFFFFC0] =	vst v12;
	v24 =	vmul.f32 v13, v23  }
0x185: {  	v11 =	vmul.f32 v13, v11;
	[tilespmem:s9+$0xFFFFFFD0] =	vst v14  }
0x186: {  	[tilespmem:s9+$0xFFFFFFE0] =	vst v24  }
0x187: {  	[tilespmem:s9+$0xFFFFFFF0] =	vst v11  }
0x188: {  	v11 =	vld [tilespmem:s6+$0x0];
	_ =	sdelay $0x4  }
0x189: {  	v25 =	vbroadcast v11, $0x0;
	v26 =	vbroadcast v11, $0x1  }
0x18a: {  	v29 =	vbroadcast v11, $0x2  }
0x18b: {  	v27 =	vmul.f32 v25, v6;
	v28 =	vmul.f32 v26, v7  }
0x18c: {  	v12 =	vmul.f32 v25, v1;
	v13 =	vmul.f32 v26, v2  }
0x18d: {  	v31 =	vbroadcast v11, $0x3;
	v30 =	vmul.f32 v29, v8;
	v14 =	vadd.f32 v28, v27  }
0x18e: {  	v32 =	vmul.f32 v29, v3;
	v12 =	vadd.f32 v13, v12  }
0x18f: {  	v34 =	vbroadcast v11, $0x4;
	v33 =	vmul.f32 v31, v9;
	v14 =	vadd.f32 v14, v30  }
0x190: {  	v36 =	vld [tilespmem:s8+$0x0];
	v40 =	vbroadcast v11, $0x5;
	v35 =	vmul.f32 v31, v4;
	v12 =	vadd.f32 v12, v32  }
0x191: {  	v41 =	vbroadcast v11, $0x6;
	v37 =	vmul.f32 v34, v10;
	v14 =	vadd.f32 v14, v33  }
0x192: {  	v42 =	vbroadcast v11, $0x7;
	v38 =	vmul.f32 v34, v5;
	v12 =	vadd.f32 v12, v35  }
0x193: {  	v43 =	vbroadcast v11, $0x8;
	v44 =	vbroadcast v11, $0x9;
	v14 =	vadd.f32 v14, v37  }
0x194: {  	v47 =	vbroadcast v11, $0xA;
	v52 =	vbroadcast v11, $0xB;
	v12 =	vadd.f32 v12, v38  }
0x195: {  	v45 =	vmul.f32 v43, v6;
	v39 =	vmul.f32 v14, v36  }
0x196: {  	v46 =	vmul.f32 v44, v7;
	v12 =	vmul.f32 v12, v36  }
0x197: {  	v48 =	vmul.f32 v43, v1;
	v14 =	vmul.f32 v39, v40  }
0x198: {  	v49 =	vmul.f32 v44, v2;
	v15 =	vmul.f32 v39, v41;
	[tilespmem:s9+$0x0] =	vst v12  }
0x199: {  	v51 =	vmul.f32 v47, v8;
	v50 =	vadd.f32 v46, v45;
	v13 =	vmul.f32 v39, v42;
	[tilespmem:s9+$0x10] =	vst v14  }
0x19a: {  	v53 =	vmul.f32 v47, v3;
	v12 =	vadd.f32 v49, v48;
	[tilespmem:s9+$0x20] =	vst v15  }
0x19b: {  	v56 =	vbroadcast v11, $0xC;
	v55 =	vmul.f32 v52, v9;
	v54 =	vadd.f32 v50, v51;
	[tilespmem:s9+$0x30] =	vst v13  }
0x19c: {  	v57 =	vmul.f32 v52, v4;
	v12 =	vadd.f32 v12, v53;
	v58 =	vld [tilespmem:s8+$0x10]  }
0x19d: {  	v59 =	vmul.f32 v56, v10;
	v13 =	vadd.f32 v54, v55  }
0x19e: {  	v60 =	vmul.f32 v56, v5;
	v12 =	vadd.f32 v12, v57  }
0x19f: {  	v13 =	vadd.f32 v13, v59  }
0x1a0: {  	v12 =	vadd.f32 v12, v60  }
0x1a1: {  	s5 =	sadd.s32 $0x2, s5;
	v61 =	vbroadcast v11, $0xD;
	v13 =	vmul.f32 v13, v58  }
0x1a2: {  	p0 =	slt.u32 s5, $0x26;
	v62 =	vbroadcast v11, $0xE;
	v12 =	vmul.f32 v12, v58  }
.Ltmp6:
0x1a3: {  	v11 =	vbroadcast v11, $0xF;
	v14 =	vmul.f32 v13, v61;
	(pc) =	sbr.rel @p0 .LBB2_15-.Ltmp6, $4  }
0x1a4: {  	[tilespmem:s9+$0x40] =	vst v12;
	v63 =	vmul.f32 v13, v62  }
0x1a5: {  	v11 =	vmul.f32 v13, v11;
	[tilespmem:s9+$0x50] =	vst v14  }
0x1a6: {  	[tilespmem:s9+$0x60] =	vst v63  }
0x1a7: {  	s6 =	sadd.s32 $0x20, s6;
	s8 =	sadd.s32 $0x40, s8;
	[tilespmem:s9+$0x70] =	vst v11;
	s9 =	sadd.s32 $0x100, s9  }
0x1a8: {  	s28 =	sadd.s32 $0x1, s28  }
0x1a9: {  	p0 =	sne.s32 s28, $0x7D  }
.Ltmp7:
0x1aa: {  	_ = 	snop;
	(pc) =	sbr.rel @p0 .LBB2_14-.Ltmp7, $4  }
0x1ab: {  	[spmem:s2] =	stream.indirect.scatter.add.f32 [tilespmem:s21], [sflag:$0x2], $0x40, s12, s15, $0xb8;
	[tilespmem:$0x16530] =	vst v63  }
0x1ac: {  	_ =	swait.ge [sflag:s7], $0x1400  }
0x1ad: {  	[sflag:s7] =	ssyncset.done $0x0  }
0x1ae: {  	[sflag:s7] =	ssyncadd.s32 $0xFFFFEC00  }
0x1af: {  	[bflag:$0x0] =	sbarrier.arrive $0xFFFF  }
0x1b0: {  	s5 =	rddreg [dreg:$0x14]  }
0x1b1: {  	[hbm:s5], [sflag:s24] =	dma.local [spmem:s25], $0x1388  }
0x1b2: {  	_ =	swait.ge [sflag:s7], $0x1388  }
0x1b3: {  	[sflag:s7] =	ssyncset.done $0x0  }
0x1b4: {  	[sflag:s7] =	ssyncadd.s32 $0xFFFFEC78  }
0x1b5: {  	[spmem:s1] =	stream.linear.scatter [tilespmem:s10], [sflag:$0x2], $0x9C40, $0x38;
	[tilespmem:$0x16530] =	vst v63  }
0x1b6: {  	_ =	swait.ge [sflag:s7], $0x9C40  }
0x1b7: {  	[sflag:s7] =	ssyncset.done $0x0  }
0x1b8: {  	s6 =	simm.s32 $0x30;
	s5 =	simm.s32 $0x1C0;
	[sflag:s7] =	ssyncadd.s32 $0xFFFF63C0  }
.LBB2_18:
0x1b9: {  	p0 =	sne.s32 s5, $0x4FC0;
	[tilespmem:s6+$0x14FA0] =	vst v0;
	s6 =	smov.u32 s5;
	s5 =	sadd.s32 $0x100, s5  }
.Ltmp8:
0x1ba: {  	(pc) =	sbr.rel @p0 .LBB2_18-.Ltmp8, $2  }
0x1bb: {  	_ =	sdelay $0x2  }
0x1bc: {  	s6 =	sshra.s32 s6, $0x2  }
0x1bd: {  	[tilespmem:s6+$0x14FA0] =	vst v0  }
0x1be: {  	[bflag:$0x0] =	sbarrier.arrive $0xFFFF  }
0x1bf: {  	v1 =	vld [tilespmem:$0x16440]  }
0x1c0: {  	v2 =	vld [tilespmem:$0x16450]  }
0x1c1: {  	v3 =	vld [tilespmem:$0x16460]  }
0x1c2: {  	v4 =	vld [tilespmem:$0x16470]  }
0x1c3: {  	v5 =	vld [tilespmem:$0x16480]  }
0x1c4: {  	v6 =	vld [tilespmem:$0x16490]  }
0x1c5: {  	v7 =	vld [tilespmem:$0x164A0]  }
0x1c6: {  	v8 =	vld [tilespmem:$0x164B0]  }
0x1c7: {  	v9 =	vld [tilespmem:$0x164C0]  }
0x1c8: {  	v10 =	vld [tilespmem:$0x164D0]  }
0x1c9: {  	v11 =	vld [tilespmem:$0x164E0]  }
0x1ca: {  	v12 =	vld [tilespmem:$0x164F0]  }
0x1cb: {  	v13 =	vld [tilespmem:$0x16500]  }
0x1cc: {  	v14 =	vld [tilespmem:$0x16510]  }
0x1cd: {  	s28 =	simm.s32 $0x0;
	v15 =	vld [tilespmem:$0x16520]  }
.LBB2_20:
0x1ce: {  	s5 =	smul.u32 $0x50, s28;
	_ =	sdelay $0x1  }
0x1cf: {  	s6 =	sadd.s32 s26, s5  }
0x1d0: {  	s8 =	sadd.s32 s20, s6  }
0x1d1: {  	s8 =	sshrl.u32 s8, $0x3  }
0x1d2: {  	s8 =	sadd.s32 s31, s8  }
0x1d3: {  	[tilespmem:s11], [sflag:$0x2] =	stream.linear.gather [hbm4b:s8+s16], $0x50, $0x38;
	[tilespmem:$0x16530] =	vst v63  }
0x1d4: {  	_ =	swait.ge [sflag:s7], $0x50  }
0x1d5: {  	s6 =	sshrl.u32 s6, $0x3;
	[sflag:s7] =	ssyncset.done $0x0  }
0x1d6: {  	s6 =	sadd.s32 s0, s6;
	[sflag:s7] =	ssyncadd.s32 $0xFFFFFFB0  }
0x1d7: {  	[tilespmem:s12], [sflag:$0x2] =	stream.linear.gather [hbm4b:s6+s16], $0x50, $0x38;
	[tilespmem:$0x16530] =	vst v63  }
0x1d8: {  	_ =	swait.ge [sflag:s7], $0x50  }
0x1d9: {  	[sflag:s7] =	ssyncset.done $0x0  }
0x1da: {  	s5 =	sadd.s32 s3, s5;
	[sflag:s7] =	ssyncadd.s32 $0xFFFFFFB0  }
0x1db: {  	[tilespmem:s13], [sflag:$0x2] =	stream.linear.gather [hbm4b:s5+s16], $0x280, $0x38;
	[tilespmem:$0x16530] =	vst v63  }
0x1dc: {  	_ =	swait.ge [sflag:s7], $0x280  }
0x1dd: {  	[sflag:s7] =	ssyncset.done $0x0  }
0x1de: {  	[sflag:s7] =	ssyncadd.s32 $0xFFFFFD80  }
0x1df: {  	[tilespmem:s22], [sflag:$0x1] =	stream.indirect.gather [hbm4b:s30+s15], $0x30, s11, s15, $0xb8;
	[tilespmem:$0x16530] =	vst v63  }
0x1e0: {  	_ =	swait.ge [sflag:s19], $0xF00  }
0x1e1: {  	s9 =	simm.s32 $0x14100;
	s8 =	simm.s32 $0x15020;
	[sflag:s19] =	ssyncset.done $0x0  }
0x1e2: {  	s6 =	simm.s32 $0x13930;
	s5 =	simm.s32 $0xFFFFFFFE;
	[sflag:s19] =	ssyncadd.s32 $0xFFFFF100  }
.LBB2_21:
0x1e3: {  	v16 =	vld [tilespmem:s6+$0xFFFFFFF0];
	_ =	sdelay $0x4  }
0x1e4: {  	v17 =	vbroadcast v16, $0x0;
	v18 =	vbroadcast v16, $0x1  }
0x1e5: {  	v21 =	vbroadcast v16, $0x2  }
0x1e6: {  	v19 =	vmul.f32 v17, v1;
	v20 =	vmul.f32 v18, v4;
	_ =	sdelay $0x1  }
0x1e7: {  	v22 =	vbroadcast v16, $0x3;
	v27 =	vmul.f32 v21, v7;
	v19 =	vadd.f32 v20, v19;
	_ =	sdelay $0x1  }
0x1e8: {  	v23 =	vbroadcast v16, $0x4;
	v28 =	vmul.f32 v22, v10;
	v19 =	vadd.f32 v19, v27  }
0x1e9: {  	v24 =	vld [tilespmem:s9+$0xFFFFFFA0]  }
0x1ea: {  	v29 =	vmul.f32 v23, v13;
	v19 =	vadd.f32 v19, v28;
	_ =	sdelay $0x1  }
0x1eb: {  	v30 =	vmul.f32 v17, v2;
	v25 =	vmul.f32 v18, v5;
	v19 =	vadd.f32 v19, v29;
	_ =	sdelay $0x1  }
0x1ec: {  	v31 =	vmul.f32 v21, v8;
	v20 =	vadd.f32 v25, v30;
	v19 =	vmul.f32 v19, v24;
	_ =	sdelay $0x1  }
0x1ed: {  	v33 =	vmul.f32 v22, v11;
	v32 =	vadd.f32 v20, v31;
	[tilespmem:s8+$0xFFFFFF80] =	vst v19  }
0x1ee: {  	v34 =	vld [tilespmem:s9+$0xFFFFFFB0]  }
0x1ef: {  	v35 =	vmul.f32 v23, v14;
	v19 =	vadd.f32 v32, v33;
	_ =	sdelay $0x1  }
0x1f0: {  	v17 =	vmul.f32 v17, v3;
	v18 =	vmul.f32 v18, v6;
	v19 =	vadd.f32 v19, v35;
	_ =	sdelay $0x1  }
0x1f1: {  	v36 =	vmul.f32 v21, v9;
	v17 =	vadd.f32 v18, v17;
	v19 =	vmul.f32 v19, v34;
	_ =	sdelay $0x1  }
0x1f2: {  	v37 =	vmul.f32 v22, v12;
	v17 =	vadd.f32 v17, v36;
	[tilespmem:s8+$0xFFFFFF90] =	vst v19  }
0x1f3: {  	v39 =	vbroadcast v16, $0x8;
	v19 =	vld [tilespmem:s9+$0xFFFFFFC0]  }
0x1f4: {  	v40 =	vbroadcast v16, $0x9;
	v38 =	vmul.f32 v23, v15;
	v17 =	vadd.f32 v17, v37  }
0x1f5: {  	v43 =	vbroadcast v16, $0xA  }
0x1f6: {  	v41 =	vmul.f32 v39, v1;
	v42 =	vmul.f32 v40, v4;
	v17 =	vadd.f32 v17, v38  }
0x1f7: {  	v45 =	vbroadcast v16, $0xB  }
0x1f8: {  	v44 =	vmul.f32 v43, v7;
	v18 =	vadd.f32 v42, v41;
	v17 =	vmul.f32 v17, v19;
	_ =	sdelay $0x1  }
0x1f9: {  	v16 =	vbroadcast v16, $0xC;
	v46 =	vmul.f32 v45, v10;
	[tilespmem:s8+$0xFFFFFFA0] =	vst v17;
	v17 =	vadd.f32 v18, v44  }
0x1fa: {  	v47 =	vld [tilespmem:s9+$0xFFFFFFD0]  }
0x1fb: {  	v48 =	vmul.f32 v16, v13;
	v17 =	vadd.f32 v17, v46;
	_ =	sdelay $0x1  }
0x1fc: {  	v49 =	vmul.f32 v39, v2;
	v50 =	vmul.f32 v40, v5;
	v17 =	vadd.f32 v17, v48;
	_ =	sdelay $0x1  }
0x1fd: {  	v51 =	vmul.f32 v43, v8;
	v18 =	vadd.f32 v50, v49;
	v17 =	vmul.f32 v47, v17;
	_ =	sdelay $0x1  }
0x1fe: {  	v52 =	vmul.f32 v45, v11;
	[tilespmem:s8+$0xFFFFFFC0] =	vst v17;
	v17 =	vadd.f32 v18, v51  }
0x1ff: {  	v53 =	vld [tilespmem:s9+$0xFFFFFFE0]  }
0x200: {  	v54 =	vmul.f32 v16, v14;
	v17 =	vadd.f32 v17, v52;
	_ =	sdelay $0x1  }
0x201: {  	v55 =	vmul.f32 v39, v3;
	v56 =	vmul.f32 v40, v6;
	v17 =	vadd.f32 v17, v54;
	_ =	sdelay $0x1  }
0x202: {  	v57 =	vmul.f32 v43, v9;
	v18 =	vadd.f32 v56, v55;
	v17 =	vmul.f32 v53, v17;
	_ =	sdelay $0x1  }
0x203: {  	v58 =	vmul.f32 v45, v12;
	[tilespmem:s8+$0xFFFFFFD0] =	vst v17;
	v17 =	vadd.f32 v18, v57  }
0x204: {  	v59 =	vld [tilespmem:s9+$0xFFFFFFF0]  }
0x205: {  	v16 =	vmul.f32 v16, v15;
	v17 =	vadd.f32 v17, v58;
	_ =	sdelay $0x1  }
0x206: {  	v16 =	vadd.f32 v17, v16;
	_ =	sdelay $0x1  }
0x207: {  	v16 =	vmul.f32 v59, v16;
	_ =	sdelay $0x1  }
0x208: {  	[tilespmem:s8+$0xFFFFFFE0] =	vst v16  }
0x209: {  	v16 =	vld [tilespmem:s6+$0x0];
	_ =	sdelay $0x4  }
0x20a: {  	v17 =	vbroadcast v16, $0x0;
	v60 =	vbroadcast v16, $0x1  }
0x20b: {  	v63 =	vbroadcast v16, $0x2  }
0x20c: {  	v61 =	vmul.f32 v17, v1;
	v62 =	vmul.f32 v60, v4;
	_ =	sdelay $0x1  }
0x20d: {  	v28 =	vbroadcast v16, $0x3;
	v27 =	vmul.f32 v63, v7;
	v19 =	vadd.f32 v62, v61;
	_ =	sdelay $0x1  }
0x20e: {  	v30 =	vbroadcast v16, $0x4;
	v29 =	vmul.f32 v28, v10;
	v19 =	vadd.f32 v19, v27  }
0x20f: {  	v31 =	vld [tilespmem:s9+$0x0]  }
0x210: {  	v32 =	vmul.f32 v30, v13;
	v19 =	vadd.f32 v19, v29;
	_ =	sdelay $0x1  }
0x211: {  	v33 =	vmul.f32 v17, v2;
	v34 =	vmul.f32 v60, v5;
	v19 =	vadd.f32 v19, v32;
	_ =	sdelay $0x1  }
0x212: {  	v35 =	vmul.f32 v63, v8;
	v20 =	vadd.f32 v34, v33;
	v19 =	vmul.f32 v19, v31;
	_ =	sdelay $0x1  }
0x213: {  	v37 =	vmul.f32 v28, v11;
	v36 =	vadd.f32 v20, v35;
	[tilespmem:s8+$0x0] =	vst v19  }
0x214: {  	v38 =	vld [tilespmem:s9+$0x10]  }
0x215: {  	v39 =	vmul.f32 v30, v14;
	v19 =	vadd.f32 v36, v37;
	_ =	sdelay $0x1  }
0x216: {  	v17 =	vmul.f32 v17, v3;
	v18 =	vmul.f32 v60, v6;
	v19 =	vadd.f32 v19, v39;
	_ =	sdelay $0x1  }
0x217: {  	v40 =	vmul.f32 v63, v9;
	v17 =	vadd.f32 v18, v17;
	v19 =	vmul.f32 v19, v38;
	_ =	sdelay $0x1  }
0x218: {  	v41 =	vmul.f32 v28, v12;
	v17 =	vadd.f32 v17, v40;
	[tilespmem:s8+$0x10] =	vst v19  }
0x219: {  	v43 =	vbroadcast v16, $0x8;
	v19 =	vld [tilespmem:s9+$0x20]  }
0x21a: {  	v44 =	vbroadcast v16, $0x9;
	v42 =	vmul.f32 v30, v15;
	v17 =	vadd.f32 v17, v41  }
0x21b: {  	v47 =	vbroadcast v16, $0xA  }
0x21c: {  	v45 =	vmul.f32 v43, v1;
	v46 =	vmul.f32 v44, v4;
	v17 =	vadd.f32 v17, v42  }
0x21d: {  	v49 =	vbroadcast v16, $0xB  }
0x21e: {  	v48 =	vmul.f32 v47, v7;
	v18 =	vadd.f32 v46, v45;
	v17 =	vmul.f32 v17, v19;
	_ =	sdelay $0x1  }
0x21f: {  	v16 =	vbroadcast v16, $0xC;
	v50 =	vmul.f32 v49, v10;
	[tilespmem:s8+$0x20] =	vst v17;
	v17 =	vadd.f32 v18, v48  }
0x220: {  	v51 =	vld [tilespmem:s9+$0x30]  }
0x221: {  	v52 =	vmul.f32 v16, v13;
	v17 =	vadd.f32 v17, v50;
	_ =	sdelay $0x1  }
0x222: {  	v53 =	vmul.f32 v43, v2;
	v54 =	vmul.f32 v44, v5;
	v17 =	vadd.f32 v17, v52;
	_ =	sdelay $0x1  }
0x223: {  	v55 =	vmul.f32 v47, v8;
	v18 =	vadd.f32 v54, v53;
	v17 =	vmul.f32 v51, v17;
	_ =	sdelay $0x1  }
0x224: {  	v56 =	vmul.f32 v49, v11;
	[tilespmem:s8+$0x40] =	vst v17;
	v17 =	vadd.f32 v18, v55  }
0x225: {  	v57 =	vld [tilespmem:s9+$0x40]  }
0x226: {  	v58 =	vmul.f32 v16, v14;
	v17 =	vadd.f32 v17, v56;
	_ =	sdelay $0x1  }
0x227: {  	v59 =	vmul.f32 v43, v3;
	v60 =	vmul.f32 v44, v6;
	v17 =	vadd.f32 v17, v58;
	_ =	sdelay $0x1  }
0x228: {  	v61 =	vmul.f32 v47, v9;
	v18 =	vadd.f32 v60, v59;
	v17 =	vmul.f32 v57, v17;
	_ =	sdelay $0x1  }
0x229: {  	v62 =	vmul.f32 v49, v12;
	[tilespmem:s8+$0x50] =	vst v17;
	v17 =	vadd.f32 v18, v61  }
0x22a: {  	v63 =	vld [tilespmem:s9+$0x50]  }
0x22b: {  	s5 =	sadd.s32 $0x2, s5;
	v16 =	vmul.f32 v16, v15;
	v17 =	vadd.f32 v17, v62  }
0x22c: {  	p0 =	slt.u32 s5, $0x26  }
.Ltmp9:
0x22d: {  	v16 =	vadd.f32 v17, v16;
	(pc) =	sbr.rel @p0 .LBB2_21-.Ltmp9, $3  }
0x22e: {  	_ = 	snop  }
0x22f: {  	v16 =	vmul.f32 v63, v16;
	_ =	sdelay $0x1  }
0x230: {  	s6 =	sadd.s32 $0x20, s6;
	s9 =	sadd.s32 $0xC0, s9;
	[tilespmem:s8+$0x60] =	vst v16;
	s8 =	sadd.s32 $0x100, s8  }
0x231: {  	s28 =	sadd.s32 $0x1, s28  }
0x232: {  	p0 =	sne.s32 s28, $0x7D  }
.Ltmp10:
0x233: {  	_ = 	snop;
	(pc) =	sbr.rel @p0 .LBB2_20-.Ltmp10, $4  }
0x234: {  	[spmem:s2] =	stream.indirect.scatter.add.f32 [tilespmem:s21], [sflag:$0x2], $0x40, s12, s15, $0xb8;
	[tilespmem:$0x16530] =	vst v63  }
0x235: {  	_ =	swait.ge [sflag:s7], $0x1400  }
0x236: {  	[sflag:s7] =	ssyncset.done $0x0  }
0x237: {  	[sflag:s7] =	ssyncadd.s32 $0xFFFFEC00  }
0x238: {  	[bflag:$0x0] =	sbarrier.arrive $0xFFFF  }
0x239: {  	s5 =	rddreg [dreg:$0x15]  }
0x23a: {  	[hbm:s5], [sflag:s24] =	dma.local [spmem:s25], $0x1388  }
0x23b: {  	_ =	swait.ge [sflag:s7], $0x1388  }
0x23c: {  	s28 =	simm.s32 $0x0;
	[sflag:s7] =	ssyncset.done $0x0  }
0x23d: {  	s6 =	simm.s32 $0x163A0;
	s9 =	rddreg [dreg:$0xb];
	[sflag:s7] =	ssyncadd.s32 $0xFFFFEC78  }
0x23e: {  	[tilespmem:s6], [sflag:$0x2] =	stream.linear.gather [hbm4b:s9+s28], $0x50, $0x38;
	[tilespmem:$0x16530] =	vst v63  }
0x23f: {  	_ =	swait.ge [sflag:s7], $0x50  }
0x240: {  	[sflag:s7] =	ssyncset.done $0x0  }
0x241: {  	s9 =	simm.s32 $0x163F0;
	s8 =	rddreg [dreg:$0xc];
	[sflag:s7] =	ssyncadd.s32 $0xFFFFFFB0  }
0x242: {  	[tilespmem:s9], [sflag:$0x2] =	stream.linear.gather [hbm4b:s8+s28], $0x50, $0x38;
	[tilespmem:$0x16530] =	vst v63  }
0x243: {  	_ =	swait.ge [sflag:s7], $0x50  }
0x244: {  	[sflag:s7] =	ssyncset.done $0x0  }
0x245: {  	s9 =	simm.s32 $0x16440;
	s8 =	rddreg [dreg:$0x10];
	[sflag:s7] =	ssyncadd.s32 $0xFFFFFFB0  }
0x246: {  	[tilespmem:s9], [sflag:$0x2] =	stream.linear.gather [hbm4b:s8+s28], $0xF0, $0x38;
	[tilespmem:$0x16530] =	vst v63  }
0x247: {  	_ =	swait.ge [sflag:s7], $0xF0  }
0x248: {  	[sflag:s7] =	ssyncset.done $0x0  }
0x249: {  	[sflag:s7] =	ssyncadd.s32 $0xFFFFFF10  }
0x24a: {  	[spmem:s1] =	stream.linear.scatter [tilespmem:s10], [sflag:$0x2], $0x9C40, $0x38;
	[tilespmem:$0x16530] =	vst v63  }
0x24b: {  	_ =	swait.ge [sflag:s7], $0x9C40  }
0x24c: {  	[sflag:s7] =	ssyncset.done $0x0  }
0x24d: {  	[sflag:s7] =	ssyncadd.s32 $0xFFFF63C0  }
0x24e: {  	[bflag:$0x0] =	sbarrier.arrive $0xFFFF  }
0x24f: {  	v1 =	vld [tilespmem:$0x163A0]  }
0x250: {  	v2 =	vld [tilespmem:$0x163B0]  }
0x251: {  	v3 =	vld [tilespmem:$0x163C0]  }
0x252: {  	v4 =	vld [tilespmem:$0x163D0]  }
0x253: {  	v5 =	vld [tilespmem:$0x163E0]  }
0x254: {  	v6 =	vld [tilespmem:$0x163F0]  }
0x255: {  	v7 =	vld [tilespmem:$0x16400]  }
0x256: {  	v8 =	vld [tilespmem:$0x16410]  }
0x257: {  	v9 =	vld [tilespmem:$0x16420]  }
0x258: {  	v10 =	vld [tilespmem:$0x16430]  }
.LBB2_24:
0x259: {  	s5 =	smul.u32 $0x50, s28;
	_ =	sdelay $0x1  }
0x25a: {  	s6 =	sadd.s32 s26, s5  }
0x25b: {  	s8 =	sadd.s32 s14, s6  }
0x25c: {  	s8 =	sshrl.u32 s8, $0x3  }
0x25d: {  	s8 =	sadd.s32 s31, s8  }
0x25e: {  	[tilespmem:s11], [sflag:$0x2] =	stream.linear.gather [hbm4b:s8+s16], $0x50, $0x38;
	[tilespmem:$0x16530] =	vst v63  }
0x25f: {  	_ =	swait.ge [sflag:s7], $0x50  }
0x260: {  	s6 =	sshrl.u32 s6, $0x3;
	[sflag:s7] =	ssyncset.done $0x0  }
0x261: {  	s6 =	sadd.s32 s0, s6;
	[sflag:s7] =	ssyncadd.s32 $0xFFFFFFB0  }
0x262: {  	[tilespmem:s12], [sflag:$0x2] =	stream.linear.gather [hbm4b:s6+s16], $0x50, $0x38;
	[tilespmem:$0x16530] =	vst v63  }
0x263: {  	_ =	swait.ge [sflag:s7], $0x50  }
0x264: {  	[sflag:s7] =	ssyncset.done $0x0  }
0x265: {  	s5 =	sadd.s32 s3, s5;
	[sflag:s7] =	ssyncadd.s32 $0xFFFFFFB0  }
0x266: {  	[tilespmem:s13], [sflag:$0x2] =	stream.linear.gather [hbm4b:s5+s16], $0x280, $0x38;
	[tilespmem:$0x16530] =	vst v63  }
0x267: {  	_ =	swait.ge [sflag:s7], $0x280  }
0x268: {  	[sflag:s7] =	ssyncset.done $0x0  }
0x269: {  	[sflag:s7] =	ssyncadd.s32 $0xFFFFFD80  }
0x26a: {  	[tilespmem:s18], [sflag:$0x1] =	stream.indirect.gather [hbm4b:s29+s15], $0x10, s11, s15, $0xb8;
	[tilespmem:$0x16530] =	vst v63  }
0x26b: {  	_ =	swait.ge [sflag:s19], $0x500  }
0x26c: {  	s9 =	simm.s32 $0x15020;
	s8 =	simm.s32 $0x13BC0;
	[sflag:s19] =	ssyncset.done $0x0  }
0x26d: {  	s6 =	simm.s32 $0x13930;
	s5 =	simm.s32 $0xFFFFFFFE;
	[sflag:s19] =	ssyncadd.s32 $0xFFFFFB00  }
.LBB2_25:
0x26e: {  	v11 =	vld [tilespmem:s6+$0xFFFFFFF0];
	_ =	sdelay $0x4  }
0x26f: {  	v12 =	vbroadcast v11, $0x0;
	v13 =	vbroadcast v11, $0x1  }
0x270: {  	v16 =	vbroadcast v11, $0x2  }
0x271: {  	v14 =	vmul.f32 v12, v6;
	v15 =	vmul.f32 v13, v7  }
0x272: {  	v12 =	vmul.f32 v12, v1;
	v13 =	vmul.f32 v13, v2  }
0x273: {  	v17 =	vbroadcast v11, $0x3;
	v39 =	vmul.f32 v16, v8;
	v14 =	vadd.f32 v15, v14  }
0x274: {  	v40 =	vmul.f32 v16, v3;
	v12 =	vadd.f32 v13, v12  }
0x275: {  	v42 =	vbroadcast v11, $0x4;
	v41 =	vmul.f32 v17, v9;
	v14 =	vadd.f32 v14, v39  }
0x276: {  	v44 =	vld [tilespmem:s8+$0xFFFFFFE0];
	v48 =	vbroadcast v11, $0x5;
	v43 =	vmul.f32 v17, v4;
	v12 =	vadd.f32 v12, v40  }
0x277: {  	v49 =	vbroadcast v11, $0x6;
	v45 =	vmul.f32 v42, v10;
	v14 =	vadd.f32 v14, v41  }
0x278: {  	v50 =	vbroadcast v11, $0x7;
	v46 =	vmul.f32 v42, v5;
	v12 =	vadd.f32 v12, v43  }
0x279: {  	v51 =	vbroadcast v11, $0x8;
	v18 =	vbroadcast v11, $0x9;
	v14 =	vadd.f32 v14, v45  }
0x27a: {  	v20 =	vbroadcast v11, $0xA;
	v57 =	vbroadcast v11, $0xB;
	v12 =	vadd.f32 v12, v46  }
0x27b: {  	v52 =	vmul.f32 v51, v6;
	v47 =	vmul.f32 v14, v44  }
0x27c: {  	v19 =	vmul.f32 v18, v7;
	v12 =	vmul.f32 v12, v44  }
0x27d: {  	v53 =	vmul.f32 v51, v1;
	v14 =	vmul.f32 v47, v48  }
0x27e: {  	v54 =	vmul.f32 v18, v2;
	v15 =	vmul.f32 v47, v49;
	[tilespmem:s9+$0xFFFFFF80] =	vst v12  }
0x27f: {  	v56 =	vmul.f32 v20, v8;
	v55 =	vadd.f32 v19, v52;
	v13 =	vmul.f32 v47, v50;
	[tilespmem:s9+$0xFFFFFF90] =	vst v14  }
0x280: {  	v58 =	vmul.f32 v20, v3;
	v12 =	vadd.f32 v54, v53;
	[tilespmem:s9+$0xFFFFFFA0] =	vst v15  }
0x281: {  	v61 =	vbroadcast v11, $0xC;
	v60 =	vmul.f32 v57, v9;
	v59 =	vadd.f32 v55, v56;
	[tilespmem:s9+$0xFFFFFFB0] =	vst v13  }
0x282: {  	v62 =	vmul.f32 v57, v4;
	v12 =	vadd.f32 v12, v58;
	v63 =	vld [tilespmem:s8+$0xFFFFFFF0]  }
0x283: {  	v20 =	vmul.f32 v61, v10;
	v13 =	vadd.f32 v59, v60  }
0x284: {  	v21 =	vmul.f32 v61, v5;
	v12 =	vadd.f32 v12, v62  }
0x285: {  	v13 =	vadd.f32 v13, v20  }
0x286: {  	v12 =	vadd.f32 v12, v21  }
0x287: {  	v22 =	vbroadcast v11, $0xD;
	v13 =	vmul.f32 v13, v63  }
0x288: {  	v23 =	vbroadcast v11, $0xE;
	v12 =	vmul.f32 v12, v63  }
0x289: {  	v11 =	vbroadcast v11, $0xF;
	v14 =	vmul.f32 v13, v22  }
0x28a: {  	[tilespmem:s9+$0xFFFFFFC0] =	vst v12;
	v24 =	vmul.f32 v13, v23  }
0x28b: {  	v11 =	vmul.f32 v13, v11;
	[tilespmem:s9+$0xFFFFFFD0] =	vst v14  }
0x28c: {  	[tilespmem:s9+$0xFFFFFFE0] =	vst v24  }
0x28d: {  	[tilespmem:s9+$0xFFFFFFF0] =	vst v11  }
0x28e: {  	v11 =	vld [tilespmem:s6+$0x0];
	_ =	sdelay $0x4  }
0x28f: {  	v25 =	vbroadcast v11, $0x0;
	v26 =	vbroadcast v11, $0x1  }
0x290: {  	v29 =	vbroadcast v11, $0x2  }
0x291: {  	v27 =	vmul.f32 v25, v6;
	v28 =	vmul.f32 v26, v7  }
0x292: {  	v12 =	vmul.f32 v25, v1;
	v13 =	vmul.f32 v26, v2  }
0x293: {  	v31 =	vbroadcast v11, $0x3;
	v30 =	vmul.f32 v29, v8;
	v14 =	vadd.f32 v28, v27  }
0x294: {  	v32 =	vmul.f32 v29, v3;
	v12 =	vadd.f32 v13, v12  }
0x295: {  	v34 =	vbroadcast v11, $0x4;
	v33 =	vmul.f32 v31, v9;
	v14 =	vadd.f32 v14, v30  }
0x296: {  	v36 =	vld [tilespmem:s8+$0x0];
	v40 =	vbroadcast v11, $0x5;
	v35 =	vmul.f32 v31, v4;
	v12 =	vadd.f32 v12, v32  }
0x297: {  	v41 =	vbroadcast v11, $0x6;
	v37 =	vmul.f32 v34, v10;
	v14 =	vadd.f32 v14, v33  }
0x298: {  	v42 =	vbroadcast v11, $0x7;
	v38 =	vmul.f32 v34, v5;
	v12 =	vadd.f32 v12, v35  }
0x299: {  	v43 =	vbroadcast v11, $0x8;
	v44 =	vbroadcast v11, $0x9;
	v14 =	vadd.f32 v14, v37  }
0x29a: {  	v47 =	vbroadcast v11, $0xA;
	v52 =	vbroadcast v11, $0xB;
	v12 =	vadd.f32 v12, v38  }
0x29b: {  	v45 =	vmul.f32 v43, v6;
	v39 =	vmul.f32 v14, v36  }
0x29c: {  	v46 =	vmul.f32 v44, v7;
	v12 =	vmul.f32 v12, v36  }
0x29d: {  	v48 =	vmul.f32 v43, v1;
	v14 =	vmul.f32 v39, v40  }
0x29e: {  	v49 =	vmul.f32 v44, v2;
	v15 =	vmul.f32 v39, v41;
	[tilespmem:s9+$0x0] =	vst v12  }
0x29f: {  	v51 =	vmul.f32 v47, v8;
	v50 =	vadd.f32 v46, v45;
	v13 =	vmul.f32 v39, v42;
	[tilespmem:s9+$0x10] =	vst v14  }
0x2a0: {  	v53 =	vmul.f32 v47, v3;
	v12 =	vadd.f32 v49, v48;
	[tilespmem:s9+$0x20] =	vst v15  }
0x2a1: {  	v56 =	vbroadcast v11, $0xC;
	v55 =	vmul.f32 v52, v9;
	v54 =	vadd.f32 v50, v51;
	[tilespmem:s9+$0x30] =	vst v13  }
0x2a2: {  	v57 =	vmul.f32 v52, v4;
	v12 =	vadd.f32 v12, v53;
	v58 =	vld [tilespmem:s8+$0x10]  }
0x2a3: {  	v59 =	vmul.f32 v56, v10;
	v13 =	vadd.f32 v54, v55  }
0x2a4: {  	v60 =	vmul.f32 v56, v5;
	v12 =	vadd.f32 v12, v57  }
0x2a5: {  	v13 =	vadd.f32 v13, v59  }
0x2a6: {  	v12 =	vadd.f32 v12, v60  }
0x2a7: {  	s5 =	sadd.s32 $0x2, s5;
	v61 =	vbroadcast v11, $0xD;
	v13 =	vmul.f32 v13, v58  }
0x2a8: {  	p0 =	slt.u32 s5, $0x26;
	v62 =	vbroadcast v11, $0xE;
	v12 =	vmul.f32 v12, v58  }
.Ltmp11:
0x2a9: {  	v11 =	vbroadcast v11, $0xF;
	v14 =	vmul.f32 v13, v61;
	(pc) =	sbr.rel @p0 .LBB2_25-.Ltmp11, $4  }
0x2aa: {  	[tilespmem:s9+$0x40] =	vst v12;
	v63 =	vmul.f32 v13, v62  }
0x2ab: {  	v11 =	vmul.f32 v13, v11;
	[tilespmem:s9+$0x50] =	vst v14  }
0x2ac: {  	[tilespmem:s9+$0x60] =	vst v63  }
0x2ad: {  	s6 =	sadd.s32 $0x20, s6;
	s8 =	sadd.s32 $0x40, s8;
	[tilespmem:s9+$0x70] =	vst v11;
	s9 =	sadd.s32 $0x100, s9  }
0x2ae: {  	s28 =	sadd.s32 $0x1, s28  }
0x2af: {  	p0 =	sne.s32 s28, $0x7D  }
.Ltmp12:
0x2b0: {  	_ = 	snop;
	(pc) =	sbr.rel @p0 .LBB2_24-.Ltmp12, $4  }
0x2b1: {  	[spmem:s2] =	stream.indirect.scatter.add.f32 [tilespmem:s21], [sflag:$0x2], $0x40, s12, s15, $0xb8;
	[tilespmem:$0x16530] =	vst v63  }
0x2b2: {  	_ =	swait.ge [sflag:s7], $0x1400  }
0x2b3: {  	[sflag:s7] =	ssyncset.done $0x0  }
0x2b4: {  	[sflag:s7] =	ssyncadd.s32 $0xFFFFEC00  }
0x2b5: {  	[bflag:$0x0] =	sbarrier.arrive $0xFFFF  }
0x2b6: {  	s5 =	rddreg [dreg:$0x16]  }
0x2b7: {  	[hbm:s5], [sflag:s24] =	dma.local [spmem:s25], $0x1388  }
0x2b8: {  	_ =	swait.ge [sflag:s7], $0x1388  }
0x2b9: {  	[sflag:s7] =	ssyncset.done $0x0  }
0x2ba: {  	[sflag:s7] =	ssyncadd.s32 $0xFFFFEC78  }
0x2bb: {  	[spmem:s1] =	stream.linear.scatter [tilespmem:s10], [sflag:$0x2], $0x9C40, $0x38;
	[tilespmem:$0x16530] =	vst v63  }
0x2bc: {  	_ =	swait.ge [sflag:s7], $0x9C40  }
0x2bd: {  	[sflag:s7] =	ssyncset.done $0x0  }
0x2be: {  	s6 =	simm.s32 $0x30;
	s5 =	simm.s32 $0x1C0;
	[sflag:s7] =	ssyncadd.s32 $0xFFFF63C0  }
.LBB2_28:
0x2bf: {  	p0 =	sne.s32 s5, $0x4FC0;
	[tilespmem:s6+$0x14FA0] =	vst v0;
	s6 =	smov.u32 s5;
	s5 =	sadd.s32 $0x100, s5  }
.Ltmp13:
0x2c0: {  	(pc) =	sbr.rel @p0 .LBB2_28-.Ltmp13, $2  }
0x2c1: {  	_ =	sdelay $0x2  }
0x2c2: {  	s6 =	sshra.s32 s6, $0x2  }
0x2c3: {  	[tilespmem:s6+$0x14FA0] =	vst v0  }
0x2c4: {  	[bflag:$0x0] =	sbarrier.arrive $0xFFFF  }
0x2c5: {  	v1 =	vld [tilespmem:$0x16440]  }
0x2c6: {  	v2 =	vld [tilespmem:$0x16450]  }
0x2c7: {  	v3 =	vld [tilespmem:$0x16460]  }
0x2c8: {  	v4 =	vld [tilespmem:$0x16470]  }
0x2c9: {  	v5 =	vld [tilespmem:$0x16480]  }
0x2ca: {  	v6 =	vld [tilespmem:$0x16490]  }
0x2cb: {  	v7 =	vld [tilespmem:$0x164A0]  }
0x2cc: {  	v8 =	vld [tilespmem:$0x164B0]  }
0x2cd: {  	v9 =	vld [tilespmem:$0x164C0]  }
0x2ce: {  	v10 =	vld [tilespmem:$0x164D0]  }
0x2cf: {  	v11 =	vld [tilespmem:$0x164E0]  }
0x2d0: {  	v12 =	vld [tilespmem:$0x164F0]  }
0x2d1: {  	v13 =	vld [tilespmem:$0x16500]  }
0x2d2: {  	v14 =	vld [tilespmem:$0x16510]  }
0x2d3: {  	s28 =	simm.s32 $0x0;
	v15 =	vld [tilespmem:$0x16520]  }
.LBB2_30:
0x2d4: {  	s5 =	smul.u32 $0x50, s28;
	_ =	sdelay $0x1  }
0x2d5: {  	s6 =	sadd.s32 s26, s5  }
0x2d6: {  	s8 =	sadd.s32 s14, s6  }
0x2d7: {  	s8 =	sshrl.u32 s8, $0x3  }
0x2d8: {  	s8 =	sadd.s32 s31, s8  }
0x2d9: {  	[tilespmem:s11], [sflag:$0x2] =	stream.linear.gather [hbm4b:s8+s16], $0x50, $0x38;
	[tilespmem:$0x16530] =	vst v63  }
0x2da: {  	_ =	swait.ge [sflag:s7], $0x50  }
0x2db: {  	s6 =	sshrl.u32 s6, $0x3;
	[sflag:s7] =	ssyncset.done $0x0  }
0x2dc: {  	s6 =	sadd.s32 s0, s6;
	[sflag:s7] =	ssyncadd.s32 $0xFFFFFFB0  }
0x2dd: {  	[tilespmem:s12], [sflag:$0x2] =	stream.linear.gather [hbm4b:s6+s16], $0x50, $0x38;
	[tilespmem:$0x16530] =	vst v63  }
0x2de: {  	_ =	swait.ge [sflag:s7], $0x50  }
0x2df: {  	[sflag:s7] =	ssyncset.done $0x0  }
0x2e0: {  	s5 =	sadd.s32 s3, s5;
	[sflag:s7] =	ssyncadd.s32 $0xFFFFFFB0  }
0x2e1: {  	[tilespmem:s13], [sflag:$0x2] =	stream.linear.gather [hbm4b:s5+s16], $0x280, $0x38;
	[tilespmem:$0x16530] =	vst v63  }
0x2e2: {  	_ =	swait.ge [sflag:s7], $0x280  }
0x2e3: {  	[sflag:s7] =	ssyncset.done $0x0  }
0x2e4: {  	[sflag:s7] =	ssyncadd.s32 $0xFFFFFD80  }
0x2e5: {  	[tilespmem:s22], [sflag:$0x1] =	stream.indirect.gather [hbm4b:s30+s15], $0x30, s11, s15, $0xb8;
	[tilespmem:$0x16530] =	vst v63  }
0x2e6: {  	_ =	swait.ge [sflag:s19], $0xF00  }
0x2e7: {  	s9 =	simm.s32 $0x14100;
	s8 =	simm.s32 $0x15020;
	[sflag:s19] =	ssyncset.done $0x0  }
0x2e8: {  	s6 =	simm.s32 $0x13930;
	s5 =	simm.s32 $0xFFFFFFFE;
	[sflag:s19] =	ssyncadd.s32 $0xFFFFF100  }
.LBB2_31:
0x2e9: {  	v16 =	vld [tilespmem:s6+$0xFFFFFFF0];
	_ =	sdelay $0x4  }
0x2ea: {  	v17 =	vbroadcast v16, $0x0;
	v18 =	vbroadcast v16, $0x1  }
0x2eb: {  	v21 =	vbroadcast v16, $0x2  }
0x2ec: {  	v19 =	vmul.f32 v17, v1;
	v20 =	vmul.f32 v18, v4;
	_ =	sdelay $0x1  }
0x2ed: {  	v22 =	vbroadcast v16, $0x3;
	v27 =	vmul.f32 v21, v7;
	v19 =	vadd.f32 v20, v19;
	_ =	sdelay $0x1  }
0x2ee: {  	v23 =	vbroadcast v16, $0x4;
	v28 =	vmul.f32 v22, v10;
	v19 =	vadd.f32 v19, v27  }
0x2ef: {  	v24 =	vld [tilespmem:s9+$0xFFFFFFA0]  }
0x2f0: {  	v29 =	vmul.f32 v23, v13;
	v19 =	vadd.f32 v19, v28;
	_ =	sdelay $0x1  }
0x2f1: {  	v30 =	vmul.f32 v17, v2;
	v25 =	vmul.f32 v18, v5;
	v19 =	vadd.f32 v19, v29;
	_ =	sdelay $0x1  }
0x2f2: {  	v31 =	vmul.f32 v21, v8;
	v20 =	vadd.f32 v25, v30;
	v19 =	vmul.f32 v19, v24;
	_ =	sdelay $0x1  }
0x2f3: {  	v33 =	vmul.f32 v22, v11;
	v32 =	vadd.f32 v20, v31;
	[tilespmem:s8+$0xFFFFFF80] =	vst v19  }
0x2f4: {  	v34 =	vld [tilespmem:s9+$0xFFFFFFB0]  }
0x2f5: {  	v35 =	vmul.f32 v23, v14;
	v19 =	vadd.f32 v32, v33;
	_ =	sdelay $0x1  }
0x2f6: {  	v17 =	vmul.f32 v17, v3;
	v18 =	vmul.f32 v18, v6;
	v19 =	vadd.f32 v19, v35;
	_ =	sdelay $0x1  }
0x2f7: {  	v36 =	vmul.f32 v21, v9;
	v17 =	vadd.f32 v18, v17;
	v19 =	vmul.f32 v19, v34;
	_ =	sdelay $0x1  }
0x2f8: {  	v37 =	vmul.f32 v22, v12;
	v17 =	vadd.f32 v17, v36;
	[tilespmem:s8+$0xFFFFFF90] =	vst v19  }
0x2f9: {  	v39 =	vbroadcast v16, $0x8;
	v19 =	vld [tilespmem:s9+$0xFFFFFFC0]  }
0x2fa: {  	v40 =	vbroadcast v16, $0x9;
	v38 =	vmul.f32 v23, v15;
	v17 =	vadd.f32 v17, v37  }
0x2fb: {  	v43 =	vbroadcast v16, $0xA  }
0x2fc: {  	v41 =	vmul.f32 v39, v1;
	v42 =	vmul.f32 v40, v4;
	v17 =	vadd.f32 v17, v38  }
0x2fd: {  	v45 =	vbroadcast v16, $0xB  }
0x2fe: {  	v44 =	vmul.f32 v43, v7;
	v18 =	vadd.f32 v42, v41;
	v17 =	vmul.f32 v17, v19;
	_ =	sdelay $0x1  }
0x2ff: {  	v16 =	vbroadcast v16, $0xC;
	v46 =	vmul.f32 v45, v10;
	[tilespmem:s8+$0xFFFFFFA0] =	vst v17;
	v17 =	vadd.f32 v18, v44  }
0x300: {  	v47 =	vld [tilespmem:s9+$0xFFFFFFD0]  }
0x301: {  	v48 =	vmul.f32 v16, v13;
	v17 =	vadd.f32 v17, v46;
	_ =	sdelay $0x1  }
0x302: {  	v49 =	vmul.f32 v39, v2;
	v50 =	vmul.f32 v40, v5;
	v17 =	vadd.f32 v17, v48;
	_ =	sdelay $0x1  }
0x303: {  	v51 =	vmul.f32 v43, v8;
	v18 =	vadd.f32 v50, v49;
	v17 =	vmul.f32 v47, v17;
	_ =	sdelay $0x1  }
0x304: {  	v52 =	vmul.f32 v45, v11;
	[tilespmem:s8+$0xFFFFFFC0] =	vst v17;
	v17 =	vadd.f32 v18, v51  }
0x305: {  	v53 =	vld [tilespmem:s9+$0xFFFFFFE0]  }
0x306: {  	v54 =	vmul.f32 v16, v14;
	v17 =	vadd.f32 v17, v52;
	_ =	sdelay $0x1  }
0x307: {  	v55 =	vmul.f32 v39, v3;
	v56 =	vmul.f32 v40, v6;
	v17 =	vadd.f32 v17, v54;
	_ =	sdelay $0x1  }
0x308: {  	v57 =	vmul.f32 v43, v9;
	v18 =	vadd.f32 v56, v55;
	v17 =	vmul.f32 v53, v17;
	_ =	sdelay $0x1  }
0x309: {  	v58 =	vmul.f32 v45, v12;
	[tilespmem:s8+$0xFFFFFFD0] =	vst v17;
	v17 =	vadd.f32 v18, v57  }
0x30a: {  	v59 =	vld [tilespmem:s9+$0xFFFFFFF0]  }
0x30b: {  	v16 =	vmul.f32 v16, v15;
	v17 =	vadd.f32 v17, v58;
	_ =	sdelay $0x1  }
0x30c: {  	v16 =	vadd.f32 v17, v16;
	_ =	sdelay $0x1  }
0x30d: {  	v16 =	vmul.f32 v59, v16;
	_ =	sdelay $0x1  }
0x30e: {  	[tilespmem:s8+$0xFFFFFFE0] =	vst v16  }
0x30f: {  	v16 =	vld [tilespmem:s6+$0x0];
	_ =	sdelay $0x4  }
0x310: {  	v17 =	vbroadcast v16, $0x0;
	v60 =	vbroadcast v16, $0x1  }
0x311: {  	v63 =	vbroadcast v16, $0x2  }
0x312: {  	v61 =	vmul.f32 v17, v1;
	v62 =	vmul.f32 v60, v4;
	_ =	sdelay $0x1  }
0x313: {  	v28 =	vbroadcast v16, $0x3;
	v27 =	vmul.f32 v63, v7;
	v19 =	vadd.f32 v62, v61;
	_ =	sdelay $0x1  }
0x314: {  	v30 =	vbroadcast v16, $0x4;
	v29 =	vmul.f32 v28, v10;
	v19 =	vadd.f32 v19, v27  }
0x315: {  	v31 =	vld [tilespmem:s9+$0x0]  }
0x316: {  	v32 =	vmul.f32 v30, v13;
	v19 =	vadd.f32 v19, v29;
	_ =	sdelay $0x1  }
0x317: {  	v33 =	vmul.f32 v17, v2;
	v34 =	vmul.f32 v60, v5;
	v19 =	vadd.f32 v19, v32;
	_ =	sdelay $0x1  }
0x318: {  	v35 =	vmul.f32 v63, v8;
	v20 =	vadd.f32 v34, v33;
	v19 =	vmul.f32 v19, v31;
	_ =	sdelay $0x1  }
0x319: {  	v37 =	vmul.f32 v28, v11;
	v36 =	vadd.f32 v20, v35;
	[tilespmem:s8+$0x0] =	vst v19  }
0x31a: {  	v38 =	vld [tilespmem:s9+$0x10]  }
0x31b: {  	v39 =	vmul.f32 v30, v14;
	v19 =	vadd.f32 v36, v37;
	_ =	sdelay $0x1  }
0x31c: {  	v17 =	vmul.f32 v17, v3;
	v18 =	vmul.f32 v60, v6;
	v19 =	vadd.f32 v19, v39;
	_ =	sdelay $0x1  }
0x31d: {  	v40 =	vmul.f32 v63, v9;
	v17 =	vadd.f32 v18, v17;
	v19 =	vmul.f32 v19, v38;
	_ =	sdelay $0x1  }
0x31e: {  	v41 =	vmul.f32 v28, v12;
	v17 =	vadd.f32 v17, v40;
	[tilespmem:s8+$0x10] =	vst v19  }
0x31f: {  	v43 =	vbroadcast v16, $0x8;
	v19 =	vld [tilespmem:s9+$0x20]  }
0x320: {  	v44 =	vbroadcast v16, $0x9;
	v42 =	vmul.f32 v30, v15;
	v17 =	vadd.f32 v17, v41  }
0x321: {  	v47 =	vbroadcast v16, $0xA  }
0x322: {  	v45 =	vmul.f32 v43, v1;
	v46 =	vmul.f32 v44, v4;
	v17 =	vadd.f32 v17, v42  }
0x323: {  	v49 =	vbroadcast v16, $0xB  }
0x324: {  	v48 =	vmul.f32 v47, v7;
	v18 =	vadd.f32 v46, v45;
	v17 =	vmul.f32 v17, v19;
	_ =	sdelay $0x1  }
0x325: {  	v16 =	vbroadcast v16, $0xC;
	v50 =	vmul.f32 v49, v10;
	[tilespmem:s8+$0x20] =	vst v17;
	v17 =	vadd.f32 v18, v48  }
0x326: {  	v51 =	vld [tilespmem:s9+$0x30]  }
0x327: {  	v52 =	vmul.f32 v16, v13;
	v17 =	vadd.f32 v17, v50;
	_ =	sdelay $0x1  }
0x328: {  	v53 =	vmul.f32 v43, v2;
	v54 =	vmul.f32 v44, v5;
	v17 =	vadd.f32 v17, v52;
	_ =	sdelay $0x1  }
0x329: {  	v55 =	vmul.f32 v47, v8;
	v18 =	vadd.f32 v54, v53;
	v17 =	vmul.f32 v51, v17;
	_ =	sdelay $0x1  }
0x32a: {  	v56 =	vmul.f32 v49, v11;
	[tilespmem:s8+$0x40] =	vst v17;
	v17 =	vadd.f32 v18, v55  }
0x32b: {  	v57 =	vld [tilespmem:s9+$0x40]  }
0x32c: {  	v58 =	vmul.f32 v16, v14;
	v17 =	vadd.f32 v17, v56;
	_ =	sdelay $0x1  }
0x32d: {  	v59 =	vmul.f32 v43, v3;
	v60 =	vmul.f32 v44, v6;
	v17 =	vadd.f32 v17, v58;
	_ =	sdelay $0x1  }
0x32e: {  	v61 =	vmul.f32 v47, v9;
	v18 =	vadd.f32 v60, v59;
	v17 =	vmul.f32 v57, v17;
	_ =	sdelay $0x1  }
0x32f: {  	v62 =	vmul.f32 v49, v12;
	[tilespmem:s8+$0x50] =	vst v17;
	v17 =	vadd.f32 v18, v61  }
0x330: {  	v63 =	vld [tilespmem:s9+$0x50]  }
0x331: {  	s5 =	sadd.s32 $0x2, s5;
	v16 =	vmul.f32 v16, v15;
	v17 =	vadd.f32 v17, v62  }
0x332: {  	p0 =	slt.u32 s5, $0x26  }
.Ltmp14:
0x333: {  	v16 =	vadd.f32 v17, v16;
	(pc) =	sbr.rel @p0 .LBB2_31-.Ltmp14, $3  }
0x334: {  	_ = 	snop  }
0x335: {  	v16 =	vmul.f32 v63, v16;
	_ =	sdelay $0x1  }
0x336: {  	s6 =	sadd.s32 $0x20, s6;
	s9 =	sadd.s32 $0xC0, s9;
	[tilespmem:s8+$0x60] =	vst v16;
	s8 =	sadd.s32 $0x100, s8  }
0x337: {  	s28 =	sadd.s32 $0x1, s28  }
0x338: {  	p0 =	sne.s32 s28, $0x7D  }
.Ltmp15:
0x339: {  	_ = 	snop;
	(pc) =	sbr.rel @p0 .LBB2_30-.Ltmp15, $4  }
0x33a: {  	[spmem:s2] =	stream.indirect.scatter.add.f32 [tilespmem:s21], [sflag:$0x2], $0x40, s12, s15, $0xb8;
	[tilespmem:$0x16530] =	vst v63  }
0x33b: {  	_ =	swait.ge [sflag:s7], $0x1400  }
0x33c: {  	[sflag:s7] =	ssyncset.done $0x0  }
0x33d: {  	[sflag:s7] =	ssyncadd.s32 $0xFFFFEC00  }
0x33e: {  	[bflag:$0x0] =	sbarrier.arrive $0xFFFF  }
0x33f: {  	s5 =	rddreg [dreg:$0x17]  }
0x340: {  	[hbm:s5], [sflag:s24] =	dma.local [spmem:s25], $0x1388  }
0x341: {  	_ =	swait.ge [sflag:s7], $0x1388  }
0x342: {  	s28 =	simm.s32 $0x0;
	[sflag:s7] =	ssyncset.done $0x0  }
0x343: {  	s6 =	simm.s32 $0x163A0;
	s9 =	rddreg [dreg:$0xd];
	[sflag:s7] =	ssyncadd.s32 $0xFFFFEC78  }
0x344: {  	[tilespmem:s6], [sflag:$0x2] =	stream.linear.gather [hbm4b:s9+s28], $0x50, $0x38;
	[tilespmem:$0x16530] =	vst v63  }
0x345: {  	_ =	swait.ge [sflag:s7], $0x50  }
0x346: {  	[sflag:s7] =	ssyncset.done $0x0  }
0x347: {  	s9 =	simm.s32 $0x163F0;
	s8 =	rddreg [dreg:$0xe];
	[sflag:s7] =	ssyncadd.s32 $0xFFFFFFB0  }
0x348: {  	[tilespmem:s9], [sflag:$0x2] =	stream.linear.gather [hbm4b:s8+s28], $0x50, $0x38;
	[tilespmem:$0x16530] =	vst v63  }
0x349: {  	_ =	swait.ge [sflag:s7], $0x50  }
0x34a: {  	[sflag:s7] =	ssyncset.done $0x0  }
0x34b: {  	s9 =	simm.s32 $0x16440;
	s8 =	rddreg [dreg:$0x11];
	[sflag:s7] =	ssyncadd.s32 $0xFFFFFFB0  }
0x34c: {  	[tilespmem:s9], [sflag:$0x2] =	stream.linear.gather [hbm4b:s8+s28], $0xF0, $0x38;
	[tilespmem:$0x16530] =	vst v63  }
0x34d: {  	_ =	swait.ge [sflag:s7], $0xF0  }
0x34e: {  	[sflag:s7] =	ssyncset.done $0x0  }
0x34f: {  	[sflag:s7] =	ssyncadd.s32 $0xFFFFFF10  }
0x350: {  	[spmem:s1] =	stream.linear.scatter [tilespmem:s10], [sflag:$0x2], $0x9C40, $0x38;
	[tilespmem:$0x16530] =	vst v63  }
0x351: {  	_ =	swait.ge [sflag:s7], $0x9C40  }
0x352: {  	[sflag:s7] =	ssyncset.done $0x0  }
0x353: {  	[sflag:s7] =	ssyncadd.s32 $0xFFFF63C0  }
0x354: {  	[bflag:$0x0] =	sbarrier.arrive $0xFFFF  }
0x355: {  	v1 =	vld [tilespmem:$0x163A0]  }
0x356: {  	v2 =	vld [tilespmem:$0x163B0]  }
0x357: {  	v3 =	vld [tilespmem:$0x163C0]  }
0x358: {  	v4 =	vld [tilespmem:$0x163D0]  }
0x359: {  	v5 =	vld [tilespmem:$0x163E0]  }
0x35a: {  	v6 =	vld [tilespmem:$0x163F0]  }
0x35b: {  	v7 =	vld [tilespmem:$0x16400]  }
0x35c: {  	v8 =	vld [tilespmem:$0x16410]  }
0x35d: {  	v9 =	vld [tilespmem:$0x16420]  }
0x35e: {  	v10 =	vld [tilespmem:$0x16430]  }
.LBB2_34:
0x35f: {  	s5 =	smul.u32 $0x50, s28;
	_ =	sdelay $0x1  }
0x360: {  	s6 =	sadd.s32 s26, s5  }
0x361: {  	s8 =	sadd.s32 s4, s6  }
0x362: {  	s8 =	sshrl.u32 s8, $0x3  }
0x363: {  	s8 =	sadd.s32 s31, s8  }
0x364: {  	[tilespmem:s11], [sflag:$0x2] =	stream.linear.gather [hbm4b:s8+s16], $0x50, $0x38;
	[tilespmem:$0x16530] =	vst v63  }
0x365: {  	_ =	swait.ge [sflag:s7], $0x50  }
0x366: {  	s6 =	sshrl.u32 s6, $0x3;
	[sflag:s7] =	ssyncset.done $0x0  }
0x367: {  	s6 =	sadd.s32 s0, s6;
	[sflag:s7] =	ssyncadd.s32 $0xFFFFFFB0  }
0x368: {  	[tilespmem:s12], [sflag:$0x2] =	stream.linear.gather [hbm4b:s6+s16], $0x50, $0x38;
	[tilespmem:$0x16530] =	vst v63  }
0x369: {  	_ =	swait.ge [sflag:s7], $0x50  }
0x36a: {  	[sflag:s7] =	ssyncset.done $0x0  }
0x36b: {  	s5 =	sadd.s32 s3, s5;
	[sflag:s7] =	ssyncadd.s32 $0xFFFFFFB0  }
0x36c: {  	[tilespmem:s13], [sflag:$0x2] =	stream.linear.gather [hbm4b:s5+s16], $0x280, $0x38;
	[tilespmem:$0x16530] =	vst v63  }
0x36d: {  	_ =	swait.ge [sflag:s7], $0x280  }
0x36e: {  	[sflag:s7] =	ssyncset.done $0x0  }
0x36f: {  	[sflag:s7] =	ssyncadd.s32 $0xFFFFFD80  }
0x370: {  	[tilespmem:s18], [sflag:$0x1] =	stream.indirect.gather [hbm4b:s29+s15], $0x10, s11, s15, $0xb8;
	[tilespmem:$0x16530] =	vst v63  }
0x371: {  	_ =	swait.ge [sflag:s19], $0x500  }
0x372: {  	s9 =	simm.s32 $0x15020;
	s8 =	simm.s32 $0x13BC0;
	[sflag:s19] =	ssyncset.done $0x0  }
0x373: {  	s6 =	simm.s32 $0x13930;
	s5 =	simm.s32 $0xFFFFFFFE;
	[sflag:s19] =	ssyncadd.s32 $0xFFFFFB00  }
.LBB2_35:
0x374: {  	v11 =	vld [tilespmem:s6+$0xFFFFFFF0];
	_ =	sdelay $0x4  }
0x375: {  	v12 =	vbroadcast v11, $0x0;
	v13 =	vbroadcast v11, $0x1  }
0x376: {  	v16 =	vbroadcast v11, $0x2  }
0x377: {  	v14 =	vmul.f32 v12, v6;
	v15 =	vmul.f32 v13, v7  }
0x378: {  	v12 =	vmul.f32 v12, v1;
	v13 =	vmul.f32 v13, v2  }
0x379: {  	v17 =	vbroadcast v11, $0x3;
	v39 =	vmul.f32 v16, v8;
	v14 =	vadd.f32 v15, v14  }
0x37a: {  	v40 =	vmul.f32 v16, v3;
	v12 =	vadd.f32 v13, v12  }
0x37b: {  	v42 =	vbroadcast v11, $0x4;
	v41 =	vmul.f32 v17, v9;
	v14 =	vadd.f32 v14, v39  }
0x37c: {  	v44 =	vld [tilespmem:s8+$0xFFFFFFE0];
	v48 =	vbroadcast v11, $0x5;
	v43 =	vmul.f32 v17, v4;
	v12 =	vadd.f32 v12, v40  }
0x37d: {  	v49 =	vbroadcast v11, $0x6;
	v45 =	vmul.f32 v42, v10;
	v14 =	vadd.f32 v14, v41  }
0x37e: {  	v50 =	vbroadcast v11, $0x7;
	v46 =	vmul.f32 v42, v5;
	v12 =	vadd.f32 v12, v43  }
0x37f: {  	v51 =	vbroadcast v11, $0x8;
	v18 =	vbroadcast v11, $0x9;
	v14 =	vadd.f32 v14, v45  }
0x380: {  	v20 =	vbroadcast v11, $0xA;
	v57 =	vbroadcast v11, $0xB;
	v12 =	vadd.f32 v12, v46  }
0x381: {  	v52 =	vmul.f32 v51, v6;
	v47 =	vmul.f32 v14, v44  }
0x382: {  	v19 =	vmul.f32 v18, v7;
	v12 =	vmul.f32 v12, v44  }
0x383: {  	v53 =	vmul.f32 v51, v1;
	v14 =	vmul.f32 v47, v48  }
0x384: {  	v54 =	vmul.f32 v18, v2;
	v15 =	vmul.f32 v47, v49;
	[tilespmem:s9+$0xFFFFFF80] =	vst v12  }
0x385: {  	v56 =	vmul.f32 v20, v8;
	v55 =	vadd.f32 v19, v52;
	v13 =	vmul.f32 v47, v50;
	[tilespmem:s9+$0xFFFFFF90] =	vst v14  }
0x386: {  	v58 =	vmul.f32 v20, v3;
	v12 =	vadd.f32 v54, v53;
	[tilespmem:s9+$0xFFFFFFA0] =	vst v15  }
0x387: {  	v61 =	vbroadcast v11, $0xC;
	v60 =	vmul.f32 v57, v9;
	v59 =	vadd.f32 v55, v56;
	[tilespmem:s9+$0xFFFFFFB0] =	vst v13  }
0x388: {  	v62 =	vmul.f32 v57, v4;
	v12 =	vadd.f32 v12, v58;
	v63 =	vld [tilespmem:s8+$0xFFFFFFF0]  }
0x389: {  	v20 =	vmul.f32 v61, v10;
	v13 =	vadd.f32 v59, v60  }
0x38a: {  	v21 =	vmul.f32 v61, v5;
	v12 =	vadd.f32 v12, v62  }
0x38b: {  	v13 =	vadd.f32 v13, v20  }
0x38c: {  	v12 =	vadd.f32 v12, v21  }
0x38d: {  	v22 =	vbroadcast v11, $0xD;
	v13 =	vmul.f32 v13, v63  }
0x38e: {  	v23 =	vbroadcast v11, $0xE;
	v12 =	vmul.f32 v12, v63  }
0x38f: {  	v11 =	vbroadcast v11, $0xF;
	v14 =	vmul.f32 v13, v22  }
0x390: {  	[tilespmem:s9+$0xFFFFFFC0] =	vst v12;
	v24 =	vmul.f32 v13, v23  }
0x391: {  	v11 =	vmul.f32 v13, v11;
	[tilespmem:s9+$0xFFFFFFD0] =	vst v14  }
0x392: {  	[tilespmem:s9+$0xFFFFFFE0] =	vst v24  }
0x393: {  	[tilespmem:s9+$0xFFFFFFF0] =	vst v11  }
0x394: {  	v11 =	vld [tilespmem:s6+$0x0];
	_ =	sdelay $0x4  }
0x395: {  	v25 =	vbroadcast v11, $0x0;
	v26 =	vbroadcast v11, $0x1  }
0x396: {  	v29 =	vbroadcast v11, $0x2  }
0x397: {  	v27 =	vmul.f32 v25, v6;
	v28 =	vmul.f32 v26, v7  }
0x398: {  	v12 =	vmul.f32 v25, v1;
	v13 =	vmul.f32 v26, v2  }
0x399: {  	v31 =	vbroadcast v11, $0x3;
	v30 =	vmul.f32 v29, v8;
	v14 =	vadd.f32 v28, v27  }
0x39a: {  	v32 =	vmul.f32 v29, v3;
	v12 =	vadd.f32 v13, v12  }
0x39b: {  	v34 =	vbroadcast v11, $0x4;
	v33 =	vmul.f32 v31, v9;
	v14 =	vadd.f32 v14, v30  }
0x39c: {  	v36 =	vld [tilespmem:s8+$0x0];
	v40 =	vbroadcast v11, $0x5;
	v35 =	vmul.f32 v31, v4;
	v12 =	vadd.f32 v12, v32  }
0x39d: {  	v41 =	vbroadcast v11, $0x6;
	v37 =	vmul.f32 v34, v10;
	v14 =	vadd.f32 v14, v33  }
0x39e: {  	v42 =	vbroadcast v11, $0x7;
	v38 =	vmul.f32 v34, v5;
	v12 =	vadd.f32 v12, v35  }
0x39f: {  	v43 =	vbroadcast v11, $0x8;
	v44 =	vbroadcast v11, $0x9;
	v14 =	vadd.f32 v14, v37  }
0x3a0: {  	v47 =	vbroadcast v11, $0xA;
	v52 =	vbroadcast v11, $0xB;
	v12 =	vadd.f32 v12, v38  }
0x3a1: {  	v45 =	vmul.f32 v43, v6;
	v39 =	vmul.f32 v14, v36  }
0x3a2: {  	v46 =	vmul.f32 v44, v7;
	v12 =	vmul.f32 v12, v36  }
0x3a3: {  	v48 =	vmul.f32 v43, v1;
	v14 =	vmul.f32 v39, v40  }
0x3a4: {  	v49 =	vmul.f32 v44, v2;
	v15 =	vmul.f32 v39, v41;
	[tilespmem:s9+$0x0] =	vst v12  }
0x3a5: {  	v51 =	vmul.f32 v47, v8;
	v50 =	vadd.f32 v46, v45;
	v13 =	vmul.f32 v39, v42;
	[tilespmem:s9+$0x10] =	vst v14  }
0x3a6: {  	v53 =	vmul.f32 v47, v3;
	v12 =	vadd.f32 v49, v48;
	[tilespmem:s9+$0x20] =	vst v15  }
0x3a7: {  	v56 =	vbroadcast v11, $0xC;
	v55 =	vmul.f32 v52, v9;
	v54 =	vadd.f32 v50, v51;
	[tilespmem:s9+$0x30] =	vst v13  }
0x3a8: {  	v57 =	vmul.f32 v52, v4;
	v12 =	vadd.f32 v12, v53;
	v58 =	vld [tilespmem:s8+$0x10]  }
0x3a9: {  	v59 =	vmul.f32 v56, v10;
	v13 =	vadd.f32 v54, v55  }
0x3aa: {  	v60 =	vmul.f32 v56, v5;
	v12 =	vadd.f32 v12, v57  }
0x3ab: {  	v13 =	vadd.f32 v13, v59  }
0x3ac: {  	v12 =	vadd.f32 v12, v60  }
0x3ad: {  	s5 =	sadd.s32 $0x2, s5;
	v61 =	vbroadcast v11, $0xD;
	v13 =	vmul.f32 v13, v58  }
0x3ae: {  	p0 =	slt.u32 s5, $0x26;
	v62 =	vbroadcast v11, $0xE;
	v12 =	vmul.f32 v12, v58  }
.Ltmp16:
0x3af: {  	v11 =	vbroadcast v11, $0xF;
	v14 =	vmul.f32 v13, v61;
	(pc) =	sbr.rel @p0 .LBB2_35-.Ltmp16, $4  }
0x3b0: {  	[tilespmem:s9+$0x40] =	vst v12;
	v63 =	vmul.f32 v13, v62  }
0x3b1: {  	v11 =	vmul.f32 v13, v11;
	[tilespmem:s9+$0x50] =	vst v14  }
0x3b2: {  	[tilespmem:s9+$0x60] =	vst v63  }
0x3b3: {  	s6 =	sadd.s32 $0x20, s6;
	s8 =	sadd.s32 $0x40, s8;
	[tilespmem:s9+$0x70] =	vst v11;
	s9 =	sadd.s32 $0x100, s9  }
0x3b4: {  	s28 =	sadd.s32 $0x1, s28  }
0x3b5: {  	p0 =	sne.s32 s28, $0x7D  }
.Ltmp17:
0x3b6: {  	_ = 	snop;
	(pc) =	sbr.rel @p0 .LBB2_34-.Ltmp17, $4  }
0x3b7: {  	[spmem:s2] =	stream.indirect.scatter.add.f32 [tilespmem:s21], [sflag:$0x2], $0x40, s12, s15, $0xb8;
	[tilespmem:$0x16530] =	vst v63  }
0x3b8: {  	_ =	swait.ge [sflag:s7], $0x1400  }
0x3b9: {  	[sflag:s7] =	ssyncset.done $0x0  }
0x3ba: {  	[sflag:s7] =	ssyncadd.s32 $0xFFFFEC00  }
0x3bb: {  	[bflag:$0x0] =	sbarrier.arrive $0xFFFF  }
0x3bc: {  	s5 =	rddreg [dreg:$0x18]  }
0x3bd: {  	[hbm:s5], [sflag:s24] =	dma.local [spmem:s25], $0x1388  }
0x3be: {  	_ =	swait.ge [sflag:s7], $0x1388  }
0x3bf: {  	[sflag:s7] =	ssyncset.done $0x0  }
0x3c0: {  	[sflag:s7] =	ssyncadd.s32 $0xFFFFEC78  }
0x3c1: {  	[spmem:s1] =	stream.linear.scatter [tilespmem:s10], [sflag:$0x2], $0x9C40, $0x38;
	[tilespmem:$0x16530] =	vst v63  }
0x3c2: {  	_ =	swait.ge [sflag:s7], $0x9C40  }
0x3c3: {  	[sflag:s7] =	ssyncset.done $0x0  }
0x3c4: {  	s6 =	simm.s32 $0x30;
	s5 =	simm.s32 $0x1C0;
	[sflag:s7] =	ssyncadd.s32 $0xFFFF63C0  }
.LBB2_38:
0x3c5: {  	p0 =	sne.s32 s5, $0x4FC0;
	[tilespmem:s6+$0x14FA0] =	vst v0;
	s6 =	smov.u32 s5;
	s5 =	sadd.s32 $0x100, s5  }
.Ltmp18:
0x3c6: {  	(pc) =	sbr.rel @p0 .LBB2_38-.Ltmp18, $2  }
0x3c7: {  	_ =	sdelay $0x2  }
0x3c8: {  	s6 =	sshra.s32 s6, $0x2  }
0x3c9: {  	[tilespmem:s6+$0x14FA0] =	vst v0  }
0x3ca: {  	[bflag:$0x0] =	sbarrier.arrive $0xFFFF  }
0x3cb: {  	v1 =	vld [tilespmem:$0x16440]  }
0x3cc: {  	v2 =	vld [tilespmem:$0x16450]  }
0x3cd: {  	v3 =	vld [tilespmem:$0x16460]  }
0x3ce: {  	v4 =	vld [tilespmem:$0x16470]  }
0x3cf: {  	v5 =	vld [tilespmem:$0x16480]  }
0x3d0: {  	v6 =	vld [tilespmem:$0x16490]  }
0x3d1: {  	v7 =	vld [tilespmem:$0x164A0]  }
0x3d2: {  	v8 =	vld [tilespmem:$0x164B0]  }
0x3d3: {  	v9 =	vld [tilespmem:$0x164C0]  }
0x3d4: {  	v10 =	vld [tilespmem:$0x164D0]  }
0x3d5: {  	v11 =	vld [tilespmem:$0x164E0]  }
0x3d6: {  	v12 =	vld [tilespmem:$0x164F0]  }
0x3d7: {  	v13 =	vld [tilespmem:$0x16500]  }
0x3d8: {  	v14 =	vld [tilespmem:$0x16510]  }
0x3d9: {  	s28 =	simm.s32 $0x0;
	v15 =	vld [tilespmem:$0x16520]  }
.LBB2_40:
0x3da: {  	s5 =	smul.u32 $0x50, s28;
	_ =	sdelay $0x1  }
0x3db: {  	s6 =	sadd.s32 s26, s5  }
0x3dc: {  	s8 =	sadd.s32 s4, s6  }
0x3dd: {  	s8 =	sshrl.u32 s8, $0x3  }
0x3de: {  	s8 =	sadd.s32 s31, s8  }
0x3df: {  	[tilespmem:s11], [sflag:$0x2] =	stream.linear.gather [hbm4b:s8+s16], $0x50, $0x38;
	[tilespmem:$0x16530] =	vst v63  }
0x3e0: {  	_ =	swait.ge [sflag:s7], $0x50  }
0x3e1: {  	s6 =	sshrl.u32 s6, $0x3;
	[sflag:s7] =	ssyncset.done $0x0  }
0x3e2: {  	s6 =	sadd.s32 s0, s6;
	[sflag:s7] =	ssyncadd.s32 $0xFFFFFFB0  }
0x3e3: {  	[tilespmem:s12], [sflag:$0x2] =	stream.linear.gather [hbm4b:s6+s16], $0x50, $0x38;
	[tilespmem:$0x16530] =	vst v63  }
0x3e4: {  	_ =	swait.ge [sflag:s7], $0x50  }
0x3e5: {  	[sflag:s7] =	ssyncset.done $0x0  }
0x3e6: {  	s5 =	sadd.s32 s3, s5;
	[sflag:s7] =	ssyncadd.s32 $0xFFFFFFB0  }
0x3e7: {  	[tilespmem:s13], [sflag:$0x2] =	stream.linear.gather [hbm4b:s5+s16], $0x280, $0x38;
	[tilespmem:$0x16530] =	vst v63  }
0x3e8: {  	_ =	swait.ge [sflag:s7], $0x280  }
0x3e9: {  	[sflag:s7] =	ssyncset.done $0x0  }
0x3ea: {  	[sflag:s7] =	ssyncadd.s32 $0xFFFFFD80  }
0x3eb: {  	[tilespmem:s22], [sflag:$0x1] =	stream.indirect.gather [hbm4b:s30+s15], $0x30, s11, s15, $0xb8;
	[tilespmem:$0x16530] =	vst v63  }
0x3ec: {  	_ =	swait.ge [sflag:s19], $0xF00  }
0x3ed: {  	s9 =	simm.s32 $0x14100;
	s8 =	simm.s32 $0x15020;
	[sflag:s19] =	ssyncset.done $0x0  }
0x3ee: {  	s6 =	simm.s32 $0x13930;
	s5 =	simm.s32 $0xFFFFFFFE;
	[sflag:s19] =	ssyncadd.s32 $0xFFFFF100  }
.LBB2_41:
0x3ef: {  	v16 =	vld [tilespmem:s6+$0xFFFFFFF0];
	_ =	sdelay $0x4  }
0x3f0: {  	v17 =	vbroadcast v16, $0x0;
	v18 =	vbroadcast v16, $0x1  }
0x3f1: {  	v21 =	vbroadcast v16, $0x2  }
0x3f2: {  	v19 =	vmul.f32 v17, v1;
	v20 =	vmul.f32 v18, v4;
	_ =	sdelay $0x1  }
0x3f3: {  	v22 =	vbroadcast v16, $0x3;
	v27 =	vmul.f32 v21, v7;
	v19 =	vadd.f32 v20, v19;
	_ =	sdelay $0x1  }
0x3f4: {  	v23 =	vbroadcast v16, $0x4;
	v28 =	vmul.f32 v22, v10;
	v19 =	vadd.f32 v19, v27  }
0x3f5: {  	v24 =	vld [tilespmem:s9+$0xFFFFFFA0]  }
0x3f6: {  	v29 =	vmul.f32 v23, v13;
	v19 =	vadd.f32 v19, v28;
	_ =	sdelay $0x1  }
0x3f7: {  	v30 =	vmul.f32 v17, v2;
	v25 =	vmul.f32 v18, v5;
	v19 =	vadd.f32 v19, v29;
	_ =	sdelay $0x1  }
0x3f8: {  	v31 =	vmul.f32 v21, v8;
	v20 =	vadd.f32 v25, v30;
	v19 =	vmul.f32 v19, v24;
	_ =	sdelay $0x1  }
0x3f9: {  	v33 =	vmul.f32 v22, v11;
	v32 =	vadd.f32 v20, v31;
	[tilespmem:s8+$0xFFFFFF80] =	vst v19  }
0x3fa: {  	v34 =	vld [tilespmem:s9+$0xFFFFFFB0]  }
0x3fb: {  	v35 =	vmul.f32 v23, v14;
	v19 =	vadd.f32 v32, v33;
	_ =	sdelay $0x1  }
0x3fc: {  	v17 =	vmul.f32 v17, v3;
	v18 =	vmul.f32 v18, v6;
	v19 =	vadd.f32 v19, v35;
	_ =	sdelay $0x1  }
0x3fd: {  	v36 =	vmul.f32 v21, v9;
	v17 =	vadd.f32 v18, v17;
	v19 =	vmul.f32 v19, v34;
	_ =	sdelay $0x1  }
0x3fe: {  	v37 =	vmul.f32 v22, v12;
	v17 =	vadd.f32 v17, v36;
	[tilespmem:s8+$0xFFFFFF90] =	vst v19  }
0x3ff: {  	v39 =	vbroadcast v16, $0x8;
	v19 =	vld [tilespmem:s9+$0xFFFFFFC0]  }
0x400: {  	v40 =	vbroadcast v16, $0x9;
	v38 =	vmul.f32 v23, v15;
	v17 =	vadd.f32 v17, v37  }
0x401: {  	v43 =	vbroadcast v16, $0xA  }
0x402: {  	v41 =	vmul.f32 v39, v1;
	v42 =	vmul.f32 v40, v4;
	v17 =	vadd.f32 v17, v38  }
0x403: {  	v45 =	vbroadcast v16, $0xB  }
0x404: {  	v44 =	vmul.f32 v43, v7;
	v18 =	vadd.f32 v42, v41;
	v17 =	vmul.f32 v17, v19;
	_ =	sdelay $0x1  }
0x405: {  	v16 =	vbroadcast v16, $0xC;
	v46 =	vmul.f32 v45, v10;
	[tilespmem:s8+$0xFFFFFFA0] =	vst v17;
	v17 =	vadd.f32 v18, v44  }
0x406: {  	v47 =	vld [tilespmem:s9+$0xFFFFFFD0]  }
0x407: {  	v48 =	vmul.f32 v16, v13;
	v17 =	vadd.f32 v17, v46;
	_ =	sdelay $0x1  }
0x408: {  	v49 =	vmul.f32 v39, v2;
	v50 =	vmul.f32 v40, v5;
	v17 =	vadd.f32 v17, v48;
	_ =	sdelay $0x1  }
0x409: {  	v51 =	vmul.f32 v43, v8;
	v18 =	vadd.f32 v50, v49;
	v17 =	vmul.f32 v47, v17;
	_ =	sdelay $0x1  }
0x40a: {  	v52 =	vmul.f32 v45, v11;
	[tilespmem:s8+$0xFFFFFFC0] =	vst v17;
	v17 =	vadd.f32 v18, v51  }
0x40b: {  	v53 =	vld [tilespmem:s9+$0xFFFFFFE0]  }
0x40c: {  	v54 =	vmul.f32 v16, v14;
	v17 =	vadd.f32 v17, v52;
	_ =	sdelay $0x1  }
0x40d: {  	v55 =	vmul.f32 v39, v3;
	v56 =	vmul.f32 v40, v6;
	v17 =	vadd.f32 v17, v54;
	_ =	sdelay $0x1  }
0x40e: {  	v57 =	vmul.f32 v43, v9;
	v18 =	vadd.f32 v56, v55;
	v17 =	vmul.f32 v53, v17;
	_ =	sdelay $0x1  }
0x40f: {  	v58 =	vmul.f32 v45, v12;
	[tilespmem:s8+$0xFFFFFFD0] =	vst v17;
	v17 =	vadd.f32 v18, v57  }
0x410: {  	v59 =	vld [tilespmem:s9+$0xFFFFFFF0]  }
0x411: {  	v16 =	vmul.f32 v16, v15;
	v17 =	vadd.f32 v17, v58;
	_ =	sdelay $0x1  }
0x412: {  	v16 =	vadd.f32 v17, v16;
	_ =	sdelay $0x1  }
0x413: {  	v16 =	vmul.f32 v59, v16;
	_ =	sdelay $0x1  }
0x414: {  	[tilespmem:s8+$0xFFFFFFE0] =	vst v16  }
0x415: {  	v16 =	vld [tilespmem:s6+$0x0];
	_ =	sdelay $0x4  }
0x416: {  	v17 =	vbroadcast v16, $0x0;
	v60 =	vbroadcast v16, $0x1  }
0x417: {  	v63 =	vbroadcast v16, $0x2  }
0x418: {  	v61 =	vmul.f32 v17, v1;
	v62 =	vmul.f32 v60, v4;
	_ =	sdelay $0x1  }
0x419: {  	v28 =	vbroadcast v16, $0x3;
	v27 =	vmul.f32 v63, v7;
	v19 =	vadd.f32 v62, v61;
	_ =	sdelay $0x1  }
0x41a: {  	v30 =	vbroadcast v16, $0x4;
	v29 =	vmul.f32 v28, v10;
	v19 =	vadd.f32 v19, v27  }
0x41b: {  	v31 =	vld [tilespmem:s9+$0x0]  }
0x41c: {  	v32 =	vmul.f32 v30, v13;
	v19 =	vadd.f32 v19, v29;
	_ =	sdelay $0x1  }
0x41d: {  	v33 =	vmul.f32 v17, v2;
	v34 =	vmul.f32 v60, v5;
	v19 =	vadd.f32 v19, v32;
	_ =	sdelay $0x1  }
0x41e: {  	v35 =	vmul.f32 v63, v8;
	v20 =	vadd.f32 v34, v33;
	v19 =	vmul.f32 v19, v31;
	_ =	sdelay $0x1  }
0x41f: {  	v37 =	vmul.f32 v28, v11;
	v36 =	vadd.f32 v20, v35;
	[tilespmem:s8+$0x0] =	vst v19  }
0x420: {  	v38 =	vld [tilespmem:s9+$0x10]  }
0x421: {  	v39 =	vmul.f32 v30, v14;
	v19 =	vadd.f32 v36, v37;
	_ =	sdelay $0x1  }
0x422: {  	v17 =	vmul.f32 v17, v3;
	v18 =	vmul.f32 v60, v6;
	v19 =	vadd.f32 v19, v39;
	_ =	sdelay $0x1  }
0x423: {  	v40 =	vmul.f32 v63, v9;
	v17 =	vadd.f32 v18, v17;
	v19 =	vmul.f32 v19, v38;
	_ =	sdelay $0x1  }
0x424: {  	v41 =	vmul.f32 v28, v12;
	v17 =	vadd.f32 v17, v40;
	[tilespmem:s8+$0x10] =	vst v19  }
0x425: {  	v43 =	vbroadcast v16, $0x8;
	v19 =	vld [tilespmem:s9+$0x20]  }
0x426: {  	v44 =	vbroadcast v16, $0x9;
	v42 =	vmul.f32 v30, v15;
	v17 =	vadd.f32 v17, v41  }
0x427: {  	v47 =	vbroadcast v16, $0xA  }
0x428: {  	v45 =	vmul.f32 v43, v1;
	v46 =	vmul.f32 v44, v4;
	v17 =	vadd.f32 v17, v42  }
0x429: {  	v49 =	vbroadcast v16, $0xB  }
0x42a: {  	v48 =	vmul.f32 v47, v7;
	v18 =	vadd.f32 v46, v45;
	v17 =	vmul.f32 v17, v19;
	_ =	sdelay $0x1  }
0x42b: {  	v16 =	vbroadcast v16, $0xC;
	v50 =	vmul.f32 v49, v10;
	[tilespmem:s8+$0x20] =	vst v17;
	v17 =	vadd.f32 v18, v48  }
0x42c: {  	v51 =	vld [tilespmem:s9+$0x30]  }
0x42d: {  	v52 =	vmul.f32 v16, v13;
	v17 =	vadd.f32 v17, v50;
	_ =	sdelay $0x1  }
0x42e: {  	v53 =	vmul.f32 v43, v2;
	v54 =	vmul.f32 v44, v5;
	v17 =	vadd.f32 v17, v52;
	_ =	sdelay $0x1  }
0x42f: {  	v55 =	vmul.f32 v47, v8;
	v18 =	vadd.f32 v54, v53;
	v17 =	vmul.f32 v51, v17;
	_ =	sdelay $0x1  }
0x430: {  	v56 =	vmul.f32 v49, v11;
	[tilespmem:s8+$0x40] =	vst v17;
	v17 =	vadd.f32 v18, v55  }
0x431: {  	v57 =	vld [tilespmem:s9+$0x40]  }
0x432: {  	v58 =	vmul.f32 v16, v14;
	v17 =	vadd.f32 v17, v56;
	_ =	sdelay $0x1  }
0x433: {  	v59 =	vmul.f32 v43, v3;
	v60 =	vmul.f32 v44, v6;
	v17 =	vadd.f32 v17, v58;
	_ =	sdelay $0x1  }
0x434: {  	v61 =	vmul.f32 v47, v9;
	v18 =	vadd.f32 v60, v59;
	v17 =	vmul.f32 v57, v17;
	_ =	sdelay $0x1  }
0x435: {  	v62 =	vmul.f32 v49, v12;
	[tilespmem:s8+$0x50] =	vst v17;
	v17 =	vadd.f32 v18, v61  }
0x436: {  	v63 =	vld [tilespmem:s9+$0x50]  }
0x437: {  	s5 =	sadd.s32 $0x2, s5;
	v16 =	vmul.f32 v16, v15;
	v17 =	vadd.f32 v17, v62  }
0x438: {  	p0 =	slt.u32 s5, $0x26  }
.Ltmp19:
0x439: {  	v16 =	vadd.f32 v17, v16;
	(pc) =	sbr.rel @p0 .LBB2_41-.Ltmp19, $3  }
0x43a: {  	_ = 	snop  }
0x43b: {  	v16 =	vmul.f32 v63, v16;
	_ =	sdelay $0x1  }
0x43c: {  	s6 =	sadd.s32 $0x20, s6;
	s9 =	sadd.s32 $0xC0, s9;
	[tilespmem:s8+$0x60] =	vst v16;
	s8 =	sadd.s32 $0x100, s8  }
0x43d: {  	s28 =	sadd.s32 $0x1, s28  }
0x43e: {  	p0 =	sne.s32 s28, $0x7D  }
.Ltmp20:
0x43f: {  	_ = 	snop;
	(pc) =	sbr.rel @p0 .LBB2_40-.Ltmp20, $4  }
0x440: {  	[spmem:s2] =	stream.indirect.scatter.add.f32 [tilespmem:s21], [sflag:$0x2], $0x40, s12, s15, $0xb8;
	[tilespmem:$0x16530] =	vst v63  }
0x441: {  	_ =	swait.ge [sflag:s7], $0x1400  }
0x442: {  	[sflag:s7] =	ssyncset.done $0x0  }
0x443: {  	[sflag:s7] =	ssyncadd.s32 $0xFFFFEC00  }
0x444: {  	[bflag:$0x0] =	sbarrier.arrive $0xFFFF  }
0x445: {  	s5 =	rddreg [dreg:$0x19]  }
0x446: {  	[hbm:s5], [sflag:s24] =	dma.local [spmem:s25], $0x1388  }
0x447: {  	_ =	swait.ge [sflag:s7], $0x1388  }
0x448: {  	s23 =	sadd.s32 $0x1, s23;
	s28 =	rddreg [dreg:$0x1a]  }
0x449: {  	p0 =	sne.s32 s23, s28  }
.Ltmp21:
0x44a: {  	_ = 	snop;
	(pc) =	sbr.rel @p0 .LBB2_1-.Ltmp21, $3  }
0x44b: {  	_ =	sdelay $0x1  }
0x44c: {  	[sflag:s7] =	ssyncset.done $0x0  }
0x44d: {  	[sflag:s7] =	ssyncadd.s32 $0xFFFFEC78  }
0x44e: {  	_ =	sfence.sel $0x180000  }
0x44f: {  	[bflag:$0x0] =	sbarrier.arrive $0xFFFF  }
0x450: {  	_ =	strace $0x90000047  }
0x451: {  	s0 =	stileid.u32;
	[bflag:$0x2] =	sbarrier.arrive $0xFFFF  }
0x452: {  	p0 =	sne.s32 s0, $0x0;
	s0 =	rddreg [dreg:$0x5]  }
0x453: {  	s0 =	sadd.s32 @!p0 $0x100000, s0  }
0x454: {  	[sflag:s0] =	ssyncadd.tile.s32 @!p0 $0x1;
	_ =	shalt  }
.Lfunc_end2:
_tile_overlayer_lowered:
.L_overlay_start_2:
0x455: {  	(tag) =	ssettag $0x2  }
0x456: {  	s0 =	rddreg [dreg:$0x0];
	s2 =	stileid.u32  }
0x457: {  	s1 =	rddreg [dreg:$0x1];
	p0 =	sne.s32 s2, $0x0  }
0x458: {  	s3 =	rddreg [dreg:$0x2];
	[bflag:$0x3] =	sbarrier.arrive $0xFFFF;
	s2 =	simm.s32 @!p0 $0x1C02  }
0x459: {  	[timem:s3], [sflag:s2] =	dma.local @!p0 [hbm:s0], s1  }
0x45a: {  	s0 =	simm.s32 @!p0 $0x2  }
0x45b: {  	_ =	swait.ge @!p0 [sflag:s0], s1  }
0x45c: {  	s1 =	ssub.s32 @!p0 $0x0, s1;
	[sflag:s0] =	ssyncset.done @!p0 $0x0  }
0x45d: {  	[sflag:s0] =	ssyncadd.s32 @!p0 s1  }
0x45e: {  	[bflag:$0x3] =	sbarrier.arrive $0xFFFF  }
0x45f: {  	_ =	shalt  }

</sc_bundles>
